<compile_context>
chip_gen: v7x
topology: tpu7x:2x2x1
jax: 0.10.2.dev20260603
libtpu: 0.0.44.dev20260713+nightly
codegen_flags: <defaults>
</compile_context>

<pallas_src>
import functools

import jax
import jax.numpy as jnp
from jax import lax
from jax.experimental import pallas as pl
from jax.experimental.pallas import tpu as pltpu
from jax.experimental.pallas import tpu_sc as plsc

N = 10000
E = 320000
D_IN = 128
D_H = 128
D_OUT = 40
D_OUT_PAD = 64

NC = 2
NS = 16
NW = NC * NS
EPW = E // NW
CHUNK = 80
NCHUNKS = EPW // CHUNK
ROWS_PER_INIT = N // 10

_MESH = plsc.VectorSubcoreMesh(core_axis_name="c", subcore_axis_name="s")


def _wid():
    return lax.axis_index("s") * NC + lax.axis_index("c")


DEG_SLAB = 2000


@functools.partial(
    pl.kernel,
    out_type=jax.ShapeDtypeStruct((NC * N,), jnp.float32),
    mesh=_MESH,
    scratch_types=[
        pltpu.VMEM_SHARED((N,), jnp.float32),
        pltpu.VMEM((CHUNK,), jnp.int32),
        pltpu.VMEM((CHUNK,), jnp.float32),
        pltpu.VMEM((DEG_SLAB,), jnp.float32),
        pltpu.SemaphoreType.DMA,
    ],
)
def _sc_deg(dst_hbm, ew_hbm, out_hbm, acc_sh, dst_v, ew_v, slab_v, sem):
    cid = lax.axis_index("c")
    sid = lax.axis_index("s")
    wid = _wid()

    @pl.when(sid < 5)
    def _init():
        z16 = jnp.zeros((16,), jnp.float32)

        def zfill(i, _):
            slab_v[pl.ds(i * 16, 16)] = z16
            return 0

        lax.fori_loop(0, DEG_SLAB // 16, zfill, 0)
        pltpu.sync_copy(slab_v, acc_sh.at[pl.ds(sid * DEG_SLAB, DEG_SLAB)])

    plsc.subcore_barrier()

    def step(ci, _):
        base = pl.multiple_of(wid * EPW + ci * CHUNK, 8)
        pltpu.sync_copy(dst_hbm.at[pl.ds(base, CHUNK)], dst_v)
        pltpu.sync_copy(ew_hbm.at[pl.ds(base, CHUNK)], ew_v)
        pltpu.sync_copy(ew_v, acc_sh.at[dst_v], add=True)
        return 0

    lax.fori_loop(0, NCHUNKS, step, 0)
    plsc.subcore_barrier()

    @pl.when(sid < 5)
    def _dump():
        r0 = sid * DEG_SLAB
        pltpu.sync_copy(acc_sh.at[pl.ds(r0, DEG_SLAB)], slab_v)
        pltpu.sync_copy(slab_v, out_hbm.at[pl.ds(cid * N + r0, DEG_SLAB)])


SLAB_ROWS = 200


def _make_sc_agg(d):
    @functools.partial(
        pl.kernel,
        out_type=jax.ShapeDtypeStruct((NC, N, d), jnp.float32),
        mesh=_MESH,
        scratch_types=[
            pltpu.VMEM_SHARED((N, d), jnp.float32),
            pltpu.VMEM((CHUNK,), jnp.int32),
            pltpu.VMEM((CHUNK,), jnp.int32),
            pltpu.VMEM((CHUNK,), jnp.float32),
            pltpu.VMEM((CHUNK, d), jnp.float32),
            pltpu.VMEM((SLAB_ROWS, d), jnp.float32),
            pltpu.SemaphoreType.DMA,
        ],
        compiler_params=pltpu.CompilerParams(use_tc_tiling_on_sc=False),
    )
    def _sc_agg(g_hbm, src_hbm, dst_hbm, ew_hbm, out_hbm,
                acc_sh, src_v, dst_v, ew_v, rows_v, slab_v, sem):
        cid = lax.axis_index("c")
        sid = lax.axis_index("s")
        wid = _wid()

        @pl.when(sid < 10)
        def _init():
            z16 = jnp.zeros((16,), jnp.float32)

            def zfill(i, _):
                for j in range(d // 16):
                    slab_v[i, pl.ds(j * 16, 16)] = z16
                return 0

            lax.fori_loop(0, SLAB_ROWS, zfill, 0)
            r0 = sid * ROWS_PER_INIT
            for k in range(ROWS_PER_INIT // SLAB_ROWS):
                pltpu.sync_copy(
                    slab_v, acc_sh.at[pl.ds(r0 + k * SLAB_ROWS, SLAB_ROWS)])

        plsc.subcore_barrier()

        def step(ci, _):
            base = pl.multiple_of(wid * EPW + ci * CHUNK, 8)
            pltpu.sync_copy(src_hbm.at[pl.ds(base, CHUNK)], src_v)
            pltpu.sync_copy(ew_hbm.at[pl.ds(base, CHUNK)], ew_v)
            pltpu.async_copy(g_hbm.at[src_v], rows_v, sem).wait()

            def scale_grp(gi, _):
                ew16 = ew_v[pl.ds(gi * 16, 16)]
                for l in range(16):
                    s = ew16[l]
                    i = gi * 16 + l
                    for j in range(d // 16):
                        sl = pl.ds(j * 16, 16)
                        rows_v[i, sl] = rows_v[i, sl] * s
                return 0

            lax.fori_loop(0, CHUNK // 16, scale_grp, 0)
            pltpu.sync_copy(dst_hbm.at[pl.ds(base, CHUNK)], dst_v)
            pltpu.sync_copy(rows_v, acc_sh.at[dst_v], add=True)
            return 0

        lax.fori_loop(0, NCHUNKS, step, 0)
        plsc.subcore_barrier()

        @pl.when(sid < 10)
        def _dump():
            r0 = sid * ROWS_PER_INIT
            for k in range(ROWS_PER_INIT // SLAB_ROWS):
                rk = r0 + k * SLAB_ROWS
                pltpu.sync_copy(acc_sh.at[pl.ds(rk, SLAB_ROWS)], slab_v)
                pltpu.sync_copy(slab_v, out_hbm.at[cid, pl.ds(rk, SLAB_ROWS)])

    return _sc_agg


_sc_agg_h = _make_sc_agg(D_H)
_sc_agg_o = _make_sc_agg(D_OUT_PAD)


def _dis_from(degp):
    deg = degp[0] + degp[1] + 1.0
    return lax.rsqrt(deg)


def _tc1_body(degp_ref, x_ref, w1_ref, g1_ref):
    dis = _dis_from(degp_ref[...])
    h = jnp.dot(x_ref[...], w1_ref[...], preferred_element_type=jnp.float32)
    g1_ref[...] = h * dis[:, None]


def _tc2_body(degp_ref, aggp_ref, g1_ref, w2_ref, b1_ref, g2_ref):
    dis = _dis_from(degp_ref[...])
    acc = aggp_ref[0] + aggp_ref[1] + g1_ref[...]
    out1 = acc * dis[:, None] + b1_ref[...][None, :]
    h = jnp.maximum(out1, 0.0)
    h2 = jnp.dot(h, w2_ref[...], preferred_element_type=jnp.float32)
    g2_ref[...] = h2 * dis[:, None]


def _tc3_body(degp_ref, aggp_ref, g2_ref, b2_ref, out_ref):
    dis = _dis_from(degp_ref[...])
    acc = aggp_ref[0] + aggp_ref[1] + g2_ref[...]
    out_ref[...] = acc * dis[:, None] + b2_ref[...][None, :]


def _tc1(degp, x, W1):
    return pl.pallas_call(
        _tc1_body,
        out_shape=jax.ShapeDtypeStruct((N, D_H), jnp.float32),
    )(degp, x, W1)


def _tc2(degp, aggp, g1, W2p, b1):
    return pl.pallas_call(
        _tc2_body,
        out_shape=jax.ShapeDtypeStruct((N, D_OUT_PAD), jnp.float32),
    )(degp, aggp, g1, W2p, b1)


def _tc3(degp, aggp, g2, b2p):
    return pl.pallas_call(
        _tc3_body,
        out_shape=jax.ShapeDtypeStruct((N, D_OUT_PAD), jnp.float32),
    )(degp, aggp, g2, b2p)


def kernel(x, edge_index, edge_weight, W1, b1, W2, b2):
    src = edge_index[0]
    dst = edge_index[1]
    W2p = jnp.pad(W2, ((0, 0), (0, D_OUT_PAD - D_OUT)))
    b2p = jnp.pad(b2, (0, D_OUT_PAD - D_OUT))

    degp = _sc_deg(dst, edge_weight).reshape(NC, N)
    g1 = _tc1(degp, x, W1)
    aggp1 = _sc_agg_h(g1, src, dst, edge_weight)
    g2 = _tc2(degp, aggp1, g1, W2p, b1)
    aggp2 = _sc_agg_o(g2, src, dst, edge_weight)
    out = _tc3(degp, aggp2, g2, b2p)
    return out[:, :D_OUT]

# --- scband reference (transcript-rebuilt; emitter-appended) ---
"""Pipeline reference for scband-gcn-2327872274874 (READ-ONLY COPY).

The authoritative reference and input builder live on the scoring server;
editing this copy changes nothing except your own understanding.
"""

import jax, jax.numpy as jnp
import numpy as np

N = 10000
E = 320000
D_IN = 128
D_H = 128
D_OUT = 40


def setup_inputs(seed: int = 0) -> dict:
    key = jax.random.key(seed)
    k1, k2, k3, k4, k5, k6 = jax.random.split(key, 6)
    x = jax.random.normal(k1, (N, D_IN), dtype=jnp.float32)
    edge_index = jax.random.randint(k2, (2, E), 0, N, dtype=jnp.int32)
    edge_weight = jax.random.uniform(k3, (E,), dtype=jnp.float32)
    W1 = jax.random.normal(k4, (D_IN, D_H), dtype=jnp.float32) * (1.0 / np.sqrt(D_IN))
    b1 = jnp.zeros((D_H,), dtype=jnp.float32)
    W2 = jax.random.normal(k5, (D_H, D_OUT), dtype=jnp.float32) * (1.0 / np.sqrt(D_H))
    b2 = jnp.zeros((D_OUT,), dtype=jnp.float32)
    return {"x": x, "edge_index": edge_index, "edge_weight": edge_weight,
            "W1": W1, "b1": b1, "W2": W2, "b2": b2}


def _gcn_conv(x, edge_index, edge_weight, W, b):
    # Faithful PyG GCNConv: add self-loops, symmetric degree normalization,
    # linear transform, scatter-add aggregation src->dst, plus bias.
    n = x.shape[0]
    src = edge_index[0]
    dst = edge_index[1]
    loop = jnp.arange(n, dtype=edge_index.dtype)
    src2 = jnp.concatenate([src, loop])
    dst2 = jnp.concatenate([dst, loop])
    ew2 = jnp.concatenate([edge_weight, jnp.ones((n,), dtype=edge_weight.dtype)])
    deg = jnp.zeros((n,), dtype=edge_weight.dtype).at[dst2].add(ew2)
    deg_inv_sqrt = jnp.where(deg > 0, jax.lax.rsqrt(jnp.maximum(deg, 1e-12)), 0.0)
    norm = deg_inv_sqrt[src2] * ew2 * deg_inv_sqrt[dst2]
    h = x @ W
    msg = h[src2] * norm[:, None]
    out = jnp.zeros((n, h.shape[1]), dtype=h.dtype).at[dst2].add(msg)
    return out + b


def reference(x, edge_index, edge_weight, W1, b1, W2, b2):
    h = _gcn_conv(x, edge_index, edge_weight, W1, b1)
    h = jax.nn.relu(h)
    # dropout p=0.5 is identity in eval mode
    out = _gcn_conv(h, edge_index, edge_weight, W2, b2)
    return out

if __name__ == "__main__":
    import jax
    _d = setup_inputs()
    print(jax.jit(kernel)(*tuple(_d.values())))

</pallas_src>

<mosaic_0001>
#map = affine_map<(d0, d1) -> (0)>
module attributes {stable_mosaic.version = 14 : i64} {
  func.func @_sc_deg(%arg0: i32, %arg1: i32, %arg2: memref<320000xi32, #tpu.memory_space<hbm>>, %arg3: memref<320000xf32, #tpu.memory_space<hbm>>, %arg4: memref<20000xf32, #tpu.memory_space<hbm>>, %arg5: memref<10000xf32, #tpu.memory_space<vmem_shared>>, %arg6: memref<80xi32, #tpu.memory_space<vmem>>, %arg7: memref<80xf32, #tpu.memory_space<vmem>>, %arg8: memref<2000xf32, #tpu.memory_space<vmem>>, %arg9: memref<!tpu.dma_semaphore, #tpu.memory_space<semaphore_mem>>) attributes {dimension_semantics = [#tpu.dimension_semantics<core_parallel>, #tpu.dimension_semantics<subcore_parallel>], iteration_bounds = array<i64: 2, 16>, scalar_prefetch = 0 : i64, scratch_operands = 5 : i64, tpu.core_type = #tpu.core_type<sc_vector_subcore>, window_params = [{transform_indices = #map}, {transform_indices = #map}, {transform_indices = #map}]} {
    %mul3A = arith.constant 2 : i32
    %mul3A_0 = arith.muli %arg1, %mul3A : i32
    %add3A = arith.addi %mul3A_0, %arg0 : i32
    %lt3A = arith.constant 5 : i32
    %lt3A_1 = arith.cmpi slt, %arg1, %lt3A : i32
    %convert_element_type3A = arith.extui %lt3A_1 : i1 to i32
    %cond3A = arith.constant 0 : i32
    %cond3A_2 = arith.cmpi ne, %convert_element_type3A, %cond3A : i32
    scf.if %cond3A_2 {
      %broadcast_in_dim3A = arith.constant 0.000000e+00 : f32
      %broadcast_in_dim3A_15 = vector.broadcast %broadcast_in_dim3A : f32 to vector<16xf32>
      %scan3A_16 = arith.constant 0 : i32
      %scan3A_17 = arith.constant 0 : i32
      %scan3A_18 = arith.constant 125 : i32
      %scan3A_19 = arith.addi %scan3A_17, %scan3A_18 : i32
      %scan3A_20 = arith.constant 1 : i32
      %scan3A_21 = scf.for %scan3A_25 = %scan3A_17 to %scan3A_19 step %scan3A_20 iter_args(%scan3A_26 = %scan3A_16) -> (i32)  : i32 {
        %mul3A_27 = arith.constant 16 : i32
        %mul3A_28 = arith.muli %scan3A_25, %mul3A_27 : i32
        %swap3A = arith.index_cast %mul3A_28 : i32 to index
        %swap3A_29 = tpu.vector_load %arg8[%swap3A] {strides = array<i32>} : memref<2000xf32, #tpu.memory_space<vmem>>, vector<16xf32>,
        %swap3A_30 = vector.shape_cast %swap3A_29 : vector<16xf32> to vector<16xf32>
        %swap3A_31 = vector.shape_cast %broadcast_in_dim3A_15 : vector<16xf32> to vector<16xf32>
        tpu.vector_store %arg8[%swap3A], %swap3A_31 {strides = array<i32>} : memref<2000xf32, #tpu.memory_space<vmem>>, vector<16xf32>,
        %scan3A_32 = arith.constant 0 : i32
        scf.yield %scan3A_32 : i32
      }
      %scan3A_22 = arith.constant 125 : i32
      %mul3A_23 = arith.constant 2000 : i32
      %mul3A_24 = arith.muli %arg1, %mul3A_23 : i32
      "tpu.region"() ({
        %run_scoped3A = tpu.sem_alloc : memref<!tpu.dma_semaphore, #tpu.memory_space<semaphore_mem>>
        %dma_start3A = tpu.memref_slice %arg5[%mul3A_24] : memref<10000xf32, #tpu.memory_space<vmem_shared>> -> memref<2000xf32, #tpu.memory_space<vmem_shared>>
        %dma_start3A_25 = tpu.memref_slice %arg5[%mul3A_24] : memref<10000xf32, #tpu.memory_space<vmem_shared>> -> memref<2000xf32, #tpu.memory_space<vmem_shared>>
        tpu.enqueue_dma source(%arg8 : memref<2000xf32, #tpu.memory_space<vmem>>) target(%dma_start3A_25 : memref<2000xf32, #tpu.memory_space<vmem_shared>>) target_semaphore(%run_scoped3A : memref<!tpu.dma_semaphore, #tpu.memory_space<semaphore_mem>>)
        %dma_wait3A = tpu.memref_slice %arg5[%mul3A_24] : memref<10000xf32, #tpu.memory_space<vmem_shared>> -> memref<2000xf32, #tpu.memory_space<vmem_shared>>
        %dma_wait3A_26 = tpu.memref_slice %arg5[%mul3A_24] : memref<10000xf32, #tpu.memory_space<vmem_shared>> -> memref<2000xf32, #tpu.memory_space<vmem_shared>>
        tpu.wait_dma2 semaphore(%run_scoped3A : memref<!tpu.dma_semaphore, #tpu.memory_space<semaphore_mem>>) src(%arg8 : memref<2000xf32, #tpu.memory_space<vmem>>) dst(%dma_wait3A_26 : memref<2000xf32, #tpu.memory_space<vmem_shared>>)
        tpu.yield
      }) : () -> ()
    } else {
    }
    %barrier3A = arith.constant 0 : index
    tpu.barrier barrier_id(%barrier3A)
    %scan3A = arith.constant 0 : i32
    %scan3A_3 = arith.constant 0 : i32
    %scan3A_4 = arith.constant 125 : i32
    %scan3A_5 = arith.addi %scan3A_3, %scan3A_4 : i32
    %scan3A_6 = arith.constant 1 : i32
    %scan3A_7 = scf.for %scan3A_15 = %scan3A_3 to %scan3A_5 step %scan3A_6 iter_args(%scan3A_16 = %scan3A) -> (i32)  : i32 {
      %mul3A_17 = arith.constant 10000 : i32
      %mul3A_18 = arith.muli %add3A, %mul3A_17 : i32
      %mul3A_19 = arith.constant 80 : i32
      %mul3A_20 = arith.muli %scan3A_15, %mul3A_19 : i32
      %add3A_21 = arith.addi %mul3A_18, %mul3A_20 : i32
      %multiple_of3A = tpu.assume_multiple %add3A_21, 8 : i32
      "tpu.region"() ({
        %run_scoped3A = tpu.sem_alloc : memref<!tpu.dma_semaphore, #tpu.memory_space<semaphore_mem>>
        %dma_start3A = tpu.memref_slice %arg2[%multiple_of3A] : memref<320000xi32, #tpu.memory_space<hbm>> -> memref<80xi32, #tpu.memory_space<hbm>>
        %dma_start3A_23 = tpu.memref_slice %arg2[%multiple_of3A] : memref<320000xi32, #tpu.memory_space<hbm>> -> memref<80xi32, #tpu.memory_space<hbm>>
        tpu.enqueue_dma source(%dma_start3A_23 : memref<80xi32, #tpu.memory_space<hbm>>) target(%arg6 : memref<80xi32, #tpu.memory_space<vmem>>) target_semaphore(%run_scoped3A : memref<!tpu.dma_semaphore, #tpu.memory_space<semaphore_mem>>)
        %dma_wait3A = tpu.memref_slice %arg2[%multiple_of3A] : memref<320000xi32, #tpu.memory_space<hbm>> -> memref<80xi32, #tpu.memory_space<hbm>>
        %dma_wait3A_24 = tpu.memref_slice %arg2[%multiple_of3A] : memref<320000xi32, #tpu.memory_space<hbm>> -> memref<80xi32, #tpu.memory_space<hbm>>
        tpu.wait_dma2 semaphore(%run_scoped3A : memref<!tpu.dma_semaphore, #tpu.memory_space<semaphore_mem>>) src(%dma_wait3A_24 : memref<80xi32, #tpu.memory_space<hbm>>) dst(%arg6 : memref<80xi32, #tpu.memory_space<vmem>>)
        tpu.yield
      }) : () -> ()
      "tpu.region"() ({
        %run_scoped3A = tpu.sem_alloc : memref<!tpu.dma_semaphore, #tpu.memory_space<semaphore_mem>>
        %dma_start3A = tpu.memref_slice %arg3[%multiple_of3A] : memref<320000xf32, #tpu.memory_space<hbm>> -> memref<80xf32, #tpu.memory_space<hbm>>
        %dma_start3A_23 = tpu.memref_slice %arg3[%multiple_of3A] : memref<320000xf32, #tpu.memory_space<hbm>> -> memref<80xf32, #tpu.memory_space<hbm>>
        tpu.enqueue_dma source(%dma_start3A_23 : memref<80xf32, #tpu.memory_space<hbm>>) target(%arg7 : memref<80xf32, #tpu.memory_space<vmem>>) target_semaphore(%run_scoped3A : memref<!tpu.dma_semaphore, #tpu.memory_space<semaphore_mem>>)
        %dma_wait3A = tpu.memref_slice %arg3[%multiple_of3A] : memref<320000xf32, #tpu.memory_space<hbm>> -> memref<80xf32, #tpu.memory_space<hbm>>
        %dma_wait3A_24 = tpu.memref_slice %arg3[%multiple_of3A] : memref<320000xf32, #tpu.memory_space<hbm>> -> memref<80xf32, #tpu.memory_space<hbm>>
        tpu.wait_dma2 semaphore(%run_scoped3A : memref<!tpu.dma_semaphore, #tpu.memory_space<semaphore_mem>>) src(%dma_wait3A_24 : memref<80xf32, #tpu.memory_space<hbm>>) dst(%arg7 : memref<80xf32, #tpu.memory_space<vmem>>)
        tpu.yield
      }) : () -> ()
      "tpu.region"() ({
        %run_scoped3A = tpu.sem_alloc : memref<!tpu.dma_semaphore, #tpu.memory_space<semaphore_mem>>
        %dma_start3A = arith.constant 0 : i32
        %dma_start3A_23 = tpu.memref_slice %arg5[%dma_start3A] : memref<10000xf32, #tpu.memory_space<vmem_shared>> -> memref<10000xf32, #tpu.memory_space<vmem_shared>>
        tpu.enqueue_indirect_dma source(%arg7 : memref<80xf32, #tpu.memory_space<vmem>>) target(%dma_start3A_23 : memref<10000xf32, #tpu.memory_space<vmem_shared>>) offsets(%arg6 : memref<80xi32, #tpu.memory_space<vmem>>) semaphore(%run_scoped3A : memref<!tpu.dma_semaphore, #tpu.memory_space<semaphore_mem>>) {add = true}
        %dma_wait3A = arith.constant 0 : i32
        %dma_wait3A_24 = tpu.memref_slice %arg5[%dma_wait3A] : memref<10000xf32, #tpu.memory_space<vmem_shared>> -> memref<10000xf32, #tpu.memory_space<vmem_shared>>
        tpu.wait_indirect_dma semaphore(%run_scoped3A : memref<!tpu.dma_semaphore, #tpu.memory_space<semaphore_mem>>) src(%arg7 : memref<80xf32, #tpu.memory_space<vmem>>) dst(%dma_wait3A_24 : memref<10000xf32, #tpu.memory_space<vmem_shared>>)
        tpu.yield
      }) : () -> ()
      %scan3A_22 = arith.constant 0 : i32
      scf.yield %scan3A_22 : i32
    }
    %scan3A_8 = arith.constant 125 : i32
    %barrier3A_9 = arith.constant 0 : index
    tpu.barrier barrier_id(%barrier3A_9)
    %lt3A_10 = arith.constant 5 : i32
    %lt3A_11 = arith.cmpi slt, %arg1, %lt3A_10 : i32
    %convert_element_type3A_12 = arith.extui %lt3A_11 : i1 to i32
    %cond3A_13 = arith.constant 0 : i32
    %cond3A_14 = arith.cmpi ne, %convert_element_type3A_12, %cond3A_13 : i32
    scf.if %cond3A_14 {
      %mul3A_15 = arith.constant 2000 : i32
      %mul3A_16 = arith.muli %arg1, %mul3A_15 : i32
      "tpu.region"() ({
        %run_scoped3A = tpu.sem_alloc : memref<!tpu.dma_semaphore, #tpu.memory_space<semaphore_mem>>
        %dma_start3A = tpu.memref_slice %arg5[%mul3A_16] : memref<10000xf32, #tpu.memory_space<vmem_shared>> -> memref<2000xf32, #tpu.memory_space<vmem_shared>>
        %dma_start3A_20 = tpu.memref_slice %arg5[%mul3A_16] : memref<10000xf32, #tpu.memory_space<vmem_shared>> -> memref<2000xf32, #tpu.memory_space<vmem_shared>>
        tpu.enqueue_dma source(%dma_start3A_20 : memref<2000xf32, #tpu.memory_space<vmem_shared>>) target(%arg8 : memref<2000xf32, #tpu.memory_space<vmem>>) target_semaphore(%run_scoped3A : memref<!tpu.dma_semaphore, #tpu.memory_space<semaphore_mem>>)
        %dma_wait3A = tpu.memref_slice %arg5[%mul3A_16] : memref<10000xf32, #tpu.memory_space<vmem_shared>> -> memref<2000xf32, #tpu.memory_space<vmem_shared>>
        %dma_wait3A_21 = tpu.memref_slice %arg5[%mul3A_16] : memref<10000xf32, #tpu.memory_space<vmem_shared>> -> memref<2000xf32, #tpu.memory_space<vmem_shared>>
        tpu.wait_dma2 semaphore(%run_scoped3A : memref<!tpu.dma_semaphore, #tpu.memory_space<semaphore_mem>>) src(%dma_wait3A_21 : memref<2000xf32, #tpu.memory_space<vmem_shared>>) dst(%arg8 : memref<2000xf32, #tpu.memory_space<vmem>>)
        tpu.yield
      }) : () -> ()
      %mul3A_17 = arith.constant 10000 : i32
      %mul3A_18 = arith.muli %arg0, %mul3A_17 : i32
      %add3A_19 = arith.addi %mul3A_18, %mul3A_16 : i32
      "tpu.region"() ({
        %run_scoped3A = tpu.sem_alloc : memref<!tpu.dma_semaphore, #tpu.memory_space<semaphore_mem>>
        %dma_start3A = tpu.memref_slice %arg4[%add3A_19] : memref<20000xf32, #tpu.memory_space<hbm>> -> memref<2000xf32, #tpu.memory_space<hbm>>
        %dma_start3A_20 = tpu.memref_slice %arg4[%add3A_19] : memref<20000xf32, #tpu.memory_space<hbm>> -> memref<2000xf32, #tpu.memory_space<hbm>>
        tpu.enqueue_dma source(%arg8 : memref<2000xf32, #tpu.memory_space<vmem>>) target(%dma_start3A_20 : memref<2000xf32, #tpu.memory_space<hbm>>) target_semaphore(%run_scoped3A : memref<!tpu.dma_semaphore, #tpu.memory_space<semaphore_mem>>)
        %dma_wait3A = tpu.memref_slice %arg4[%add3A_19] : memref<20000xf32, #tpu.memory_space<hbm>> -> memref<2000xf32, #tpu.memory_space<hbm>>
        %dma_wait3A_21 = tpu.memref_slice %arg4[%add3A_19] : memref<20000xf32, #tpu.memory_space<hbm>> -> memref<2000xf32, #tpu.memory_space<hbm>>
        tpu.wait_dma2 semaphore(%run_scoped3A : memref<!tpu.dma_semaphore, #tpu.memory_space<semaphore_mem>>) src(%arg8 : memref<2000xf32, #tpu.memory_space<vmem>>) dst(%dma_wait3A_21 : memref<2000xf32, #tpu.memory_space<hbm>>)
        tpu.yield
      }) : () -> ()
    } else {
    }
    return
  }
}

#map = affine_map<(d0, d1) -> (0, 0)>
#map1 = affine_map<(d0, d1) -> (0)>
#map2 = affine_map<(d0, d1) -> (0, 0, 0)>
module attributes {stable_mosaic.version = 14 : i64} {
  func.func @_sc_agg(%arg0: i32, %arg1: i32, %arg2: memref<10000x64xf32, #tpu.memory_space<hbm>>, %arg3: memref<320000xi32, #tpu.memory_space<hbm>>, %arg4: memref<320000xi32, #tpu.memory_space<hbm>>, %arg5: memref<320000xf32, #tpu.memory_space<hbm>>, %arg6: memref<2x10000x64xf32, #tpu.memory_space<hbm>>, %arg7: memref<10000x64xf32, #tpu.memory_space<vmem_shared>>, %arg8: memref<80xi32, #tpu.memory_space<vmem>>, %arg9: memref<80xi32, #tpu.memory_space<vmem>>, %arg10: memref<80xf32, #tpu.memory_space<vmem>>, %arg11: memref<80x64xf32, #tpu.memory_space<vmem>>, %arg12: memref<200x64xf32, #tpu.memory_space<vmem>>, %arg13: memref<!tpu.dma_semaphore, #tpu.memory_space<semaphore_mem>>) attributes {dimension_semantics = [#tpu.dimension_semantics<core_parallel>, #tpu.dimension_semantics<subcore_parallel>], iteration_bounds = array<i64: 2, 16>, scalar_prefetch = 0 : i64, scratch_operands = 7 : i64, tpu.core_type = #tpu.core_type<sc_vector_subcore>, window_params = [{transform_indices = #map}, {transform_indices = #map1}, {transform_indices = #map1}, {transform_indices = #map1}, {transform_indices = #map2}]} {
    %mul3A = arith.constant 2 : i32
    %mul3A_0 = arith.muli %arg1, %mul3A : i32
    %add3A = arith.addi %mul3A_0, %arg0 : i32
    %lt3A = arith.constant 10 : i32
    %lt3A_1 = arith.cmpi slt, %arg1, %lt3A : i32
    %convert_element_type3A = arith.extui %lt3A_1 : i1 to i32
    %cond3A = arith.constant 0 : i32
    %cond3A_2 = arith.cmpi ne, %convert_element_type3A, %cond3A : i32
    scf.if %cond3A_2 {
      %broadcast_in_dim3A = arith.constant 0.000000e+00 : f32
      %broadcast_in_dim3A_15 = vector.broadcast %broadcast_in_dim3A : f32 to vector<16xf32>
      %scan3A_16 = arith.constant 0 : i32
      %scan3A_17 = arith.constant 0 : i32
      %scan3A_18 = arith.constant 200 : i32
      %scan3A_19 = arith.addi %scan3A_17, %scan3A_18 : i32
      %scan3A_20 = arith.constant 1 : i32
      %scan3A_21 = scf.for %scan3A_35 = %scan3A_17 to %scan3A_19 step %scan3A_20 iter_args(%scan3A_36 = %scan3A_16) -> (i32)  : i32 {
        %swap3A = arith.index_cast %scan3A_35 : i32 to index
        %swap3A_37 = arith.constant 0 : index
        %swap3A_38 = tpu.vector_load %arg12[%swap3A, %swap3A_37] {strides = array<i32>} : memref<200x64xf32, #tpu.memory_space<vmem>>, vector<1x16xf32>,
        %swap3A_39 = vector.shape_cast %swap3A_38 : vector<1x16xf32> to vector<16xf32>
        %swap3A_40 = vector.shape_cast %broadcast_in_dim3A_15 : vector<16xf32> to vector<1x16xf32>
        tpu.vector_store %arg12[%swap3A, %swap3A_37], %swap3A_40 {strides = array<i32>} : memref<200x64xf32, #tpu.memory_space<vmem>>, vector<1x16xf32>,
        %swap3A_41 = arith.index_cast %scan3A_35 : i32 to index
        %swap3A_42 = arith.constant 16 : index
        %swap3A_43 = tpu.vector_load %arg12[%swap3A_41, %swap3A_42] {strides = array<i32>} : memref<200x64xf32, #tpu.memory_space<vmem>>, vector<1x16xf32>,
        %swap3A_44 = vector.shape_cast %swap3A_43 : vector<1x16xf32> to vector<16xf32>
        %swap3A_45 = vector.shape_cast %broadcast_in_dim3A_15 : vector<16xf32> to vector<1x16xf32>
        tpu.vector_store %arg12[%swap3A_41, %swap3A_42], %swap3A_45 {strides = array<i32>} : memref<200x64xf32, #tpu.memory_space<vmem>>, vector<1x16xf32>,
        %swap3A_46 = arith.index_cast %scan3A_35 : i32 to index
        %swap3A_47 = arith.constant 32 : index
        %swap3A_48 = tpu.vector_load %arg12[%swap3A_46, %swap3A_47] {strides = array<i32>} : memref<200x64xf32, #tpu.memory_space<vmem>>, vector<1x16xf32>,
        %swap3A_49 = vector.shape_cast %swap3A_48 : vector<1x16xf32> to vector<16xf32>
        %swap3A_50 = vector.shape_cast %broadcast_in_dim3A_15 : vector<16xf32> to vector<1x16xf32>
        tpu.vector_store %arg12[%swap3A_46, %swap3A_47], %swap3A_50 {strides = array<i32>} : memref<200x64xf32, #tpu.memory_space<vmem>>, vector<1x16xf32>,
        %swap3A_51 = arith.index_cast %scan3A_35 : i32 to index
        %swap3A_52 = arith.constant 48 : index
        %swap3A_53 = tpu.vector_load %arg12[%swap3A_51, %swap3A_52] {strides = array<i32>} : memref<200x64xf32, #tpu.memory_space<vmem>>, vector<1x16xf32>,
        %swap3A_54 = vector.shape_cast %swap3A_53 : vector<1x16xf32> to vector<16xf32>
        %swap3A_55 = vector.shape_cast %broadcast_in_dim3A_15 : vector<16xf32> to vector<1x16xf32>
        tpu.vector_store %arg12[%swap3A_51, %swap3A_52], %swap3A_55 {strides = array<i32>} : memref<200x64xf32, #tpu.memory_space<vmem>>, vector<1x16xf32>,
        %scan3A_56 = arith.constant 0 : i32
        scf.yield %scan3A_56 : i32
      }
      %scan3A_22 = arith.constant 200 : i32
      %mul3A_23 = arith.constant 1000 : i32
      %mul3A_24 = arith.muli %arg1, %mul3A_23 : i32
      %add3A_25 = arith.constant 0 : i32
      %add3A_26 = arith.addi %mul3A_24, %add3A_25 : i32
      "tpu.region"() ({
        %run_scoped3A = tpu.sem_alloc : memref<!tpu.dma_semaphore, #tpu.memory_space<semaphore_mem>>
        %dma_start3A = arith.constant 0 : i32
        %dma_start3A_35 = tpu.memref_slice %arg7[%add3A_26, %dma_start3A] : memref<10000x64xf32, #tpu.memory_space<vmem_shared>> -> memref<200x64xf32, #tpu.memory_space<vmem_shared>>
        %dma_start3A_36 = arith.constant 0 : i32
        %dma_start3A_37 = tpu.memref_slice %arg7[%add3A_26, %dma_start3A_36] : memref<10000x64xf32, #tpu.memory_space<vmem_shared>> -> memref<200x64xf32, #tpu.memory_space<vmem_shared>>
        tpu.enqueue_dma source(%arg12 : memref<200x64xf32, #tpu.memory_space<vmem>>) target(%dma_start3A_37 : memref<200x64xf32, #tpu.memory_space<vmem_shared>>) target_semaphore(%run_scoped3A : memref<!tpu.dma_semaphore, #tpu.memory_space<semaphore_mem>>)
        %dma_wait3A = arith.constant 0 : i32
        %dma_wait3A_38 = tpu.memref_slice %arg7[%add3A_26, %dma_wait3A] : memref<10000x64xf32, #tpu.memory_space<vmem_shared>> -> memref<200x64xf32, #tpu.memory_space<vmem_shared>>
        %dma_wait3A_39 = arith.constant 0 : i32
        %dma_wait3A_40 = tpu.memref_slice %arg7[%add3A_26, %dma_wait3A_39] : memref<10000x64xf32, #tpu.memory_space<vmem_shared>> -> memref<200x64xf32, #tpu.memory_space<vmem_shared>>
        tpu.wait_dma2 semaphore(%run_scoped3A : memref<!tpu.dma_semaphore, #tpu.memory_space<semaphore_mem>>) src(%arg12 : memref<200x64xf32, #tpu.memory_space<vmem>>) dst(%dma_wait3A_40 : memref<200x64xf32, #tpu.memory_space<vmem_shared>>)
        tpu.yield
      }) : () -> ()
      %add3A_27 = arith.constant 200 : i32
      %add3A_28 = arith.addi %mul3A_24, %add3A_27 : i32
      "tpu.region"() ({
        %run_scoped3A = tpu.sem_alloc : memref<!tpu.dma_semaphore, #tpu.memory_space<semaphore_mem>>
        %dma_start3A = arith.constant 0 : i32
        %dma_start3A_35 = tpu.memref_slice %arg7[%add3A_28, %dma_start3A] : memref<10000x64xf32, #tpu.memory_space<vmem_shared>> -> memref<200x64xf32, #tpu.memory_space<vmem_shared>>
        %dma_start3A_36 = arith.constant 0 : i32
        %dma_start3A_37 = tpu.memref_slice %arg7[%add3A_28, %dma_start3A_36] : memref<10000x64xf32, #tpu.memory_space<vmem_shared>> -> memref<200x64xf32, #tpu.memory_space<vmem_shared>>
        tpu.enqueue_dma source(%arg12 : memref<200x64xf32, #tpu.memory_space<vmem>>) target(%dma_start3A_37 : memref<200x64xf32, #tpu.memory_space<vmem_shared>>) target_semaphore(%run_scoped3A : memref<!tpu.dma_semaphore, #tpu.memory_space<semaphore_mem>>)
        %dma_wait3A = arith.constant 0 : i32
        %dma_wait3A_38 = tpu.memref_slice %arg7[%add3A_28, %dma_wait3A] : memref<10000x64xf32, #tpu.memory_space<vmem_shared>> -> memref<200x64xf32, #tpu.memory_space<vmem_shared>>
        %dma_wait3A_39 = arith.constant 0 : i32
        %dma_wait3A_40 = tpu.memref_slice %arg7[%add3A_28, %dma_wait3A_39] : memref<10000x64xf32, #tpu.memory_space<vmem_shared>> -> memref<200x64xf32, #tpu.memory_space<vmem_shared>>
        tpu.wait_dma2 semaphore(%run_scoped3A : memref<!tpu.dma_semaphore, #tpu.memory_space<semaphore_mem>>) src(%arg12 : memref<200x64xf32, #tpu.memory_space<vmem>>) dst(%dma_wait3A_40 : memref<200x64xf32, #tpu.memory_space<vmem_shared>>)
        tpu.yield
      }) : () -> ()
      %add3A_29 = arith.constant 400 : i32
      %add3A_30 = arith.addi %mul3A_24, %add3A_29 : i32
      "tpu.region"() ({
        %run_scoped3A = tpu.sem_alloc : memref<!tpu.dma_semaphore, #tpu.memory_space<semaphore_mem>>
        %dma_start3A = arith.constant 0 : i32
        %dma_start3A_35 = tpu.memref_slice %arg7[%add3A_30, %dma_start3A] : memref<10000x64xf32, #tpu.memory_space<vmem_shared>> -> memref<200x64xf32, #tpu.memory_space<vmem_shared>>
        %dma_start3A_36 = arith.constant 0 : i32
        %dma_start3A_37 = tpu.memref_slice %arg7[%add3A_30, %dma_start3A_36] : memref<10000x64xf32, #tpu.memory_space<vmem_shared>> -> memref<200x64xf32, #tpu.memory_space<vmem_shared>>
        tpu.enqueue_dma source(%arg12 : memref<200x64xf32, #tpu.memory_space<vmem>>) target(%dma_start3A_37 : memref<200x64xf32, #tpu.memory_space<vmem_shared>>) target_semaphore(%run_scoped3A : memref<!tpu.dma_semaphore, #tpu.memory_space<semaphore_mem>>)
        %dma_wait3A = arith.constant 0 : i32
        %dma_wait3A_38 = tpu.memref_slice %arg7[%add3A_30, %dma_wait3A] : memref<10000x64xf32, #tpu.memory_space<vmem_shared>> -> memref<200x64xf32, #tpu.memory_space<vmem_shared>>
        %dma_wait3A_39 = arith.constant 0 : i32
        %dma_wait3A_40 = tpu.memref_slice %arg7[%add3A_30, %dma_wait3A_39] : memref<10000x64xf32, #tpu.memory_space<vmem_shared>> -> memref<200x64xf32, #tpu.memory_space<vmem_shared>>
        tpu.wait_dma2 semaphore(%run_scoped3A : memref<!tpu.dma_semaphore, #tpu.memory_space<semaphore_mem>>) src(%arg12 : memref<200x64xf32, #tpu.memory_space<vmem>>) dst(%dma_wait3A_40 : memref<200x64xf32, #tpu.memory_space<vmem_shared>>)
        tpu.yield
      }) : () -> ()
      %add3A_31 = arith.constant 600 : i32
      %add3A_32 = arith.addi %mul3A_24, %add3A_31 : i32
      "tpu.region"() ({
        %run_scoped3A = tpu.sem_alloc : memref<!tpu.dma_semaphore, #tpu.memory_space<semaphore_mem>>
        %dma_start3A = arith.constant 0 : i32
        %dma_start3A_35 = tpu.memref_slice %arg7[%add3A_32, %dma_start3A] : memref<10000x64xf32, #tpu.memory_space<vmem_shared>> -> memref<200x64xf32, #tpu.memory_space<vmem_shared>>
        %dma_start3A_36 = arith.constant 0 : i32
        %dma_start3A_37 = tpu.memref_slice %arg7[%add3A_32, %dma_start3A_36] : memref<10000x64xf32, #tpu.memory_space<vmem_shared>> -> memref<200x64xf32, #tpu.memory_space<vmem_shared>>
        tpu.enqueue_dma source(%arg12 : memref<200x64xf32, #tpu.memory_space<vmem>>) target(%dma_start3A_37 : memref<200x64xf32, #tpu.memory_space<vmem_shared>>) target_semaphore(%run_scoped3A : memref<!tpu.dma_semaphore, #tpu.memory_space<semaphore_mem>>)
        %dma_wait3A = arith.constant 0 : i32
        %dma_wait3A_38 = tpu.memref_slice %arg7[%add3A_32, %dma_wait3A] : memref<10000x64xf32, #tpu.memory_space<vmem_shared>> -> memref<200x64xf32, #tpu.memory_space<vmem_shared>>
        %dma_wait3A_39 = arith.constant 0 : i32
        %dma_wait3A_40 = tpu.memref_slice %arg7[%add3A_32, %dma_wait3A_39] : memref<10000x64xf32, #tpu.memory_space<vmem_shared>> -> memref<200x64xf32, #tpu.memory_space<vmem_shared>>
        tpu.wait_dma2 semaphore(%run_scoped3A : memref<!tpu.dma_semaphore, #tpu.memory_space<semaphore_mem>>) src(%arg12 : memref<200x64xf32, #tpu.memory_space<vmem>>) dst(%dma_wait3A_40 : memref<200x64xf32, #tpu.memory_space<vmem_shared>>)
        tpu.yield
      }) : () -> ()
      %add3A_33 = arith.constant 800 : i32
      %add3A_34 = arith.addi %mul3A_24, %add3A_33 : i32
      "tpu.region"() ({
        %run_scoped3A = tpu.sem_alloc : memref<!tpu.dma_semaphore, #tpu.memory_space<semaphore_mem>>
        %dma_start3A = arith.constant 0 : i32
        %dma_start3A_35 = tpu.memref_slice %arg7[%add3A_34, %dma_start3A] : memref<10000x64xf32, #tpu.memory_space<vmem_shared>> -> memref<200x64xf32, #tpu.memory_space<vmem_shared>>
        %dma_start3A_36 = arith.constant 0 : i32
        %dma_start3A_37 = tpu.memref_slice %arg7[%add3A_34, %dma_start3A_36] : memref<10000x64xf32, #tpu.memory_space<vmem_shared>> -> memref<200x64xf32, #tpu.memory_space<vmem_shared>>
        tpu.enqueue_dma source(%arg12 : memref<200x64xf32, #tpu.memory_space<vmem>>) target(%dma_start3A_37 : memref<200x64xf32, #tpu.memory_space<vmem_shared>>) target_semaphore(%run_scoped3A : memref<!tpu.dma_semaphore, #tpu.memory_space<semaphore_mem>>)
        %dma_wait3A = arith.constant 0 : i32
        %dma_wait3A_38 = tpu.memref_slice %arg7[%add3A_34, %dma_wait3A] : memref<10000x64xf32, #tpu.memory_space<vmem_shared>> -> memref<200x64xf32, #tpu.memory_space<vmem_shared>>
        %dma_wait3A_39 = arith.constant 0 : i32
        %dma_wait3A_40 = tpu.memref_slice %arg7[%add3A_34, %dma_wait3A_39] : memref<10000x64xf32, #tpu.memory_space<vmem_shared>> -> memref<200x64xf32, #tpu.memory_space<vmem_shared>>
        tpu.wait_dma2 semaphore(%run_scoped3A : memref<!tpu.dma_semaphore, #tpu.memory_space<semaphore_mem>>) src(%arg12 : memref<200x64xf32, #tpu.memory_space<vmem>>) dst(%dma_wait3A_40 : memref<200x64xf32, #tpu.memory_space<vmem_shared>>)
        tpu.yield
      }) : () -> ()
    } else {
    }
    %barrier3A = arith.constant 0 : index
    tpu.barrier barrier_id(%barrier3A)
    %scan3A = arith.constant 0 : i32
    %scan3A_3 = arith.constant 0 : i32
    %scan3A_4 = arith.constant 125 : i32
    %scan3A_5 = arith.addi %scan3A_3, %scan3A_4 : i32
    %scan3A_6 = arith.constant 1 : i32
    %scan3A_7 = scf.for %scan3A_15 = %scan3A_3 to %scan3A_5 step %scan3A_6 iter_args(%scan3A_16 = %scan3A) -> (i32)  : i32 {
      %mul3A_17 = arith.constant 10000 : i32
      %mul3A_18 = arith.muli %add3A, %mul3A_17 : i32
      %mul3A_19 = arith.constant 80 : i32
      %mul3A_20 = arith.muli %scan3A_15, %mul3A_19 : i32
      %add3A_21 = arith.addi %mul3A_18, %mul3A_20 : i32
      %multiple_of3A = tpu.assume_multiple %add3A_21, 8 : i32
      "tpu.region"() ({
        %run_scoped3A = tpu.sem_alloc : memref<!tpu.dma_semaphore, #tpu.memory_space<semaphore_mem>>
        %dma_start3A_34 = tpu.memref_slice %arg3[%multiple_of3A] : memref<320000xi32, #tpu.memory_space<hbm>> -> memref<80xi32, #tpu.memory_space<hbm>>
        %dma_start3A_35 = tpu.memref_slice %arg3[%multiple_of3A] : memref<320000xi32, #tpu.memory_space<hbm>> -> memref<80xi32, #tpu.memory_space<hbm>>
        tpu.enqueue_dma source(%dma_start3A_35 : memref<80xi32, #tpu.memory_space<hbm>>) target(%arg8 : memref<80xi32, #tpu.memory_space<vmem>>) target_semaphore(%run_scoped3A : memref<!tpu.dma_semaphore, #tpu.memory_space<semaphore_mem>>)
        %dma_wait3A_36 = tpu.memref_slice %arg3[%multiple_of3A] : memref<320000xi32, #tpu.memory_space<hbm>> -> memref<80xi32, #tpu.memory_space<hbm>>
        %dma_wait3A_37 = tpu.memref_slice %arg3[%multiple_of3A] : memref<320000xi32, #tpu.memory_space<hbm>> -> memref<80xi32, #tpu.memory_space<hbm>>
        tpu.wait_dma2 semaphore(%run_scoped3A : memref<!tpu.dma_semaphore, #tpu.memory_space<semaphore_mem>>) src(%dma_wait3A_37 : memref<80xi32, #tpu.memory_space<hbm>>) dst(%arg8 : memref<80xi32, #tpu.memory_space<vmem>>)
        tpu.yield
      }) : () -> ()
      "tpu.region"() ({
        %run_scoped3A = tpu.sem_alloc : memref<!tpu.dma_semaphore, #tpu.memory_space<semaphore_mem>>
        %dma_start3A_34 = tpu.memref_slice %arg5[%multiple_of3A] : memref<320000xf32, #tpu.memory_space<hbm>> -> memref<80xf32, #tpu.memory_space<hbm>>
        %dma_start3A_35 = tpu.memref_slice %arg5[%multiple_of3A] : memref<320000xf32, #tpu.memory_space<hbm>> -> memref<80xf32, #tpu.memory_space<hbm>>
        tpu.enqueue_dma source(%dma_start3A_35 : memref<80xf32, #tpu.memory_space<hbm>>) target(%arg10 : memref<80xf32, #tpu.memory_space<vmem>>) target_semaphore(%run_scoped3A : memref<!tpu.dma_semaphore, #tpu.memory_space<semaphore_mem>>)
        %dma_wait3A_36 = tpu.memref_slice %arg5[%multiple_of3A] : memref<320000xf32, #tpu.memory_space<hbm>> -> memref<80xf32, #tpu.memory_space<hbm>>
        %dma_wait3A_37 = tpu.memref_slice %arg5[%multiple_of3A] : memref<320000xf32, #tpu.memory_space<hbm>> -> memref<80xf32, #tpu.memory_space<hbm>>
        tpu.wait_dma2 semaphore(%run_scoped3A : memref<!tpu.dma_semaphore, #tpu.memory_space<semaphore_mem>>) src(%dma_wait3A_37 : memref<80xf32, #tpu.memory_space<hbm>>) dst(%arg10 : memref<80xf32, #tpu.memory_space<vmem>>)
        tpu.yield
      }) : () -> ()
      %dma_start3A = arith.constant 0 : i32
      %dma_start3A_22 = arith.constant 0 : i32
      %dma_start3A_23 = tpu.memref_slice %arg2[%dma_start3A, %dma_start3A_22] : memref<10000x64xf32, #tpu.memory_space<hbm>> -> memref<10000x64xf32, #tpu.memory_space<hbm>>
      tpu.enqueue_indirect_dma source(%dma_start3A_23 : memref<10000x64xf32, #tpu.memory_space<hbm>>) target(%arg11 : memref<80x64xf32, #tpu.memory_space<vmem>>) offsets(%arg8 : memref<80xi32, #tpu.memory_space<vmem>>) semaphore(%arg13 : memref<!tpu.dma_semaphore, #tpu.memory_space<semaphore_mem>>)
      %dma_wait3A = arith.constant 0 : i32
      %dma_wait3A_24 = arith.constant 0 : i32
      %dma_wait3A_25 = tpu.memref_slice %arg2[%dma_wait3A, %dma_wait3A_24] : memref<10000x64xf32, #tpu.memory_space<hbm>> -> memref<10000x64xf32, #tpu.memory_space<hbm>>
      tpu.wait_indirect_dma semaphore(%arg13 : memref<!tpu.dma_semaphore, #tpu.memory_space<semaphore_mem>>) src(%dma_wait3A_25 : memref<10000x64xf32, #tpu.memory_space<hbm>>) dst(%arg11 : memref<80x64xf32, #tpu.memory_space<vmem>>)
      %scan3A_26 = arith.constant 0 : i32
      %scan3A_27 = arith.constant 0 : i32
      %scan3A_28 = arith.constant 5 : i32
      %scan3A_29 = arith.addi %scan3A_27, %scan3A_28 : i32
      %scan3A_30 = arith.constant 1 : i32
      %scan3A_31 = scf.for %scan3A_34 = %scan3A_27 to %scan3A_29 step %scan3A_30 iter_args(%scan3A_35 = %scan3A_26) -> (i32)  : i32 {
        %mul3A_36 = arith.constant 16 : i32
        %mul3A_37 = arith.muli %scan3A_34, %mul3A_36 : i32
        %get3A = arith.index_cast %mul3A_37 : i32 to index
        %get3A_38 = tpu.vector_load %arg10[%get3A] {strides = array<i32>} : memref<80xf32, #tpu.memory_space<vmem>>, vector<16xf32>,
        %get3A_39 = vector.shape_cast %get3A_38 : vector<16xf32> to vector<16xf32>
        %slice3A = vector.extract_strided_slice %get3A_39 {offsets = [0], sizes = [1], strides = [1]} : vector<16xf32> to vector<1xf32>
        %squeeze3A = vector.extract %slice3A[0] : f32 from vector<1xf32>
        %mul3A_40 = arith.constant 16 : i32
        %mul3A_41 = arith.muli %scan3A_34, %mul3A_40 : i32
        %add3A_42 = arith.constant 0 : i32
        %add3A_43 = arith.addi %mul3A_41, %add3A_42 : i32
        %get3A_44 = arith.index_cast %add3A_43 : i32 to index
        %get3A_45 = arith.constant 0 : index
        %get3A_46 = tpu.vector_load %arg11[%get3A_44, %get3A_45] {strides = array<i32>} : memref<80x64xf32, #tpu.memory_space<vmem>>, vector<1x16xf32>,
        %get3A_47 = vector.shape_cast %get3A_46 : vector<1x16xf32> to vector<16xf32>
        %mul3A_48 = vector.broadcast %squeeze3A : f32 to vector<16xf32>
        %mul3A_49 = arith.mulf %get3A_47, %mul3A_48 : vector<16xf32>
        %swap3A = arith.index_cast %add3A_43 : i32 to index
        %swap3A_50 = arith.constant 0 : index
        %swap3A_51 = tpu.vector_load %arg11[%swap3A, %swap3A_50] {strides = array<i32>} : memref<80x64xf32, #tpu.memory_space<vmem>>, vector<1x16xf32>,
        %swap3A_52 = vector.shape_cast %swap3A_51 : vector<1x16xf32> to vector<16xf32>
        %swap3A_53 = vector.shape_cast %mul3A_49 : vector<16xf32> to vector<1x16xf32>
        tpu.vector_store %arg11[%swap3A, %swap3A_50], %swap3A_53 {strides = array<i32>} : memref<80x64xf32, #tpu.memory_space<vmem>>, vector<1x16xf32>,
        %get3A_54 = arith.index_cast %add3A_43 : i32 to index
        %get3A_55 = arith.constant 16 : index
        %get3A_56 = tpu.vector_load %arg11[%get3A_54, %get3A_55] {strides = array<i32>} : memref<80x64xf32, #tpu.memory_space<vmem>>, vector<1x16xf32>,
        %get3A_57 = vector.shape_cast %get3A_56 : vector<1x16xf32> to vector<16xf32>
        %mul3A_58 = vector.broadcast %squeeze3A : f32 to vector<16xf32>
        %mul3A_59 = arith.mulf %get3A_57, %mul3A_58 : vector<16xf32>
        %swap3A_60 = arith.index_cast %add3A_43 : i32 to index
        %swap3A_61 = arith.constant 16 : index
        %swap3A_62 = tpu.vector_load %arg11[%swap3A_60, %swap3A_61] {strides = array<i32>} : memref<80x64xf32, #tpu.memory_space<vmem>>, vector<1x16xf32>,
        %swap3A_63 = vector.shape_cast %swap3A_62 : vector<1x16xf32> to vector<16xf32>
        %swap3A_64 = vector.shape_cast %mul3A_59 : vector<16xf32> to vector<1x16xf32>
        tpu.vector_store %arg11[%swap3A_60, %swap3A_61], %swap3A_64 {strides = array<i32>} : memref<80x64xf32, #tpu.memory_space<vmem>>, vector<1x16xf32>,
        %get3A_65 = arith.index_cast %add3A_43 : i32 to index
        %get3A_66 = arith.constant 32 : index
        %get3A_67 = tpu.vector_load %arg11[%get3A_65, %get3A_66] {strides = array<i32>} : memref<80x64xf32, #tpu.memory_space<vmem>>, vector<1x16xf32>,
        %get3A_68 = vector.shape_cast %get3A_67 : vector<1x16xf32> to vector<16xf32>
        %mul3A_69 = vector.broadcast %squeeze3A : f32 to vector<16xf32>
        %mul3A_70 = arith.mulf %get3A_68, %mul3A_69 : vector<16xf32>
        %swap3A_71 = arith.index_cast %add3A_43 : i32 to index
        %swap3A_72 = arith.constant 32 : index
        %swap3A_73 = tpu.vector_load %arg11[%swap3A_71, %swap3A_72] {strides = array<i32>} : memref<80x64xf32, #tpu.memory_space<vmem>>, vector<1x16xf32>,
        %swap3A_74 = vector.shape_cast %swap3A_73 : vector<1x16xf32> to vector<16xf32>
        %swap3A_75 = vector.shape_cast %mul3A_70 : vector<16xf32> to vector<1x16xf32>
        tpu.vector_store %arg11[%swap3A_71, %swap3A_72], %swap3A_75 {strides = array<i32>} : memref<80x64xf32, #tpu.memory_space<vmem>>, vector<1x16xf32>,
        %get3A_76 = arith.index_cast %add3A_43 : i32 to index
        %get3A_77 = arith.constant 48 : index
        %get3A_78 = tpu.vector_load %arg11[%get3A_76, %get3A_77] {strides = array<i32>} : memref<80x64xf32, #tpu.memory_space<vmem>>, vector<1x16xf32>,
        %get3A_79 = vector.shape_cast %get3A_78 : vector<1x16xf32> to vector<16xf32>
        %mul3A_80 = vector.broadcast %squeeze3A : f32 to vector<16xf32>
        %mul3A_81 = arith.mulf %get3A_79, %mul3A_80 : vector<16xf32>
        %swap3A_82 = arith.index_cast %add3A_43 : i32 to index
        %swap3A_83 = arith.constant 48 : index
        %swap3A_84 = tpu.vector_load %arg11[%swap3A_82, %swap3A_83] {strides = array<i32>} : memref<80x64xf32, #tpu.memory_space<vmem>>, vector<1x16xf32>,
        %swap3A_85 = vector.shape_cast %swap3A_84 : vector<1x16xf32> to vector<16xf32>
        %swap3A_86 = vector.shape_cast %mul3A_81 : vector<16xf32> to vector<1x16xf32>
        tpu.vector_store %arg11[%swap3A_82, %swap3A_83], %swap3A_86 {strides = array<i32>} : memref<80x64xf32, #tpu.memory_space<vmem>>, vector<1x16xf32>,
        %slice3A_87 = vector.extract_strided_slice %get3A_39 {offsets = [1], sizes = [1], strides = [1]} : vector<16xf32> to vector<1xf32>
        %squeeze3A_88 = vector.extract %slice3A_87[0] : f32 from vector<1xf32>
        %mul3A_89 = arith.constant 16 : i32
        %mul3A_90 = arith.muli %scan3A_34, %mul3A_89 : i32
        %add3A_91 = arith.constant 1 : i32
        %add3A_92 = arith.addi %mul3A_90, %add3A_91 : i32
        %get3A_93 = arith.index_cast %add3A_92 : i32 to index
        %get3A_94 = arith.constant 0 : index
        %get3A_95 = tpu.vector_load %arg11[%get3A_93, %get3A_94] {strides = array<i32>} : memref<80x64xf32, #tpu.memory_space<vmem>>, vector<1x16xf32>,
        %get3A_96 = vector.shape_cast %get3A_95 : vector<1x16xf32> to vector<16xf32>
        %mul3A_97 = vector.broadcast %squeeze3A_88 : f32 to vector<16xf32>
        %mul3A_98 = arith.mulf %get3A_96, %mul3A_97 : vector<16xf32>
        %swap3A_99 = arith.index_cast %add3A_92 : i32 to index
        %swap3A_100 = arith.constant 0 : index
        %swap3A_101 = tpu.vector_load %arg11[%swap3A_99, %swap3A_100] {strides = array<i32>} : memref<80x64xf32, #tpu.memory_space<vmem>>, vector<1x16xf32>,
        %swap3A_102 = vector.shape_cast %swap3A_101 : vector<1x16xf32> to vector<16xf32>
        %swap3A_103 = vector.shape_cast %mul3A_98 : vector<16xf32> to vector<1x16xf32>
        tpu.vector_store %arg11[%swap3A_99, %swap3A_100], %swap3A_103 {strides = array<i32>} : memref<80x64xf32, #tpu.memory_space<vmem>>, vector<1x16xf32>,
        %get3A_104 = arith.index_cast %add3A_92 : i32 to index
        %get3A_105 = arith.constant 16 : index
        %get3A_106 = tpu.vector_load %arg11[%get3A_104, %get3A_105] {strides = array<i32>} : memref<80x64xf32, #tpu.memory_space<vmem>>, vector<1x16xf32>,
        %get3A_107 = vector.shape_cast %get3A_106 : vector<1x16xf32> to vector<16xf32>
        %mul3A_108 = vector.broadcast %squeeze3A_88 : f32 to vector<16xf32>
        %mul3A_109 = arith.mulf %get3A_107, %mul3A_108 : vector<16xf32>
        %swap3A_110 = arith.index_cast %add3A_92 : i32 to index
        %swap3A_111 = arith.constant 16 : index
        %swap3A_112 = tpu.vector_load %arg11[%swap3A_110, %swap3A_111] {strides = array<i32>} : memref<80x64xf32, #tpu.memory_space<vmem>>, vector<1x16xf32>,
        %swap3A_113 = vector.shape_cast %swap3A_112 : vector<1x16xf32> to vector<16xf32>
        %swap3A_114 = vector.shape_cast %mul3A_109 : vector<16xf32> to vector<1x16xf32>
        tpu.vector_store %arg11[%swap3A_110, %swap3A_111], %swap3A_114 {strides = array<i32>} : memref<80x64xf32, #tpu.memory_space<vmem>>, vector<1x16xf32>,
        %get3A_115 = arith.index_cast %add3A_92 : i32 to index
        %get3A_116 = arith.constant 32 : index
        %get3A_117 = tpu.vector_load %arg11[%get3A_115, %get3A_116] {strides = array<i32>} : memref<80x64xf32, #tpu.memory_space<vmem>>, vector<1x16xf32>,
        %get3A_118 = vector.shape_cast %get3A_117 : vector<1x16xf32> to vector<16xf32>
        %mul3A_119 = vector.broadcast %squeeze3A_88 : f32 to vector<16xf32>
        %mul3A_120 = arith.mulf %get3A_118, %mul3A_119 : vector<16xf32>
        %swap3A_121 = arith.index_cast %add3A_92 : i32 to index
        %swap3A_122 = arith.constant 32 : index
        %swap3A_123 = tpu.vector_load %arg11[%swap3A_121, %swap3A_122] {strides = array<i32>} : memref<80x64xf32, #tpu.memory_space<vmem>>, vector<1x16xf32>,
        %swap3A_124 = vector.shape_cast %swap3A_123 : vector<1x16xf32> to vector<16xf32>
        %swap3A_125 = vector.shape_cast %mul3A_120 : vector<16xf32> to vector<1x16xf32>
        tpu.vector_store %arg11[%swap3A_121, %swap3A_122], %swap3A_125 {strides = array<i32>} : memref<80x64xf32, #tpu.memory_space<vmem>>, vector<1x16xf32>,
        %get3A_126 = arith.index_cast %add3A_92 : i32 to index
        %get3A_127 = arith.constant 48 : index
        %get3A_128 = tpu.vector_load %arg11[%get3A_126, %get3A_127] {strides = array<i32>} : memref<80x64xf32, #tpu.memory_space<vmem>>, vector<1x16xf32>,
        %get3A_129 = vector.shape_cast %get3A_128 : vector<1x16xf32> to vector<16xf32>
        %mul3A_130 = vector.broadcast %squeeze3A_88 : f32 to vector<16xf32>
        %mul3A_131 = arith.mulf %get3A_129, %mul3A_130 : vector<16xf32>
        %swap3A_132 = arith.index_cast %add3A_92 : i32 to index
        %swap3A_133 = arith.constant 48 : index
        %swap3A_134 = tpu.vector_load %arg11[%swap3A_132, %swap3A_133] {strides = array<i32>} : memref<80x64xf32, #tpu.memory_space<vmem>>, vector<1x16xf32>,
        %swap3A_135 = vector.shape_cast %swap3A_134 : vector<1x16xf32> to vector<16xf32>
        %swap3A_136 = vector.shape_cast %mul3A_131 : vector<16xf32> to vector<1x16xf32>
        tpu.vector_store %arg11[%swap3A_132, %swap3A_133], %swap3A_136 {strides = array<i32>} : memref<80x64xf32, #tpu.memory_space<vmem>>, vector<1x16xf32>,
        %slice3A_137 = vector.extract_strided_slice %get3A_39 {offsets = [2], sizes = [1], strides = [1]} : vector<16xf32> to vector<1xf32>
        %squeeze3A_138 = vector.extract %slice3A_137[0] : f32 from vector<1xf32>
        %mul3A_139 = arith.constant 16 : i32
        %mul3A_140 = arith.muli %scan3A_34, %mul3A_139 : i32
        %add3A_141 = arith.constant 2 : i32
        %add3A_142 = arith.addi %mul3A_140, %add3A_141 : i32
        %get3A_143 = arith.index_cast %add3A_142 : i32 to index
        %get3A_144 = arith.constant 0 : index
        %get3A_145 = tpu.vector_load %arg11[%get3A_143, %get3A_144] {strides = array<i32>} : memref<80x64xf32, #tpu.memory_space<vmem>>, vector<1x16xf32>,
        %get3A_146 = vector.shape_cast %get3A_145 : vector<1x16xf32> to vector<16xf32>
        %mul3A_147 = vector.broadcast %squeeze3A_138 : f32 to vector<16xf32>
        %mul3A_148 = arith.mulf %get3A_146, %mul3A_147 : vector<16xf32>
        %swap3A_149 = arith.index_cast %add3A_142 : i32 to index
        %swap3A_150 = arith.constant 0 : index
        %swap3A_151 = tpu.vector_load %arg11[%swap3A_149, %swap3A_150] {strides = array<i32>} : memref<80x64xf32, #tpu.memory_space<vmem>>, vector<1x16xf32>,
        %swap3A_152 = vector.shape_cast %swap3A_151 : vector<1x16xf32> to vector<16xf32>
        %swap3A_153 = vector.shape_cast %mul3A_148 : vector<16xf32> to vector<1x16xf32>
        tpu.vector_store %arg11[%swap3A_149, %swap3A_150], %swap3A_153 {strides = array<i32>} : memref<80x64xf32, #tpu.memory_space<vmem>>, vector<1x16xf32>,
        %get3A_154 = arith.index_cast %add3A_142 : i32 to index
        %get3A_155 = arith.constant 16 : index
        %get3A_156 = tpu.vector_load %arg11[%get3A_154, %get3A_155] {strides = array<i32>} : memref<80x64xf32, #tpu.memory_space<vmem>>, vector<1x16xf32>,
        %get3A_157 = vector.shape_cast %get3A_156 : vector<1x16xf32> to vector<16xf32>
        %mul3A_158 = vector.broadcast %squeeze3A_138 : f32 to vector<16xf32>
        %mul3A_159 = arith.mulf %get3A_157, %mul3A_158 : vector<16xf32>
        %swap3A_160 = arith.index_cast %add3A_142 : i32 to index
        %swap3A_161 = arith.constant 16 : index
        %swap3A_162 = tpu.vector_load %arg11[%swap3A_160, %swap3A_161] {strides = array<i32>} : memref<80x64xf32, #tpu.memory_space<vmem>>, vector<1x16xf32>,
        %swap3A_163 = vector.shape_cast %swap3A_162 : vector<1x16xf32> to vector<16xf32>
        %swap3A_164 = vector.shape_cast %mul3A_159 : vector<16xf32> to vector<1x16xf32>
        tpu.vector_store %arg11[%swap3A_160, %swap3A_161], %swap3A_164 {strides = array<i32>} : memref<80x64xf32, #tpu.memory_space<vmem>>, vector<1x16xf32>,
        %get3A_165 = arith.index_cast %add3A_142 : i32 to index
        %get3A_166 = arith.constant 32 : index
        %get3A_167 = tpu.vector_load %arg11[%get3A_165, %get3A_166] {strides = array<i32>} : memref<80x64xf32, #tpu.memory_space<vmem>>, vector<1x16xf32>,
        %get3A_168 = vector.shape_cast %get3A_167 : vector<1x16xf32> to vector<16xf32>
        %mul3A_169 = vector.broadcast %squeeze3A_138 : f32 to vector<16xf32>
        %mul3A_170 = arith.mulf %get3A_168, %mul3A_169 : vector<16xf32>
        %swap3A_171 = arith.index_cast %add3A_142 : i32 to index
        %swap3A_172 = arith.constant 32 : index
        %swap3A_173 = tpu.vector_load %arg11[%swap3A_171, %swap3A_172] {strides = array<i32>} : memref<80x64xf32, #tpu.memory_space<vmem>>, vector<1x16xf32>,
        %swap3A_174 = vector.shape_cast %swap3A_173 : vector<1x16xf32> to vector<16xf32>
        %swap3A_175 = vector.shape_cast %mul3A_170 : vector<16xf32> to vector<1x16xf32>
        tpu.vector_store %arg11[%swap3A_171, %swap3A_172], %swap3A_175 {strides = array<i32>} : memref<80x64xf32, #tpu.memory_space<vmem>>, vector<1x16xf32>,
        %get3A_176 = arith.index_cast %add3A_142 : i32 to index
        %get3A_177 = arith.constant 48 : index
        %get3A_178 = tpu.vector_load %arg11[%get3A_176, %get3A_177] {strides = array<i32>} : memref<80x64xf32, #tpu.memory_space<vmem>>, vector<1x16xf32>,
        %get3A_179 = vector.shape_cast %get3A_178 : vector<1x16xf32> to vector<16xf32>
        %mul3A_180 = vector.broadcast %squeeze3A_138 : f32 to vector<16xf32>
        %mul3A_181 = arith.mulf %get3A_179, %mul3A_180 : vector<16xf32>
        %swap3A_182 = arith.index_cast %add3A_142 : i32 to index
        %swap3A_183 = arith.constant 48 : index
        %swap3A_184 = tpu.vector_load %arg11[%swap3A_182, %swap3A_183] {strides = array<i32>} : memref<80x64xf32, #tpu.memory_space<vmem>>, vector<1x16xf32>,
        %swap3A_185 = vector.shape_cast %swap3A_184 : vector<1x16xf32> to vector<16xf32>
        %swap3A_186 = vector.shape_cast %mul3A_181 : vector<16xf32> to vector<1x16xf32>
        tpu.vector_store %arg11[%swap3A_182, %swap3A_183], %swap3A_186 {strides = array<i32>} : memref<80x64xf32, #tpu.memory_space<vmem>>, vector<1x16xf32>,
        %slice3A_187 = vector.extract_strided_slice %get3A_39 {offsets = [3], sizes = [1], strides = [1]} : vector<16xf32> to vector<1xf32>
        %squeeze3A_188 = vector.extract %slice3A_187[0] : f32 from vector<1xf32>
        %mul3A_189 = arith.constant 16 : i32
        %mul3A_190 = arith.muli %scan3A_34, %mul3A_189 : i32
        %add3A_191 = arith.constant 3 : i32
        %add3A_192 = arith.addi %mul3A_190, %add3A_191 : i32
        %get3A_193 = arith.index_cast %add3A_192 : i32 to index
        %get3A_194 = arith.constant 0 : index
        %get3A_195 = tpu.vector_load %arg11[%get3A_193, %get3A_194] {strides = array<i32>} : memref<80x64xf32, #tpu.memory_space<vmem>>, vector<1x16xf32>,
        %get3A_196 = vector.shape_cast %get3A_195 : vector<1x16xf32> to vector<16xf32>
        %mul3A_197 = vector.broadcast %squeeze3A_188 : f32 to vector<16xf32>
        %mul3A_198 = arith.mulf %get3A_196, %mul3A_197 : vector<16xf32>
        %swap3A_199 = arith.index_cast %add3A_192 : i32 to index
        %swap3A_200 = arith.constant 0 : index
        %swap3A_201 = tpu.vector_load %arg11[%swap3A_199, %swap3A_200] {strides = array<i32>} : memref<80x64xf32, #tpu.memory_space<vmem>>, vector<1x16xf32>,
        %swap3A_202 = vector.shape_cast %swap3A_201 : vector<1x16xf32> to vector<16xf32>
        %swap3A_203 = vector.shape_cast %mul3A_198 : vector<16xf32> to vector<1x16xf32>
        tpu.vector_store %arg11[%swap3A_199, %swap3A_200], %swap3A_203 {strides = array<i32>} : memref<80x64xf32, #tpu.memory_space<vmem>>, vector<1x16xf32>,
        %get3A_204 = arith.index_cast %add3A_192 : i32 to index
        %get3A_205 = arith.constant 16 : index
        %get3A_206 = tpu.vector_load %arg11[%get3A_204, %get3A_205] {strides = array<i32>} : memref<80x64xf32, #tpu.memory_space<vmem>>, vector<1x16xf32>,
        %get3A_207 = vector.shape_cast %get3A_206 : vector<1x16xf32> to vector<16xf32>
        %mul3A_208 = vector.broadcast %squeeze3A_188 : f32 to vector<16xf32>
        %mul3A_209 = arith.mulf %get3A_207, %mul3A_208 : vector<16xf32>
        %swap3A_210 = arith.index_cast %add3A_192 : i32 to index
        %swap3A_211 = arith.constant 16 : index
        %swap3A_212 = tpu.vector_load %arg11[%swap3A_210, %swap3A_211] {strides = array<i32>} : memref<80x64xf32, #tpu.memory_space<vmem>>, vector<1x16xf32>,
        %swap3A_213 = vector.shape_cast %swap3A_212 : vector<1x16xf32> to vector<16xf32>
        %swap3A_214 = vector.shape_cast %mul3A_209 : vector<16xf32> to vector<1x16xf32>
        tpu.vector_store %arg11[%swap3A_210, %swap3A_211], %swap3A_214 {strides = array<i32>} : memref<80x64xf32, #tpu.memory_space<vmem>>, vector<1x16xf32>,
        %get3A_215 = arith.index_cast %add3A_192 : i32 to index
        %get3A_216 = arith.constant 32 : index
        %get3A_217 = tpu.vector_load %arg11[%get3A_215, %get3A_216] {strides = array<i32>} : memref<80x64xf32, #tpu.memory_space<vmem>>, vector<1x16xf32>,
        %get3A_218 = vector.shape_cast %get3A_217 : vector<1x16xf32> to vector<16xf32>
        %mul3A_219 = vector.broadcast %squeeze3A_188 : f32 to vector<16xf32>
        %mul3A_220 = arith.mulf %get3A_218, %mul3A_219 : vector<16xf32>
        %swap3A_221 = arith.index_cast %add3A_192 : i32 to index
        %swap3A_222 = arith.constant 32 : index
        %swap3A_223 = tpu.vector_load %arg11[%swap3A_221, %swap3A_222] {strides = array<i32>} : memref<80x64xf32, #tpu.memory_space<vmem>>, vector<1x16xf32>,
        %swap3A_224 = vector.shape_cast %swap3A_223 : vector<1x16xf32> to vector<16xf32>
        %swap3A_225 = vector.shape_cast %mul3A_220 : vector<16xf32> to vector<1x16xf32>
        tpu.vector_store %arg11[%swap3A_221, %swap3A_222], %swap3A_225 {strides = array<i32>} : memref<80x64xf32, #tpu.memory_space<vmem>>, vector<1x16xf32>,
        %get3A_226 = arith.index_cast %add3A_192 : i32 to index
        %get3A_227 = arith.constant 48 : index
        %get3A_228 = tpu.vector_load %arg11[%get3A_226, %get3A_227] {strides = array<i32>} : memref<80x64xf32, #tpu.memory_space<vmem>>, vector<1x16xf32>,
        %get3A_229 = vector.shape_cast %get3A_228 : vector<1x16xf32> to vector<16xf32>
        %mul3A_230 = vector.broadcast %squeeze3A_188 : f32 to vector<16xf32>
        %mul3A_231 = arith.mulf %get3A_229, %mul3A_230 : vector<16xf32>
        %swap3A_232 = arith.index_cast %add3A_192 : i32 to index
        %swap3A_233 = arith.constant 48 : index
        %swap3A_234 = tpu.vector_load %arg11[%swap3A_232, %swap3A_233] {strides = array<i32>} : memref<80x64xf32, #tpu.memory_space<vmem>>, vector<1x16xf32>,
        %swap3A_235 = vector.shape_cast %swap3A_234 : vector<1x16xf32> to vector<16xf32>
        %swap3A_236 = vector.shape_cast %mul3A_231 : vector<16xf32> to vector<1x16xf32>
        tpu.vector_store %arg11[%swap3A_232, %swap3A_233], %swap3A_236 {strides = array<i32>} : memref<80x64xf32, #tpu.memory_space<vmem>>, vector<1x16xf32>,
        %slice3A_237 = vector.extract_strided_slice %get3A_39 {offsets = [4], sizes = [1], strides = [1]} : vector<16xf32> to vector<1xf32>
        %squeeze3A_238 = vector.extract %slice3A_237[0] : f32 from vector<1xf32>
        %mul3A_239 = arith.constant 16 : i32
        %mul3A_240 = arith.muli %scan3A_34, %mul3A_239 : i32
        %add3A_241 = arith.constant 4 : i32
        %add3A_242 = arith.addi %mul3A_240, %add3A_241 : i32
        %get3A_243 = arith.index_cast %add3A_242 : i32 to index
        %get3A_244 = arith.constant 0 : index
        %get3A_245 = tpu.vector_load %arg11[%get3A_243, %get3A_244] {strides = array<i32>} : memref<80x64xf32, #tpu.memory_space<vmem>>, vector<1x16xf32>,
        %get3A_246 = vector.shape_cast %get3A_245 : vector<1x16xf32> to vector<16xf32>
        %mul3A_247 = vector.broadcast %squeeze3A_238 : f32 to vector<16xf32>
        %mul3A_248 = arith.mulf %get3A_246, %mul3A_247 : vector<16xf32>
        %swap3A_249 = arith.index_cast %add3A_242 : i32 to index
        %swap3A_250 = arith.constant 0 : index
        %swap3A_251 = tpu.vector_load %arg11[%swap3A_249, %swap3A_250] {strides = array<i32>} : memref<80x64xf32, #tpu.memory_space<vmem>>, vector<1x16xf32>,
        %swap3A_252 = vector.shape_cast %swap3A_251 : vector<1x16xf32> to vector<16xf32>
        %swap3A_253 = vector.shape_cast %mul3A_248 : vector<16xf32> to vector<1x16xf32>
        tpu.vector_store %arg11[%swap3A_249, %swap3A_250], %swap3A_253 {strides = array<i32>} : memref<80x64xf32, #tpu.memory_space<vmem>>, vector<1x16xf32>,
        %get3A_254 = arith.index_cast %add3A_242 : i32 to index
        %get3A_255 = arith.constant 16 : index
        %get3A_256 = tpu.vector_load %arg11[%get3A_254, %get3A_255] {strides = array<i32>} : memref<80x64xf32, #tpu.memory_space<vmem>>, vector<1x16xf32>,
        %get3A_257 = vector.shape_cast %get3A_256 : vector<1x16xf32> to vector<16xf32>
        %mul3A_258 = vector.broadcast %squeeze3A_238 : f32 to vector<16xf32>
        %mul3A_259 = arith.mulf %get3A_257, %mul3A_258 : vector<16xf32>
        %swap3A_260 = arith.index_cast %add3A_242 : i32 to index
        %swap3A_261 = arith.constant 16 : index
        %swap3A_262 = tpu.vector_load %arg11[%swap3A_260, %swap3A_261] {strides = array<i32>} : memref<80x64xf32, #tpu.memory_space<vmem>>, vector<1x16xf32>,
        %swap3A_263 = vector.shape_cast %swap3A_262 : vector<1x16xf32> to vector<16xf32>
        %swap3A_264 = vector.shape_cast %mul3A_259 : vector<16xf32> to vector<1x16xf32>
        tpu.vector_store %arg11[%swap3A_260, %swap3A_261], %swap3A_264 {strides = array<i32>} : memref<80x64xf32, #tpu.memory_space<vmem>>, vector<1x16xf32>,
        %get3A_265 = arith.index_cast %add3A_242 : i32 to index
        %get3A_266 = arith.constant 32 : index
        %get3A_267 = tpu.vector_load %arg11[%get3A_265, %get3A_266] {strides = array<i32>} : memref<80x64xf32, #tpu.memory_space<vmem>>, vector<1x16xf32>,
        %get3A_268 = vector.shape_cast %get3A_267 : vector<1x16xf32> to vector<16xf32>
        %mul3A_269 = vector.broadcast %squeeze3A_238 : f32 to vector<16xf32>
        %mul3A_270 = arith.mulf %get3A_268, %mul3A_269 : vector<16xf32>
        %swap3A_271 = arith.index_cast %add3A_242 : i32 to index
        %swap3A_272 = arith.constant 32 : index
        %swap3A_273 = tpu.vector_load %arg11[%swap3A_271, %swap3A_272] {strides = array<i32>} : memref<80x64xf32, #tpu.memory_space<vmem>>, vector<1x16xf32>,
        %swap3A_274 = vector.shape_cast %swap3A_273 : vector<1x16xf32> to vector<16xf32>
        %swap3A_275 = vector.shape_cast %mul3A_270 : vector<16xf32> to vector<1x16xf32>
        tpu.vector_store %arg11[%swap3A_271, %swap3A_272], %swap3A_275 {strides = array<i32>} : memref<80x64xf32, #tpu.memory_space<vmem>>, vector<1x16xf32>,
        %get3A_276 = arith.index_cast %add3A_242 : i32 to index
        %get3A_277 = arith.constant 48 : index
        %get3A_278 = tpu.vector_load %arg11[%get3A_276, %get3A_277] {strides = array<i32>} : memref<80x64xf32, #tpu.memory_space<vmem>>, vector<1x16xf32>,
        %get3A_279 = vector.shape_cast %get3A_278 : vector<1x16xf32> to vector<16xf32>
        %mul3A_280 = vector.broadcast %squeeze3A_238 : f32 to vector<16xf32>
        %mul3A_281 = arith.mulf %get3A_279, %mul3A_280 : vector<16xf32>
        %swap3A_282 = arith.index_cast %add3A_242 : i32 to index
        %swap3A_283 = arith.constant 48 : index
        %swap3A_284 = tpu.vector_load %arg11[%swap3A_282, %swap3A_283] {strides = array<i32>} : memref<80x64xf32, #tpu.memory_space<vmem>>, vector<1x16xf32>,
        %swap3A_285 = vector.shape_cast %swap3A_284 : vector<1x16xf32> to vector<16xf32>
        %swap3A_286 = vector.shape_cast %mul3A_281 : vector<16xf32> to vector<1x16xf32>
        tpu.vector_store %arg11[%swap3A_282, %swap3A_283], %swap3A_286 {strides = array<i32>} : memref<80x64xf32, #tpu.memory_space<vmem>>, vector<1x16xf32>,
        %slice3A_287 = vector.extract_strided_slice %get3A_39 {offsets = [5], sizes = [1], strides = [1]} : vector<16xf32> to vector<1xf32>
        %squeeze3A_288 = vector.extract %slice3A_287[0] : f32 from vector<1xf32>
        %mul3A_289 = arith.constant 16 : i32
        %mul3A_290 = arith.muli %scan3A_34, %mul3A_289 : i32
        %add3A_291 = arith.constant 5 : i32
        %add3A_292 = arith.addi %mul3A_290, %add3A_291 : i32
        %get3A_293 = arith.index_cast %add3A_292 : i32 to index
        %get3A_294 = arith.constant 0 : index
        %get3A_295 = tpu.vector_load %arg11[%get3A_293, %get3A_294] {strides = array<i32>} : memref<80x64xf32, #tpu.memory_space<vmem>>, vector<1x16xf32>,
        %get3A_296 = vector.shape_cast %get3A_295 : vector<1x16xf32> to vector<16xf32>
        %mul3A_297 = vector.broadcast %squeeze3A_288 : f32 to vector<16xf32>
        %mul3A_298 = arith.mulf %get3A_296, %mul3A_297 : vector<16xf32>
        %swap3A_299 = arith.index_cast %add3A_292 : i32 to index
        %swap3A_300 = arith.constant 0 : index
        %swap3A_301 = tpu.vector_load %arg11[%swap3A_299, %swap3A_300] {strides = array<i32>} : memref<80x64xf32, #tpu.memory_space<vmem>>, vector<1x16xf32>,
        %swap3A_302 = vector.shape_cast %swap3A_301 : vector<1x16xf32> to vector<16xf32>
        %swap3A_303 = vector.shape_cast %mul3A_298 : vector<16xf32> to vector<1x16xf32>
        tpu.vector_store %arg11[%swap3A_299, %swap3A_300], %swap3A_303 {strides = array<i32>} : memref<80x64xf32, #tpu.memory_space<vmem>>, vector<1x16xf32>,
        %get3A_304 = arith.index_cast %add3A_292 : i32 to index
        %get3A_305 = arith.constant 16 : index
        %get3A_306 = tpu.vector_load %arg11[%get3A_304, %get3A_305] {strides = array<i32>} : memref<80x64xf32, #tpu.memory_space<vmem>>, vector<1x16xf32>,
        %get3A_307 = vector.shape_cast %get3A_306 : vector<1x16xf32> to vector<16xf32>
        %mul3A_308 = vector.broadcast %squeeze3A_288 : f32 to vector<16xf32>
        %mul3A_309 = arith.mulf %get3A_307, %mul3A_308 : vector<16xf32>
        %swap3A_310 = arith.index_cast %add3A_292 : i32 to index
        %swap3A_311 = arith.constant 16 : index
        %swap3A_312 = tpu.vector_load %arg11[%swap3A_310, %swap3A_311] {strides = array<i32>} : memref<80x64xf32, #tpu.memory_space<vmem>>, vector<1x16xf32>,
        %swap3A_313 = vector.shape_cast %swap3A_312 : vector<1x16xf32> to vector<16xf32>
        %swap3A_314 = vector.shape_cast %mul3A_309 : vector<16xf32> to vector<1x16xf32>
        tpu.vector_store %arg11[%swap3A_310, %swap3A_311], %swap3A_314 {strides = array<i32>} : memref<80x64xf32, #tpu.memory_space<vmem>>, vector<1x16xf32>,
        %get3A_315 = arith.index_cast %add3A_292 : i32 to index
        %get3A_316 = arith.constant 32 : index
        %get3A_317 = tpu.vector_load %arg11[%get3A_315, %get3A_316] {strides = array<i32>} : memref<80x64xf32, #tpu.memory_space<vmem>>, vector<1x16xf32>,
        %get3A_318 = vector.shape_cast %get3A_317 : vector<1x16xf32> to vector<16xf32>
        %mul3A_319 = vector.broadcast %squeeze3A_288 : f32 to vector<16xf32>
        %mul3A_320 = arith.mulf %get3A_318, %mul3A_319 : vector<16xf32>
        %swap3A_321 = arith.index_cast %add3A_292 : i32 to index
        %swap3A_322 = arith.constant 32 : index
        %swap3A_323 = tpu.vector_load %arg11[%swap3A_321, %swap3A_322] {strides = array<i32>} : memref<80x64xf32, #tpu.memory_space<vmem>>, vector<1x16xf32>,
        %swap3A_324 = vector.shape_cast %swap3A_323 : vector<1x16xf32> to vector<16xf32>
        %swap3A_325 = vector.shape_cast %mul3A_320 : vector<16xf32> to vector<1x16xf32>
        tpu.vector_store %arg11[%swap3A_321, %swap3A_322], %swap3A_325 {strides = array<i32>} : memref<80x64xf32, #tpu.memory_space<vmem>>, vector<1x16xf32>,
        %get3A_326 = arith.index_cast %add3A_292 : i32 to index
        %get3A_327 = arith.constant 48 : index
        %get3A_328 = tpu.vector_load %arg11[%get3A_326, %get3A_327] {strides = array<i32>} : memref<80x64xf32, #tpu.memory_space<vmem>>, vector<1x16xf32>,
        %get3A_329 = vector.shape_cast %get3A_328 : vector<1x16xf32> to vector<16xf32>
        %mul3A_330 = vector.broadcast %squeeze3A_288 : f32 to vector<16xf32>
        %mul3A_331 = arith.mulf %get3A_329, %mul3A_330 : vector<16xf32>
        %swap3A_332 = arith.index_cast %add3A_292 : i32 to index
        %swap3A_333 = arith.constant 48 : index
        %swap3A_334 = tpu.vector_load %arg11[%swap3A_332, %swap3A_333] {strides = array<i32>} : memref<80x64xf32, #tpu.memory_space<vmem>>, vector<1x16xf32>,
        %swap3A_335 = vector.shape_cast %swap3A_334 : vector<1x16xf32> to vector<16xf32>
        %swap3A_336 = vector.shape_cast %mul3A_331 : vector<16xf32> to vector<1x16xf32>
        tpu.vector_store %arg11[%swap3A_332, %swap3A_333], %swap3A_336 {strides = array<i32>} : memref<80x64xf32, #tpu.memory_space<vmem>>, vector<1x16xf32>,
        %slice3A_337 = vector.extract_strided_slice %get3A_39 {offsets = [6], sizes = [1], strides = [1]} : vector<16xf32> to vector<1xf32>
        %squeeze3A_338 = vector.extract %slice3A_337[0] : f32 from vector<1xf32>
        %mul3A_339 = arith.constant 16 : i32
        %mul3A_340 = arith.muli %scan3A_34, %mul3A_339 : i32
        %add3A_341 = arith.constant 6 : i32
        %add3A_342 = arith.addi %mul3A_340, %add3A_341 : i32
        %get3A_343 = arith.index_cast %add3A_342 : i32 to index
        %get3A_344 = arith.constant 0 : index
        %get3A_345 = tpu.vector_load %arg11[%get3A_343, %get3A_344] {strides = array<i32>} : memref<80x64xf32, #tpu.memory_space<vmem>>, vector<1x16xf32>,
        %get3A_346 = vector.shape_cast %get3A_345 : vector<1x16xf32> to vector<16xf32>
        %mul3A_347 = vector.broadcast %squeeze3A_338 : f32 to vector<16xf32>
        %mul3A_348 = arith.mulf %get3A_346, %mul3A_347 : vector<16xf32>
        %swap3A_349 = arith.index_cast %add3A_342 : i32 to index
        %swap3A_350 = arith.constant 0 : index
        %swap3A_351 = tpu.vector_load %arg11[%swap3A_349, %swap3A_350] {strides = array<i32>} : memref<80x64xf32, #tpu.memory_space<vmem>>, vector<1x16xf32>,
        %swap3A_352 = vector.shape_cast %swap3A_351 : vector<1x16xf32> to vector<16xf32>
        %swap3A_353 = vector.shape_cast %mul3A_348 : vector<16xf32> to vector<1x16xf32>
        tpu.vector_store %arg11[%swap3A_349, %swap3A_350], %swap3A_353 {strides = array<i32>} : memref<80x64xf32, #tpu.memory_space<vmem>>, vector<1x16xf32>,
        %get3A_354 = arith.index_cast %add3A_342 : i32 to index
        %get3A_355 = arith.constant 16 : index
        %get3A_356 = tpu.vector_load %arg11[%get3A_354, %get3A_355] {strides = array<i32>} : memref<80x64xf32, #tpu.memory_space<vmem>>, vector<1x16xf32>,
        %get3A_357 = vector.shape_cast %get3A_356 : vector<1x16xf32> to vector<16xf32>
        %mul3A_358 = vector.broadcast %squeeze3A_338 : f32 to vector<16xf32>
        %mul3A_359 = arith.mulf %get3A_357, %mul3A_358 : vector<16xf32>
        %swap3A_360 = arith.index_cast %add3A_342 : i32 to index
        %swap3A_361 = arith.constant 16 : index
        %swap3A_362 = tpu.vector_load %arg11[%swap3A_360, %swap3A_361] {strides = array<i32>} : memref<80x64xf32, #tpu.memory_space<vmem>>, vector<1x16xf32>,
        %swap3A_363 = vector.shape_cast %swap3A_362 : vector<1x16xf32> to vector<16xf32>
        %swap3A_364 = vector.shape_cast %mul3A_359 : vector<16xf32> to vector<1x16xf32>
        tpu.vector_store %arg11[%swap3A_360, %swap3A_361], %swap3A_364 {strides = array<i32>} : memref<80x64xf32, #tpu.memory_space<vmem>>, vector<1x16xf32>,
        %get3A_365 = arith.index_cast %add3A_342 : i32 to index
        %get3A_366 = arith.constant 32 : index
        %get3A_367 = tpu.vector_load %arg11[%get3A_365, %get3A_366] {strides = array<i32>} : memref<80x64xf32, #tpu.memory_space<vmem>>, vector<1x16xf32>,
        %get3A_368 = vector.shape_cast %get3A_367 : vector<1x16xf32> to vector<16xf32>
        %mul3A_369 = vector.broadcast %squeeze3A_338 : f32 to vector<16xf32>
        %mul3A_370 = arith.mulf %get3A_368, %mul3A_369 : vector<16xf32>
        %swap3A_371 = arith.index_cast %add3A_342 : i32 to index
        %swap3A_372 = arith.constant 32 : index
        %swap3A_373 = tpu.vector_load %arg11[%swap3A_371, %swap3A_372] {strides = array<i32>} : memref<80x64xf32, #tpu.memory_space<vmem>>, vector<1x16xf32>,
        %swap3A_374 = vector.shape_cast %swap3A_373 : vector<1x16xf32> to vector<16xf32>
        %swap3A_375 = vector.shape_cast %mul3A_370 : vector<16xf32> to vector<1x16xf32>
        tpu.vector_store %arg11[%swap3A_371, %swap3A_372], %swap3A_375 {strides = array<i32>} : memref<80x64xf32, #tpu.memory_space<vmem>>, vector<1x16xf32>,
        %get3A_376 = arith.index_cast %add3A_342 : i32 to index
        %get3A_377 = arith.constant 48 : index
        %get3A_378 = tpu.vector_load %arg11[%get3A_376, %get3A_377] {strides = array<i32>} : memref<80x64xf32, #tpu.memory_space<vmem>>, vector<1x16xf32>,
        %get3A_379 = vector.shape_cast %get3A_378 : vector<1x16xf32> to vector<16xf32>
        %mul3A_380 = vector.broadcast %squeeze3A_338 : f32 to vector<16xf32>
        %mul3A_381 = arith.mulf %get3A_379, %mul3A_380 : vector<16xf32>
        %swap3A_382 = arith.index_cast %add3A_342 : i32 to index
        %swap3A_383 = arith.constant 48 : index
        %swap3A_384 = tpu.vector_load %arg11[%swap3A_382, %swap3A_383] {strides = array<i32>} : memref<80x64xf32, #tpu.memory_space<vmem>>, vector<1x16xf32>,
        %swap3A_385 = vector.shape_cast %swap3A_384 : vector<1x16xf32> to vector<16xf32>
        %swap3A_386 = vector.shape_cast %mul3A_381 : vector<16xf32> to vector<1x16xf32>
        tpu.vector_store %arg11[%swap3A_382, %swap3A_383], %swap3A_386 {strides = array<i32>} : memref<80x64xf32, #tpu.memory_space<vmem>>, vector<1x16xf32>,
        %slice3A_387 = vector.extract_strided_slice %get3A_39 {offsets = [7], sizes = [1], strides = [1]} : vector<16xf32> to vector<1xf32>
        %squeeze3A_388 = vector.extract %slice3A_387[0] : f32 from vector<1xf32>
        %mul3A_389 = arith.constant 16 : i32
        %mul3A_390 = arith.muli %scan3A_34, %mul3A_389 : i32
        %add3A_391 = arith.constant 7 : i32
        %add3A_392 = arith.addi %mul3A_390, %add3A_391 : i32
        %get3A_393 = arith.index_cast %add3A_392 : i32 to index
        %get3A_394 = arith.constant 0 : index
        %get3A_395 = tpu.vector_load %arg11[%get3A_393, %get3A_394] {strides = array<i32>} : memref<80x64xf32, #tpu.memory_space<vmem>>, vector<1x16xf32>,
        %get3A_396 = vector.shape_cast %get3A_395 : vector<1x16xf32> to vector<16xf32>
        %mul3A_397 = vector.broadcast %squeeze3A_388 : f32 to vector<16xf32>
        %mul3A_398 = arith.mulf %get3A_396, %mul3A_397 : vector<16xf32>
        %swap3A_399 = arith.index_cast %add3A_392 : i32 to index
        %swap3A_400 = arith.constant 0 : index
        %swap3A_401 = tpu.vector_load %arg11[%swap3A_399, %swap3A_400] {strides = array<i32>} : memref<80x64xf32, #tpu.memory_space<vmem>>, vector<1x16xf32>,
        %swap3A_402 = vector.shape_cast %swap3A_401 : vector<1x16xf32> to vector<16xf32>
        %swap3A_403 = vector.shape_cast %mul3A_398 : vector<16xf32> to vector<1x16xf32>
        tpu.vector_store %arg11[%swap3A_399, %swap3A_400], %swap3A_403 {strides = array<i32>} : memref<80x64xf32, #tpu.memory_space<vmem>>, vector<1x16xf32>,
        %get3A_404 = arith.index_cast %add3A_392 : i32 to index
        %get3A_405 = arith.constant 16 : index
        %get3A_406 = tpu.vector_load %arg11[%get3A_404, %get3A_405] {strides = array<i32>} : memref<80x64xf32, #tpu.memory_space<vmem>>, vector<1x16xf32>,
        %get3A_407 = vector.shape_cast %get3A_406 : vector<1x16xf32> to vector<16xf32>
        %mul3A_408 = vector.broadcast %squeeze3A_388 : f32 to vector<16xf32>
        %mul3A_409 = arith.mulf %get3A_407, %mul3A_408 : vector<16xf32>
        %swap3A_410 = arith.index_cast %add3A_392 : i32 to index
        %swap3A_411 = arith.constant 16 : index
        %swap3A_412 = tpu.vector_load %arg11[%swap3A_410, %swap3A_411] {strides = array<i32>} : memref<80x64xf32, #tpu.memory_space<vmem>>, vector<1x16xf32>,
        %swap3A_413 = vector.shape_cast %swap3A_412 : vector<1x16xf32> to vector<16xf32>
        %swap3A_414 = vector.shape_cast %mul3A_409 : vector<16xf32> to vector<1x16xf32>
        tpu.vector_store %arg11[%swap3A_410, %swap3A_411], %swap3A_414 {strides = array<i32>} : memref<80x64xf32, #tpu.memory_space<vmem>>, vector<1x16xf32>,
        %get3A_415 = arith.index_cast %add3A_392 : i32 to index
        %get3A_416 = arith.constant 32 : index
        %get3A_417 = tpu.vector_load %arg11[%get3A_415, %get3A_416] {strides = array<i32>} : memref<80x64xf32, #tpu.memory_space<vmem>>, vector<1x16xf32>,
        %get3A_418 = vector.shape_cast %get3A_417 : vector<1x16xf32> to vector<16xf32>
        %mul3A_419 = vector.broadcast %squeeze3A_388 : f32 to vector<16xf32>
        %mul3A_420 = arith.mulf %get3A_418, %mul3A_419 : vector<16xf32>
        %swap3A_421 = arith.index_cast %add3A_392 : i32 to index
        %swap3A_422 = arith.constant 32 : index
        %swap3A_423 = tpu.vector_load %arg11[%swap3A_421, %swap3A_422] {strides = array<i32>} : memref<80x64xf32, #tpu.memory_space<vmem>>, vector<1x16xf32>,
        %swap3A_424 = vector.shape_cast %swap3A_423 : vector<1x16xf32> to vector<16xf32>
        %swap3A_425 = vector.shape_cast %mul3A_420 : vector<16xf32> to vector<1x16xf32>
        tpu.vector_store %arg11[%swap3A_421, %swap3A_422], %swap3A_425 {strides = array<i32>} : memref<80x64xf32, #tpu.memory_space<vmem>>, vector<1x16xf32>,
        %get3A_426 = arith.index_cast %add3A_392 : i32 to index
        %get3A_427 = arith.constant 48 : index
        %get3A_428 = tpu.vector_load %arg11[%get3A_426, %get3A_427] {strides = array<i32>} : memref<80x64xf32, #tpu.memory_space<vmem>>, vector<1x16xf32>,
        %get3A_429 = vector.shape_cast %get3A_428 : vector<1x16xf32> to vector<16xf32>
        %mul3A_430 = vector.broadcast %squeeze3A_388 : f32 to vector<16xf32>
        %mul3A_431 = arith.mulf %get3A_429, %mul3A_430 : vector<16xf32>
        %swap3A_432 = arith.index_cast %add3A_392 : i32 to index
        %swap3A_433 = arith.constant 48 : index
        %swap3A_434 = tpu.vector_load %arg11[%swap3A_432, %swap3A_433] {strides = array<i32>} : memref<80x64xf32, #tpu.memory_space<vmem>>, vector<1x16xf32>,
        %swap3A_435 = vector.shape_cast %swap3A_434 : vector<1x16xf32> to vector<16xf32>
        %swap3A_436 = vector.shape_cast %mul3A_431 : vector<16xf32> to vector<1x16xf32>
        tpu.vector_store %arg11[%swap3A_432, %swap3A_433], %swap3A_436 {strides = array<i32>} : memref<80x64xf32, #tpu.memory_space<vmem>>, vector<1x16xf32>,
        %slice3A_437 = vector.extract_strided_slice %get3A_39 {offsets = [8], sizes = [1], strides = [1]} : vector<16xf32> to vector<1xf32>
        %squeeze3A_438 = vector.extract %slice3A_437[0] : f32 from vector<1xf32>
        %mul3A_439 = arith.constant 16 : i32
        %mul3A_440 = arith.muli %scan3A_34, %mul3A_439 : i32
        %add3A_441 = arith.constant 8 : i32
        %add3A_442 = arith.addi %mul3A_440, %add3A_441 : i32
        %get3A_443 = arith.index_cast %add3A_442 : i32 to index
        %get3A_444 = arith.constant 0 : index
        %get3A_445 = tpu.vector_load %arg11[%get3A_443, %get3A_444] {strides = array<i32>} : memref<80x64xf32, #tpu.memory_space<vmem>>, vector<1x16xf32>,
        %get3A_446 = vector.shape_cast %get3A_445 : vector<1x16xf32> to vector<16xf32>
        %mul3A_447 = vector.broadcast %squeeze3A_438 : f32 to vector<16xf32>
        %mul3A_448 = arith.mulf %get3A_446, %mul3A_447 : vector<16xf32>
        %swap3A_449 = arith.index_cast %add3A_442 : i32 to index
        %swap3A_450 = arith.constant 0 : index
        %swap3A_451 = tpu.vector_load %arg11[%swap3A_449, %swap3A_450] {strides = array<i32>} : memref<80x64xf32, #tpu.memory_space<vmem>>, vector<1x16xf32>,
        %swap3A_452 = vector.shape_cast %swap3A_451 : vector<1x16xf32> to vector<16xf32>
        %swap3A_453 = vector.shape_cast %mul3A_448 : vector<16xf32> to vector<1x16xf32>
        tpu.vector_store %arg11[%swap3A_449, %swap3A_450], %swap3A_453 {strides = array<i32>} : memref<80x64xf32, #tpu.memory_space<vmem>>, vector<1x16xf32>,
        %get3A_454 = arith.index_cast %add3A_442 : i32 to index
        %get3A_455 = arith.constant 16 : index
        %get3A_456 = tpu.vector_load %arg11[%get3A_454, %get3A_455] {strides = array<i32>} : memref<80x64xf32, #tpu.memory_space<vmem>>, vector<1x16xf32>,
        %get3A_457 = vector.shape_cast %get3A_456 : vector<1x16xf32> to vector<16xf32>
        %mul3A_458 = vector.broadcast %squeeze3A_438 : f32 to vector<16xf32>
        %mul3A_459 = arith.mulf %get3A_457, %mul3A_458 : vector<16xf32>
        %swap3A_460 = arith.index_cast %add3A_442 : i32 to index
        %swap3A_461 = arith.constant 16 : index
        %swap3A_462 = tpu.vector_load %arg11[%swap3A_460, %swap3A_461] {strides = array<i32>} : memref<80x64xf32, #tpu.memory_space<vmem>>, vector<1x16xf32>,
        %swap3A_463 = vector.shape_cast %swap3A_462 : vector<1x16xf32> to vector<16xf32>
        %swap3A_464 = vector.shape_cast %mul3A_459 : vector<16xf32> to vector<1x16xf32>
        tpu.vector_store %arg11[%swap3A_460, %swap3A_461], %swap3A_464 {strides = array<i32>} : memref<80x64xf32, #tpu.memory_space<vmem>>, vector<1x16xf32>,
        %get3A_465 = arith.index_cast %add3A_442 : i32 to index
        %get3A_466 = arith.constant 32 : index
        %get3A_467 = tpu.vector_load %arg11[%get3A_465, %get3A_466] {strides = array<i32>} : memref<80x64xf32, #tpu.memory_space<vmem>>, vector<1x16xf32>,
        %get3A_468 = vector.shape_cast %get3A_467 : vector<1x16xf32> to vector<16xf32>
        %mul3A_469 = vector.broadcast %squeeze3A_438 : f32 to vector<16xf32>
        %mul3A_470 = arith.mulf %get3A_468, %mul3A_469 : vector<16xf32>
        %swap3A_471 = arith.index_cast %add3A_442 : i32 to index
        %swap3A_472 = arith.constant 32 : index
        %swap3A_473 = tpu.vector_load %arg11[%swap3A_471, %swap3A_472] {strides = array<i32>} : memref<80x64xf32, #tpu.memory_space<vmem>>, vector<1x16xf32>,
        %swap3A_474 = vector.shape_cast %swap3A_473 : vector<1x16xf32> to vector<16xf32>
        %swap3A_475 = vector.shape_cast %mul3A_470 : vector<16xf32> to vector<1x16xf32>
        tpu.vector_store %arg11[%swap3A_471, %swap3A_472], %swap3A_475 {strides = array<i32>} : memref<80x64xf32, #tpu.memory_space<vmem>>, vector<1x16xf32>,
        %get3A_476 = arith.index_cast %add3A_442 : i32 to index
        %get3A_477 = arith.constant 48 : index
        %get3A_478 = tpu.vector_load %arg11[%get3A_476, %get3A_477] {strides = array<i32>} : memref<80x64xf32, #tpu.memory_space<vmem>>, vector<1x16xf32>,
        %get3A_479 = vector.shape_cast %get3A_478 : vector<1x16xf32> to vector<16xf32>
        %mul3A_480 = vector.broadcast %squeeze3A_438 : f32 to vector<16xf32>
        %mul3A_481 = arith.mulf %get3A_479, %mul3A_480 : vector<16xf32>
        %swap3A_482 = arith.index_cast %add3A_442 : i32 to index
        %swap3A_483 = arith.constant 48 : index
        %swap3A_484 = tpu.vector_load %arg11[%swap3A_482, %swap3A_483] {strides = array<i32>} : memref<80x64xf32, #tpu.memory_space<vmem>>, vector<1x16xf32>,
        %swap3A_485 = vector.shape_cast %swap3A_484 : vector<1x16xf32> to vector<16xf32>
        %swap3A_486 = vector.shape_cast %mul3A_481 : vector<16xf32> to vector<1x16xf32>
        tpu.vector_store %arg11[%swap3A_482, %swap3A_483], %swap3A_486 {strides = array<i32>} : memref<80x64xf32, #tpu.memory_space<vmem>>, vector<1x16xf32>,
        %slice3A_487 = vector.extract_strided_slice %get3A_39 {offsets = [9], sizes = [1], strides = [1]} : vector<16xf32> to vector<1xf32>
        %squeeze3A_488 = vector.extract %slice3A_487[0] : f32 from vector<1xf32>
        %mul3A_489 = arith.constant 16 : i32
        %mul3A_490 = arith.muli %scan3A_34, %mul3A_489 : i32
        %add3A_491 = arith.constant 9 : i32
        %add3A_492 = arith.addi %mul3A_490, %add3A_491 : i32
        %get3A_493 = arith.index_cast %add3A_492 : i32 to index
        %get3A_494 = arith.constant 0 : index
        %get3A_495 = tpu.vector_load %arg11[%get3A_493, %get3A_494] {strides = array<i32>} : memref<80x64xf32, #tpu.memory_space<vmem>>, vector<1x16xf32>,
        %get3A_496 = vector.shape_cast %get3A_495 : vector<1x16xf32> to vector<16xf32>
        %mul3A_497 = vector.broadcast %squeeze3A_488 : f32 to vector<16xf32>
        %mul3A_498 = arith.mulf %get3A_496, %mul3A_497 : vector<16xf32>
        %swap3A_499 = arith.index_cast %add3A_492 : i32 to index
        %swap3A_500 = arith.constant 0 : index
        %swap3A_501 = tpu.vector_load %arg11[%swap3A_499, %swap3A_500] {strides = array<i32>} : memref<80x64xf32, #tpu.memory_space<vmem>>, vector<1x16xf32>,
        %swap3A_502 = vector.shape_cast %swap3A_501 : vector<1x16xf32> to vector<16xf32>
        %swap3A_503 = vector.shape_cast %mul3A_498 : vector<16xf32> to vector<1x16xf32>
        tpu.vector_store %arg11[%swap3A_499, %swap3A_500], %swap3A_503 {strides = array<i32>} : memref<80x64xf32, #tpu.memory_space<vmem>>, vector<1x16xf32>,
        %get3A_504 = arith.index_cast %add3A_492 : i32 to index
        %get3A_505 = arith.constant 16 : index
        %get3A_506 = tpu.vector_load %arg11[%get3A_504, %get3A_505] {strides = array<i32>} : memref<80x64xf32, #tpu.memory_space<vmem>>, vector<1x16xf32>,
        %get3A_507 = vector.shape_cast %get3A_506 : vector<1x16xf32> to vector<16xf32>
        %mul3A_508 = vector.broadcast %squeeze3A_488 : f32 to vector<16xf32>
        %mul3A_509 = arith.mulf %get3A_507, %mul3A_508 : vector<16xf32>
        %swap3A_510 = arith.index_cast %add3A_492 : i32 to index
        %swap3A_511 = arith.constant 16 : index
        %swap3A_512 = tpu.vector_load %arg11[%swap3A_510, %swap3A_511] {strides = array<i32>} : memref<80x64xf32, #tpu.memory_space<vmem>>, vector<1x16xf32>,
        %swap3A_513 = vector.shape_cast %swap3A_512 : vector<1x16xf32> to vector<16xf32>
        %swap3A_514 = vector.shape_cast %mul3A_509 : vector<16xf32> to vector<1x16xf32>
        tpu.vector_store %arg11[%swap3A_510, %swap3A_511], %swap3A_514 {strides = array<i32>} : memref<80x64xf32, #tpu.memory_space<vmem>>, vector<1x16xf32>,
        %get3A_515 = arith.index_cast %add3A_492 : i32 to index
        %get3A_516 = arith.constant 32 : index
        %get3A_517 = tpu.vector_load %arg11[%get3A_515, %get3A_516] {strides = array<i32>} : memref<80x64xf32, #tpu.memory_space<vmem>>, vector<1x16xf32>,
        %get3A_518 = vector.shape_cast %get3A_517 : vector<1x16xf32> to vector<16xf32>
        %mul3A_519 = vector.broadcast %squeeze3A_488 : f32 to vector<16xf32>
        %mul3A_520 = arith.mulf %get3A_518, %mul3A_519 : vector<16xf32>
        %swap3A_521 = arith.index_cast %add3A_492 : i32 to index
        %swap3A_522 = arith.constant 32 : index
        %swap3A_523 = tpu.vector_load %arg11[%swap3A_521, %swap3A_522] {strides = array<i32>} : memref<80x64xf32, #tpu.memory_space<vmem>>, vector<1x16xf32>,
        %swap3A_524 = vector.shape_cast %swap3A_523 : vector<1x16xf32> to vector<16xf32>
        %swap3A_525 = vector.shape_cast %mul3A_520 : vector<16xf32> to vector<1x16xf32>
        tpu.vector_store %arg11[%swap3A_521, %swap3A_522], %swap3A_525 {strides = array<i32>} : memref<80x64xf32, #tpu.memory_space<vmem>>, vector<1x16xf32>,
        %get3A_526 = arith.index_cast %add3A_492 : i32 to index
        %get3A_527 = arith.constant 48 : index
        %get3A_528 = tpu.vector_load %arg11[%get3A_526, %get3A_527] {strides = array<i32>} : memref<80x64xf32, #tpu.memory_space<vmem>>, vector<1x16xf32>,
        %get3A_529 = vector.shape_cast %get3A_528 : vector<1x16xf32> to vector<16xf32>
        %mul3A_530 = vector.broadcast %squeeze3A_488 : f32 to vector<16xf32>
        %mul3A_531 = arith.mulf %get3A_529, %mul3A_530 : vector<16xf32>
        %swap3A_532 = arith.index_cast %add3A_492 : i32 to index
        %swap3A_533 = arith.constant 48 : index
        %swap3A_534 = tpu.vector_load %arg11[%swap3A_532, %swap3A_533] {strides = array<i32>} : memref<80x64xf32, #tpu.memory_space<vmem>>, vector<1x16xf32>,
        %swap3A_535 = vector.shape_cast %swap3A_534 : vector<1x16xf32> to vector<16xf32>
        %swap3A_536 = vector.shape_cast %mul3A_531 : vector<16xf32> to vector<1x16xf32>
        tpu.vector_store %arg11[%swap3A_532, %swap3A_533], %swap3A_536 {strides = array<i32>} : memref<80x64xf32, #tpu.memory_space<vmem>>, vector<1x16xf32>,
        %slice3A_537 = vector.extract_strided_slice %get3A_39 {offsets = [10], sizes = [1], strides = [1]} : vector<16xf32> to vector<1xf32>
        %squeeze3A_538 = vector.extract %slice3A_537[0] : f32 from vector<1xf32>
        %mul3A_539 = arith.constant 16 : i32
        %mul3A_540 = arith.muli %scan3A_34, %mul3A_539 : i32
        %add3A_541 = arith.constant 10 : i32
        %add3A_542 = arith.addi %mul3A_540, %add3A_541 : i32
        %get3A_543 = arith.index_cast %add3A_542 : i32 to index
        %get3A_544 = arith.constant 0 : index
        %get3A_545 = tpu.vector_load %arg11[%get3A_543, %get3A_544] {strides = array<i32>} : memref<80x64xf32, #tpu.memory_space<vmem>>, vector<1x16xf32>,
        %get3A_546 = vector.shape_cast %get3A_545 : vector<1x16xf32> to vector<16xf32>
        %mul3A_547 = vector.broadcast %squeeze3A_538 : f32 to vector<16xf32>
        %mul3A_548 = arith.mulf %get3A_546, %mul3A_547 : vector<16xf32>
        %swap3A_549 = arith.index_cast %add3A_542 : i32 to index
        %swap3A_550 = arith.constant 0 : index
        %swap3A_551 = tpu.vector_load %arg11[%swap3A_549, %swap3A_550] {strides = array<i32>} : memref<80x64xf32, #tpu.memory_space<vmem>>, vector<1x16xf32>,
        %swap3A_552 = vector.shape_cast %swap3A_551 : vector<1x16xf32> to vector<16xf32>
        %swap3A_553 = vector.shape_cast %mul3A_548 : vector<16xf32> to vector<1x16xf32>
        tpu.vector_store %arg11[%swap3A_549, %swap3A_550], %swap3A_553 {strides = array<i32>} : memref<80x64xf32, #tpu.memory_space<vmem>>, vector<1x16xf32>,
        %get3A_554 = arith.index_cast %add3A_542 : i32 to index
        %get3A_555 = arith.constant 16 : index
        %get3A_556 = tpu.vector_load %arg11[%get3A_554, %get3A_555] {strides = array<i32>} : memref<80x64xf32, #tpu.memory_space<vmem>>, vector<1x16xf32>,
        %get3A_557 = vector.shape_cast %get3A_556 : vector<1x16xf32> to vector<16xf32>
        %mul3A_558 = vector.broadcast %squeeze3A_538 : f32 to vector<16xf32>
        %mul3A_559 = arith.mulf %get3A_557, %mul3A_558 : vector<16xf32>
        %swap3A_560 = arith.index_cast %add3A_542 : i32 to index
        %swap3A_561 = arith.constant 16 : index
        %swap3A_562 = tpu.vector_load %arg11[%swap3A_560, %swap3A_561] {strides = array<i32>} : memref<80x64xf32, #tpu.memory_space<vmem>>, vector<1x16xf32>,
        %swap3A_563 = vector.shape_cast %swap3A_562 : vector<1x16xf32> to vector<16xf32>
        %swap3A_564 = vector.shape_cast %mul3A_559 : vector<16xf32> to vector<1x16xf32>
        tpu.vector_store %arg11[%swap3A_560, %swap3A_561], %swap3A_564 {strides = array<i32>} : memref<80x64xf32, #tpu.memory_space<vmem>>, vector<1x16xf32>,
        %get3A_565 = arith.index_cast %add3A_542 : i32 to index
        %get3A_566 = arith.constant 32 : index
        %get3A_567 = tpu.vector_load %arg11[%get3A_565, %get3A_566] {strides = array<i32>} : memref<80x64xf32, #tpu.memory_space<vmem>>, vector<1x16xf32>,
        %get3A_568 = vector.shape_cast %get3A_567 : vector<1x16xf32> to vector<16xf32>
        %mul3A_569 = vector.broadcast %squeeze3A_538 : f32 to vector<16xf32>
        %mul3A_570 = arith.mulf %get3A_568, %mul3A_569 : vector<16xf32>
        %swap3A_571 = arith.index_cast %add3A_542 : i32 to index
        %swap3A_572 = arith.constant 32 : index
        %swap3A_573 = tpu.vector_load %arg11[%swap3A_571, %swap3A_572] {strides = array<i32>} : memref<80x64xf32, #tpu.memory_space<vmem>>, vector<1x16xf32>,
        %swap3A_574 = vector.shape_cast %swap3A_573 : vector<1x16xf32> to vector<16xf32>
        %swap3A_575 = vector.shape_cast %mul3A_570 : vector<16xf32> to vector<1x16xf32>
        tpu.vector_store %arg11[%swap3A_571, %swap3A_572], %swap3A_575 {strides = array<i32>} : memref<80x64xf32, #tpu.memory_space<vmem>>, vector<1x16xf32>,
        %get3A_576 = arith.index_cast %add3A_542 : i32 to index
        %get3A_577 = arith.constant 48 : index
        %get3A_578 = tpu.vector_load %arg11[%get3A_576, %get3A_577] {strides = array<i32>} : memref<80x64xf32, #tpu.memory_space<vmem>>, vector<1x16xf32>,
        %get3A_579 = vector.shape_cast %get3A_578 : vector<1x16xf32> to vector<16xf32>
        %mul3A_580 = vector.broadcast %squeeze3A_538 : f32 to vector<16xf32>
        %mul3A_581 = arith.mulf %get3A_579, %mul3A_580 : vector<16xf32>
        %swap3A_582 = arith.index_cast %add3A_542 : i32 to index
        %swap3A_583 = arith.constant 48 : index
        %swap3A_584 = tpu.vector_load %arg11[%swap3A_582, %swap3A_583] {strides = array<i32>} : memref<80x64xf32, #tpu.memory_space<vmem>>, vector<1x16xf32>,
        %swap3A_585 = vector.shape_cast %swap3A_584 : vector<1x16xf32> to vector<16xf32>
        %swap3A_586 = vector.shape_cast %mul3A_581 : vector<16xf32> to vector<1x16xf32>
        tpu.vector_store %arg11[%swap3A_582, %swap3A_583], %swap3A_586 {strides = array<i32>} : memref<80x64xf32, #tpu.memory_space<vmem>>, vector<1x16xf32>,
        %slice3A_587 = vector.extract_strided_slice %get3A_39 {offsets = [11], sizes = [1], strides = [1]} : vector<16xf32> to vector<1xf32>
        %squeeze3A_588 = vector.extract %slice3A_587[0] : f32 from vector<1xf32>
        %mul3A_589 = arith.constant 16 : i32
        %mul3A_590 = arith.muli %scan3A_34, %mul3A_589 : i32
        %add3A_591 = arith.constant 11 : i32
        %add3A_592 = arith.addi %mul3A_590, %add3A_591 : i32
        %get3A_593 = arith.index_cast %add3A_592 : i32 to index
        %get3A_594 = arith.constant 0 : index
        %get3A_595 = tpu.vector_load %arg11[%get3A_593, %get3A_594] {strides = array<i32>} : memref<80x64xf32, #tpu.memory_space<vmem>>, vector<1x16xf32>,
        %get3A_596 = vector.shape_cast %get3A_595 : vector<1x16xf32> to vector<16xf32>
        %mul3A_597 = vector.broadcast %squeeze3A_588 : f32 to vector<16xf32>
        %mul3A_598 = arith.mulf %get3A_596, %mul3A_597 : vector<16xf32>
        %swap3A_599 = arith.index_cast %add3A_592 : i32 to index
        %swap3A_600 = arith.constant 0 : index
        %swap3A_601 = tpu.vector_load %arg11[%swap3A_599, %swap3A_600] {strides = array<i32>} : memref<80x64xf32, #tpu.memory_space<vmem>>, vector<1x16xf32>,
        %swap3A_602 = vector.shape_cast %swap3A_601 : vector<1x16xf32> to vector<16xf32>
        %swap3A_603 = vector.shape_cast %mul3A_598 : vector<16xf32> to vector<1x16xf32>
        tpu.vector_store %arg11[%swap3A_599, %swap3A_600], %swap3A_603 {strides = array<i32>} : memref<80x64xf32, #tpu.memory_space<vmem>>, vector<1x16xf32>,
        %get3A_604 = arith.index_cast %add3A_592 : i32 to index
        %get3A_605 = arith.constant 16 : index
        %get3A_606 = tpu.vector_load %arg11[%get3A_604, %get3A_605] {strides = array<i32>} : memref<80x64xf32, #tpu.memory_space<vmem>>, vector<1x16xf32>,
        %get3A_607 = vector.shape_cast %get3A_606 : vector<1x16xf32> to vector<16xf32>
        %mul3A_608 = vector.broadcast %squeeze3A_588 : f32 to vector<16xf32>
        %mul3A_609 = arith.mulf %get3A_607, %mul3A_608 : vector<16xf32>
        %swap3A_610 = arith.index_cast %add3A_592 : i32 to index
        %swap3A_611 = arith.constant 16 : index
        %swap3A_612 = tpu.vector_load %arg11[%swap3A_610, %swap3A_611] {strides = array<i32>} : memref<80x64xf32, #tpu.memory_space<vmem>>, vector<1x16xf32>,
        %swap3A_613 = vector.shape_cast %swap3A_612 : vector<1x16xf32> to vector<16xf32>
        %swap3A_614 = vector.shape_cast %mul3A_609 : vector<16xf32> to vector<1x16xf32>
        tpu.vector_store %arg11[%swap3A_610, %swap3A_611], %swap3A_614 {strides = array<i32>} : memref<80x64xf32, #tpu.memory_space<vmem>>, vector<1x16xf32>,
        %get3A_615 = arith.index_cast %add3A_592 : i32 to index
        %get3A_616 = arith.constant 32 : index
        %get3A_617 = tpu.vector_load %arg11[%get3A_615, %get3A_616] {strides = array<i32>} : memref<80x64xf32, #tpu.memory_space<vmem>>, vector<1x16xf32>,
        %get3A_618 = vector.shape_cast %get3A_617 : vector<1x16xf32> to vector<16xf32>
        %mul3A_619 = vector.broadcast %squeeze3A_588 : f32 to vector<16xf32>
        %mul3A_620 = arith.mulf %get3A_618, %mul3A_619 : vector<16xf32>
        %swap3A_621 = arith.index_cast %add3A_592 : i32 to index
        %swap3A_622 = arith.constant 32 : index
        %swap3A_623 = tpu.vector_load %arg11[%swap3A_621, %swap3A_622] {strides = array<i32>} : memref<80x64xf32, #tpu.memory_space<vmem>>, vector<1x16xf32>,
        %swap3A_624 = vector.shape_cast %swap3A_623 : vector<1x16xf32> to vector<16xf32>
        %swap3A_625 = vector.shape_cast %mul3A_620 : vector<16xf32> to vector<1x16xf32>
        tpu.vector_store %arg11[%swap3A_621, %swap3A_622], %swap3A_625 {strides = array<i32>} : memref<80x64xf32, #tpu.memory_space<vmem>>, vector<1x16xf32>,
        %get3A_626 = arith.index_cast %add3A_592 : i32 to index
        %get3A_627 = arith.constant 48 : index
        %get3A_628 = tpu.vector_load %arg11[%get3A_626, %get3A_627] {strides = array<i32>} : memref<80x64xf32, #tpu.memory_space<vmem>>, vector<1x16xf32>,
        %get3A_629 = vector.shape_cast %get3A_628 : vector<1x16xf32> to vector<16xf32>
        %mul3A_630 = vector.broadcast %squeeze3A_588 : f32 to vector<16xf32>
        %mul3A_631 = arith.mulf %get3A_629, %mul3A_630 : vector<16xf32>
        %swap3A_632 = arith.index_cast %add3A_592 : i32 to index
        %swap3A_633 = arith.constant 48 : index
        %swap3A_634 = tpu.vector_load %arg11[%swap3A_632, %swap3A_633] {strides = array<i32>} : memref<80x64xf32, #tpu.memory_space<vmem>>, vector<1x16xf32>,
        %swap3A_635 = vector.shape_cast %swap3A_634 : vector<1x16xf32> to vector<16xf32>
        %swap3A_636 = vector.shape_cast %mul3A_631 : vector<16xf32> to vector<1x16xf32>
        tpu.vector_store %arg11[%swap3A_632, %swap3A_633], %swap3A_636 {strides = array<i32>} : memref<80x64xf32, #tpu.memory_space<vmem>>, vector<1x16xf32>,
        %slice3A_637 = vector.extract_strided_slice %get3A_39 {offsets = [12], sizes = [1], strides = [1]} : vector<16xf32> to vector<1xf32>
        %squeeze3A_638 = vector.extract %slice3A_637[0] : f32 from vector<1xf32>
        %mul3A_639 = arith.constant 16 : i32
        %mul3A_640 = arith.muli %scan3A_34, %mul3A_639 : i32
        %add3A_641 = arith.constant 12 : i32
        %add3A_642 = arith.addi %mul3A_640, %add3A_641 : i32
        %get3A_643 = arith.index_cast %add3A_642 : i32 to index
        %get3A_644 = arith.constant 0 : index
        %get3A_645 = tpu.vector_load %arg11[%get3A_643, %get3A_644] {strides = array<i32>} : memref<80x64xf32, #tpu.memory_space<vmem>>, vector<1x16xf32>,
        %get3A_646 = vector.shape_cast %get3A_645 : vector<1x16xf32> to vector<16xf32>
        %mul3A_647 = vector.broadcast %squeeze3A_638 : f32 to vector<16xf32>
        %mul3A_648 = arith.mulf %get3A_646, %mul3A_647 : vector<16xf32>
        %swap3A_649 = arith.index_cast %add3A_642 : i32 to index
        %swap3A_650 = arith.constant 0 : index
        %swap3A_651 = tpu.vector_load %arg11[%swap3A_649, %swap3A_650] {strides = array<i32>} : memref<80x64xf32, #tpu.memory_space<vmem>>, vector<1x16xf32>,
        %swap3A_652 = vector.shape_cast %swap3A_651 : vector<1x16xf32> to vector<16xf32>
        %swap3A_653 = vector.shape_cast %mul3A_648 : vector<16xf32> to vector<1x16xf32>
        tpu.vector_store %arg11[%swap3A_649, %swap3A_650], %swap3A_653 {strides = array<i32>} : memref<80x64xf32, #tpu.memory_space<vmem>>, vector<1x16xf32>,
        %get3A_654 = arith.index_cast %add3A_642 : i32 to index
        %get3A_655 = arith.constant 16 : index
        %get3A_656 = tpu.vector_load %arg11[%get3A_654, %get3A_655] {strides = array<i32>} : memref<80x64xf32, #tpu.memory_space<vmem>>, vector<1x16xf32>,
        %get3A_657 = vector.shape_cast %get3A_656 : vector<1x16xf32> to vector<16xf32>
        %mul3A_658 = vector.broadcast %squeeze3A_638 : f32 to vector<16xf32>
        %mul3A_659 = arith.mulf %get3A_657, %mul3A_658 : vector<16xf32>
        %swap3A_660 = arith.index_cast %add3A_642 : i32 to index
        %swap3A_661 = arith.constant 16 : index
        %swap3A_662 = tpu.vector_load %arg11[%swap3A_660, %swap3A_661] {strides = array<i32>} : memref<80x64xf32, #tpu.memory_space<vmem>>, vector<1x16xf32>,
        %swap3A_663 = vector.shape_cast %swap3A_662 : vector<1x16xf32> to vector<16xf32>
        %swap3A_664 = vector.shape_cast %mul3A_659 : vector<16xf32> to vector<1x16xf32>
        tpu.vector_store %arg11[%swap3A_660, %swap3A_661], %swap3A_664 {strides = array<i32>} : memref<80x64xf32, #tpu.memory_space<vmem>>, vector<1x16xf32>,
        %get3A_665 = arith.index_cast %add3A_642 : i32 to index
        %get3A_666 = arith.constant 32 : index
        %get3A_667 = tpu.vector_load %arg11[%get3A_665, %get3A_666] {strides = array<i32>} : memref<80x64xf32, #tpu.memory_space<vmem>>, vector<1x16xf32>,
        %get3A_668 = vector.shape_cast %get3A_667 : vector<1x16xf32> to vector<16xf32>
        %mul3A_669 = vector.broadcast %squeeze3A_638 : f32 to vector<16xf32>
        %mul3A_670 = arith.mulf %get3A_668, %mul3A_669 : vector<16xf32>
        %swap3A_671 = arith.index_cast %add3A_642 : i32 to index
        %swap3A_672 = arith.constant 32 : index
        %swap3A_673 = tpu.vector_load %arg11[%swap3A_671, %swap3A_672] {strides = array<i32>} : memref<80x64xf32, #tpu.memory_space<vmem>>, vector<1x16xf32>,
        %swap3A_674 = vector.shape_cast %swap3A_673 : vector<1x16xf32> to vector<16xf32>
        %swap3A_675 = vector.shape_cast %mul3A_670 : vector<16xf32> to vector<1x16xf32>
        tpu.vector_store %arg11[%swap3A_671, %swap3A_672], %swap3A_675 {strides = array<i32>} : memref<80x64xf32, #tpu.memory_space<vmem>>, vector<1x16xf32>,
        %get3A_676 = arith.index_cast %add3A_642 : i32 to index
        %get3A_677 = arith.constant 48 : index
        %get3A_678 = tpu.vector_load %arg11[%get3A_676, %get3A_677] {strides = array<i32>} : memref<80x64xf32, #tpu.memory_space<vmem>>, vector<1x16xf32>,
        %get3A_679 = vector.shape_cast %get3A_678 : vector<1x16xf32> to vector<16xf32>
        %mul3A_680 = vector.broadcast %squeeze3A_638 : f32 to vector<16xf32>
        %mul3A_681 = arith.mulf %get3A_679, %mul3A_680 : vector<16xf32>
        %swap3A_682 = arith.index_cast %add3A_642 : i32 to index
        %swap3A_683 = arith.constant 48 : index
        %swap3A_684 = tpu.vector_load %arg11[%swap3A_682, %swap3A_683] {strides = array<i32>} : memref<80x64xf32, #tpu.memory_space<vmem>>, vector<1x16xf32>,
        %swap3A_685 = vector.shape_cast %swap3A_684 : vector<1x16xf32> to vector<16xf32>
        %swap3A_686 = vector.shape_cast %mul3A_681 : vector<16xf32> to vector<1x16xf32>
        tpu.vector_store %arg11[%swap3A_682, %swap3A_683], %swap3A_686 {strides = array<i32>} : memref<80x64xf32, #tpu.memory_space<vmem>>, vector<1x16xf32>,
        %slice3A_687 = vector.extract_strided_slice %get3A_39 {offsets = [13], sizes = [1], strides = [1]} : vector<16xf32> to vector<1xf32>
        %squeeze3A_688 = vector.extract %slice3A_687[0] : f32 from vector<1xf32>
        %mul3A_689 = arith.constant 16 : i32
        %mul3A_690 = arith.muli %scan3A_34, %mul3A_689 : i32
        %add3A_691 = arith.constant 13 : i32
        %add3A_692 = arith.addi %mul3A_690, %add3A_691 : i32
        %get3A_693 = arith.index_cast %add3A_692 : i32 to index
        %get3A_694 = arith.constant 0 : index
        %get3A_695 = tpu.vector_load %arg11[%get3A_693, %get3A_694] {strides = array<i32>} : memref<80x64xf32, #tpu.memory_space<vmem>>, vector<1x16xf32>,
        %get3A_696 = vector.shape_cast %get3A_695 : vector<1x16xf32> to vector<16xf32>
        %mul3A_697 = vector.broadcast %squeeze3A_688 : f32 to vector<16xf32>
        %mul3A_698 = arith.mulf %get3A_696, %mul3A_697 : vector<16xf32>
        %swap3A_699 = arith.index_cast %add3A_692 : i32 to index
        %swap3A_700 = arith.constant 0 : index
        %swap3A_701 = tpu.vector_load %arg11[%swap3A_699, %swap3A_700] {strides = array<i32>} : memref<80x64xf32, #tpu.memory_space<vmem>>, vector<1x16xf32>,
        %swap3A_702 = vector.shape_cast %swap3A_701 : vector<1x16xf32> to vector<16xf32>
        %swap3A_703 = vector.shape_cast %mul3A_698 : vector<16xf32> to vector<1x16xf32>
        tpu.vector_store %arg11[%swap3A_699, %swap3A_700], %swap3A_703 {strides = array<i32>} : memref<80x64xf32, #tpu.memory_space<vmem>>, vector<1x16xf32>,
        %get3A_704 = arith.index_cast %add3A_692 : i32 to index
        %get3A_705 = arith.constant 16 : index
        %get3A_706 = tpu.vector_load %arg11[%get3A_704, %get3A_705] {strides = array<i32>} : memref<80x64xf32, #tpu.memory_space<vmem>>, vector<1x16xf32>,
        %get3A_707 = vector.shape_cast %get3A_706 : vector<1x16xf32> to vector<16xf32>
        %mul3A_708 = vector.broadcast %squeeze3A_688 : f32 to vector<16xf32>
        %mul3A_709 = arith.mulf %get3A_707, %mul3A_708 : vector<16xf32>
        %swap3A_710 = arith.index_cast %add3A_692 : i32 to index
        %swap3A_711 = arith.constant 16 : index
        %swap3A_712 = tpu.vector_load %arg11[%swap3A_710, %swap3A_711] {strides = array<i32>} : memref<80x64xf32, #tpu.memory_space<vmem>>, vector<1x16xf32>,
        %swap3A_713 = vector.shape_cast %swap3A_712 : vector<1x16xf32> to vector<16xf32>
        %swap3A_714 = vector.shape_cast %mul3A_709 : vector<16xf32> to vector<1x16xf32>
        tpu.vector_store %arg11[%swap3A_710, %swap3A_711], %swap3A_714 {strides = array<i32>} : memref<80x64xf32, #tpu.memory_space<vmem>>, vector<1x16xf32>,
        %get3A_715 = arith.index_cast %add3A_692 : i32 to index
        %get3A_716 = arith.constant 32 : index
        %get3A_717 = tpu.vector_load %arg11[%get3A_715, %get3A_716] {strides = array<i32>} : memref<80x64xf32, #tpu.memory_space<vmem>>, vector<1x16xf32>,
        %get3A_718 = vector.shape_cast %get3A_717 : vector<1x16xf32> to vector<16xf32>
        %mul3A_719 = vector.broadcast %squeeze3A_688 : f32 to vector<16xf32>
        %mul3A_720 = arith.mulf %get3A_718, %mul3A_719 : vector<16xf32>
        %swap3A_721 = arith.index_cast %add3A_692 : i32 to index
        %swap3A_722 = arith.constant 32 : index
        %swap3A_723 = tpu.vector_load %arg11[%swap3A_721, %swap3A_722] {strides = array<i32>} : memref<80x64xf32, #tpu.memory_space<vmem>>, vector<1x16xf32>,
        %swap3A_724 = vector.shape_cast %swap3A_723 : vector<1x16xf32> to vector<16xf32>
        %swap3A_725 = vector.shape_cast %mul3A_720 : vector<16xf32> to vector<1x16xf32>
        tpu.vector_store %arg11[%swap3A_721, %swap3A_722], %swap3A_725 {strides = array<i32>} : memref<80x64xf32, #tpu.memory_space<vmem>>, vector<1x16xf32>,
        %get3A_726 = arith.index_cast %add3A_692 : i32 to index
        %get3A_727 = arith.constant 48 : index
        %get3A_728 = tpu.vector_load %arg11[%get3A_726, %get3A_727] {strides = array<i32>} : memref<80x64xf32, #tpu.memory_space<vmem>>, vector<1x16xf32>,
        %get3A_729 = vector.shape_cast %get3A_728 : vector<1x16xf32> to vector<16xf32>
        %mul3A_730 = vector.broadcast %squeeze3A_688 : f32 to vector<16xf32>
        %mul3A_731 = arith.mulf %get3A_729, %mul3A_730 : vector<16xf32>
        %swap3A_732 = arith.index_cast %add3A_692 : i32 to index
        %swap3A_733 = arith.constant 48 : index
        %swap3A_734 = tpu.vector_load %arg11[%swap3A_732, %swap3A_733] {strides = array<i32>} : memref<80x64xf32, #tpu.memory_space<vmem>>, vector<1x16xf32>,
        %swap3A_735 = vector.shape_cast %swap3A_734 : vector<1x16xf32> to vector<16xf32>
        %swap3A_736 = vector.shape_cast %mul3A_731 : vector<16xf32> to vector<1x16xf32>
        tpu.vector_store %arg11[%swap3A_732, %swap3A_733], %swap3A_736 {strides = array<i32>} : memref<80x64xf32, #tpu.memory_space<vmem>>, vector<1x16xf32>,
        %slice3A_737 = vector.extract_strided_slice %get3A_39 {offsets = [14], sizes = [1], strides = [1]} : vector<16xf32> to vector<1xf32>
        %squeeze3A_738 = vector.extract %slice3A_737[0] : f32 from vector<1xf32>
        %mul3A_739 = arith.constant 16 : i32
        %mul3A_740 = arith.muli %scan3A_34, %mul3A_739 : i32
        %add3A_741 = arith.constant 14 : i32
        %add3A_742 = arith.addi %mul3A_740, %add3A_741 : i32
        %get3A_743 = arith.index_cast %add3A_742 : i32 to index
        %get3A_744 = arith.constant 0 : index
        %get3A_745 = tpu.vector_load %arg11[%get3A_743, %get3A_744] {strides = array<i32>} : memref<80x64xf32, #tpu.memory_space<vmem>>, vector<1x16xf32>,
        %get3A_746 = vector.shape_cast %get3A_745 : vector<1x16xf32> to vector<16xf32>
        %mul3A_747 = vector.broadcast %squeeze3A_738 : f32 to vector<16xf32>
        %mul3A_748 = arith.mulf %get3A_746, %mul3A_747 : vector<16xf32>
        %swap3A_749 = arith.index_cast %add3A_742 : i32 to index
        %swap3A_750 = arith.constant 0 : index
        %swap3A_751 = tpu.vector_load %arg11[%swap3A_749, %swap3A_750] {strides = array<i32>} : memref<80x64xf32, #tpu.memory_space<vmem>>, vector<1x16xf32>,
        %swap3A_752 = vector.shape_cast %swap3A_751 : vector<1x16xf32> to vector<16xf32>
        %swap3A_753 = vector.shape_cast %mul3A_748 : vector<16xf32> to vector<1x16xf32>
        tpu.vector_store %arg11[%swap3A_749, %swap3A_750], %swap3A_753 {strides = array<i32>} : memref<80x64xf32, #tpu.memory_space<vmem>>, vector<1x16xf32>,
        %get3A_754 = arith.index_cast %add3A_742 : i32 to index
        %get3A_755 = arith.constant 16 : index
        %get3A_756 = tpu.vector_load %arg11[%get3A_754, %get3A_755] {strides = array<i32>} : memref<80x64xf32, #tpu.memory_space<vmem>>, vector<1x16xf32>,
        %get3A_757 = vector.shape_cast %get3A_756 : vector<1x16xf32> to vector<16xf32>
        %mul3A_758 = vector.broadcast %squeeze3A_738 : f32 to vector<16xf32>
        %mul3A_759 = arith.mulf %get3A_757, %mul3A_758 : vector<16xf32>
        %swap3A_760 = arith.index_cast %add3A_742 : i32 to index
        %swap3A_761 = arith.constant 16 : index
        %swap3A_762 = tpu.vector_load %arg11[%swap3A_760, %swap3A_761] {strides = array<i32>} : memref<80x64xf32, #tpu.memory_space<vmem>>, vector<1x16xf32>,
        %swap3A_763 = vector.shape_cast %swap3A_762 : vector<1x16xf32> to vector<16xf32>
        %swap3A_764 = vector.shape_cast %mul3A_759 : vector<16xf32> to vector<1x16xf32>
        tpu.vector_store %arg11[%swap3A_760, %swap3A_761], %swap3A_764 {strides = array<i32>} : memref<80x64xf32, #tpu.memory_space<vmem>>, vector<1x16xf32>,
        %get3A_765 = arith.index_cast %add3A_742 : i32 to index
        %get3A_766 = arith.constant 32 : index
        %get3A_767 = tpu.vector_load %arg11[%get3A_765, %get3A_766] {strides = array<i32>} : memref<80x64xf32, #tpu.memory_space<vmem>>, vector<1x16xf32>,
        %get3A_768 = vector.shape_cast %get3A_767 : vector<1x16xf32> to vector<16xf32>
        %mul3A_769 = vector.broadcast %squeeze3A_738 : f32 to vector<16xf32>
        %mul3A_770 = arith.mulf %get3A_768, %mul3A_769 : vector<16xf32>
        %swap3A_771 = arith.index_cast %add3A_742 : i32 to index
        %swap3A_772 = arith.constant 32 : index
        %swap3A_773 = tpu.vector_load %arg11[%swap3A_771, %swap3A_772] {strides = array<i32>} : memref<80x64xf32, #tpu.memory_space<vmem>>, vector<1x16xf32>,
        %swap3A_774 = vector.shape_cast %swap3A_773 : vector<1x16xf32> to vector<16xf32>
        %swap3A_775 = vector.shape_cast %mul3A_770 : vector<16xf32> to vector<1x16xf32>
        tpu.vector_store %arg11[%swap3A_771, %swap3A_772], %swap3A_775 {strides = array<i32>} : memref<80x64xf32, #tpu.memory_space<vmem>>, vector<1x16xf32>,
        %get3A_776 = arith.index_cast %add3A_742 : i32 to index
        %get3A_777 = arith.constant 48 : index
        %get3A_778 = tpu.vector_load %arg11[%get3A_776, %get3A_777] {strides = array<i32>} : memref<80x64xf32, #tpu.memory_space<vmem>>, vector<1x16xf32>,
        %get3A_779 = vector.shape_cast %get3A_778 : vector<1x16xf32> to vector<16xf32>
        %mul3A_780 = vector.broadcast %squeeze3A_738 : f32 to vector<16xf32>
        %mul3A_781 = arith.mulf %get3A_779, %mul3A_780 : vector<16xf32>
        %swap3A_782 = arith.index_cast %add3A_742 : i32 to index
        %swap3A_783 = arith.constant 48 : index
        %swap3A_784 = tpu.vector_load %arg11[%swap3A_782, %swap3A_783] {strides = array<i32>} : memref<80x64xf32, #tpu.memory_space<vmem>>, vector<1x16xf32>,
        %swap3A_785 = vector.shape_cast %swap3A_784 : vector<1x16xf32> to vector<16xf32>
        %swap3A_786 = vector.shape_cast %mul3A_781 : vector<16xf32> to vector<1x16xf32>
        tpu.vector_store %arg11[%swap3A_782, %swap3A_783], %swap3A_786 {strides = array<i32>} : memref<80x64xf32, #tpu.memory_space<vmem>>, vector<1x16xf32>,
        %slice3A_787 = vector.extract_strided_slice %get3A_39 {offsets = [15], sizes = [1], strides = [1]} : vector<16xf32> to vector<1xf32>
        %squeeze3A_788 = vector.extract %slice3A_787[0] : f32 from vector<1xf32>
        %mul3A_789 = arith.constant 16 : i32
        %mul3A_790 = arith.muli %scan3A_34, %mul3A_789 : i32
        %add3A_791 = arith.constant 15 : i32
        %add3A_792 = arith.addi %mul3A_790, %add3A_791 : i32
        %get3A_793 = arith.index_cast %add3A_792 : i32 to index
        %get3A_794 = arith.constant 0 : index
        %get3A_795 = tpu.vector_load %arg11[%get3A_793, %get3A_794] {strides = array<i32>} : memref<80x64xf32, #tpu.memory_space<vmem>>, vector<1x16xf32>,
        %get3A_796 = vector.shape_cast %get3A_795 : vector<1x16xf32> to vector<16xf32>
        %mul3A_797 = vector.broadcast %squeeze3A_788 : f32 to vector<16xf32>
        %mul3A_798 = arith.mulf %get3A_796, %mul3A_797 : vector<16xf32>
        %swap3A_799 = arith.index_cast %add3A_792 : i32 to index
        %swap3A_800 = arith.constant 0 : index
        %swap3A_801 = tpu.vector_load %arg11[%swap3A_799, %swap3A_800] {strides = array<i32>} : memref<80x64xf32, #tpu.memory_space<vmem>>, vector<1x16xf32>,
        %swap3A_802 = vector.shape_cast %swap3A_801 : vector<1x16xf32> to vector<16xf32>
        %swap3A_803 = vector.shape_cast %mul3A_798 : vector<16xf32> to vector<1x16xf32>
        tpu.vector_store %arg11[%swap3A_799, %swap3A_800], %swap3A_803 {strides = array<i32>} : memref<80x64xf32, #tpu.memory_space<vmem>>, vector<1x16xf32>,
        %get3A_804 = arith.index_cast %add3A_792 : i32 to index
        %get3A_805 = arith.constant 16 : index
        %get3A_806 = tpu.vector_load %arg11[%get3A_804, %get3A_805] {strides = array<i32>} : memref<80x64xf32, #tpu.memory_space<vmem>>, vector<1x16xf32>,
        %get3A_807 = vector.shape_cast %get3A_806 : vector<1x16xf32> to vector<16xf32>
        %mul3A_808 = vector.broadcast %squeeze3A_788 : f32 to vector<16xf32>
        %mul3A_809 = arith.mulf %get3A_807, %mul3A_808 : vector<16xf32>
        %swap3A_810 = arith.index_cast %add3A_792 : i32 to index
        %swap3A_811 = arith.constant 16 : index
        %swap3A_812 = tpu.vector_load %arg11[%swap3A_810, %swap3A_811] {strides = array<i32>} : memref<80x64xf32, #tpu.memory_space<vmem>>, vector<1x16xf32>,
        %swap3A_813 = vector.shape_cast %swap3A_812 : vector<1x16xf32> to vector<16xf32>
        %swap3A_814 = vector.shape_cast %mul3A_809 : vector<16xf32> to vector<1x16xf32>
        tpu.vector_store %arg11[%swap3A_810, %swap3A_811], %swap3A_814 {strides = array<i32>} : memref<80x64xf32, #tpu.memory_space<vmem>>, vector<1x16xf32>,
        %get3A_815 = arith.index_cast %add3A_792 : i32 to index
        %get3A_816 = arith.constant 32 : index
        %get3A_817 = tpu.vector_load %arg11[%get3A_815, %get3A_816] {strides = array<i32>} : memref<80x64xf32, #tpu.memory_space<vmem>>, vector<1x16xf32>,
        %get3A_818 = vector.shape_cast %get3A_817 : vector<1x16xf32> to vector<16xf32>
        %mul3A_819 = vector.broadcast %squeeze3A_788 : f32 to vector<16xf32>
        %mul3A_820 = arith.mulf %get3A_818, %mul3A_819 : vector<16xf32>
        %swap3A_821 = arith.index_cast %add3A_792 : i32 to index
        %swap3A_822 = arith.constant 32 : index
        %swap3A_823 = tpu.vector_load %arg11[%swap3A_821, %swap3A_822] {strides = array<i32>} : memref<80x64xf32, #tpu.memory_space<vmem>>, vector<1x16xf32>,
        %swap3A_824 = vector.shape_cast %swap3A_823 : vector<1x16xf32> to vector<16xf32>
        %swap3A_825 = vector.shape_cast %mul3A_820 : vector<16xf32> to vector<1x16xf32>
        tpu.vector_store %arg11[%swap3A_821, %swap3A_822], %swap3A_825 {strides = array<i32>} : memref<80x64xf32, #tpu.memory_space<vmem>>, vector<1x16xf32>,
        %get3A_826 = arith.index_cast %add3A_792 : i32 to index
        %get3A_827 = arith.constant 48 : index
        %get3A_828 = tpu.vector_load %arg11[%get3A_826, %get3A_827] {strides = array<i32>} : memref<80x64xf32, #tpu.memory_space<vmem>>, vector<1x16xf32>,
        %get3A_829 = vector.shape_cast %get3A_828 : vector<1x16xf32> to vector<16xf32>
        %mul3A_830 = vector.broadcast %squeeze3A_788 : f32 to vector<16xf32>
        %mul3A_831 = arith.mulf %get3A_829, %mul3A_830 : vector<16xf32>
        %swap3A_832 = arith.index_cast %add3A_792 : i32 to index
        %swap3A_833 = arith.constant 48 : index
        %swap3A_834 = tpu.vector_load %arg11[%swap3A_832, %swap3A_833] {strides = array<i32>} : memref<80x64xf32, #tpu.memory_space<vmem>>, vector<1x16xf32>,
        %swap3A_835 = vector.shape_cast %swap3A_834 : vector<1x16xf32> to vector<16xf32>
        %swap3A_836 = vector.shape_cast %mul3A_831 : vector<16xf32> to vector<1x16xf32>
        tpu.vector_store %arg11[%swap3A_832, %swap3A_833], %swap3A_836 {strides = array<i32>} : memref<80x64xf32, #tpu.memory_space<vmem>>, vector<1x16xf32>,
        %scan3A_837 = arith.constant 0 : i32
        scf.yield %scan3A_837 : i32
      }
      %scan3A_32 = arith.constant 5 : i32
      "tpu.region"() ({
        %run_scoped3A = tpu.sem_alloc : memref<!tpu.dma_semaphore, #tpu.memory_space<semaphore_mem>>
        %dma_start3A_34 = tpu.memref_slice %arg4[%multiple_of3A] : memref<320000xi32, #tpu.memory_space<hbm>> -> memref<80xi32, #tpu.memory_space<hbm>>
        %dma_start3A_35 = tpu.memref_slice %arg4[%multiple_of3A] : memref<320000xi32, #tpu.memory_space<hbm>> -> memref<80xi32, #tpu.memory_space<hbm>>
        tpu.enqueue_dma source(%dma_start3A_35 : memref<80xi32, #tpu.memory_space<hbm>>) target(%arg9 : memref<80xi32, #tpu.memory_space<vmem>>) target_semaphore(%run_scoped3A : memref<!tpu.dma_semaphore, #tpu.memory_space<semaphore_mem>>)
        %dma_wait3A_36 = tpu.memref_slice %arg4[%multiple_of3A] : memref<320000xi32, #tpu.memory_space<hbm>> -> memref<80xi32, #tpu.memory_space<hbm>>
        %dma_wait3A_37 = tpu.memref_slice %arg4[%multiple_of3A] : memref<320000xi32, #tpu.memory_space<hbm>> -> memref<80xi32, #tpu.memory_space<hbm>>
        tpu.wait_dma2 semaphore(%run_scoped3A : memref<!tpu.dma_semaphore, #tpu.memory_space<semaphore_mem>>) src(%dma_wait3A_37 : memref<80xi32, #tpu.memory_space<hbm>>) dst(%arg9 : memref<80xi32, #tpu.memory_space<vmem>>)
        tpu.yield
      }) : () -> ()
      "tpu.region"() ({
        %run_scoped3A = tpu.sem_alloc : memref<!tpu.dma_semaphore, #tpu.memory_space<semaphore_mem>>
        %dma_start3A_34 = arith.constant 0 : i32
        %dma_start3A_35 = arith.constant 0 : i32
        %dma_start3A_36 = tpu.memref_slice %arg7[%dma_start3A_34, %dma_start3A_35] : memref<10000x64xf32, #tpu.memory_space<vmem_shared>> -> memref<10000x64xf32, #tpu.memory_space<vmem_shared>>
        tpu.enqueue_indirect_dma source(%arg11 : memref<80x64xf32, #tpu.memory_space<vmem>>) target(%dma_start3A_36 : memref<10000x64xf32, #tpu.memory_space<vmem_shared>>) offsets(%arg9 : memref<80xi32, #tpu.memory_space<vmem>>) semaphore(%run_scoped3A : memref<!tpu.dma_semaphore, #tpu.memory_space<semaphore_mem>>) {add = true}
        %dma_wait3A_37 = arith.constant 0 : i32
        %dma_wait3A_38 = arith.constant 0 : i32
        %dma_wait3A_39 = tpu.memref_slice %arg7[%dma_wait3A_37, %dma_wait3A_38] : memref<10000x64xf32, #tpu.memory_space<vmem_shared>> -> memref<10000x64xf32, #tpu.memory_space<vmem_shared>>
        tpu.wait_indirect_dma semaphore(%run_scoped3A : memref<!tpu.dma_semaphore, #tpu.memory_space<semaphore_mem>>) src(%arg11 : memref<80x64xf32, #tpu.memory_space<vmem>>) dst(%dma_wait3A_39 : memref<10000x64xf32, #tpu.memory_space<vmem_shared>>)
        tpu.yield
      }) : () -> ()
      %scan3A_33 = arith.constant 0 : i32
      scf.yield %scan3A_33 : i32
    }
    %scan3A_8 = arith.constant 125 : i32
    %barrier3A_9 = arith.constant 0 : index
    tpu.barrier barrier_id(%barrier3A_9)
    %lt3A_10 = arith.constant 10 : i32
    %lt3A_11 = arith.cmpi slt, %arg1, %lt3A_10 : i32
    %convert_element_type3A_12 = arith.extui %lt3A_11 : i1 to i32
    %cond3A_13 = arith.constant 0 : i32
    %cond3A_14 = arith.cmpi ne, %convert_element_type3A_12, %cond3A_13 : i32
    scf.if %cond3A_14 {
      %mul3A_15 = arith.constant 1000 : i32
      %mul3A_16 = arith.muli %arg1, %mul3A_15 : i32
      %add3A_17 = arith.constant 0 : i32
      %add3A_18 = arith.addi %mul3A_16, %add3A_17 : i32
      "tpu.region"() ({
        %run_scoped3A = tpu.sem_alloc : memref<!tpu.dma_semaphore, #tpu.memory_space<semaphore_mem>>
        %dma_start3A = arith.constant 0 : i32
        %dma_start3A_27 = tpu.memref_slice %arg7[%add3A_18, %dma_start3A] : memref<10000x64xf32, #tpu.memory_space<vmem_shared>> -> memref<200x64xf32, #tpu.memory_space<vmem_shared>>
        %dma_start3A_28 = arith.constant 0 : i32
        %dma_start3A_29 = tpu.memref_slice %arg7[%add3A_18, %dma_start3A_28] : memref<10000x64xf32, #tpu.memory_space<vmem_shared>> -> memref<200x64xf32, #tpu.memory_space<vmem_shared>>
        tpu.enqueue_dma source(%dma_start3A_29 : memref<200x64xf32, #tpu.memory_space<vmem_shared>>) target(%arg12 : memref<200x64xf32, #tpu.memory_space<vmem>>) target_semaphore(%run_scoped3A : memref<!tpu.dma_semaphore, #tpu.memory_space<semaphore_mem>>)
        %dma_wait3A = arith.constant 0 : i32
        %dma_wait3A_30 = tpu.memref_slice %arg7[%add3A_18, %dma_wait3A] : memref<10000x64xf32, #tpu.memory_space<vmem_shared>> -> memref<200x64xf32, #tpu.memory_space<vmem_shared>>
        %dma_wait3A_31 = arith.constant 0 : i32
        %dma_wait3A_32 = tpu.memref_slice %arg7[%add3A_18, %dma_wait3A_31] : memref<10000x64xf32, #tpu.memory_space<vmem_shared>> -> memref<200x64xf32, #tpu.memory_space<vmem_shared>>
        tpu.wait_dma2 semaphore(%run_scoped3A : memref<!tpu.dma_semaphore, #tpu.memory_space<semaphore_mem>>) src(%dma_wait3A_32 : memref<200x64xf32, #tpu.memory_space<vmem_shared>>) dst(%arg12 : memref<200x64xf32, #tpu.memory_space<vmem>>)
        tpu.yield
      }) : () -> ()
      "tpu.region"() ({
        %run_scoped3A = tpu.sem_alloc : memref<!tpu.dma_semaphore, #tpu.memory_space<semaphore_mem>>
        %dma_start3A = arith.constant 0 : i32
        %dma_start3A_27 = tpu.memref_slice %arg6[%arg0, %add3A_18, %dma_start3A] : memref<2x10000x64xf32, #tpu.memory_space<hbm>> -> memref<1x200x64xf32, #tpu.memory_space<hbm>>
        %dma_start3A_28 = tpu.memref_squeeze %dma_start3A_27 : memref<1x200x64xf32, #tpu.memory_space<hbm>> -> memref<200x64xf32, #tpu.memory_space<hbm>>
        %dma_start3A_29 = arith.constant 0 : i32
        %dma_start3A_30 = tpu.memref_slice %arg6[%arg0, %add3A_18, %dma_start3A_29] : memref<2x10000x64xf32, #tpu.memory_space<hbm>> -> memref<1x200x64xf32, #tpu.memory_space<hbm>>
        %dma_start3A_31 = tpu.memref_squeeze %dma_start3A_30 : memref<1x200x64xf32, #tpu.memory_space<hbm>> -> memref<200x64xf32, #tpu.memory_space<hbm>>
        tpu.enqueue_dma source(%arg12 : memref<200x64xf32, #tpu.memory_space<vmem>>) target(%dma_start3A_31 : memref<200x64xf32, #tpu.memory_space<hbm>>) target_semaphore(%run_scoped3A : memref<!tpu.dma_semaphore, #tpu.memory_space<semaphore_mem>>)
        %dma_wait3A = arith.constant 0 : i32
        %dma_wait3A_32 = tpu.memref_slice %arg6[%arg0, %add3A_18, %dma_wait3A] : memref<2x10000x64xf32, #tpu.memory_space<hbm>> -> memref<1x200x64xf32, #tpu.memory_space<hbm>>
        %dma_wait3A_33 = tpu.memref_squeeze %dma_wait3A_32 : memref<1x200x64xf32, #tpu.memory_space<hbm>> -> memref<200x64xf32, #tpu.memory_space<hbm>>
        %dma_wait3A_34 = arith.constant 0 : i32
        %dma_wait3A_35 = tpu.memref_slice %arg6[%arg0, %add3A_18, %dma_wait3A_34] : memref<2x10000x64xf32, #tpu.memory_space<hbm>> -> memref<1x200x64xf32, #tpu.memory_space<hbm>>
        %dma_wait3A_36 = tpu.memref_squeeze %dma_wait3A_35 : memref<1x200x64xf32, #tpu.memory_space<hbm>> -> memref<200x64xf32, #tpu.memory_space<hbm>>
        tpu.wait_dma2 semaphore(%run_scoped3A : memref<!tpu.dma_semaphore, #tpu.memory_space<semaphore_mem>>) src(%arg12 : memref<200x64xf32, #tpu.memory_space<vmem>>) dst(%dma_wait3A_36 : memref<200x64xf32, #tpu.memory_space<hbm>>)
        tpu.yield
      }) : () -> ()
      %add3A_19 = arith.constant 200 : i32
      %add3A_20 = arith.addi %mul3A_16, %add3A_19 : i32
      "tpu.region"() ({
        %run_scoped3A = tpu.sem_alloc : memref<!tpu.dma_semaphore, #tpu.memory_space<semaphore_mem>>
        %dma_start3A = arith.constant 0 : i32
        %dma_start3A_27 = tpu.memref_slice %arg7[%add3A_20, %dma_start3A] : memref<10000x64xf32, #tpu.memory_space<vmem_shared>> -> memref<200x64xf32, #tpu.memory_space<vmem_shared>>
        %dma_start3A_28 = arith.constant 0 : i32
        %dma_start3A_29 = tpu.memref_slice %arg7[%add3A_20, %dma_start3A_28] : memref<10000x64xf32, #tpu.memory_space<vmem_shared>> -> memref<200x64xf32, #tpu.memory_space<vmem_shared>>
        tpu.enqueue_dma source(%dma_start3A_29 : memref<200x64xf32, #tpu.memory_space<vmem_shared>>) target(%arg12 : memref<200x64xf32, #tpu.memory_space<vmem>>) target_semaphore(%run_scoped3A : memref<!tpu.dma_semaphore, #tpu.memory_space<semaphore_mem>>)
        %dma_wait3A = arith.constant 0 : i32
        %dma_wait3A_30 = tpu.memref_slice %arg7[%add3A_20, %dma_wait3A] : memref<10000x64xf32, #tpu.memory_space<vmem_shared>> -> memref<200x64xf32, #tpu.memory_space<vmem_shared>>
        %dma_wait3A_31 = arith.constant 0 : i32
        %dma_wait3A_32 = tpu.memref_slice %arg7[%add3A_20, %dma_wait3A_31] : memref<10000x64xf32, #tpu.memory_space<vmem_shared>> -> memref<200x64xf32, #tpu.memory_space<vmem_shared>>
        tpu.wait_dma2 semaphore(%run_scoped3A : memref<!tpu.dma_semaphore, #tpu.memory_space<semaphore_mem>>) src(%dma_wait3A_32 : memref<200x64xf32, #tpu.memory_space<vmem_shared>>) dst(%arg12 : memref<200x64xf32, #tpu.memory_space<vmem>>)
        tpu.yield
      }) : () -> ()
      "tpu.region"() ({
        %run_scoped3A = tpu.sem_alloc : memref<!tpu.dma_semaphore, #tpu.memory_space<semaphore_mem>>
        %dma_start3A = arith.constant 0 : i32
        %dma_start3A_27 = tpu.memref_slice %arg6[%arg0, %add3A_20, %dma_start3A] : memref<2x10000x64xf32, #tpu.memory_space<hbm>> -> memref<1x200x64xf32, #tpu.memory_space<hbm>>
        %dma_start3A_28 = tpu.memref_squeeze %dma_start3A_27 : memref<1x200x64xf32, #tpu.memory_space<hbm>> -> memref<200x64xf32, #tpu.memory_space<hbm>>
        %dma_start3A_29 = arith.constant 0 : i32
        %dma_start3A_30 = tpu.memref_slice %arg6[%arg0, %add3A_20, %dma_start3A_29] : memref<2x10000x64xf32, #tpu.memory_space<hbm>> -> memref<1x200x64xf32, #tpu.memory_space<hbm>>
        %dma_start3A_31 = tpu.memref_squeeze %dma_start3A_30 : memref<1x200x64xf32, #tpu.memory_space<hbm>> -> memref<200x64xf32, #tpu.memory_space<hbm>>
        tpu.enqueue_dma source(%arg12 : memref<200x64xf32, #tpu.memory_space<vmem>>) target(%dma_start3A_31 : memref<200x64xf32, #tpu.memory_space<hbm>>) target_semaphore(%run_scoped3A : memref<!tpu.dma_semaphore, #tpu.memory_space<semaphore_mem>>)
        %dma_wait3A = arith.constant 0 : i32
        %dma_wait3A_32 = tpu.memref_slice %arg6[%arg0, %add3A_20, %dma_wait3A] : memref<2x10000x64xf32, #tpu.memory_space<hbm>> -> memref<1x200x64xf32, #tpu.memory_space<hbm>>
        %dma_wait3A_33 = tpu.memref_squeeze %dma_wait3A_32 : memref<1x200x64xf32, #tpu.memory_space<hbm>> -> memref<200x64xf32, #tpu.memory_space<hbm>>
        %dma_wait3A_34 = arith.constant 0 : i32
        %dma_wait3A_35 = tpu.memref_slice %arg6[%arg0, %add3A_20, %dma_wait3A_34] : memref<2x10000x64xf32, #tpu.memory_space<hbm>> -> memref<1x200x64xf32, #tpu.memory_space<hbm>>
        %dma_wait3A_36 = tpu.memref_squeeze %dma_wait3A_35 : memref<1x200x64xf32, #tpu.memory_space<hbm>> -> memref<200x64xf32, #tpu.memory_space<hbm>>
        tpu.wait_dma2 semaphore(%run_scoped3A : memref<!tpu.dma_semaphore, #tpu.memory_space<semaphore_mem>>) src(%arg12 : memref<200x64xf32, #tpu.memory_space<vmem>>) dst(%dma_wait3A_36 : memref<200x64xf32, #tpu.memory_space<hbm>>)
        tpu.yield
      }) : () -> ()
      %add3A_21 = arith.constant 400 : i32
      %add3A_22 = arith.addi %mul3A_16, %add3A_21 : i32
      "tpu.region"() ({
        %run_scoped3A = tpu.sem_alloc : memref<!tpu.dma_semaphore, #tpu.memory_space<semaphore_mem>>
        %dma_start3A = arith.constant 0 : i32
        %dma_start3A_27 = tpu.memref_slice %arg7[%add3A_22, %dma_start3A] : memref<10000x64xf32, #tpu.memory_space<vmem_shared>> -> memref<200x64xf32, #tpu.memory_space<vmem_shared>>
        %dma_start3A_28 = arith.constant 0 : i32
        %dma_start3A_29 = tpu.memref_slice %arg7[%add3A_22, %dma_start3A_28] : memref<10000x64xf32, #tpu.memory_space<vmem_shared>> -> memref<200x64xf32, #tpu.memory_space<vmem_shared>>
        tpu.enqueue_dma source(%dma_start3A_29 : memref<200x64xf32, #tpu.memory_space<vmem_shared>>) target(%arg12 : memref<200x64xf32, #tpu.memory_space<vmem>>) target_semaphore(%run_scoped3A : memref<!tpu.dma_semaphore, #tpu.memory_space<semaphore_mem>>)
        %dma_wait3A = arith.constant 0 : i32
        %dma_wait3A_30 = tpu.memref_slice %arg7[%add3A_22, %dma_wait3A] : memref<10000x64xf32, #tpu.memory_space<vmem_shared>> -> memref<200x64xf32, #tpu.memory_space<vmem_shared>>
        %dma_wait3A_31 = arith.constant 0 : i32
        %dma_wait3A_32 = tpu.memref_slice %arg7[%add3A_22, %dma_wait3A_31] : memref<10000x64xf32, #tpu.memory_space<vmem_shared>> -> memref<200x64xf32, #tpu.memory_space<vmem_shared>>
        tpu.wait_dma2 semaphore(%run_scoped3A : memref<!tpu.dma_semaphore, #tpu.memory_space<semaphore_mem>>) src(%dma_wait3A_32 : memref<200x64xf32, #tpu.memory_space<vmem_shared>>) dst(%arg12 : memref<200x64xf32, #tpu.memory_space<vmem>>)
        tpu.yield
      }) : () -> ()
      "tpu.region"() ({
        %run_scoped3A = tpu.sem_alloc : memref<!tpu.dma_semaphore, #tpu.memory_space<semaphore_mem>>
        %dma_start3A = arith.constant 0 : i32
        %dma_start3A_27 = tpu.memref_slice %arg6[%arg0, %add3A_22, %dma_start3A] : memref<2x10000x64xf32, #tpu.memory_space<hbm>> -> memref<1x200x64xf32, #tpu.memory_space<hbm>>
        %dma_start3A_28 = tpu.memref_squeeze %dma_start3A_27 : memref<1x200x64xf32, #tpu.memory_space<hbm>> -> memref<200x64xf32, #tpu.memory_space<hbm>>
        %dma_start3A_29 = arith.constant 0 : i32
        %dma_start3A_30 = tpu.memref_slice %arg6[%arg0, %add3A_22, %dma_start3A_29] : memref<2x10000x64xf32, #tpu.memory_space<hbm>> -> memref<1x200x64xf32, #tpu.memory_space<hbm>>
        %dma_start3A_31 = tpu.memref_squeeze %dma_start3A_30 : memref<1x200x64xf32, #tpu.memory_space<hbm>> -> memref<200x64xf32, #tpu.memory_space<hbm>>
        tpu.enqueue_dma source(%arg12 : memref<200x64xf32, #tpu.memory_space<vmem>>) target(%dma_start3A_31 : memref<200x64xf32, #tpu.memory_space<hbm>>) target_semaphore(%run_scoped3A : memref<!tpu.dma_semaphore, #tpu.memory_space<semaphore_mem>>)
        %dma_wait3A = arith.constant 0 : i32
        %dma_wait3A_32 = tpu.memref_slice %arg6[%arg0, %add3A_22, %dma_wait3A] : memref<2x10000x64xf32, #tpu.memory_space<hbm>> -> memref<1x200x64xf32, #tpu.memory_space<hbm>>
        %dma_wait3A_33 = tpu.memref_squeeze %dma_wait3A_32 : memref<1x200x64xf32, #tpu.memory_space<hbm>> -> memref<200x64xf32, #tpu.memory_space<hbm>>
        %dma_wait3A_34 = arith.constant 0 : i32
        %dma_wait3A_35 = tpu.memref_slice %arg6[%arg0, %add3A_22, %dma_wait3A_34] : memref<2x10000x64xf32, #tpu.memory_space<hbm>> -> memref<1x200x64xf32, #tpu.memory_space<hbm>>
        %dma_wait3A_36 = tpu.memref_squeeze %dma_wait3A_35 : memref<1x200x64xf32, #tpu.memory_space<hbm>> -> memref<200x64xf32, #tpu.memory_space<hbm>>
        tpu.wait_dma2 semaphore(%run_scoped3A : memref<!tpu.dma_semaphore, #tpu.memory_space<semaphore_mem>>) src(%arg12 : memref<200x64xf32, #tpu.memory_space<vmem>>) dst(%dma_wait3A_36 : memref<200x64xf32, #tpu.memory_space<hbm>>)
        tpu.yield
      }) : () -> ()
      %add3A_23 = arith.constant 600 : i32
      %add3A_24 = arith.addi %mul3A_16, %add3A_23 : i32
      "tpu.region"() ({
        %run_scoped3A = tpu.sem_alloc : memref<!tpu.dma_semaphore, #tpu.memory_space<semaphore_mem>>
        %dma_start3A = arith.constant 0 : i32
        %dma_start3A_27 = tpu.memref_slice %arg7[%add3A_24, %dma_start3A] : memref<10000x64xf32, #tpu.memory_space<vmem_shared>> -> memref<200x64xf32, #tpu.memory_space<vmem_shared>>
        %dma_start3A_28 = arith.constant 0 : i32
        %dma_start3A_29 = tpu.memref_slice %arg7[%add3A_24, %dma_start3A_28] : memref<10000x64xf32, #tpu.memory_space<vmem_shared>> -> memref<200x64xf32, #tpu.memory_space<vmem_shared>>
        tpu.enqueue_dma source(%dma_start3A_29 : memref<200x64xf32, #tpu.memory_space<vmem_shared>>) target(%arg12 : memref<200x64xf32, #tpu.memory_space<vmem>>) target_semaphore(%run_scoped3A : memref<!tpu.dma_semaphore, #tpu.memory_space<semaphore_mem>>)
        %dma_wait3A = arith.constant 0 : i32
        %dma_wait3A_30 = tpu.memref_slice %arg7[%add3A_24, %dma_wait3A] : memref<10000x64xf32, #tpu.memory_space<vmem_shared>> -> memref<200x64xf32, #tpu.memory_space<vmem_shared>>
        %dma_wait3A_31 = arith.constant 0 : i32
        %dma_wait3A_32 = tpu.memref_slice %arg7[%add3A_24, %dma_wait3A_31] : memref<10000x64xf32, #tpu.memory_space<vmem_shared>> -> memref<200x64xf32, #tpu.memory_space<vmem_shared>>
        tpu.wait_dma2 semaphore(%run_scoped3A : memref<!tpu.dma_semaphore, #tpu.memory_space<semaphore_mem>>) src(%dma_wait3A_32 : memref<200x64xf32, #tpu.memory_space<vmem_shared>>) dst(%arg12 : memref<200x64xf32, #tpu.memory_space<vmem>>)
        tpu.yield
      }) : () -> ()
      "tpu.region"() ({
        %run_scoped3A = tpu.sem_alloc : memref<!tpu.dma_semaphore, #tpu.memory_space<semaphore_mem>>
        %dma_start3A = arith.constant 0 : i32
        %dma_start3A_27 = tpu.memref_slice %arg6[%arg0, %add3A_24, %dma_start3A] : memref<2x10000x64xf32, #tpu.memory_space<hbm>> -> memref<1x200x64xf32, #tpu.memory_space<hbm>>
        %dma_start3A_28 = tpu.memref_squeeze %dma_start3A_27 : memref<1x200x64xf32, #tpu.memory_space<hbm>> -> memref<200x64xf32, #tpu.memory_space<hbm>>
        %dma_start3A_29 = arith.constant 0 : i32
        %dma_start3A_30 = tpu.memref_slice %arg6[%arg0, %add3A_24, %dma_start3A_29] : memref<2x10000x64xf32, #tpu.memory_space<hbm>> -> memref<1x200x64xf32, #tpu.memory_space<hbm>>
        %dma_start3A_31 = tpu.memref_squeeze %dma_start3A_30 : memref<1x200x64xf32, #tpu.memory_space<hbm>> -> memref<200x64xf32, #tpu.memory_space<hbm>>
        tpu.enqueue_dma source(%arg12 : memref<200x64xf32, #tpu.memory_space<vmem>>) target(%dma_start3A_31 : memref<200x64xf32, #tpu.memory_space<hbm>>) target_semaphore(%run_scoped3A : memref<!tpu.dma_semaphore, #tpu.memory_space<semaphore_mem>>)
        %dma_wait3A = arith.constant 0 : i32
        %dma_wait3A_32 = tpu.memref_slice %arg6[%arg0, %add3A_24, %dma_wait3A] : memref<2x10000x64xf32, #tpu.memory_space<hbm>> -> memref<1x200x64xf32, #tpu.memory_space<hbm>>
        %dma_wait3A_33 = tpu.memref_squeeze %dma_wait3A_32 : memref<1x200x64xf32, #tpu.memory_space<hbm>> -> memref<200x64xf32, #tpu.memory_space<hbm>>
        %dma_wait3A_34 = arith.constant 0 : i32
        %dma_wait3A_35 = tpu.memref_slice %arg6[%arg0, %add3A_24, %dma_wait3A_34] : memref<2x10000x64xf32, #tpu.memory_space<hbm>> -> memref<1x200x64xf32, #tpu.memory_space<hbm>>
        %dma_wait3A_36 = tpu.memref_squeeze %dma_wait3A_35 : memref<1x200x64xf32, #tpu.memory_space<hbm>> -> memref<200x64xf32, #tpu.memory_space<hbm>>
        tpu.wait_dma2 semaphore(%run_scoped3A : memref<!tpu.dma_semaphore, #tpu.memory_space<semaphore_mem>>) src(%arg12 : memref<200x64xf32, #tpu.memory_space<vmem>>) dst(%dma_wait3A_36 : memref<200x64xf32, #tpu.memory_space<hbm>>)
        tpu.yield
      }) : () -> ()
      %add3A_25 = arith.constant 800 : i32
      %add3A_26 = arith.addi %mul3A_16, %add3A_25 : i32
      "tpu.region"() ({
        %run_scoped3A = tpu.sem_alloc : memref<!tpu.dma_semaphore, #tpu.memory_space<semaphore_mem>>
        %dma_start3A = arith.constant 0 : i32
        %dma_start3A_27 = tpu.memref_slice %arg7[%add3A_26, %dma_start3A] : memref<10000x64xf32, #tpu.memory_space<vmem_shared>> -> memref<200x64xf32, #tpu.memory_space<vmem_shared>>
        %dma_start3A_28 = arith.constant 0 : i32
        %dma_start3A_29 = tpu.memref_slice %arg7[%add3A_26, %dma_start3A_28] : memref<10000x64xf32, #tpu.memory_space<vmem_shared>> -> memref<200x64xf32, #tpu.memory_space<vmem_shared>>
        tpu.enqueue_dma source(%dma_start3A_29 : memref<200x64xf32, #tpu.memory_space<vmem_shared>>) target(%arg12 : memref<200x64xf32, #tpu.memory_space<vmem>>) target_semaphore(%run_scoped3A : memref<!tpu.dma_semaphore, #tpu.memory_space<semaphore_mem>>)
        %dma_wait3A = arith.constant 0 : i32
        %dma_wait3A_30 = tpu.memref_slice %arg7[%add3A_26, %dma_wait3A] : memref<10000x64xf32, #tpu.memory_space<vmem_shared>> -> memref<200x64xf32, #tpu.memory_space<vmem_shared>>
        %dma_wait3A_31 = arith.constant 0 : i32
        %dma_wait3A_32 = tpu.memref_slice %arg7[%add3A_26, %dma_wait3A_31] : memref<10000x64xf32, #tpu.memory_space<vmem_shared>> -> memref<200x64xf32, #tpu.memory_space<vmem_shared>>
        tpu.wait_dma2 semaphore(%run_scoped3A : memref<!tpu.dma_semaphore, #tpu.memory_space<semaphore_mem>>) src(%dma_wait3A_32 : memref<200x64xf32, #tpu.memory_space<vmem_shared>>) dst(%arg12 : memref<200x64xf32, #tpu.memory_space<vmem>>)
        tpu.yield
      }) : () -> ()
      "tpu.region"() ({
        %run_scoped3A = tpu.sem_alloc : memref<!tpu.dma_semaphore, #tpu.memory_space<semaphore_mem>>
        %dma_start3A = arith.constant 0 : i32
        %dma_start3A_27 = tpu.memref_slice %arg6[%arg0, %add3A_26, %dma_start3A] : memref<2x10000x64xf32, #tpu.memory_space<hbm>> -> memref<1x200x64xf32, #tpu.memory_space<hbm>>
        %dma_start3A_28 = tpu.memref_squeeze %dma_start3A_27 : memref<1x200x64xf32, #tpu.memory_space<hbm>> -> memref<200x64xf32, #tpu.memory_space<hbm>>
        %dma_start3A_29 = arith.constant 0 : i32
        %dma_start3A_30 = tpu.memref_slice %arg6[%arg0, %add3A_26, %dma_start3A_29] : memref<2x10000x64xf32, #tpu.memory_space<hbm>> -> memref<1x200x64xf32, #tpu.memory_space<hbm>>
        %dma_start3A_31 = tpu.memref_squeeze %dma_start3A_30 : memref<1x200x64xf32, #tpu.memory_space<hbm>> -> memref<200x64xf32, #tpu.memory_space<hbm>>
        tpu.enqueue_dma source(%arg12 : memref<200x64xf32, #tpu.memory_space<vmem>>) target(%dma_start3A_31 : memref<200x64xf32, #tpu.memory_space<hbm>>) target_semaphore(%run_scoped3A : memref<!tpu.dma_semaphore, #tpu.memory_space<semaphore_mem>>)
        %dma_wait3A = arith.constant 0 : i32
        %dma_wait3A_32 = tpu.memref_slice %arg6[%arg0, %add3A_26, %dma_wait3A] : memref<2x10000x64xf32, #tpu.memory_space<hbm>> -> memref<1x200x64xf32, #tpu.memory_space<hbm>>
        %dma_wait3A_33 = tpu.memref_squeeze %dma_wait3A_32 : memref<1x200x64xf32, #tpu.memory_space<hbm>> -> memref<200x64xf32, #tpu.memory_space<hbm>>
        %dma_wait3A_34 = arith.constant 0 : i32
        %dma_wait3A_35 = tpu.memref_slice %arg6[%arg0, %add3A_26, %dma_wait3A_34] : memref<2x10000x64xf32, #tpu.memory_space<hbm>> -> memref<1x200x64xf32, #tpu.memory_space<hbm>>
        %dma_wait3A_36 = tpu.memref_squeeze %dma_wait3A_35 : memref<1x200x64xf32, #tpu.memory_space<hbm>> -> memref<200x64xf32, #tpu.memory_space<hbm>>
        tpu.wait_dma2 semaphore(%run_scoped3A : memref<!tpu.dma_semaphore, #tpu.memory_space<semaphore_mem>>) src(%arg12 : memref<200x64xf32, #tpu.memory_space<vmem>>) dst(%dma_wait3A_36 : memref<200x64xf32, #tpu.memory_space<hbm>>)
        tpu.yield
      }) : () -> ()
    } else {
    }
    return
  }
}

#map = affine_map<(d0, d1) -> (0, 0)>
#map1 = affine_map<(d0, d1) -> (0)>
#map2 = affine_map<(d0, d1) -> (0, 0, 0)>
module attributes {stable_mosaic.version = 14 : i64} {
  func.func @_sc_agg(%arg0: i32, %arg1: i32, %arg2: memref<10000x128xf32, #tpu.memory_space<hbm>>, %arg3: memref<320000xi32, #tpu.memory_space<hbm>>, %arg4: memref<320000xi32, #tpu.memory_space<hbm>>, %arg5: memref<320000xf32, #tpu.memory_space<hbm>>, %arg6: memref<2x10000x128xf32, #tpu.memory_space<hbm>>, %arg7: memref<10000x128xf32, #tpu.memory_space<vmem_shared>>, %arg8: memref<80xi32, #tpu.memory_space<vmem>>, %arg9: memref<80xi32, #tpu.memory_space<vmem>>, %arg10: memref<80xf32, #tpu.memory_space<vmem>>, %arg11: memref<80x128xf32, #tpu.memory_space<vmem>>, %arg12: memref<200x128xf32, #tpu.memory_space<vmem>>, %arg13: memref<!tpu.dma_semaphore, #tpu.memory_space<semaphore_mem>>) attributes {dimension_semantics = [#tpu.dimension_semantics<core_parallel>, #tpu.dimension_semantics<subcore_parallel>], iteration_bounds = array<i64: 2, 16>, scalar_prefetch = 0 : i64, scratch_operands = 7 : i64, tpu.core_type = #tpu.core_type<sc_vector_subcore>, window_params = [{transform_indices = #map}, {transform_indices = #map1}, {transform_indices = #map1}, {transform_indices = #map1}, {transform_indices = #map2}]} {
    %mul3A = arith.constant 2 : i32
    %mul3A_0 = arith.muli %arg1, %mul3A : i32
    %add3A = arith.addi %mul3A_0, %arg0 : i32
    %lt3A = arith.constant 10 : i32
    %lt3A_1 = arith.cmpi slt, %arg1, %lt3A : i32
    %convert_element_type3A = arith.extui %lt3A_1 : i1 to i32
    %cond3A = arith.constant 0 : i32
    %cond3A_2 = arith.cmpi ne, %convert_element_type3A, %cond3A : i32
    scf.if %cond3A_2 {
      %broadcast_in_dim3A = arith.constant 0.000000e+00 : f32
      %broadcast_in_dim3A_15 = vector.broadcast %broadcast_in_dim3A : f32 to vector<16xf32>
      %scan3A_16 = arith.constant 0 : i32
      %scan3A_17 = arith.constant 0 : i32
      %scan3A_18 = arith.constant 200 : i32
      %scan3A_19 = arith.addi %scan3A_17, %scan3A_18 : i32
      %scan3A_20 = arith.constant 1 : i32
      %scan3A_21 = scf.for %scan3A_35 = %scan3A_17 to %scan3A_19 step %scan3A_20 iter_args(%scan3A_36 = %scan3A_16) -> (i32)  : i32 {
        %swap3A = arith.index_cast %scan3A_35 : i32 to index
        %swap3A_37 = arith.constant 0 : index
        %swap3A_38 = tpu.vector_load %arg12[%swap3A, %swap3A_37] {strides = array<i32>} : memref<200x128xf32, #tpu.memory_space<vmem>>, vector<1x16xf32>,
        %swap3A_39 = vector.shape_cast %swap3A_38 : vector<1x16xf32> to vector<16xf32>
        %swap3A_40 = vector.shape_cast %broadcast_in_dim3A_15 : vector<16xf32> to vector<1x16xf32>
        tpu.vector_store %arg12[%swap3A, %swap3A_37], %swap3A_40 {strides = array<i32>} : memref<200x128xf32, #tpu.memory_space<vmem>>, vector<1x16xf32>,
        %swap3A_41 = arith.index_cast %scan3A_35 : i32 to index
        %swap3A_42 = arith.constant 16 : index
        %swap3A_43 = tpu.vector_load %arg12[%swap3A_41, %swap3A_42] {strides = array<i32>} : memref<200x128xf32, #tpu.memory_space<vmem>>, vector<1x16xf32>,
        %swap3A_44 = vector.shape_cast %swap3A_43 : vector<1x16xf32> to vector<16xf32>
        %swap3A_45 = vector.shape_cast %broadcast_in_dim3A_15 : vector<16xf32> to vector<1x16xf32>
        tpu.vector_store %arg12[%swap3A_41, %swap3A_42], %swap3A_45 {strides = array<i32>} : memref<200x128xf32, #tpu.memory_space<vmem>>, vector<1x16xf32>,
        %swap3A_46 = arith.index_cast %scan3A_35 : i32 to index
        %swap3A_47 = arith.constant 32 : index
        %swap3A_48 = tpu.vector_load %arg12[%swap3A_46, %swap3A_47] {strides = array<i32>} : memref<200x128xf32, #tpu.memory_space<vmem>>, vector<1x16xf32>,
        %swap3A_49 = vector.shape_cast %swap3A_48 : vector<1x16xf32> to vector<16xf32>
        %swap3A_50 = vector.shape_cast %broadcast_in_dim3A_15 : vector<16xf32> to vector<1x16xf32>
        tpu.vector_store %arg12[%swap3A_46, %swap3A_47], %swap3A_50 {strides = array<i32>} : memref<200x128xf32, #tpu.memory_space<vmem>>, vector<1x16xf32>,
        %swap3A_51 = arith.index_cast %scan3A_35 : i32 to index
        %swap3A_52 = arith.constant 48 : index
        %swap3A_53 = tpu.vector_load %arg12[%swap3A_51, %swap3A_52] {strides = array<i32>} : memref<200x128xf32, #tpu.memory_space<vmem>>, vector<1x16xf32>,
        %swap3A_54 = vector.shape_cast %swap3A_53 : vector<1x16xf32> to vector<16xf32>
        %swap3A_55 = vector.shape_cast %broadcast_in_dim3A_15 : vector<16xf32> to vector<1x16xf32>
        tpu.vector_store %arg12[%swap3A_51, %swap3A_52], %swap3A_55 {strides = array<i32>} : memref<200x128xf32, #tpu.memory_space<vmem>>, vector<1x16xf32>,
        %swap3A_56 = arith.index_cast %scan3A_35 : i32 to index
        %swap3A_57 = arith.constant 64 : index
        %swap3A_58 = tpu.vector_load %arg12[%swap3A_56, %swap3A_57] {strides = array<i32>} : memref<200x128xf32, #tpu.memory_space<vmem>>, vector<1x16xf32>,
        %swap3A_59 = vector.shape_cast %swap3A_58 : vector<1x16xf32> to vector<16xf32>
        %swap3A_60 = vector.shape_cast %broadcast_in_dim3A_15 : vector<16xf32> to vector<1x16xf32>
        tpu.vector_store %arg12[%swap3A_56, %swap3A_57], %swap3A_60 {strides = array<i32>} : memref<200x128xf32, #tpu.memory_space<vmem>>, vector<1x16xf32>,
        %swap3A_61 = arith.index_cast %scan3A_35 : i32 to index
        %swap3A_62 = arith.constant 80 : index
        %swap3A_63 = tpu.vector_load %arg12[%swap3A_61, %swap3A_62] {strides = array<i32>} : memref<200x128xf32, #tpu.memory_space<vmem>>, vector<1x16xf32>,
        %swap3A_64 = vector.shape_cast %swap3A_63 : vector<1x16xf32> to vector<16xf32>
        %swap3A_65 = vector.shape_cast %broadcast_in_dim3A_15 : vector<16xf32> to vector<1x16xf32>
        tpu.vector_store %arg12[%swap3A_61, %swap3A_62], %swap3A_65 {strides = array<i32>} : memref<200x128xf32, #tpu.memory_space<vmem>>, vector<1x16xf32>,
        %swap3A_66 = arith.index_cast %scan3A_35 : i32 to index
        %swap3A_67 = arith.constant 96 : index
        %swap3A_68 = tpu.vector_load %arg12[%swap3A_66, %swap3A_67] {strides = array<i32>} : memref<200x128xf32, #tpu.memory_space<vmem>>, vector<1x16xf32>,
        %swap3A_69 = vector.shape_cast %swap3A_68 : vector<1x16xf32> to vector<16xf32>
        %swap3A_70 = vector.shape_cast %broadcast_in_dim3A_15 : vector<16xf32> to vector<1x16xf32>
        tpu.vector_store %arg12[%swap3A_66, %swap3A_67], %swap3A_70 {strides = array<i32>} : memref<200x128xf32, #tpu.memory_space<vmem>>, vector<1x16xf32>,
        %swap3A_71 = arith.index_cast %scan3A_35 : i32 to index
        %swap3A_72 = arith.constant 112 : index
        %swap3A_73 = tpu.vector_load %arg12[%swap3A_71, %swap3A_72] {strides = array<i32>} : memref<200x128xf32, #tpu.memory_space<vmem>>, vector<1x16xf32>,
        %swap3A_74 = vector.shape_cast %swap3A_73 : vector<1x16xf32> to vector<16xf32>
        %swap3A_75 = vector.shape_cast %broadcast_in_dim3A_15 : vector<16xf32> to vector<1x16xf32>
        tpu.vector_store %arg12[%swap3A_71, %swap3A_72], %swap3A_75 {strides = array<i32>} : memref<200x128xf32, #tpu.memory_space<vmem>>, vector<1x16xf32>,
        %scan3A_76 = arith.constant 0 : i32
        scf.yield %scan3A_76 : i32
      }
      %scan3A_22 = arith.constant 200 : i32
      %mul3A_23 = arith.constant 1000 : i32
      %mul3A_24 = arith.muli %arg1, %mul3A_23 : i32
      %add3A_25 = arith.constant 0 : i32
      %add3A_26 = arith.addi %mul3A_24, %add3A_25 : i32
      "tpu.region"() ({
        %run_scoped3A = tpu.sem_alloc : memref<!tpu.dma_semaphore, #tpu.memory_space<semaphore_mem>>
        %dma_start3A = arith.constant 0 : i32
        %dma_start3A_35 = tpu.memref_slice %arg7[%add3A_26, %dma_start3A] : memref<10000x128xf32, #tpu.memory_space<vmem_shared>> -> memref<200x128xf32, #tpu.memory_space<vmem_shared>>
        %dma_start3A_36 = arith.constant 0 : i32
        %dma_start3A_37 = tpu.memref_slice %arg7[%add3A_26, %dma_start3A_36] : memref<10000x128xf32, #tpu.memory_space<vmem_shared>> -> memref<200x128xf32, #tpu.memory_space<vmem_shared>>
        tpu.enqueue_dma source(%arg12 : memref<200x128xf32, #tpu.memory_space<vmem>>) target(%dma_start3A_37 : memref<200x128xf32, #tpu.memory_space<vmem_shared>>) target_semaphore(%run_scoped3A : memref<!tpu.dma_semaphore, #tpu.memory_space<semaphore_mem>>)
        %dma_wait3A = arith.constant 0 : i32
        %dma_wait3A_38 = tpu.memref_slice %arg7[%add3A_26, %dma_wait3A] : memref<10000x128xf32, #tpu.memory_space<vmem_shared>> -> memref<200x128xf32, #tpu.memory_space<vmem_shared>>
        %dma_wait3A_39 = arith.constant 0 : i32
        %dma_wait3A_40 = tpu.memref_slice %arg7[%add3A_26, %dma_wait3A_39] : memref<10000x128xf32, #tpu.memory_space<vmem_shared>> -> memref<200x128xf32, #tpu.memory_space<vmem_shared>>
        tpu.wait_dma2 semaphore(%run_scoped3A : memref<!tpu.dma_semaphore, #tpu.memory_space<semaphore_mem>>) src(%arg12 : memref<200x128xf32, #tpu.memory_space<vmem>>) dst(%dma_wait3A_40 : memref<200x128xf32, #tpu.memory_space<vmem_shared>>)
        tpu.yield
      }) : () -> ()
      %add3A_27 = arith.constant 200 : i32
      %add3A_28 = arith.addi %mul3A_24, %add3A_27 : i32
      "tpu.region"() ({
        %run_scoped3A = tpu.sem_alloc : memref<!tpu.dma_semaphore, #tpu.memory_space<semaphore_mem>>
        %dma_start3A = arith.constant 0 : i32
        %dma_start3A_35 = tpu.memref_slice %arg7[%add3A_28, %dma_start3A] : memref<10000x128xf32, #tpu.memory_space<vmem_shared>> -> memref<200x128xf32, #tpu.memory_space<vmem_shared>>
        %dma_start3A_36 = arith.constant 0 : i32
        %dma_start3A_37 = tpu.memref_slice %arg7[%add3A_28, %dma_start3A_36] : memref<10000x128xf32, #tpu.memory_space<vmem_shared>> -> memref<200x128xf32, #tpu.memory_space<vmem_shared>>
        tpu.enqueue_dma source(%arg12 : memref<200x128xf32, #tpu.memory_space<vmem>>) target(%dma_start3A_37 : memref<200x128xf32, #tpu.memory_space<vmem_shared>>) target_semaphore(%run_scoped3A : memref<!tpu.dma_semaphore, #tpu.memory_space<semaphore_mem>>)
        %dma_wait3A = arith.constant 0 : i32
        %dma_wait3A_38 = tpu.memref_slice %arg7[%add3A_28, %dma_wait3A] : memref<10000x128xf32, #tpu.memory_space<vmem_shared>> -> memref<200x128xf32, #tpu.memory_space<vmem_shared>>
        %dma_wait3A_39 = arith.constant 0 : i32
        %dma_wait3A_40 = tpu.memref_slice %arg7[%add3A_28, %dma_wait3A_39] : memref<10000x128xf32, #tpu.memory_space<vmem_shared>> -> memref<200x128xf32, #tpu.memory_space<vmem_shared>>
        tpu.wait_dma2 semaphore(%run_scoped3A : memref<!tpu.dma_semaphore, #tpu.memory_space<semaphore_mem>>) src(%arg12 : memref<200x128xf32, #tpu.memory_space<vmem>>) dst(%dma_wait3A_40 : memref<200x128xf32, #tpu.memory_space<vmem_shared>>)
        tpu.yield
      }) : () -> ()
      %add3A_29 = arith.constant 400 : i32
      %add3A_30 = arith.addi %mul3A_24, %add3A_29 : i32
      "tpu.region"() ({
        %run_scoped3A = tpu.sem_alloc : memref<!tpu.dma_semaphore, #tpu.memory_space<semaphore_mem>>
        %dma_start3A = arith.constant 0 : i32
        %dma_start3A_35 = tpu.memref_slice %arg7[%add3A_30, %dma_start3A] : memref<10000x128xf32, #tpu.memory_space<vmem_shared>> -> memref<200x128xf32, #tpu.memory_space<vmem_shared>>
        %dma_start3A_36 = arith.constant 0 : i32
        %dma_start3A_37 = tpu.memref_slice %arg7[%add3A_30, %dma_start3A_36] : memref<10000x128xf32, #tpu.memory_space<vmem_shared>> -> memref<200x128xf32, #tpu.memory_space<vmem_shared>>
        tpu.enqueue_dma source(%arg12 : memref<200x128xf32, #tpu.memory_space<vmem>>) target(%dma_start3A_37 : memref<200x128xf32, #tpu.memory_space<vmem_shared>>) target_semaphore(%run_scoped3A : memref<!tpu.dma_semaphore, #tpu.memory_space<semaphore_mem>>)
        %dma_wait3A = arith.constant 0 : i32
        %dma_wait3A_38 = tpu.memref_slice %arg7[%add3A_30, %dma_wait3A] : memref<10000x128xf32, #tpu.memory_space<vmem_shared>> -> memref<200x128xf32, #tpu.memory_space<vmem_shared>>
        %dma_wait3A_39 = arith.constant 0 : i32
        %dma_wait3A_40 = tpu.memref_slice %arg7[%add3A_30, %dma_wait3A_39] : memref<10000x128xf32, #tpu.memory_space<vmem_shared>> -> memref<200x128xf32, #tpu.memory_space<vmem_shared>>
        tpu.wait_dma2 semaphore(%run_scoped3A : memref<!tpu.dma_semaphore, #tpu.memory_space<semaphore_mem>>) src(%arg12 : memref<200x128xf32, #tpu.memory_space<vmem>>) dst(%dma_wait3A_40 : memref<200x128xf32, #tpu.memory_space<vmem_shared>>)
        tpu.yield
      }) : () -> ()
      %add3A_31 = arith.constant 600 : i32
      %add3A_32 = arith.addi %mul3A_24, %add3A_31 : i32
      "tpu.region"() ({
        %run_scoped3A = tpu.sem_alloc : memref<!tpu.dma_semaphore, #tpu.memory_space<semaphore_mem>>
        %dma_start3A = arith.constant 0 : i32
        %dma_start3A_35 = tpu.memref_slice %arg7[%add3A_32, %dma_start3A] : memref<10000x128xf32, #tpu.memory_space<vmem_shared>> -> memref<200x128xf32, #tpu.memory_space<vmem_shared>>
        %dma_start3A_36 = arith.constant 0 : i32
        %dma_start3A_37 = tpu.memref_slice %arg7[%add3A_32, %dma_start3A_36] : memref<10000x128xf32, #tpu.memory_space<vmem_shared>> -> memref<200x128xf32, #tpu.memory_space<vmem_shared>>
        tpu.enqueue_dma source(%arg12 : memref<200x128xf32, #tpu.memory_space<vmem>>) target(%dma_start3A_37 : memref<200x128xf32, #tpu.memory_space<vmem_shared>>) target_semaphore(%run_scoped3A : memref<!tpu.dma_semaphore, #tpu.memory_space<semaphore_mem>>)
        %dma_wait3A = arith.constant 0 : i32
        %dma_wait3A_38 = tpu.memref_slice %arg7[%add3A_32, %dma_wait3A] : memref<10000x128xf32, #tpu.memory_space<vmem_shared>> -> memref<200x128xf32, #tpu.memory_space<vmem_shared>>
        %dma_wait3A_39 = arith.constant 0 : i32
        %dma_wait3A_40 = tpu.memref_slice %arg7[%add3A_32, %dma_wait3A_39] : memref<10000x128xf32, #tpu.memory_space<vmem_shared>> -> memref<200x128xf32, #tpu.memory_space<vmem_shared>>
        tpu.wait_dma2 semaphore(%run_scoped3A : memref<!tpu.dma_semaphore, #tpu.memory_space<semaphore_mem>>) src(%arg12 : memref<200x128xf32, #tpu.memory_space<vmem>>) dst(%dma_wait3A_40 : memref<200x128xf32, #tpu.memory_space<vmem_shared>>)
        tpu.yield
      }) : () -> ()
      %add3A_33 = arith.constant 800 : i32
      %add3A_34 = arith.addi %mul3A_24, %add3A_33 : i32
      "tpu.region"() ({
        %run_scoped3A = tpu.sem_alloc : memref<!tpu.dma_semaphore, #tpu.memory_space<semaphore_mem>>
        %dma_start3A = arith.constant 0 : i32
        %dma_start3A_35 = tpu.memref_slice %arg7[%add3A_34, %dma_start3A] : memref<10000x128xf32, #tpu.memory_space<vmem_shared>> -> memref<200x128xf32, #tpu.memory_space<vmem_shared>>
        %dma_start3A_36 = arith.constant 0 : i32
        %dma_start3A_37 = tpu.memref_slice %arg7[%add3A_34, %dma_start3A_36] : memref<10000x128xf32, #tpu.memory_space<vmem_shared>> -> memref<200x128xf32, #tpu.memory_space<vmem_shared>>
        tpu.enqueue_dma source(%arg12 : memref<200x128xf32, #tpu.memory_space<vmem>>) target(%dma_start3A_37 : memref<200x128xf32, #tpu.memory_space<vmem_shared>>) target_semaphore(%run_scoped3A : memref<!tpu.dma_semaphore, #tpu.memory_space<semaphore_mem>>)
        %dma_wait3A = arith.constant 0 : i32
        %dma_wait3A_38 = tpu.memref_slice %arg7[%add3A_34, %dma_wait3A] : memref<10000x128xf32, #tpu.memory_space<vmem_shared>> -> memref<200x128xf32, #tpu.memory_space<vmem_shared>>
        %dma_wait3A_39 = arith.constant 0 : i32
        %dma_wait3A_40 = tpu.memref_slice %arg7[%add3A_34, %dma_wait3A_39] : memref<10000x128xf32, #tpu.memory_space<vmem_shared>> -> memref<200x128xf32, #tpu.memory_space<vmem_shared>>
        tpu.wait_dma2 semaphore(%run_scoped3A : memref<!tpu.dma_semaphore, #tpu.memory_space<semaphore_mem>>) src(%arg12 : memref<200x128xf32, #tpu.memory_space<vmem>>) dst(%dma_wait3A_40 : memref<200x128xf32, #tpu.memory_space<vmem_shared>>)
        tpu.yield
      }) : () -> ()
    } else {
    }
    %barrier3A = arith.constant 0 : index
    tpu.barrier barrier_id(%barrier3A)
    %scan3A = arith.constant 0 : i32
    %scan3A_3 = arith.constant 0 : i32
    %scan3A_4 = arith.constant 125 : i32
    %scan3A_5 = arith.addi %scan3A_3, %scan3A_4 : i32
    %scan3A_6 = arith.constant 1 : i32
    %scan3A_7 = scf.for %scan3A_15 = %scan3A_3 to %scan3A_5 step %scan3A_6 iter_args(%scan3A_16 = %scan3A) -> (i32)  : i32 {
      %mul3A_17 = arith.constant 10000 : i32
      %mul3A_18 = arith.muli %add3A, %mul3A_17 : i32
      %mul3A_19 = arith.constant 80 : i32
      %mul3A_20 = arith.muli %scan3A_15, %mul3A_19 : i32
      %add3A_21 = arith.addi %mul3A_18, %mul3A_20 : i32
      %multiple_of3A = tpu.assume_multiple %add3A_21, 8 : i32
      "tpu.region"() ({
        %run_scoped3A = tpu.sem_alloc : memref<!tpu.dma_semaphore, #tpu.memory_space<semaphore_mem>>
        %dma_start3A_34 = tpu.memref_slice %arg3[%multiple_of3A] : memref<320000xi32, #tpu.memory_space<hbm>> -> memref<80xi32, #tpu.memory_space<hbm>>
        %dma_start3A_35 = tpu.memref_slice %arg3[%multiple_of3A] : memref<320000xi32, #tpu.memory_space<hbm>> -> memref<80xi32, #tpu.memory_space<hbm>>
        tpu.enqueue_dma source(%dma_start3A_35 : memref<80xi32, #tpu.memory_space<hbm>>) target(%arg8 : memref<80xi32, #tpu.memory_space<vmem>>) target_semaphore(%run_scoped3A : memref<!tpu.dma_semaphore, #tpu.memory_space<semaphore_mem>>)
        %dma_wait3A_36 = tpu.memref_slice %arg3[%multiple_of3A] : memref<320000xi32, #tpu.memory_space<hbm>> -> memref<80xi32, #tpu.memory_space<hbm>>
        %dma_wait3A_37 = tpu.memref_slice %arg3[%multiple_of3A] : memref<320000xi32, #tpu.memory_space<hbm>> -> memref<80xi32, #tpu.memory_space<hbm>>
        tpu.wait_dma2 semaphore(%run_scoped3A : memref<!tpu.dma_semaphore, #tpu.memory_space<semaphore_mem>>) src(%dma_wait3A_37 : memref<80xi32, #tpu.memory_space<hbm>>) dst(%arg8 : memref<80xi32, #tpu.memory_space<vmem>>)
        tpu.yield
      }) : () -> ()
      "tpu.region"() ({
        %run_scoped3A = tpu.sem_alloc : memref<!tpu.dma_semaphore, #tpu.memory_space<semaphore_mem>>
        %dma_start3A_34 = tpu.memref_slice %arg5[%multiple_of3A] : memref<320000xf32, #tpu.memory_space<hbm>> -> memref<80xf32, #tpu.memory_space<hbm>>
        %dma_start3A_35 = tpu.memref_slice %arg5[%multiple_of3A] : memref<320000xf32, #tpu.memory_space<hbm>> -> memref<80xf32, #tpu.memory_space<hbm>>
        tpu.enqueue_dma source(%dma_start3A_35 : memref<80xf32, #tpu.memory_space<hbm>>) target(%arg10 : memref<80xf32, #tpu.memory_space<vmem>>) target_semaphore(%run_scoped3A : memref<!tpu.dma_semaphore, #tpu.memory_space<semaphore_mem>>)
        %dma_wait3A_36 = tpu.memref_slice %arg5[%multiple_of3A] : memref<320000xf32, #tpu.memory_space<hbm>> -> memref<80xf32, #tpu.memory_space<hbm>>
        %dma_wait3A_37 = tpu.memref_slice %arg5[%multiple_of3A] : memref<320000xf32, #tpu.memory_space<hbm>> -> memref<80xf32, #tpu.memory_space<hbm>>
        tpu.wait_dma2 semaphore(%run_scoped3A : memref<!tpu.dma_semaphore, #tpu.memory_space<semaphore_mem>>) src(%dma_wait3A_37 : memref<80xf32, #tpu.memory_space<hbm>>) dst(%arg10 : memref<80xf32, #tpu.memory_space<vmem>>)
        tpu.yield
      }) : () -> ()
      %dma_start3A = arith.constant 0 : i32
      %dma_start3A_22 = arith.constant 0 : i32
      %dma_start3A_23 = tpu.memref_slice %arg2[%dma_start3A, %dma_start3A_22] : memref<10000x128xf32, #tpu.memory_space<hbm>> -> memref<10000x128xf32, #tpu.memory_space<hbm>>
      tpu.enqueue_indirect_dma source(%dma_start3A_23 : memref<10000x128xf32, #tpu.memory_space<hbm>>) target(%arg11 : memref<80x128xf32, #tpu.memory_space<vmem>>) offsets(%arg8 : memref<80xi32, #tpu.memory_space<vmem>>) semaphore(%arg13 : memref<!tpu.dma_semaphore, #tpu.memory_space<semaphore_mem>>)
      %dma_wait3A = arith.constant 0 : i32
      %dma_wait3A_24 = arith.constant 0 : i32
      %dma_wait3A_25 = tpu.memref_slice %arg2[%dma_wait3A, %dma_wait3A_24] : memref<10000x128xf32, #tpu.memory_space<hbm>> -> memref<10000x128xf32, #tpu.memory_space<hbm>>
      tpu.wait_indirect_dma semaphore(%arg13 : memref<!tpu.dma_semaphore, #tpu.memory_space<semaphore_mem>>) src(%dma_wait3A_25 : memref<10000x128xf32, #tpu.memory_space<hbm>>) dst(%arg11 : memref<80x128xf32, #tpu.memory_space<vmem>>)
      %scan3A_26 = arith.constant 0 : i32
      %scan3A_27 = arith.constant 0 : i32
      %scan3A_28 = arith.constant 5 : i32
      %scan3A_29 = arith.addi %scan3A_27, %scan3A_28 : i32
      %scan3A_30 = arith.constant 1 : i32
      %scan3A_31 = scf.for %scan3A_34 = %scan3A_27 to %scan3A_29 step %scan3A_30 iter_args(%scan3A_35 = %scan3A_26) -> (i32)  : i32 {
        %mul3A_36 = arith.constant 16 : i32
        %mul3A_37 = arith.muli %scan3A_34, %mul3A_36 : i32
        %get3A = arith.index_cast %mul3A_37 : i32 to index
        %get3A_38 = tpu.vector_load %arg10[%get3A] {strides = array<i32>} : memref<80xf32, #tpu.memory_space<vmem>>, vector<16xf32>,
        %get3A_39 = vector.shape_cast %get3A_38 : vector<16xf32> to vector<16xf32>
        %slice3A = vector.extract_strided_slice %get3A_39 {offsets = [0], sizes = [1], strides = [1]} : vector<16xf32> to vector<1xf32>
        %squeeze3A = vector.extract %slice3A[0] : f32 from vector<1xf32>
        %mul3A_40 = arith.constant 16 : i32
        %mul3A_41 = arith.muli %scan3A_34, %mul3A_40 : i32
        %add3A_42 = arith.constant 0 : i32
        %add3A_43 = arith.addi %mul3A_41, %add3A_42 : i32
        %get3A_44 = arith.index_cast %add3A_43 : i32 to index
        %get3A_45 = arith.constant 0 : index
        %get3A_46 = tpu.vector_load %arg11[%get3A_44, %get3A_45] {strides = array<i32>} : memref<80x128xf32, #tpu.memory_space<vmem>>, vector<1x16xf32>,
        %get3A_47 = vector.shape_cast %get3A_46 : vector<1x16xf32> to vector<16xf32>
        %mul3A_48 = vector.broadcast %squeeze3A : f32 to vector<16xf32>
        %mul3A_49 = arith.mulf %get3A_47, %mul3A_48 : vector<16xf32>
        %swap3A = arith.index_cast %add3A_43 : i32 to index
        %swap3A_50 = arith.constant 0 : index
        %swap3A_51 = tpu.vector_load %arg11[%swap3A, %swap3A_50] {strides = array<i32>} : memref<80x128xf32, #tpu.memory_space<vmem>>, vector<1x16xf32>,
        %swap3A_52 = vector.shape_cast %swap3A_51 : vector<1x16xf32> to vector<16xf32>
        %swap3A_53 = vector.shape_cast %mul3A_49 : vector<16xf32> to vector<1x16xf32>
        tpu.vector_store %arg11[%swap3A, %swap3A_50], %swap3A_53 {strides = array<i32>} : memref<80x128xf32, #tpu.memory_space<vmem>>, vector<1x16xf32>,
        %get3A_54 = arith.index_cast %add3A_43 : i32 to index
        %get3A_55 = arith.constant 16 : index
        %get3A_56 = tpu.vector_load %arg11[%get3A_54, %get3A_55] {strides = array<i32>} : memref<80x128xf32, #tpu.memory_space<vmem>>, vector<1x16xf32>,
        %get3A_57 = vector.shape_cast %get3A_56 : vector<1x16xf32> to vector<16xf32>
        %mul3A_58 = vector.broadcast %squeeze3A : f32 to vector<16xf32>
        %mul3A_59 = arith.mulf %get3A_57, %mul3A_58 : vector<16xf32>
        %swap3A_60 = arith.index_cast %add3A_43 : i32 to index
        %swap3A_61 = arith.constant 16 : index
        %swap3A_62 = tpu.vector_load %arg11[%swap3A_60, %swap3A_61] {strides = array<i32>} : memref<80x128xf32, #tpu.memory_space<vmem>>, vector<1x16xf32>,
        %swap3A_63 = vector.shape_cast %swap3A_62 : vector<1x16xf32> to vector<16xf32>
        %swap3A_64 = vector.shape_cast %mul3A_59 : vector<16xf32> to vector<1x16xf32>
        tpu.vector_store %arg11[%swap3A_60, %swap3A_61], %swap3A_64 {strides = array<i32>} : memref<80x128xf32, #tpu.memory_space<vmem>>, vector<1x16xf32>,
        %get3A_65 = arith.index_cast %add3A_43 : i32 to index
        %get3A_66 = arith.constant 32 : index
        %get3A_67 = tpu.vector_load %arg11[%get3A_65, %get3A_66] {strides = array<i32>} : memref<80x128xf32, #tpu.memory_space<vmem>>, vector<1x16xf32>,
        %get3A_68 = vector.shape_cast %get3A_67 : vector<1x16xf32> to vector<16xf32>
        %mul3A_69 = vector.broadcast %squeeze3A : f32 to vector<16xf32>
        %mul3A_70 = arith.mulf %get3A_68, %mul3A_69 : vector<16xf32>
        %swap3A_71 = arith.index_cast %add3A_43 : i32 to index
        %swap3A_72 = arith.constant 32 : index
        %swap3A_73 = tpu.vector_load %arg11[%swap3A_71, %swap3A_72] {strides = array<i32>} : memref<80x128xf32, #tpu.memory_space<vmem>>, vector<1x16xf32>,
        %swap3A_74 = vector.shape_cast %swap3A_73 : vector<1x16xf32> to vector<16xf32>
        %swap3A_75 = vector.shape_cast %mul3A_70 : vector<16xf32> to vector<1x16xf32>
        tpu.vector_store %arg11[%swap3A_71, %swap3A_72], %swap3A_75 {strides = array<i32>} : memref<80x128xf32, #tpu.memory_space<vmem>>, vector<1x16xf32>,
        %get3A_76 = arith.index_cast %add3A_43 : i32 to index
        %get3A_77 = arith.constant 48 : index
        %get3A_78 = tpu.vector_load %arg11[%get3A_76, %get3A_77] {strides = array<i32>} : memref<80x128xf32, #tpu.memory_space<vmem>>, vector<1x16xf32>,
        %get3A_79 = vector.shape_cast %get3A_78 : vector<1x16xf32> to vector<16xf32>
        %mul3A_80 = vector.broadcast %squeeze3A : f32 to vector<16xf32>
        %mul3A_81 = arith.mulf %get3A_79, %mul3A_80 : vector<16xf32>
        %swap3A_82 = arith.index_cast %add3A_43 : i32 to index
        %swap3A_83 = arith.constant 48 : index
        %swap3A_84 = tpu.vector_load %arg11[%swap3A_82, %swap3A_83] {strides = array<i32>} : memref<80x128xf32, #tpu.memory_space<vmem>>, vector<1x16xf32>,
        %swap3A_85 = vector.shape_cast %swap3A_84 : vector<1x16xf32> to vector<16xf32>
        %swap3A_86 = vector.shape_cast %mul3A_81 : vector<16xf32> to vector<1x16xf32>
        tpu.vector_store %arg11[%swap3A_82, %swap3A_83], %swap3A_86 {strides = array<i32>} : memref<80x128xf32, #tpu.memory_space<vmem>>, vector<1x16xf32>,
        %get3A_87 = arith.index_cast %add3A_43 : i32 to index
        %get3A_88 = arith.constant 64 : index
        %get3A_89 = tpu.vector_load %arg11[%get3A_87, %get3A_88] {strides = array<i32>} : memref<80x128xf32, #tpu.memory_space<vmem>>, vector<1x16xf32>,
        %get3A_90 = vector.shape_cast %get3A_89 : vector<1x16xf32> to vector<16xf32>
        %mul3A_91 = vector.broadcast %squeeze3A : f32 to vector<16xf32>
        %mul3A_92 = arith.mulf %get3A_90, %mul3A_91 : vector<16xf32>
        %swap3A_93 = arith.index_cast %add3A_43 : i32 to index
        %swap3A_94 = arith.constant 64 : index
        %swap3A_95 = tpu.vector_load %arg11[%swap3A_93, %swap3A_94] {strides = array<i32>} : memref<80x128xf32, #tpu.memory_space<vmem>>, vector<1x16xf32>,
        %swap3A_96 = vector.shape_cast %swap3A_95 : vector<1x16xf32> to vector<16xf32>
        %swap3A_97 = vector.shape_cast %mul3A_92 : vector<16xf32> to vector<1x16xf32>
        tpu.vector_store %arg11[%swap3A_93, %swap3A_94], %swap3A_97 {strides = array<i32>} : memref<80x128xf32, #tpu.memory_space<vmem>>, vector<1x16xf32>,
        %get3A_98 = arith.index_cast %add3A_43 : i32 to index
        %get3A_99 = arith.constant 80 : index
        %get3A_100 = tpu.vector_load %arg11[%get3A_98, %get3A_99] {strides = array<i32>} : memref<80x128xf32, #tpu.memory_space<vmem>>, vector<1x16xf32>,
        %get3A_101 = vector.shape_cast %get3A_100 : vector<1x16xf32> to vector<16xf32>
        %mul3A_102 = vector.broadcast %squeeze3A : f32 to vector<16xf32>
        %mul3A_103 = arith.mulf %get3A_101, %mul3A_102 : vector<16xf32>
        %swap3A_104 = arith.index_cast %add3A_43 : i32 to index
        %swap3A_105 = arith.constant 80 : index
        %swap3A_106 = tpu.vector_load %arg11[%swap3A_104, %swap3A_105] {strides = array<i32>} : memref<80x128xf32, #tpu.memory_space<vmem>>, vector<1x16xf32>,
        %swap3A_107 = vector.shape_cast %swap3A_106 : vector<1x16xf32> to vector<16xf32>
        %swap3A_108 = vector.shape_cast %mul3A_103 : vector<16xf32> to vector<1x16xf32>
        tpu.vector_store %arg11[%swap3A_104, %swap3A_105], %swap3A_108 {strides = array<i32>} : memref<80x128xf32, #tpu.memory_space<vmem>>, vector<1x16xf32>,
        %get3A_109 = arith.index_cast %add3A_43 : i32 to index
        %get3A_110 = arith.constant 96 : index
        %get3A_111 = tpu.vector_load %arg11[%get3A_109, %get3A_110] {strides = array<i32>} : memref<80x128xf32, #tpu.memory_space<vmem>>, vector<1x16xf32>,
        %get3A_112 = vector.shape_cast %get3A_111 : vector<1x16xf32> to vector<16xf32>
        %mul3A_113 = vector.broadcast %squeeze3A : f32 to vector<16xf32>
        %mul3A_114 = arith.mulf %get3A_112, %mul3A_113 : vector<16xf32>
        %swap3A_115 = arith.index_cast %add3A_43 : i32 to index
        %swap3A_116 = arith.constant 96 : index
        %swap3A_117 = tpu.vector_load %arg11[%swap3A_115, %swap3A_116] {strides = array<i32>} : memref<80x128xf32, #tpu.memory_space<vmem>>, vector<1x16xf32>,
        %swap3A_118 = vector.shape_cast %swap3A_117 : vector<1x16xf32> to vector<16xf32>
        %swap3A_119 = vector.shape_cast %mul3A_114 : vector<16xf32> to vector<1x16xf32>
        tpu.vector_store %arg11[%swap3A_115, %swap3A_116], %swap3A_119 {strides = array<i32>} : memref<80x128xf32, #tpu.memory_space<vmem>>, vector<1x16xf32>,
        %get3A_120 = arith.index_cast %add3A_43 : i32 to index
        %get3A_121 = arith.constant 112 : index
        %get3A_122 = tpu.vector_load %arg11[%get3A_120, %get3A_121] {strides = array<i32>} : memref<80x128xf32, #tpu.memory_space<vmem>>, vector<1x16xf32>,
        %get3A_123 = vector.shape_cast %get3A_122 : vector<1x16xf32> to vector<16xf32>
        %mul3A_124 = vector.broadcast %squeeze3A : f32 to vector<16xf32>
        %mul3A_125 = arith.mulf %get3A_123, %mul3A_124 : vector<16xf32>
        %swap3A_126 = arith.index_cast %add3A_43 : i32 to index
        %swap3A_127 = arith.constant 112 : index
        %swap3A_128 = tpu.vector_load %arg11[%swap3A_126, %swap3A_127] {strides = array<i32>} : memref<80x128xf32, #tpu.memory_space<vmem>>, vector<1x16xf32>,
        %swap3A_129 = vector.shape_cast %swap3A_128 : vector<1x16xf32> to vector<16xf32>
        %swap3A_130 = vector.shape_cast %mul3A_125 : vector<16xf32> to vector<1x16xf32>
        tpu.vector_store %arg11[%swap3A_126, %swap3A_127], %swap3A_130 {strides = array<i32>} : memref<80x128xf32, #tpu.memory_space<vmem>>, vector<1x16xf32>,
        %slice3A_131 = vector.extract_strided_slice %get3A_39 {offsets = [1], sizes = [1], strides = [1]} : vector<16xf32> to vector<1xf32>
        %squeeze3A_132 = vector.extract %slice3A_131[0] : f32 from vector<1xf32>
        %mul3A_133 = arith.constant 16 : i32
        %mul3A_134 = arith.muli %scan3A_34, %mul3A_133 : i32
        %add3A_135 = arith.constant 1 : i32
        %add3A_136 = arith.addi %mul3A_134, %add3A_135 : i32
        %get3A_137 = arith.index_cast %add3A_136 : i32 to index
        %get3A_138 = arith.constant 0 : index
        %get3A_139 = tpu.vector_load %arg11[%get3A_137, %get3A_138] {strides = array<i32>} : memref<80x128xf32, #tpu.memory_space<vmem>>, vector<1x16xf32>,
        %get3A_140 = vector.shape_cast %get3A_139 : vector<1x16xf32> to vector<16xf32>
        %mul3A_141 = vector.broadcast %squeeze3A_132 : f32 to vector<16xf32>
        %mul3A_142 = arith.mulf %get3A_140, %mul3A_141 : vector<16xf32>
        %swap3A_143 = arith.index_cast %add3A_136 : i32 to index
        %swap3A_144 = arith.constant 0 : index
        %swap3A_145 = tpu.vector_load %arg11[%swap3A_143, %swap3A_144] {strides = array<i32>} : memref<80x128xf32, #tpu.memory_space<vmem>>, vector<1x16xf32>,
        %swap3A_146 = vector.shape_cast %swap3A_145 : vector<1x16xf32> to vector<16xf32>
        %swap3A_147 = vector.shape_cast %mul3A_142 : vector<16xf32> to vector<1x16xf32>
        tpu.vector_store %arg11[%swap3A_143, %swap3A_144], %swap3A_147 {strides = array<i32>} : memref<80x128xf32, #tpu.memory_space<vmem>>, vector<1x16xf32>,
        %get3A_148 = arith.index_cast %add3A_136 : i32 to index
        %get3A_149 = arith.constant 16 : index
        %get3A_150 = tpu.vector_load %arg11[%get3A_148, %get3A_149] {strides = array<i32>} : memref<80x128xf32, #tpu.memory_space<vmem>>, vector<1x16xf32>,
        %get3A_151 = vector.shape_cast %get3A_150 : vector<1x16xf32> to vector<16xf32>
        %mul3A_152 = vector.broadcast %squeeze3A_132 : f32 to vector<16xf32>
        %mul3A_153 = arith.mulf %get3A_151, %mul3A_152 : vector<16xf32>
        %swap3A_154 = arith.index_cast %add3A_136 : i32 to index
        %swap3A_155 = arith.constant 16 : index
        %swap3A_156 = tpu.vector_load %arg11[%swap3A_154, %swap3A_155] {strides = array<i32>} : memref<80x128xf32, #tpu.memory_space<vmem>>, vector<1x16xf32>,
        %swap3A_157 = vector.shape_cast %swap3A_156 : vector<1x16xf32> to vector<16xf32>
        %swap3A_158 = vector.shape_cast %mul3A_153 : vector<16xf32> to vector<1x16xf32>
        tpu.vector_store %arg11[%swap3A_154, %swap3A_155], %swap3A_158 {strides = array<i32>} : memref<80x128xf32, #tpu.memory_space<vmem>>, vector<1x16xf32>,
        %get3A_159 = arith.index_cast %add3A_136 : i32 to index
        %get3A_160 = arith.constant 32 : index
        %get3A_161 = tpu.vector_load %arg11[%get3A_159, %get3A_160] {strides = array<i32>} : memref<80x128xf32, #tpu.memory_space<vmem>>, vector<1x16xf32>,
        %get3A_162 = vector.shape_cast %get3A_161 : vector<1x16xf32> to vector<16xf32>
        %mul3A_163 = vector.broadcast %squeeze3A_132 : f32 to vector<16xf32>
        %mul3A_164 = arith.mulf %get3A_162, %mul3A_163 : vector<16xf32>
        %swap3A_165 = arith.index_cast %add3A_136 : i32 to index
        %swap3A_166 = arith.constant 32 : index
        %swap3A_167 = tpu.vector_load %arg11[%swap3A_165, %swap3A_166] {strides = array<i32>} : memref<80x128xf32, #tpu.memory_space<vmem>>, vector<1x16xf32>,
        %swap3A_168 = vector.shape_cast %swap3A_167 : vector<1x16xf32> to vector<16xf32>
        %swap3A_169 = vector.shape_cast %mul3A_164 : vector<16xf32> to vector<1x16xf32>
        tpu.vector_store %arg11[%swap3A_165, %swap3A_166], %swap3A_169 {strides = array<i32>} : memref<80x128xf32, #tpu.memory_space<vmem>>, vector<1x16xf32>,
        %get3A_170 = arith.index_cast %add3A_136 : i32 to index
        %get3A_171 = arith.constant 48 : index
        %get3A_172 = tpu.vector_load %arg11[%get3A_170, %get3A_171] {strides = array<i32>} : memref<80x128xf32, #tpu.memory_space<vmem>>, vector<1x16xf32>,
        %get3A_173 = vector.shape_cast %get3A_172 : vector<1x16xf32> to vector<16xf32>
        %mul3A_174 = vector.broadcast %squeeze3A_132 : f32 to vector<16xf32>
        %mul3A_175 = arith.mulf %get3A_173, %mul3A_174 : vector<16xf32>
        %swap3A_176 = arith.index_cast %add3A_136 : i32 to index
        %swap3A_177 = arith.constant 48 : index
        %swap3A_178 = tpu.vector_load %arg11[%swap3A_176, %swap3A_177] {strides = array<i32>} : memref<80x128xf32, #tpu.memory_space<vmem>>, vector<1x16xf32>,
        %swap3A_179 = vector.shape_cast %swap3A_178 : vector<1x16xf32> to vector<16xf32>
        %swap3A_180 = vector.shape_cast %mul3A_175 : vector<16xf32> to vector<1x16xf32>
        tpu.vector_store %arg11[%swap3A_176, %swap3A_177], %swap3A_180 {strides = array<i32>} : memref<80x128xf32, #tpu.memory_space<vmem>>, vector<1x16xf32>,
        %get3A_181 = arith.index_cast %add3A_136 : i32 to index
        %get3A_182 = arith.constant 64 : index
        %get3A_183 = tpu.vector_load %arg11[%get3A_181, %get3A_182] {strides = array<i32>} : memref<80x128xf32, #tpu.memory_space<vmem>>, vector<1x16xf32>,
        %get3A_184 = vector.shape_cast %get3A_183 : vector<1x16xf32> to vector<16xf32>
        %mul3A_185 = vector.broadcast %squeeze3A_132 : f32 to vector<16xf32>
        %mul3A_186 = arith.mulf %get3A_184, %mul3A_185 : vector<16xf32>
        %swap3A_187 = arith.index_cast %add3A_136 : i32 to index
        %swap3A_188 = arith.constant 64 : index
        %swap3A_189 = tpu.vector_load %arg11[%swap3A_187, %swap3A_188] {strides = array<i32>} : memref<80x128xf32, #tpu.memory_space<vmem>>, vector<1x16xf32>,
        %swap3A_190 = vector.shape_cast %swap3A_189 : vector<1x16xf32> to vector<16xf32>
        %swap3A_191 = vector.shape_cast %mul3A_186 : vector<16xf32> to vector<1x16xf32>
        tpu.vector_store %arg11[%swap3A_187, %swap3A_188], %swap3A_191 {strides = array<i32>} : memref<80x128xf32, #tpu.memory_space<vmem>>, vector<1x16xf32>,
        %get3A_192 = arith.index_cast %add3A_136 : i32 to index
        %get3A_193 = arith.constant 80 : index
        %get3A_194 = tpu.vector_load %arg11[%get3A_192, %get3A_193] {strides = array<i32>} : memref<80x128xf32, #tpu.memory_space<vmem>>, vector<1x16xf32>,
        %get3A_195 = vector.shape_cast %get3A_194 : vector<1x16xf32> to vector<16xf32>
        %mul3A_196 = vector.broadcast %squeeze3A_132 : f32 to vector<16xf32>
        %mul3A_197 = arith.mulf %get3A_195, %mul3A_196 : vector<16xf32>
        %swap3A_198 = arith.index_cast %add3A_136 : i32 to index
        %swap3A_199 = arith.constant 80 : index
        %swap3A_200 = tpu.vector_load %arg11[%swap3A_198, %swap3A_199] {strides = array<i32>} : memref<80x128xf32, #tpu.memory_space<vmem>>, vector<1x16xf32>,
        %swap3A_201 = vector.shape_cast %swap3A_200 : vector<1x16xf32> to vector<16xf32>
        %swap3A_202 = vector.shape_cast %mul3A_197 : vector<16xf32> to vector<1x16xf32>
        tpu.vector_store %arg11[%swap3A_198, %swap3A_199], %swap3A_202 {strides = array<i32>} : memref<80x128xf32, #tpu.memory_space<vmem>>, vector<1x16xf32>,
        %get3A_203 = arith.index_cast %add3A_136 : i32 to index
        %get3A_204 = arith.constant 96 : index
        %get3A_205 = tpu.vector_load %arg11[%get3A_203, %get3A_204] {strides = array<i32>} : memref<80x128xf32, #tpu.memory_space<vmem>>, vector<1x16xf32>,
        %get3A_206 = vector.shape_cast %get3A_205 : vector<1x16xf32> to vector<16xf32>
        %mul3A_207 = vector.broadcast %squeeze3A_132 : f32 to vector<16xf32>
        %mul3A_208 = arith.mulf %get3A_206, %mul3A_207 : vector<16xf32>
        %swap3A_209 = arith.index_cast %add3A_136 : i32 to index
        %swap3A_210 = arith.constant 96 : index
        %swap3A_211 = tpu.vector_load %arg11[%swap3A_209, %swap3A_210] {strides = array<i32>} : memref<80x128xf32, #tpu.memory_space<vmem>>, vector<1x16xf32>,
        %swap3A_212 = vector.shape_cast %swap3A_211 : vector<1x16xf32> to vector<16xf32>
        %swap3A_213 = vector.shape_cast %mul3A_208 : vector<16xf32> to vector<1x16xf32>
        tpu.vector_store %arg11[%swap3A_209, %swap3A_210], %swap3A_213 {strides = array<i32>} : memref<80x128xf32, #tpu.memory_space<vmem>>, vector<1x16xf32>,
        %get3A_214 = arith.index_cast %add3A_136 : i32 to index
        %get3A_215 = arith.constant 112 : index
        %get3A_216 = tpu.vector_load %arg11[%get3A_214, %get3A_215] {strides = array<i32>} : memref<80x128xf32, #tpu.memory_space<vmem>>, vector<1x16xf32>,
        %get3A_217 = vector.shape_cast %get3A_216 : vector<1x16xf32> to vector<16xf32>
        %mul3A_218 = vector.broadcast %squeeze3A_132 : f32 to vector<16xf32>
        %mul3A_219 = arith.mulf %get3A_217, %mul3A_218 : vector<16xf32>
        %swap3A_220 = arith.index_cast %add3A_136 : i32 to index
        %swap3A_221 = arith.constant 112 : index
        %swap3A_222 = tpu.vector_load %arg11[%swap3A_220, %swap3A_221] {strides = array<i32>} : memref<80x128xf32, #tpu.memory_space<vmem>>, vector<1x16xf32>,
        %swap3A_223 = vector.shape_cast %swap3A_222 : vector<1x16xf32> to vector<16xf32>
        %swap3A_224 = vector.shape_cast %mul3A_219 : vector<16xf32> to vector<1x16xf32>
        tpu.vector_store %arg11[%swap3A_220, %swap3A_221], %swap3A_224 {strides = array<i32>} : memref<80x128xf32, #tpu.memory_space<vmem>>, vector<1x16xf32>,
        %slice3A_225 = vector.extract_strided_slice %get3A_39 {offsets = [2], sizes = [1], strides = [1]} : vector<16xf32> to vector<1xf32>
        %squeeze3A_226 = vector.extract %slice3A_225[0] : f32 from vector<1xf32>
        %mul3A_227 = arith.constant 16 : i32
        %mul3A_228 = arith.muli %scan3A_34, %mul3A_227 : i32
        %add3A_229 = arith.constant 2 : i32
        %add3A_230 = arith.addi %mul3A_228, %add3A_229 : i32
        %get3A_231 = arith.index_cast %add3A_230 : i32 to index
        %get3A_232 = arith.constant 0 : index
        %get3A_233 = tpu.vector_load %arg11[%get3A_231, %get3A_232] {strides = array<i32>} : memref<80x128xf32, #tpu.memory_space<vmem>>, vector<1x16xf32>,
        %get3A_234 = vector.shape_cast %get3A_233 : vector<1x16xf32> to vector<16xf32>
        %mul3A_235 = vector.broadcast %squeeze3A_226 : f32 to vector<16xf32>
        %mul3A_236 = arith.mulf %get3A_234, %mul3A_235 : vector<16xf32>
        %swap3A_237 = arith.index_cast %add3A_230 : i32 to index
        %swap3A_238 = arith.constant 0 : index
        %swap3A_239 = tpu.vector_load %arg11[%swap3A_237, %swap3A_238] {strides = array<i32>} : memref<80x128xf32, #tpu.memory_space<vmem>>, vector<1x16xf32>,
        %swap3A_240 = vector.shape_cast %swap3A_239 : vector<1x16xf32> to vector<16xf32>
        %swap3A_241 = vector.shape_cast %mul3A_236 : vector<16xf32> to vector<1x16xf32>
        tpu.vector_store %arg11[%swap3A_237, %swap3A_238], %swap3A_241 {strides = array<i32>} : memref<80x128xf32, #tpu.memory_space<vmem>>, vector<1x16xf32>,
        %get3A_242 = arith.index_cast %add3A_230 : i32 to index
        %get3A_243 = arith.constant 16 : index
        %get3A_244 = tpu.vector_load %arg11[%get3A_242, %get3A_243] {strides = array<i32>} : memref<80x128xf32, #tpu.memory_space<vmem>>, vector<1x16xf32>,
        %get3A_245 = vector.shape_cast %get3A_244 : vector<1x16xf32> to vector<16xf32>
        %mul3A_246 = vector.broadcast %squeeze3A_226 : f32 to vector<16xf32>
        %mul3A_247 = arith.mulf %get3A_245, %mul3A_246 : vector<16xf32>
        %swap3A_248 = arith.index_cast %add3A_230 : i32 to index
        %swap3A_249 = arith.constant 16 : index
        %swap3A_250 = tpu.vector_load %arg11[%swap3A_248, %swap3A_249] {strides = array<i32>} : memref<80x128xf32, #tpu.memory_space<vmem>>, vector<1x16xf32>,
        %swap3A_251 = vector.shape_cast %swap3A_250 : vector<1x16xf32> to vector<16xf32>
        %swap3A_252 = vector.shape_cast %mul3A_247 : vector<16xf32> to vector<1x16xf32>
        tpu.vector_store %arg11[%swap3A_248, %swap3A_249], %swap3A_252 {strides = array<i32>} : memref<80x128xf32, #tpu.memory_space<vmem>>, vector<1x16xf32>,
        %get3A_253 = arith.index_cast %add3A_230 : i32 to index
        %get3A_254 = arith.constant 32 : index
        %get3A_255 = tpu.vector_load %arg11[%get3A_253, %get3A_254] {strides = array<i32>} : memref<80x128xf32, #tpu.memory_space<vmem>>, vector<1x16xf32>,
        %get3A_256 = vector.shape_cast %get3A_255 : vector<1x16xf32> to vector<16xf32>
        %mul3A_257 = vector.broadcast %squeeze3A_226 : f32 to vector<16xf32>
        %mul3A_258 = arith.mulf %get3A_256, %mul3A_257 : vector<16xf32>
        %swap3A_259 = arith.index_cast %add3A_230 : i32 to index
        %swap3A_260 = arith.constant 32 : index
        %swap3A_261 = tpu.vector_load %arg11[%swap3A_259, %swap3A_260] {strides = array<i32>} : memref<80x128xf32, #tpu.memory_space<vmem>>, vector<1x16xf32>,
        %swap3A_262 = vector.shape_cast %swap3A_261 : vector<1x16xf32> to vector<16xf32>
        %swap3A_263 = vector.shape_cast %mul3A_258 : vector<16xf32> to vector<1x16xf32>
        tpu.vector_store %arg11[%swap3A_259, %swap3A_260], %swap3A_263 {strides = array<i32>} : memref<80x128xf32, #tpu.memory_space<vmem>>, vector<1x16xf32>,
        %get3A_264 = arith.index_cast %add3A_230 : i32 to index
        %get3A_265 = arith.constant 48 : index
        %get3A_266 = tpu.vector_load %arg11[%get3A_264, %get3A_265] {strides = array<i32>} : memref<80x128xf32, #tpu.memory_space<vmem>>, vector<1x16xf32>,
        %get3A_267 = vector.shape_cast %get3A_266 : vector<1x16xf32> to vector<16xf32>
        %mul3A_268 = vector.broadcast %squeeze3A_226 : f32 to vector<16xf32>
        %mul3A_269 = arith.mulf %get3A_267, %mul3A_268 : vector<16xf32>
        %swap3A_270 = arith.index_cast %add3A_230 : i32 to index
        %swap3A_271 = arith.constant 48 : index
        %swap3A_272 = tpu.vector_load %arg11[%swap3A_270, %swap3A_271] {strides = array<i32>} : memref<80x128xf32, #tpu.memory_space<vmem>>, vector<1x16xf32>,
        %swap3A_273 = vector.shape_cast %swap3A_272 : vector<1x16xf32> to vector<16xf32>
        %swap3A_274 = vector.shape_cast %mul3A_269 : vector<16xf32> to vector<1x16xf32>
        tpu.vector_store %arg11[%swap3A_270, %swap3A_271], %swap3A_274 {strides = array<i32>} : memref<80x128xf32, #tpu.memory_space<vmem>>, vector<1x16xf32>,
        %get3A_275 = arith.index_cast %add3A_230 : i32 to index
        %get3A_276 = arith.constant 64 : index
        %get3A_277 = tpu.vector_load %arg11[%get3A_275, %get3A_276] {strides = array<i32>} : memref<80x128xf32, #tpu.memory_space<vmem>>, vector<1x16xf32>,
        %get3A_278 = vector.shape_cast %get3A_277 : vector<1x16xf32> to vector<16xf32>
        %mul3A_279 = vector.broadcast %squeeze3A_226 : f32 to vector<16xf32>
        %mul3A_280 = arith.mulf %get3A_278, %mul3A_279 : vector<16xf32>
        %swap3A_281 = arith.index_cast %add3A_230 : i32 to index
        %swap3A_282 = arith.constant 64 : index
        %swap3A_283 = tpu.vector_load %arg11[%swap3A_281, %swap3A_282] {strides = array<i32>} : memref<80x128xf32, #tpu.memory_space<vmem>>, vector<1x16xf32>,
        %swap3A_284 = vector.shape_cast %swap3A_283 : vector<1x16xf32> to vector<16xf32>
        %swap3A_285 = vector.shape_cast %mul3A_280 : vector<16xf32> to vector<1x16xf32>
        tpu.vector_store %arg11[%swap3A_281, %swap3A_282], %swap3A_285 {strides = array<i32>} : memref<80x128xf32, #tpu.memory_space<vmem>>, vector<1x16xf32>,
        %get3A_286 = arith.index_cast %add3A_230 : i32 to index
        %get3A_287 = arith.constant 80 : index
        %get3A_288 = tpu.vector_load %arg11[%get3A_286, %get3A_287] {strides = array<i32>} : memref<80x128xf32, #tpu.memory_space<vmem>>, vector<1x16xf32>,
        %get3A_289 = vector.shape_cast %get3A_288 : vector<1x16xf32> to vector<16xf32>
        %mul3A_290 = vector.broadcast %squeeze3A_226 : f32 to vector<16xf32>
        %mul3A_291 = arith.mulf %get3A_289, %mul3A_290 : vector<16xf32>
        %swap3A_292 = arith.index_cast %add3A_230 : i32 to index
        %swap3A_293 = arith.constant 80 : index
        %swap3A_294 = tpu.vector_load %arg11[%swap3A_292, %swap3A_293] {strides = array<i32>} : memref<80x128xf32, #tpu.memory_space<vmem>>, vector<1x16xf32>,
        %swap3A_295 = vector.shape_cast %swap3A_294 : vector<1x16xf32> to vector<16xf32>
        %swap3A_296 = vector.shape_cast %mul3A_291 : vector<16xf32> to vector<1x16xf32>
        tpu.vector_store %arg11[%swap3A_292, %swap3A_293], %swap3A_296 {strides = array<i32>} : memref<80x128xf32, #tpu.memory_space<vmem>>, vector<1x16xf32>,
        %get3A_297 = arith.index_cast %add3A_230 : i32 to index
        %get3A_298 = arith.constant 96 : index
        %get3A_299 = tpu.vector_load %arg11[%get3A_297, %get3A_298] {strides = array<i32>} : memref<80x128xf32, #tpu.memory_space<vmem>>, vector<1x16xf32>,
        %get3A_300 = vector.shape_cast %get3A_299 : vector<1x16xf32> to vector<16xf32>
        %mul3A_301 = vector.broadcast %squeeze3A_226 : f32 to vector<16xf32>
        %mul3A_302 = arith.mulf %get3A_300, %mul3A_301 : vector<16xf32>
        %swap3A_303 = arith.index_cast %add3A_230 : i32 to index
        %swap3A_304 = arith.constant 96 : index
        %swap3A_305 = tpu.vector_load %arg11[%swap3A_303, %swap3A_304] {strides = array<i32>} : memref<80x128xf32, #tpu.memory_space<vmem>>, vector<1x16xf32>,
        %swap3A_306 = vector.shape_cast %swap3A_305 : vector<1x16xf32> to vector<16xf32>
        %swap3A_307 = vector.shape_cast %mul3A_302 : vector<16xf32> to vector<1x16xf32>
        tpu.vector_store %arg11[%swap3A_303, %swap3A_304], %swap3A_307 {strides = array<i32>} : memref<80x128xf32, #tpu.memory_space<vmem>>, vector<1x16xf32>,
        %get3A_308 = arith.index_cast %add3A_230 : i32 to index
        %get3A_309 = arith.constant 112 : index
        %get3A_310 = tpu.vector_load %arg11[%get3A_308, %get3A_309] {strides = array<i32>} : memref<80x128xf32, #tpu.memory_space<vmem>>, vector<1x16xf32>,
        %get3A_311 = vector.shape_cast %get3A_310 : vector<1x16xf32> to vector<16xf32>
        %mul3A_312 = vector.broadcast %squeeze3A_226 : f32 to vector<16xf32>
        %mul3A_313 = arith.mulf %get3A_311, %mul3A_312 : vector<16xf32>
        %swap3A_314 = arith.index_cast %add3A_230 : i32 to index
        %swap3A_315 = arith.constant 112 : index
        %swap3A_316 = tpu.vector_load %arg11[%swap3A_314, %swap3A_315] {strides = array<i32>} : memref<80x128xf32, #tpu.memory_space<vmem>>, vector<1x16xf32>,
        %swap3A_317 = vector.shape_cast %swap3A_316 : vector<1x16xf32> to vector<16xf32>
        %swap3A_318 = vector.shape_cast %mul3A_313 : vector<16xf32> to vector<1x16xf32>
        tpu.vector_store %arg11[%swap3A_314, %swap3A_315], %swap3A_318 {strides = array<i32>} : memref<80x128xf32, #tpu.memory_space<vmem>>, vector<1x16xf32>,
        %slice3A_319 = vector.extract_strided_slice %get3A_39 {offsets = [3], sizes = [1], strides = [1]} : vector<16xf32> to vector<1xf32>
        %squeeze3A_320 = vector.extract %slice3A_319[0] : f32 from vector<1xf32>
        %mul3A_321 = arith.constant 16 : i32
        %mul3A_322 = arith.muli %scan3A_34, %mul3A_321 : i32
        %add3A_323 = arith.constant 3 : i32
        %add3A_324 = arith.addi %mul3A_322, %add3A_323 : i32
        %get3A_325 = arith.index_cast %add3A_324 : i32 to index
        %get3A_326 = arith.constant 0 : index
        %get3A_327 = tpu.vector_load %arg11[%get3A_325, %get3A_326] {strides = array<i32>} : memref<80x128xf32, #tpu.memory_space<vmem>>, vector<1x16xf32>,
        %get3A_328 = vector.shape_cast %get3A_327 : vector<1x16xf32> to vector<16xf32>
        %mul3A_329 = vector.broadcast %squeeze3A_320 : f32 to vector<16xf32>
        %mul3A_330 = arith.mulf %get3A_328, %mul3A_329 : vector<16xf32>
        %swap3A_331 = arith.index_cast %add3A_324 : i32 to index
        %swap3A_332 = arith.constant 0 : index
        %swap3A_333 = tpu.vector_load %arg11[%swap3A_331, %swap3A_332] {strides = array<i32>} : memref<80x128xf32, #tpu.memory_space<vmem>>, vector<1x16xf32>,
        %swap3A_334 = vector.shape_cast %swap3A_333 : vector<1x16xf32> to vector<16xf32>
        %swap3A_335 = vector.shape_cast %mul3A_330 : vector<16xf32> to vector<1x16xf32>
        tpu.vector_store %arg11[%swap3A_331, %swap3A_332], %swap3A_335 {strides = array<i32>} : memref<80x128xf32, #tpu.memory_space<vmem>>, vector<1x16xf32>,
        %get3A_336 = arith.index_cast %add3A_324 : i32 to index
        %get3A_337 = arith.constant 16 : index
        %get3A_338 = tpu.vector_load %arg11[%get3A_336, %get3A_337] {strides = array<i32>} : memref<80x128xf32, #tpu.memory_space<vmem>>, vector<1x16xf32>,
        %get3A_339 = vector.shape_cast %get3A_338 : vector<1x16xf32> to vector<16xf32>
        %mul3A_340 = vector.broadcast %squeeze3A_320 : f32 to vector<16xf32>
        %mul3A_341 = arith.mulf %get3A_339, %mul3A_340 : vector<16xf32>
        %swap3A_342 = arith.index_cast %add3A_324 : i32 to index
        %swap3A_343 = arith.constant 16 : index
        %swap3A_344 = tpu.vector_load %arg11[%swap3A_342, %swap3A_343] {strides = array<i32>} : memref<80x128xf32, #tpu.memory_space<vmem>>, vector<1x16xf32>,
        %swap3A_345 = vector.shape_cast %swap3A_344 : vector<1x16xf32> to vector<16xf32>
        %swap3A_346 = vector.shape_cast %mul3A_341 : vector<16xf32> to vector<1x16xf32>
        tpu.vector_store %arg11[%swap3A_342, %swap3A_343], %swap3A_346 {strides = array<i32>} : memref<80x128xf32, #tpu.memory_space<vmem>>, vector<1x16xf32>,
        %get3A_347 = arith.index_cast %add3A_324 : i32 to index
        %get3A_348 = arith.constant 32 : index
        %get3A_349 = tpu.vector_load %arg11[%get3A_347, %get3A_348] {strides = array<i32>} : memref<80x128xf32, #tpu.memory_space<vmem>>, vector<1x16xf32>,
        %get3A_350 = vector.shape_cast %get3A_349 : vector<1x16xf32> to vector<16xf32>
        %mul3A_351 = vector.broadcast %squeeze3A_320 : f32 to vector<16xf32>
        %mul3A_352 = arith.mulf %get3A_350, %mul3A_351 : vector<16xf32>
        %swap3A_353 = arith.index_cast %add3A_324 : i32 to index
        %swap3A_354 = arith.constant 32 : index
        %swap3A_355 = tpu.vector_load %arg11[%swap3A_353, %swap3A_354] {strides = array<i32>} : memref<80x128xf32, #tpu.memory_space<vmem>>, vector<1x16xf32>,
        %swap3A_356 = vector.shape_cast %swap3A_355 : vector<1x16xf32> to vector<16xf32>
        %swap3A_357 = vector.shape_cast %mul3A_352 : vector<16xf32> to vector<1x16xf32>
        tpu.vector_store %arg11[%swap3A_353, %swap3A_354], %swap3A_357 {strides = array<i32>} : memref<80x128xf32, #tpu.memory_space<vmem>>, vector<1x16xf32>,
        %get3A_358 = arith.index_cast %add3A_324 : i32 to index
        %get3A_359 = arith.constant 48 : index
        %get3A_360 = tpu.vector_load %arg11[%get3A_358, %get3A_359] {strides = array<i32>} : memref<80x128xf32, #tpu.memory_space<vmem>>, vector<1x16xf32>,
        %get3A_361 = vector.shape_cast %get3A_360 : vector<1x16xf32> to vector<16xf32>
        %mul3A_362 = vector.broadcast %squeeze3A_320 : f32 to vector<16xf32>
        %mul3A_363 = arith.mulf %get3A_361, %mul3A_362 : vector<16xf32>
        %swap3A_364 = arith.index_cast %add3A_324 : i32 to index
        %swap3A_365 = arith.constant 48 : index
        %swap3A_366 = tpu.vector_load %arg11[%swap3A_364, %swap3A_365] {strides = array<i32>} : memref<80x128xf32, #tpu.memory_space<vmem>>, vector<1x16xf32>,
        %swap3A_367 = vector.shape_cast %swap3A_366 : vector<1x16xf32> to vector<16xf32>
        %swap3A_368 = vector.shape_cast %mul3A_363 : vector<16xf32> to vector<1x16xf32>
        tpu.vector_store %arg11[%swap3A_364, %swap3A_365], %swap3A_368 {strides = array<i32>} : memref<80x128xf32, #tpu.memory_space<vmem>>, vector<1x16xf32>,
        %get3A_369 = arith.index_cast %add3A_324 : i32 to index
        %get3A_370 = arith.constant 64 : index
        %get3A_371 = tpu.vector_load %arg11[%get3A_369, %get3A_370] {strides = array<i32>} : memref<80x128xf32, #tpu.memory_space<vmem>>, vector<1x16xf32>,
        %get3A_372 = vector.shape_cast %get3A_371 : vector<1x16xf32> to vector<16xf32>
        %mul3A_373 = vector.broadcast %squeeze3A_320 : f32 to vector<16xf32>
        %mul3A_374 = arith.mulf %get3A_372, %mul3A_373 : vector<16xf32>
        %swap3A_375 = arith.index_cast %add3A_324 : i32 to index
        %swap3A_376 = arith.constant 64 : index
        %swap3A_377 = tpu.vector_load %arg11[%swap3A_375, %swap3A_376] {strides = array<i32>} : memref<80x128xf32, #tpu.memory_space<vmem>>, vector<1x16xf32>,
        %swap3A_378 = vector.shape_cast %swap3A_377 : vector<1x16xf32> to vector<16xf32>
        %swap3A_379 = vector.shape_cast %mul3A_374 : vector<16xf32> to vector<1x16xf32>
        tpu.vector_store %arg11[%swap3A_375, %swap3A_376], %swap3A_379 {strides = array<i32>} : memref<80x128xf32, #tpu.memory_space<vmem>>, vector<1x16xf32>,
        %get3A_380 = arith.index_cast %add3A_324 : i32 to index
        %get3A_381 = arith.constant 80 : index
        %get3A_382 = tpu.vector_load %arg11[%get3A_380, %get3A_381] {strides = array<i32>} : memref<80x128xf32, #tpu.memory_space<vmem>>, vector<1x16xf32>,
        %get3A_383 = vector.shape_cast %get3A_382 : vector<1x16xf32> to vector<16xf32>
        %mul3A_384 = vector.broadcast %squeeze3A_320 : f32 to vector<16xf32>
        %mul3A_385 = arith.mulf %get3A_383, %mul3A_384 : vector<16xf32>
        %swap3A_386 = arith.index_cast %add3A_324 : i32 to index
        %swap3A_387 = arith.constant 80 : index
        %swap3A_388 = tpu.vector_load %arg11[%swap3A_386, %swap3A_387] {strides = array<i32>} : memref<80x128xf32, #tpu.memory_space<vmem>>, vector<1x16xf32>,
        %swap3A_389 = vector.shape_cast %swap3A_388 : vector<1x16xf32> to vector<16xf32>
        %swap3A_390 = vector.shape_cast %mul3A_385 : vector<16xf32> to vector<1x16xf32>
        tpu.vector_store %arg11[%swap3A_386, %swap3A_387], %swap3A_390 {strides = array<i32>} : memref<80x128xf32, #tpu.memory_space<vmem>>, vector<1x16xf32>,
        %get3A_391 = arith.index_cast %add3A_324 : i32 to index
        %get3A_392 = arith.constant 96 : index
        %get3A_393 = tpu.vector_load %arg11[%get3A_391, %get3A_392] {strides = array<i32>} : memref<80x128xf32, #tpu.memory_space<vmem>>, vector<1x16xf32>,
        %get3A_394 = vector.shape_cast %get3A_393 : vector<1x16xf32> to vector<16xf32>
        %mul3A_395 = vector.broadcast %squeeze3A_320 : f32 to vector<16xf32>
        %mul3A_396 = arith.mulf %get3A_394, %mul3A_395 : vector<16xf32>
        %swap3A_397 = arith.index_cast %add3A_324 : i32 to index
        %swap3A_398 = arith.constant 96 : index
        %swap3A_399 = tpu.vector_load %arg11[%swap3A_397, %swap3A_398] {strides = array<i32>} : memref<80x128xf32, #tpu.memory_space<vmem>>, vector<1x16xf32>,
        %swap3A_400 = vector.shape_cast %swap3A_399 : vector<1x16xf32> to vector<16xf32>
        %swap3A_401 = vector.shape_cast %mul3A_396 : vector<16xf32> to vector<1x16xf32>
        tpu.vector_store %arg11[%swap3A_397, %swap3A_398], %swap3A_401 {strides = array<i32>} : memref<80x128xf32, #tpu.memory_space<vmem>>, vector<1x16xf32>,
        %get3A_402 = arith.index_cast %add3A_324 : i32 to index
        %get3A_403 = arith.constant 112 : index
        %get3A_404 = tpu.vector_load %arg11[%get3A_402, %get3A_403] {strides = array<i32>} : memref<80x128xf32, #tpu.memory_space<vmem>>, vector<1x16xf32>,
        %get3A_405 = vector.shape_cast %get3A_404 : vector<1x16xf32> to vector<16xf32>
        %mul3A_406 = vector.broadcast %squeeze3A_320 : f32 to vector<16xf32>
        %mul3A_407 = arith.mulf %get3A_405, %mul3A_406 : vector<16xf32>
        %swap3A_408 = arith.index_cast %add3A_324 : i32 to index
        %swap3A_409 = arith.constant 112 : index
        %swap3A_410 = tpu.vector_load %arg11[%swap3A_408, %swap3A_409] {strides = array<i32>} : memref<80x128xf32, #tpu.memory_space<vmem>>, vector<1x16xf32>,
        %swap3A_411 = vector.shape_cast %swap3A_410 : vector<1x16xf32> to vector<16xf32>
        %swap3A_412 = vector.shape_cast %mul3A_407 : vector<16xf32> to vector<1x16xf32>
        tpu.vector_store %arg11[%swap3A_408, %swap3A_409], %swap3A_412 {strides = array<i32>} : memref<80x128xf32, #tpu.memory_space<vmem>>, vector<1x16xf32>,
        %slice3A_413 = vector.extract_strided_slice %get3A_39 {offsets = [4], sizes = [1], strides = [1]} : vector<16xf32> to vector<1xf32>
        %squeeze3A_414 = vector.extract %slice3A_413[0] : f32 from vector<1xf32>
        %mul3A_415 = arith.constant 16 : i32
        %mul3A_416 = arith.muli %scan3A_34, %mul3A_415 : i32
        %add3A_417 = arith.constant 4 : i32
        %add3A_418 = arith.addi %mul3A_416, %add3A_417 : i32
        %get3A_419 = arith.index_cast %add3A_418 : i32 to index
        %get3A_420 = arith.constant 0 : index
        %get3A_421 = tpu.vector_load %arg11[%get3A_419, %get3A_420] {strides = array<i32>} : memref<80x128xf32, #tpu.memory_space<vmem>>, vector<1x16xf32>,
        %get3A_422 = vector.shape_cast %get3A_421 : vector<1x16xf32> to vector<16xf32>
        %mul3A_423 = vector.broadcast %squeeze3A_414 : f32 to vector<16xf32>
        %mul3A_424 = arith.mulf %get3A_422, %mul3A_423 : vector<16xf32>
        %swap3A_425 = arith.index_cast %add3A_418 : i32 to index
        %swap3A_426 = arith.constant 0 : index
        %swap3A_427 = tpu.vector_load %arg11[%swap3A_425, %swap3A_426] {strides = array<i32>} : memref<80x128xf32, #tpu.memory_space<vmem>>, vector<1x16xf32>,
        %swap3A_428 = vector.shape_cast %swap3A_427 : vector<1x16xf32> to vector<16xf32>
        %swap3A_429 = vector.shape_cast %mul3A_424 : vector<16xf32> to vector<1x16xf32>
        tpu.vector_store %arg11[%swap3A_425, %swap3A_426], %swap3A_429 {strides = array<i32>} : memref<80x128xf32, #tpu.memory_space<vmem>>, vector<1x16xf32>,
        %get3A_430 = arith.index_cast %add3A_418 : i32 to index
        %get3A_431 = arith.constant 16 : index
        %get3A_432 = tpu.vector_load %arg11[%get3A_430, %get3A_431] {strides = array<i32>} : memref<80x128xf32, #tpu.memory_space<vmem>>, vector<1x16xf32>,
        %get3A_433 = vector.shape_cast %get3A_432 : vector<1x16xf32> to vector<16xf32>
        %mul3A_434 = vector.broadcast %squeeze3A_414 : f32 to vector<16xf32>
        %mul3A_435 = arith.mulf %get3A_433, %mul3A_434 : vector<16xf32>
        %swap3A_436 = arith.index_cast %add3A_418 : i32 to index
        %swap3A_437 = arith.constant 16 : index
        %swap3A_438 = tpu.vector_load %arg11[%swap3A_436, %swap3A_437] {strides = array<i32>} : memref<80x128xf32, #tpu.memory_space<vmem>>, vector<1x16xf32>,
        %swap3A_439 = vector.shape_cast %swap3A_438 : vector<1x16xf32> to vector<16xf32>
        %swap3A_440 = vector.shape_cast %mul3A_435 : vector<16xf32> to vector<1x16xf32>
        tpu.vector_store %arg11[%swap3A_436, %swap3A_437], %swap3A_440 {strides = array<i32>} : memref<80x128xf32, #tpu.memory_space<vmem>>, vector<1x16xf32>,
        %get3A_441 = arith.index_cast %add3A_418 : i32 to index
        %get3A_442 = arith.constant 32 : index
        %get3A_443 = tpu.vector_load %arg11[%get3A_441, %get3A_442] {strides = array<i32>} : memref<80x128xf32, #tpu.memory_space<vmem>>, vector<1x16xf32>,
        %get3A_444 = vector.shape_cast %get3A_443 : vector<1x16xf32> to vector<16xf32>
        %mul3A_445 = vector.broadcast %squeeze3A_414 : f32 to vector<16xf32>
        %mul3A_446 = arith.mulf %get3A_444, %mul3A_445 : vector<16xf32>
        %swap3A_447 = arith.index_cast %add3A_418 : i32 to index
        %swap3A_448 = arith.constant 32 : index
        %swap3A_449 = tpu.vector_load %arg11[%swap3A_447, %swap3A_448] {strides = array<i32>} : memref<80x128xf32, #tpu.memory_space<vmem>>, vector<1x16xf32>,
        %swap3A_450 = vector.shape_cast %swap3A_449 : vector<1x16xf32> to vector<16xf32>
        %swap3A_451 = vector.shape_cast %mul3A_446 : vector<16xf32> to vector<1x16xf32>
        tpu.vector_store %arg11[%swap3A_447, %swap3A_448], %swap3A_451 {strides = array<i32>} : memref<80x128xf32, #tpu.memory_space<vmem>>, vector<1x16xf32>,
        %get3A_452 = arith.index_cast %add3A_418 : i32 to index
        %get3A_453 = arith.constant 48 : index
        %get3A_454 = tpu.vector_load %arg11[%get3A_452, %get3A_453] {strides = array<i32>} : memref<80x128xf32, #tpu.memory_space<vmem>>, vector<1x16xf32>,
        %get3A_455 = vector.shape_cast %get3A_454 : vector<1x16xf32> to vector<16xf32>
        %mul3A_456 = vector.broadcast %squeeze3A_414 : f32 to vector<16xf32>
        %mul3A_457 = arith.mulf %get3A_455, %mul3A_456 : vector<16xf32>
        %swap3A_458 = arith.index_cast %add3A_418 : i32 to index
        %swap3A_459 = arith.constant 48 : index
        %swap3A_460 = tpu.vector_load %arg11[%swap3A_458, %swap3A_459] {strides = array<i32>} : memref<80x128xf32, #tpu.memory_space<vmem>>, vector<1x16xf32>,
        %swap3A_461 = vector.shape_cast %swap3A_460 : vector<1x16xf32> to vector<16xf32>
        %swap3A_462 = vector.shape_cast %mul3A_457 : vector<16xf32> to vector<1x16xf32>
        tpu.vector_store %arg11[%swap3A_458, %swap3A_459], %swap3A_462 {strides = array<i32>} : memref<80x128xf32, #tpu.memory_space<vmem>>, vector<1x16xf32>,
        %get3A_463 = arith.index_cast %add3A_418 : i32 to index
        %get3A_464 = arith.constant 64 : index
        %get3A_465 = tpu.vector_load %arg11[%get3A_463, %get3A_464] {strides = array<i32>} : memref<80x128xf32, #tpu.memory_space<vmem>>, vector<1x16xf32>,
        %get3A_466 = vector.shape_cast %get3A_465 : vector<1x16xf32> to vector<16xf32>
        %mul3A_467 = vector.broadcast %squeeze3A_414 : f32 to vector<16xf32>
        %mul3A_468 = arith.mulf %get3A_466, %mul3A_467 : vector<16xf32>
        %swap3A_469 = arith.index_cast %add3A_418 : i32 to index
        %swap3A_470 = arith.constant 64 : index
        %swap3A_471 = tpu.vector_load %arg11[%swap3A_469, %swap3A_470] {strides = array<i32>} : memref<80x128xf32, #tpu.memory_space<vmem>>, vector<1x16xf32>,
        %swap3A_472 = vector.shape_cast %swap3A_471 : vector<1x16xf32> to vector<16xf32>
        %swap3A_473 = vector.shape_cast %mul3A_468 : vector<16xf32> to vector<1x16xf32>
        tpu.vector_store %arg11[%swap3A_469, %swap3A_470], %swap3A_473 {strides = array<i32>} : memref<80x128xf32, #tpu.memory_space<vmem>>, vector<1x16xf32>,
        %get3A_474 = arith.index_cast %add3A_418 : i32 to index
        %get3A_475 = arith.constant 80 : index
        %get3A_476 = tpu.vector_load %arg11[%get3A_474, %get3A_475] {strides = array<i32>} : memref<80x128xf32, #tpu.memory_space<vmem>>, vector<1x16xf32>,
        %get3A_477 = vector.shape_cast %get3A_476 : vector<1x16xf32> to vector<16xf32>
        %mul3A_478 = vector.broadcast %squeeze3A_414 : f32 to vector<16xf32>
        %mul3A_479 = arith.mulf %get3A_477, %mul3A_478 : vector<16xf32>
        %swap3A_480 = arith.index_cast %add3A_418 : i32 to index
        %swap3A_481 = arith.constant 80 : index
        %swap3A_482 = tpu.vector_load %arg11[%swap3A_480, %swap3A_481] {strides = array<i32>} : memref<80x128xf32, #tpu.memory_space<vmem>>, vector<1x16xf32>,
        %swap3A_483 = vector.shape_cast %swap3A_482 : vector<1x16xf32> to vector<16xf32>
        %swap3A_484 = vector.shape_cast %mul3A_479 : vector<16xf32> to vector<1x16xf32>
        tpu.vector_store %arg11[%swap3A_480, %swap3A_481], %swap3A_484 {strides = array<i32>} : memref<80x128xf32, #tpu.memory_space<vmem>>, vector<1x16xf32>,
        %get3A_485 = arith.index_cast %add3A_418 : i32 to index
        %get3A_486 = arith.constant 96 : index
        %get3A_487 = tpu.vector_load %arg11[%get3A_485, %get3A_486] {strides = array<i32>} : memref<80x128xf32, #tpu.memory_space<vmem>>, vector<1x16xf32>,
        %get3A_488 = vector.shape_cast %get3A_487 : vector<1x16xf32> to vector<16xf32>
        %mul3A_489 = vector.broadcast %squeeze3A_414 : f32 to vector<16xf32>
        %mul3A_490 = arith.mulf %get3A_488, %mul3A_489 : vector<16xf32>
        %swap3A_491 = arith.index_cast %add3A_418 : i32 to index
        %swap3A_492 = arith.constant 96 : index
        %swap3A_493 = tpu.vector_load %arg11[%swap3A_491, %swap3A_492] {strides = array<i32>} : memref<80x128xf32, #tpu.memory_space<vmem>>, vector<1x16xf32>,
        %swap3A_494 = vector.shape_cast %swap3A_493 : vector<1x16xf32> to vector<16xf32>
        %swap3A_495 = vector.shape_cast %mul3A_490 : vector<16xf32> to vector<1x16xf32>
        tpu.vector_store %arg11[%swap3A_491, %swap3A_492], %swap3A_495 {strides = array<i32>} : memref<80x128xf32, #tpu.memory_space<vmem>>, vector<1x16xf32>,
        %get3A_496 = arith.index_cast %add3A_418 : i32 to index
        %get3A_497 = arith.constant 112 : index
        %get3A_498 = tpu.vector_load %arg11[%get3A_496, %get3A_497] {strides = array<i32>} : memref<80x128xf32, #tpu.memory_space<vmem>>, vector<1x16xf32>,
        %get3A_499 = vector.shape_cast %get3A_498 : vector<1x16xf32> to vector<16xf32>
        %mul3A_500 = vector.broadcast %squeeze3A_414 : f32 to vector<16xf32>
        %mul3A_501 = arith.mulf %get3A_499, %mul3A_500 : vector<16xf32>
        %swap3A_502 = arith.index_cast %add3A_418 : i32 to index
        %swap3A_503 = arith.constant 112 : index
        %swap3A_504 = tpu.vector_load %arg11[%swap3A_502, %swap3A_503] {strides = array<i32>} : memref<80x128xf32, #tpu.memory_space<vmem>>, vector<1x16xf32>,
        %swap3A_505 = vector.shape_cast %swap3A_504 : vector<1x16xf32> to vector<16xf32>
        %swap3A_506 = vector.shape_cast %mul3A_501 : vector<16xf32> to vector<1x16xf32>
        tpu.vector_store %arg11[%swap3A_502, %swap3A_503], %swap3A_506 {strides = array<i32>} : memref<80x128xf32, #tpu.memory_space<vmem>>, vector<1x16xf32>,
        %slice3A_507 = vector.extract_strided_slice %get3A_39 {offsets = [5], sizes = [1], strides = [1]} : vector<16xf32> to vector<1xf32>
        %squeeze3A_508 = vector.extract %slice3A_507[0] : f32 from vector<1xf32>
        %mul3A_509 = arith.constant 16 : i32
        %mul3A_510 = arith.muli %scan3A_34, %mul3A_509 : i32
        %add3A_511 = arith.constant 5 : i32
        %add3A_512 = arith.addi %mul3A_510, %add3A_511 : i32
        %get3A_513 = arith.index_cast %add3A_512 : i32 to index
        %get3A_514 = arith.constant 0 : index
        %get3A_515 = tpu.vector_load %arg11[%get3A_513, %get3A_514] {strides = array<i32>} : memref<80x128xf32, #tpu.memory_space<vmem>>, vector<1x16xf32>,
        %get3A_516 = vector.shape_cast %get3A_515 : vector<1x16xf32> to vector<16xf32>
        %mul3A_517 = vector.broadcast %squeeze3A_508 : f32 to vector<16xf32>
        %mul3A_518 = arith.mulf %get3A_516, %mul3A_517 : vector<16xf32>
        %swap3A_519 = arith.index_cast %add3A_512 : i32 to index
        %swap3A_520 = arith.constant 0 : index
        %swap3A_521 = tpu.vector_load %arg11[%swap3A_519, %swap3A_520] {strides = array<i32>} : memref<80x128xf32, #tpu.memory_space<vmem>>, vector<1x16xf32>,
        %swap3A_522 = vector.shape_cast %swap3A_521 : vector<1x16xf32> to vector<16xf32>
        %swap3A_523 = vector.shape_cast %mul3A_518 : vector<16xf32> to vector<1x16xf32>
        tpu.vector_store %arg11[%swap3A_519, %swap3A_520], %swap3A_523 {strides = array<i32>} : memref<80x128xf32, #tpu.memory_space<vmem>>, vector<1x16xf32>,
        %get3A_524 = arith.index_cast %add3A_512 : i32 to index
        %get3A_525 = arith.constant 16 : index
        %get3A_526 = tpu.vector_load %arg11[%get3A_524, %get3A_525] {strides = array<i32>} : memref<80x128xf32, #tpu.memory_space<vmem>>, vector<1x16xf32>,
        %get3A_527 = vector.shape_cast %get3A_526 : vector<1x16xf32> to vector<16xf32>
        %mul3A_528 = vector.broadcast %squeeze3A_508 : f32 to vector<16xf32>
        %mul3A_529 = arith.mulf %get3A_527, %mul3A_528 : vector<16xf32>
        %swap3A_530 = arith.index_cast %add3A_512 : i32 to index
        %swap3A_531 = arith.constant 16 : index
        %swap3A_532 = tpu.vector_load %arg11[%swap3A_530, %swap3A_531] {strides = array<i32>} : memref<80x128xf32, #tpu.memory_space<vmem>>, vector<1x16xf32>,
        %swap3A_533 = vector.shape_cast %swap3A_532 : vector<1x16xf32> to vector<16xf32>
        %swap3A_534 = vector.shape_cast %mul3A_529 : vector<16xf32> to vector<1x16xf32>
        tpu.vector_store %arg11[%swap3A_530, %swap3A_531], %swap3A_534 {strides = array<i32>} : memref<80x128xf32, #tpu.memory_space<vmem>>, vector<1x16xf32>,
        %get3A_535 = arith.index_cast %add3A_512 : i32 to index
        %get3A_536 = arith.constant 32 : index
        %get3A_537 = tpu.vector_load %arg11[%get3A_535, %get3A_536] {strides = array<i32>} : memref<80x128xf32, #tpu.memory_space<vmem>>, vector<1x16xf32>,
        %get3A_538 = vector.shape_cast %get3A_537 : vector<1x16xf32> to vector<16xf32>
        %mul3A_539 = vector.broadcast %squeeze3A_508 : f32 to vector<16xf32>
        %mul3A_540 = arith.mulf %get3A_538, %mul3A_539 : vector<16xf32>
        %swap3A_541 = arith.index_cast %add3A_512 : i32 to index
        %swap3A_542 = arith.constant 32 : index
        %swap3A_543 = tpu.vector_load %arg11[%swap3A_541, %swap3A_542] {strides = array<i32>} : memref<80x128xf32, #tpu.memory_space<vmem>>, vector<1x16xf32>,
        %swap3A_544 = vector.shape_cast %swap3A_543 : vector<1x16xf32> to vector<16xf32>
        %swap3A_545 = vector.shape_cast %mul3A_540 : vector<16xf32> to vector<1x16xf32>
        tpu.vector_store %arg11[%swap3A_541, %swap3A_542], %swap3A_545 {strides = array<i32>} : memref<80x128xf32, #tpu.memory_space<vmem>>, vector<1x16xf32>,
        %get3A_546 = arith.index_cast %add3A_512 : i32 to index
        %get3A_547 = arith.constant 48 : index
        %get3A_548 = tpu.vector_load %arg11[%get3A_546, %get3A_547] {strides = array<i32>} : memref<80x128xf32, #tpu.memory_space<vmem>>, vector<1x16xf32>,
        %get3A_549 = vector.shape_cast %get3A_548 : vector<1x16xf32> to vector<16xf32>
        %mul3A_550 = vector.broadcast %squeeze3A_508 : f32 to vector<16xf32>
        %mul3A_551 = arith.mulf %get3A_549, %mul3A_550 : vector<16xf32>
        %swap3A_552 = arith.index_cast %add3A_512 : i32 to index
        %swap3A_553 = arith.constant 48 : index
        %swap3A_554 = tpu.vector_load %arg11[%swap3A_552, %swap3A_553] {strides = array<i32>} : memref<80x128xf32, #tpu.memory_space<vmem>>, vector<1x16xf32>,
        %swap3A_555 = vector.shape_cast %swap3A_554 : vector<1x16xf32> to vector<16xf32>
        %swap3A_556 = vector.shape_cast %mul3A_551 : vector<16xf32> to vector<1x16xf32>
        tpu.vector_store %arg11[%swap3A_552, %swap3A_553], %swap3A_556 {strides = array<i32>} : memref<80x128xf32, #tpu.memory_space<vmem>>, vector<1x16xf32>,
        %get3A_557 = arith.index_cast %add3A_512 : i32 to index
        %get3A_558 = arith.constant 64 : index
        %get3A_559 = tpu.vector_load %arg11[%get3A_557, %get3A_558] {strides = array<i32>} : memref<80x128xf32, #tpu.memory_space<vmem>>, vector<1x16xf32>,
        %get3A_560 = vector.shape_cast %get3A_559 : vector<1x16xf32> to vector<16xf32>
        %mul3A_561 = vector.broadcast %squeeze3A_508 : f32 to vector<16xf32>
        %mul3A_562 = arith.mulf %get3A_560, %mul3A_561 : vector<16xf32>
        %swap3A_563 = arith.index_cast %add3A_512 : i32 to index
        %swap3A_564 = arith.constant 64 : index
        %swap3A_565 = tpu.vector_load %arg11[%swap3A_563, %swap3A_564] {strides = array<i32>} : memref<80x128xf32, #tpu.memory_space<vmem>>, vector<1x16xf32>,
        %swap3A_566 = vector.shape_cast %swap3A_565 : vector<1x16xf32> to vector<16xf32>
        %swap3A_567 = vector.shape_cast %mul3A_562 : vector<16xf32> to vector<1x16xf32>
        tpu.vector_store %arg11[%swap3A_563, %swap3A_564], %swap3A_567 {strides = array<i32>} : memref<80x128xf32, #tpu.memory_space<vmem>>, vector<1x16xf32>,
        %get3A_568 = arith.index_cast %add3A_512 : i32 to index
        %get3A_569 = arith.constant 80 : index
        %get3A_570 = tpu.vector_load %arg11[%get3A_568, %get3A_569] {strides = array<i32>} : memref<80x128xf32, #tpu.memory_space<vmem>>, vector<1x16xf32>,
        %get3A_571 = vector.shape_cast %get3A_570 : vector<1x16xf32> to vector<16xf32>
        %mul3A_572 = vector.broadcast %squeeze3A_508 : f32 to vector<16xf32>
        %mul3A_573 = arith.mulf %get3A_571, %mul3A_572 : vector<16xf32>
        %swap3A_574 = arith.index_cast %add3A_512 : i32 to index
        %swap3A_575 = arith.constant 80 : index
        %swap3A_576 = tpu.vector_load %arg11[%swap3A_574, %swap3A_575] {strides = array<i32>} : memref<80x128xf32, #tpu.memory_space<vmem>>, vector<1x16xf32>,
        %swap3A_577 = vector.shape_cast %swap3A_576 : vector<1x16xf32> to vector<16xf32>
        %swap3A_578 = vector.shape_cast %mul3A_573 : vector<16xf32> to vector<1x16xf32>
        tpu.vector_store %arg11[%swap3A_574, %swap3A_575], %swap3A_578 {strides = array<i32>} : memref<80x128xf32, #tpu.memory_space<vmem>>, vector<1x16xf32>,
        %get3A_579 = arith.index_cast %add3A_512 : i32 to index
        %get3A_580 = arith.constant 96 : index
        %get3A_581 = tpu.vector_load %arg11[%get3A_579, %get3A_580] {strides = array<i32>} : memref<80x128xf32, #tpu.memory_space<vmem>>, vector<1x16xf32>,
        %get3A_582 = vector.shape_cast %get3A_581 : vector<1x16xf32> to vector<16xf32>
        %mul3A_583 = vector.broadcast %squeeze3A_508 : f32 to vector<16xf32>
        %mul3A_584 = arith.mulf %get3A_582, %mul3A_583 : vector<16xf32>
        %swap3A_585 = arith.index_cast %add3A_512 : i32 to index
        %swap3A_586 = arith.constant 96 : index
        %swap3A_587 = tpu.vector_load %arg11[%swap3A_585, %swap3A_586] {strides = array<i32>} : memref<80x128xf32, #tpu.memory_space<vmem>>, vector<1x16xf32>,
        %swap3A_588 = vector.shape_cast %swap3A_587 : vector<1x16xf32> to vector<16xf32>
        %swap3A_589 = vector.shape_cast %mul3A_584 : vector<16xf32> to vector<1x16xf32>
        tpu.vector_store %arg11[%swap3A_585, %swap3A_586], %swap3A_589 {strides = array<i32>} : memref<80x128xf32, #tpu.memory_space<vmem>>, vector<1x16xf32>,
        %get3A_590 = arith.index_cast %add3A_512 : i32 to index
        %get3A_591 = arith.constant 112 : index
        %get3A_592 = tpu.vector_load %arg11[%get3A_590, %get3A_591] {strides = array<i32>} : memref<80x128xf32, #tpu.memory_space<vmem>>, vector<1x16xf32>,
        %get3A_593 = vector.shape_cast %get3A_592 : vector<1x16xf32> to vector<16xf32>
        %mul3A_594 = vector.broadcast %squeeze3A_508 : f32 to vector<16xf32>
        %mul3A_595 = arith.mulf %get3A_593, %mul3A_594 : vector<16xf32>
        %swap3A_596 = arith.index_cast %add3A_512 : i32 to index
        %swap3A_597 = arith.constant 112 : index
        %swap3A_598 = tpu.vector_load %arg11[%swap3A_596, %swap3A_597] {strides = array<i32>} : memref<80x128xf32, #tpu.memory_space<vmem>>, vector<1x16xf32>,
        %swap3A_599 = vector.shape_cast %swap3A_598 : vector<1x16xf32> to vector<16xf32>
        %swap3A_600 = vector.shape_cast %mul3A_595 : vector<16xf32> to vector<1x16xf32>
        tpu.vector_store %arg11[%swap3A_596, %swap3A_597], %swap3A_600 {strides = array<i32>} : memref<80x128xf32, #tpu.memory_space<vmem>>, vector<1x16xf32>,
        %slice3A_601 = vector.extract_strided_slice %get3A_39 {offsets = [6], sizes = [1], strides = [1]} : vector<16xf32> to vector<1xf32>
        %squeeze3A_602 = vector.extract %slice3A_601[0] : f32 from vector<1xf32>
        %mul3A_603 = arith.constant 16 : i32
        %mul3A_604 = arith.muli %scan3A_34, %mul3A_603 : i32
        %add3A_605 = arith.constant 6 : i32
        %add3A_606 = arith.addi %mul3A_604, %add3A_605 : i32
        %get3A_607 = arith.index_cast %add3A_606 : i32 to index
        %get3A_608 = arith.constant 0 : index
        %get3A_609 = tpu.vector_load %arg11[%get3A_607, %get3A_608] {strides = array<i32>} : memref<80x128xf32, #tpu.memory_space<vmem>>, vector<1x16xf32>,
        %get3A_610 = vector.shape_cast %get3A_609 : vector<1x16xf32> to vector<16xf32>
        %mul3A_611 = vector.broadcast %squeeze3A_602 : f32 to vector<16xf32>
        %mul3A_612 = arith.mulf %get3A_610, %mul3A_611 : vector<16xf32>
        %swap3A_613 = arith.index_cast %add3A_606 : i32 to index
        %swap3A_614 = arith.constant 0 : index
        %swap3A_615 = tpu.vector_load %arg11[%swap3A_613, %swap3A_614] {strides = array<i32>} : memref<80x128xf32, #tpu.memory_space<vmem>>, vector<1x16xf32>,
        %swap3A_616 = vector.shape_cast %swap3A_615 : vector<1x16xf32> to vector<16xf32>
        %swap3A_617 = vector.shape_cast %mul3A_612 : vector<16xf32> to vector<1x16xf32>
        tpu.vector_store %arg11[%swap3A_613, %swap3A_614], %swap3A_617 {strides = array<i32>} : memref<80x128xf32, #tpu.memory_space<vmem>>, vector<1x16xf32>,
        %get3A_618 = arith.index_cast %add3A_606 : i32 to index
        %get3A_619 = arith.constant 16 : index
        %get3A_620 = tpu.vector_load %arg11[%get3A_618, %get3A_619] {strides = array<i32>} : memref<80x128xf32, #tpu.memory_space<vmem>>, vector<1x16xf32>,
        %get3A_621 = vector.shape_cast %get3A_620 : vector<1x16xf32> to vector<16xf32>
        %mul3A_622 = vector.broadcast %squeeze3A_602 : f32 to vector<16xf32>
        %mul3A_623 = arith.mulf %get3A_621, %mul3A_622 : vector<16xf32>
        %swap3A_624 = arith.index_cast %add3A_606 : i32 to index
        %swap3A_625 = arith.constant 16 : index
        %swap3A_626 = tpu.vector_load %arg11[%swap3A_624, %swap3A_625] {strides = array<i32>} : memref<80x128xf32, #tpu.memory_space<vmem>>, vector<1x16xf32>,
        %swap3A_627 = vector.shape_cast %swap3A_626 : vector<1x16xf32> to vector<16xf32>
        %swap3A_628 = vector.shape_cast %mul3A_623 : vector<16xf32> to vector<1x16xf32>
        tpu.vector_store %arg11[%swap3A_624, %swap3A_625], %swap3A_628 {strides = array<i32>} : memref<80x128xf32, #tpu.memory_space<vmem>>, vector<1x16xf32>,
        %get3A_629 = arith.index_cast %add3A_606 : i32 to index
        %get3A_630 = arith.constant 32 : index
        %get3A_631 = tpu.vector_load %arg11[%get3A_629, %get3A_630] {strides = array<i32>} : memref<80x128xf32, #tpu.memory_space<vmem>>, vector<1x16xf32>,
        %get3A_632 = vector.shape_cast %get3A_631 : vector<1x16xf32> to vector<16xf32>
        %mul3A_633 = vector.broadcast %squeeze3A_602 : f32 to vector<16xf32>
        %mul3A_634 = arith.mulf %get3A_632, %mul3A_633 : vector<16xf32>
        %swap3A_635 = arith.index_cast %add3A_606 : i32 to index
        %swap3A_636 = arith.constant 32 : index
        %swap3A_637 = tpu.vector_load %arg11[%swap3A_635, %swap3A_636] {strides = array<i32>} : memref<80x128xf32, #tpu.memory_space<vmem>>, vector<1x16xf32>,
        %swap3A_638 = vector.shape_cast %swap3A_637 : vector<1x16xf32> to vector<16xf32>
        %swap3A_639 = vector.shape_cast %mul3A_634 : vector<16xf32> to vector<1x16xf32>
        tpu.vector_store %arg11[%swap3A_635, %swap3A_636], %swap3A_639 {strides = array<i32>} : memref<80x128xf32, #tpu.memory_space<vmem>>, vector<1x16xf32>,
        %get3A_640 = arith.index_cast %add3A_606 : i32 to index
        %get3A_641 = arith.constant 48 : index
        %get3A_642 = tpu.vector_load %arg11[%get3A_640, %get3A_641] {strides = array<i32>} : memref<80x128xf32, #tpu.memory_space<vmem>>, vector<1x16xf32>,
        %get3A_643 = vector.shape_cast %get3A_642 : vector<1x16xf32> to vector<16xf32>
        %mul3A_644 = vector.broadcast %squeeze3A_602 : f32 to vector<16xf32>
        %mul3A_645 = arith.mulf %get3A_643, %mul3A_644 : vector<16xf32>
        %swap3A_646 = arith.index_cast %add3A_606 : i32 to index
        %swap3A_647 = arith.constant 48 : index
        %swap3A_648 = tpu.vector_load %arg11[%swap3A_646, %swap3A_647] {strides = array<i32>} : memref<80x128xf32, #tpu.memory_space<vmem>>, vector<1x16xf32>,
        %swap3A_649 = vector.shape_cast %swap3A_648 : vector<1x16xf32> to vector<16xf32>
        %swap3A_650 = vector.shape_cast %mul3A_645 : vector<16xf32> to vector<1x16xf32>
        tpu.vector_store %arg11[%swap3A_646, %swap3A_647], %swap3A_650 {strides = array<i32>} : memref<80x128xf32, #tpu.memory_space<vmem>>, vector<1x16xf32>,
        %get3A_651 = arith.index_cast %add3A_606 : i32 to index
        %get3A_652 = arith.constant 64 : index
        %get3A_653 = tpu.vector_load %arg11[%get3A_651, %get3A_652] {strides = array<i32>} : memref<80x128xf32, #tpu.memory_space<vmem>>, vector<1x16xf32>,
        %get3A_654 = vector.shape_cast %get3A_653 : vector<1x16xf32> to vector<16xf32>
        %mul3A_655 = vector.broadcast %squeeze3A_602 : f32 to vector<16xf32>
        %mul3A_656 = arith.mulf %get3A_654, %mul3A_655 : vector<16xf32>
        %swap3A_657 = arith.index_cast %add3A_606 : i32 to index
        %swap3A_658 = arith.constant 64 : index
        %swap3A_659 = tpu.vector_load %arg11[%swap3A_657, %swap3A_658] {strides = array<i32>} : memref<80x128xf32, #tpu.memory_space<vmem>>, vector<1x16xf32>,
        %swap3A_660 = vector.shape_cast %swap3A_659 : vector<1x16xf32> to vector<16xf32>
        %swap3A_661 = vector.shape_cast %mul3A_656 : vector<16xf32> to vector<1x16xf32>
        tpu.vector_store %arg11[%swap3A_657, %swap3A_658], %swap3A_661 {strides = array<i32>} : memref<80x128xf32, #tpu.memory_space<vmem>>, vector<1x16xf32>,
        %get3A_662 = arith.index_cast %add3A_606 : i32 to index
        %get3A_663 = arith.constant 80 : index
        %get3A_664 = tpu.vector_load %arg11[%get3A_662, %get3A_663] {strides = array<i32>} : memref<80x128xf32, #tpu.memory_space<vmem>>, vector<1x16xf32>,
        %get3A_665 = vector.shape_cast %get3A_664 : vector<1x16xf32> to vector<16xf32>
        %mul3A_666 = vector.broadcast %squeeze3A_602 : f32 to vector<16xf32>
        %mul3A_667 = arith.mulf %get3A_665, %mul3A_666 : vector<16xf32>
        %swap3A_668 = arith.index_cast %add3A_606 : i32 to index
        %swap3A_669 = arith.constant 80 : index
        %swap3A_670 = tpu.vector_load %arg11[%swap3A_668, %swap3A_669] {strides = array<i32>} : memref<80x128xf32, #tpu.memory_space<vmem>>, vector<1x16xf32>,
        %swap3A_671 = vector.shape_cast %swap3A_670 : vector<1x16xf32> to vector<16xf32>
        %swap3A_672 = vector.shape_cast %mul3A_667 : vector<16xf32> to vector<1x16xf32>
        tpu.vector_store %arg11[%swap3A_668, %swap3A_669], %swap3A_672 {strides = array<i32>} : memref<80x128xf32, #tpu.memory_space<vmem>>, vector<1x16xf32>,
        %get3A_673 = arith.index_cast %add3A_606 : i32 to index
        %get3A_674 = arith.constant 96 : index
        %get3A_675 = tpu.vector_load %arg11[%get3A_673, %get3A_674] {strides = array<i32>} : memref<80x128xf32, #tpu.memory_space<vmem>>, vector<1x16xf32>,
        %get3A_676 = vector.shape_cast %get3A_675 : vector<1x16xf32> to vector<16xf32>
        %mul3A_677 = vector.broadcast %squeeze3A_602 : f32 to vector<16xf32>
        %mul3A_678 = arith.mulf %get3A_676, %mul3A_677 : vector<16xf32>
        %swap3A_679 = arith.index_cast %add3A_606 : i32 to index
        %swap3A_680 = arith.constant 96 : index
        %swap3A_681 = tpu.vector_load %arg11[%swap3A_679, %swap3A_680] {strides = array<i32>} : memref<80x128xf32, #tpu.memory_space<vmem>>, vector<1x16xf32>,
        %swap3A_682 = vector.shape_cast %swap3A_681 : vector<1x16xf32> to vector<16xf32>
        %swap3A_683 = vector.shape_cast %mul3A_678 : vector<16xf32> to vector<1x16xf32>
        tpu.vector_store %arg11[%swap3A_679, %swap3A_680], %swap3A_683 {strides = array<i32>} : memref<80x128xf32, #tpu.memory_space<vmem>>, vector<1x16xf32>,
        %get3A_684 = arith.index_cast %add3A_606 : i32 to index
        %get3A_685 = arith.constant 112 : index
        %get3A_686 = tpu.vector_load %arg11[%get3A_684, %get3A_685] {strides = array<i32>} : memref<80x128xf32, #tpu.memory_space<vmem>>, vector<1x16xf32>,
        %get3A_687 = vector.shape_cast %get3A_686 : vector<1x16xf32> to vector<16xf32>
        %mul3A_688 = vector.broadcast %squeeze3A_602 : f32 to vector<16xf32>
        %mul3A_689 = arith.mulf %get3A_687, %mul3A_688 : vector<16xf32>
        %swap3A_690 = arith.index_cast %add3A_606 : i32 to index
        %swap3A_691 = arith.constant 112 : index
        %swap3A_692 = tpu.vector_load %arg11[%swap3A_690, %swap3A_691] {strides = array<i32>} : memref<80x128xf32, #tpu.memory_space<vmem>>, vector<1x16xf32>,
        %swap3A_693 = vector.shape_cast %swap3A_692 : vector<1x16xf32> to vector<16xf32>
        %swap3A_694 = vector.shape_cast %mul3A_689 : vector<16xf32> to vector<1x16xf32>
        tpu.vector_store %arg11[%swap3A_690, %swap3A_691], %swap3A_694 {strides = array<i32>} : memref<80x128xf32, #tpu.memory_space<vmem>>, vector<1x16xf32>,
        %slice3A_695 = vector.extract_strided_slice %get3A_39 {offsets = [7], sizes = [1], strides = [1]} : vector<16xf32> to vector<1xf32>
        %squeeze3A_696 = vector.extract %slice3A_695[0] : f32 from vector<1xf32>
        %mul3A_697 = arith.constant 16 : i32
        %mul3A_698 = arith.muli %scan3A_34, %mul3A_697 : i32
        %add3A_699 = arith.constant 7 : i32
        %add3A_700 = arith.addi %mul3A_698, %add3A_699 : i32
        %get3A_701 = arith.index_cast %add3A_700 : i32 to index
        %get3A_702 = arith.constant 0 : index
        %get3A_703 = tpu.vector_load %arg11[%get3A_701, %get3A_702] {strides = array<i32>} : memref<80x128xf32, #tpu.memory_space<vmem>>, vector<1x16xf32>,
        %get3A_704 = vector.shape_cast %get3A_703 : vector<1x16xf32> to vector<16xf32>
        %mul3A_705 = vector.broadcast %squeeze3A_696 : f32 to vector<16xf32>
        %mul3A_706 = arith.mulf %get3A_704, %mul3A_705 : vector<16xf32>
        %swap3A_707 = arith.index_cast %add3A_700 : i32 to index
        %swap3A_708 = arith.constant 0 : index
        %swap3A_709 = tpu.vector_load %arg11[%swap3A_707, %swap3A_708] {strides = array<i32>} : memref<80x128xf32, #tpu.memory_space<vmem>>, vector<1x16xf32>,
        %swap3A_710 = vector.shape_cast %swap3A_709 : vector<1x16xf32> to vector<16xf32>
        %swap3A_711 = vector.shape_cast %mul3A_706 : vector<16xf32> to vector<1x16xf32>
        tpu.vector_store %arg11[%swap3A_707, %swap3A_708], %swap3A_711 {strides = array<i32>} : memref<80x128xf32, #tpu.memory_space<vmem>>, vector<1x16xf32>,
        %get3A_712 = arith.index_cast %add3A_700 : i32 to index
        %get3A_713 = arith.constant 16 : index
        %get3A_714 = tpu.vector_load %arg11[%get3A_712, %get3A_713] {strides = array<i32>} : memref<80x128xf32, #tpu.memory_space<vmem>>, vector<1x16xf32>,
        %get3A_715 = vector.shape_cast %get3A_714 : vector<1x16xf32> to vector<16xf32>
        %mul3A_716 = vector.broadcast %squeeze3A_696 : f32 to vector<16xf32>
        %mul3A_717 = arith.mulf %get3A_715, %mul3A_716 : vector<16xf32>
        %swap3A_718 = arith.index_cast %add3A_700 : i32 to index
        %swap3A_719 = arith.constant 16 : index
        %swap3A_720 = tpu.vector_load %arg11[%swap3A_718, %swap3A_719] {strides = array<i32>} : memref<80x128xf32, #tpu.memory_space<vmem>>, vector<1x16xf32>,
        %swap3A_721 = vector.shape_cast %swap3A_720 : vector<1x16xf32> to vector<16xf32>
        %swap3A_722 = vector.shape_cast %mul3A_717 : vector<16xf32> to vector<1x16xf32>
        tpu.vector_store %arg11[%swap3A_718, %swap3A_719], %swap3A_722 {strides = array<i32>} : memref<80x128xf32, #tpu.memory_space<vmem>>, vector<1x16xf32>,
        %get3A_723 = arith.index_cast %add3A_700 : i32 to index
        %get3A_724 = arith.constant 32 : index
        %get3A_725 = tpu.vector_load %arg11[%get3A_723, %get3A_724] {strides = array<i32>} : memref<80x128xf32, #tpu.memory_space<vmem>>, vector<1x16xf32>,
        %get3A_726 = vector.shape_cast %get3A_725 : vector<1x16xf32> to vector<16xf32>
        %mul3A_727 = vector.broadcast %squeeze3A_696 : f32 to vector<16xf32>
        %mul3A_728 = arith.mulf %get3A_726, %mul3A_727 : vector<16xf32>
        %swap3A_729 = arith.index_cast %add3A_700 : i32 to index
        %swap3A_730 = arith.constant 32 : index
        %swap3A_731 = tpu.vector_load %arg11[%swap3A_729, %swap3A_730] {strides = array<i32>} : memref<80x128xf32, #tpu.memory_space<vmem>>, vector<1x16xf32>,
        %swap3A_732 = vector.shape_cast %swap3A_731 : vector<1x16xf32> to vector<16xf32>
        %swap3A_733 = vector.shape_cast %mul3A_728 : vector<16xf32> to vector<1x16xf32>
        tpu.vector_store %arg11[%swap3A_729, %swap3A_730], %swap3A_733 {strides = array<i32>} : memref<80x128xf32, #tpu.memory_space<vmem>>, vector<1x16xf32>,
        %get3A_734 = arith.index_cast %add3A_700 : i32 to index
        %get3A_735 = arith.constant 48 : index
        %get3A_736 = tpu.vector_load %arg11[%get3A_734, %get3A_735] {strides = array<i32>} : memref<80x128xf32, #tpu.memory_space<vmem>>, vector<1x16xf32>,
        %get3A_737 = vector.shape_cast %get3A_736 : vector<1x16xf32> to vector<16xf32>
        %mul3A_738 = vector.broadcast %squeeze3A_696 : f32 to vector<16xf32>
        %mul3A_739 = arith.mulf %get3A_737, %mul3A_738 : vector<16xf32>
        %swap3A_740 = arith.index_cast %add3A_700 : i32 to index
        %swap3A_741 = arith.constant 48 : index
        %swap3A_742 = tpu.vector_load %arg11[%swap3A_740, %swap3A_741] {strides = array<i32>} : memref<80x128xf32, #tpu.memory_space<vmem>>, vector<1x16xf32>,
        %swap3A_743 = vector.shape_cast %swap3A_742 : vector<1x16xf32> to vector<16xf32>
        %swap3A_744 = vector.shape_cast %mul3A_739 : vector<16xf32> to vector<1x16xf32>
        tpu.vector_store %arg11[%swap3A_740, %swap3A_741], %swap3A_744 {strides = array<i32>} : memref<80x128xf32, #tpu.memory_space<vmem>>, vector<1x16xf32>,
        %get3A_745 = arith.index_cast %add3A_700 : i32 to index
        %get3A_746 = arith.constant 64 : index
        %get3A_747 = tpu.vector_load %arg11[%get3A_745, %get3A_746] {strides = array<i32>} : memref<80x128xf32, #tpu.memory_space<vmem>>, vector<1x16xf32>,
        %get3A_748 = vector.shape_cast %get3A_747 : vector<1x16xf32> to vector<16xf32>
        %mul3A_749 = vector.broadcast %squeeze3A_696 : f32 to vector<16xf32>
        %mul3A_750 = arith.mulf %get3A_748, %mul3A_749 : vector<16xf32>
        %swap3A_751 = arith.index_cast %add3A_700 : i32 to index
        %swap3A_752 = arith.constant 64 : index
        %swap3A_753 = tpu.vector_load %arg11[%swap3A_751, %swap3A_752] {strides = array<i32>} : memref<80x128xf32, #tpu.memory_space<vmem>>, vector<1x16xf32>,
        %swap3A_754 = vector.shape_cast %swap3A_753 : vector<1x16xf32> to vector<16xf32>
        %swap3A_755 = vector.shape_cast %mul3A_750 : vector<16xf32> to vector<1x16xf32>
        tpu.vector_store %arg11[%swap3A_751, %swap3A_752], %swap3A_755 {strides = array<i32>} : memref<80x128xf32, #tpu.memory_space<vmem>>, vector<1x16xf32>,
        %get3A_756 = arith.index_cast %add3A_700 : i32 to index
        %get3A_757 = arith.constant 80 : index
        %get3A_758 = tpu.vector_load %arg11[%get3A_756, %get3A_757] {strides = array<i32>} : memref<80x128xf32, #tpu.memory_space<vmem>>, vector<1x16xf32>,
        %get3A_759 = vector.shape_cast %get3A_758 : vector<1x16xf32> to vector<16xf32>
        %mul3A_760 = vector.broadcast %squeeze3A_696 : f32 to vector<16xf32>
        %mul3A_761 = arith.mulf %get3A_759, %mul3A_760 : vector<16xf32>
        %swap3A_762 = arith.index_cast %add3A_700 : i32 to index
        %swap3A_763 = arith.constant 80 : index
        %swap3A_764 = tpu.vector_load %arg11[%swap3A_762, %swap3A_763] {strides = array<i32>} : memref<80x128xf32, #tpu.memory_space<vmem>>, vector<1x16xf32>,
        %swap3A_765 = vector.shape_cast %swap3A_764 : vector<1x16xf32> to vector<16xf32>
        %swap3A_766 = vector.shape_cast %mul3A_761 : vector<16xf32> to vector<1x16xf32>
        tpu.vector_store %arg11[%swap3A_762, %swap3A_763], %swap3A_766 {strides = array<i32>} : memref<80x128xf32, #tpu.memory_space<vmem>>, vector<1x16xf32>,
        %get3A_767 = arith.index_cast %add3A_700 : i32 to index
        %get3A_768 = arith.constant 96 : index
        %get3A_769 = tpu.vector_load %arg11[%get3A_767, %get3A_768] {strides = array<i32>} : memref<80x128xf32, #tpu.memory_space<vmem>>, vector<1x16xf32>,
        %get3A_770 = vector.shape_cast %get3A_769 : vector<1x16xf32> to vector<16xf32>
        %mul3A_771 = vector.broadcast %squeeze3A_696 : f32 to vector<16xf32>
        %mul3A_772 = arith.mulf %get3A_770, %mul3A_771 : vector<16xf32>
        %swap3A_773 = arith.index_cast %add3A_700 : i32 to index
        %swap3A_774 = arith.constant 96 : index
        %swap3A_775 = tpu.vector_load %arg11[%swap3A_773, %swap3A_774] {strides = array<i32>} : memref<80x128xf32, #tpu.memory_space<vmem>>, vector<1x16xf32>,
        %swap3A_776 = vector.shape_cast %swap3A_775 : vector<1x16xf32> to vector<16xf32>
        %swap3A_777 = vector.shape_cast %mul3A_772 : vector<16xf32> to vector<1x16xf32>
        tpu.vector_store %arg11[%swap3A_773, %swap3A_774], %swap3A_777 {strides = array<i32>} : memref<80x128xf32, #tpu.memory_space<vmem>>, vector<1x16xf32>,
        %get3A_778 = arith.index_cast %add3A_700 : i32 to index
        %get3A_779 = arith.constant 112 : index
        %get3A_780 = tpu.vector_load %arg11[%get3A_778, %get3A_779] {strides = array<i32>} : memref<80x128xf32, #tpu.memory_space<vmem>>, vector<1x16xf32>,
        %get3A_781 = vector.shape_cast %get3A_780 : vector<1x16xf32> to vector<16xf32>
        %mul3A_782 = vector.broadcast %squeeze3A_696 : f32 to vector<16xf32>
        %mul3A_783 = arith.mulf %get3A_781, %mul3A_782 : vector<16xf32>
        %swap3A_784 = arith.index_cast %add3A_700 : i32 to index
        %swap3A_785 = arith.constant 112 : index
        %swap3A_786 = tpu.vector_load %arg11[%swap3A_784, %swap3A_785] {strides = array<i32>} : memref<80x128xf32, #tpu.memory_space<vmem>>, vector<1x16xf32>,
        %swap3A_787 = vector.shape_cast %swap3A_786 : vector<1x16xf32> to vector<16xf32>
        %swap3A_788 = vector.shape_cast %mul3A_783 : vector<16xf32> to vector<1x16xf32>
        tpu.vector_store %arg11[%swap3A_784, %swap3A_785], %swap3A_788 {strides = array<i32>} : memref<80x128xf32, #tpu.memory_space<vmem>>, vector<1x16xf32>,
        %slice3A_789 = vector.extract_strided_slice %get3A_39 {offsets = [8], sizes = [1], strides = [1]} : vector<16xf32> to vector<1xf32>
        %squeeze3A_790 = vector.extract %slice3A_789[0] : f32 from vector<1xf32>
        %mul3A_791 = arith.constant 16 : i32
        %mul3A_792 = arith.muli %scan3A_34, %mul3A_791 : i32
        %add3A_793 = arith.constant 8 : i32
        %add3A_794 = arith.addi %mul3A_792, %add3A_793 : i32
        %get3A_795 = arith.index_cast %add3A_794 : i32 to index
        %get3A_796 = arith.constant 0 : index
        %get3A_797 = tpu.vector_load %arg11[%get3A_795, %get3A_796] {strides = array<i32>} : memref<80x128xf32, #tpu.memory_space<vmem>>, vector<1x16xf32>,
        %get3A_798 = vector.shape_cast %get3A_797 : vector<1x16xf32> to vector<16xf32>
        %mul3A_799 = vector.broadcast %squeeze3A_790 : f32 to vector<16xf32>
        %mul3A_800 = arith.mulf %get3A_798, %mul3A_799 : vector<16xf32>
        %swap3A_801 = arith.index_cast %add3A_794 : i32 to index
        %swap3A_802 = arith.constant 0 : index
        %swap3A_803 = tpu.vector_load %arg11[%swap3A_801, %swap3A_802] {strides = array<i32>} : memref<80x128xf32, #tpu.memory_space<vmem>>, vector<1x16xf32>,
        %swap3A_804 = vector.shape_cast %swap3A_803 : vector<1x16xf32> to vector<16xf32>
        %swap3A_805 = vector.shape_cast %mul3A_800 : vector<16xf32> to vector<1x16xf32>
        tpu.vector_store %arg11[%swap3A_801, %swap3A_802], %swap3A_805 {strides = array<i32>} : memref<80x128xf32, #tpu.memory_space<vmem>>, vector<1x16xf32>,
        %get3A_806 = arith.index_cast %add3A_794 : i32 to index
        %get3A_807 = arith.constant 16 : index
        %get3A_808 = tpu.vector_load %arg11[%get3A_806, %get3A_807] {strides = array<i32>} : memref<80x128xf32, #tpu.memory_space<vmem>>, vector<1x16xf32>,
        %get3A_809 = vector.shape_cast %get3A_808 : vector<1x16xf32> to vector<16xf32>
        %mul3A_810 = vector.broadcast %squeeze3A_790 : f32 to vector<16xf32>
        %mul3A_811 = arith.mulf %get3A_809, %mul3A_810 : vector<16xf32>
        %swap3A_812 = arith.index_cast %add3A_794 : i32 to index
        %swap3A_813 = arith.constant 16 : index
        %swap3A_814 = tpu.vector_load %arg11[%swap3A_812, %swap3A_813] {strides = array<i32>} : memref<80x128xf32, #tpu.memory_space<vmem>>, vector<1x16xf32>,
        %swap3A_815 = vector.shape_cast %swap3A_814 : vector<1x16xf32> to vector<16xf32>
        %swap3A_816 = vector.shape_cast %mul3A_811 : vector<16xf32> to vector<1x16xf32>
        tpu.vector_store %arg11[%swap3A_812, %swap3A_813], %swap3A_816 {strides = array<i32>} : memref<80x128xf32, #tpu.memory_space<vmem>>, vector<1x16xf32>,
        %get3A_817 = arith.index_cast %add3A_794 : i32 to index
        %get3A_818 = arith.constant 32 : index
        %get3A_819 = tpu.vector_load %arg11[%get3A_817, %get3A_818] {strides = array<i32>} : memref<80x128xf32, #tpu.memory_space<vmem>>, vector<1x16xf32>,
        %get3A_820 = vector.shape_cast %get3A_819 : vector<1x16xf32> to vector<16xf32>
        %mul3A_821 = vector.broadcast %squeeze3A_790 : f32 to vector<16xf32>
        %mul3A_822 = arith.mulf %get3A_820, %mul3A_821 : vector<16xf32>
        %swap3A_823 = arith.index_cast %add3A_794 : i32 to index
        %swap3A_824 = arith.constant 32 : index
        %swap3A_825 = tpu.vector_load %arg11[%swap3A_823, %swap3A_824] {strides = array<i32>} : memref<80x128xf32, #tpu.memory_space<vmem>>, vector<1x16xf32>,
        %swap3A_826 = vector.shape_cast %swap3A_825 : vector<1x16xf32> to vector<16xf32>
        %swap3A_827 = vector.shape_cast %mul3A_822 : vector<16xf32> to vector<1x16xf32>
        tpu.vector_store %arg11[%swap3A_823, %swap3A_824], %swap3A_827 {strides = array<i32>} : memref<80x128xf32, #tpu.memory_space<vmem>>, vector<1x16xf32>,
        %get3A_828 = arith.index_cast %add3A_794 : i32 to index
        %get3A_829 = arith.constant 48 : index
        %get3A_830 = tpu.vector_load %arg11[%get3A_828, %get3A_829] {strides = array<i32>} : memref<80x128xf32, #tpu.memory_space<vmem>>, vector<1x16xf32>,
        %get3A_831 = vector.shape_cast %get3A_830 : vector<1x16xf32> to vector<16xf32>
        %mul3A_832 = vector.broadcast %squeeze3A_790 : f32 to vector<16xf32>
        %mul3A_833 = arith.mulf %get3A_831, %mul3A_832 : vector<16xf32>
        %swap3A_834 = arith.index_cast %add3A_794 : i32 to index
        %swap3A_835 = arith.constant 48 : index
        %swap3A_836 = tpu.vector_load %arg11[%swap3A_834, %swap3A_835] {strides = array<i32>} : memref<80x128xf32, #tpu.memory_space<vmem>>, vector<1x16xf32>,
        %swap3A_837 = vector.shape_cast %swap3A_836 : vector<1x16xf32> to vector<16xf32>
        %swap3A_838 = vector.shape_cast %mul3A_833 : vector<16xf32> to vector<1x16xf32>
        tpu.vector_store %arg11[%swap3A_834, %swap3A_835], %swap3A_838 {strides = array<i32>} : memref<80x128xf32, #tpu.memory_space<vmem>>, vector<1x16xf32>,
        %get3A_839 = arith.index_cast %add3A_794 : i32 to index
        %get3A_840 = arith.constant 64 : index
        %get3A_841 = tpu.vector_load %arg11[%get3A_839, %get3A_840] {strides = array<i32>} : memref<80x128xf32, #tpu.memory_space<vmem>>, vector<1x16xf32>,
        %get3A_842 = vector.shape_cast %get3A_841 : vector<1x16xf32> to vector<16xf32>
        %mul3A_843 = vector.broadcast %squeeze3A_790 : f32 to vector<16xf32>
        %mul3A_844 = arith.mulf %get3A_842, %mul3A_843 : vector<16xf32>
        %swap3A_845 = arith.index_cast %add3A_794 : i32 to index
        %swap3A_846 = arith.constant 64 : index
        %swap3A_847 = tpu.vector_load %arg11[%swap3A_845, %swap3A_846] {strides = array<i32>} : memref<80x128xf32, #tpu.memory_space<vmem>>, vector<1x16xf32>,
        %swap3A_848 = vector.shape_cast %swap3A_847 : vector<1x16xf32> to vector<16xf32>
        %swap3A_849 = vector.shape_cast %mul3A_844 : vector<16xf32> to vector<1x16xf32>
        tpu.vector_store %arg11[%swap3A_845, %swap3A_846], %swap3A_849 {strides = array<i32>} : memref<80x128xf32, #tpu.memory_space<vmem>>, vector<1x16xf32>,
        %get3A_850 = arith.index_cast %add3A_794 : i32 to index
        %get3A_851 = arith.constant 80 : index
        %get3A_852 = tpu.vector_load %arg11[%get3A_850, %get3A_851] {strides = array<i32>} : memref<80x128xf32, #tpu.memory_space<vmem>>, vector<1x16xf32>,
        %get3A_853 = vector.shape_cast %get3A_852 : vector<1x16xf32> to vector<16xf32>
        %mul3A_854 = vector.broadcast %squeeze3A_790 : f32 to vector<16xf32>
        %mul3A_855 = arith.mulf %get3A_853, %mul3A_854 : vector<16xf32>
        %swap3A_856 = arith.index_cast %add3A_794 : i32 to index
        %swap3A_857 = arith.constant 80 : index
        %swap3A_858 = tpu.vector_load %arg11[%swap3A_856, %swap3A_857] {strides = array<i32>} : memref<80x128xf32, #tpu.memory_space<vmem>>, vector<1x16xf32>,
        %swap3A_859 = vector.shape_cast %swap3A_858 : vector<1x16xf32> to vector<16xf32>
        %swap3A_860 = vector.shape_cast %mul3A_855 : vector<16xf32> to vector<1x16xf32>
        tpu.vector_store %arg11[%swap3A_856, %swap3A_857], %swap3A_860 {strides = array<i32>} : memref<80x128xf32, #tpu.memory_space<vmem>>, vector<1x16xf32>,
        %get3A_861 = arith.index_cast %add3A_794 : i32 to index
        %get3A_862 = arith.constant 96 : index
        %get3A_863 = tpu.vector_load %arg11[%get3A_861, %get3A_862] {strides = array<i32>} : memref<80x128xf32, #tpu.memory_space<vmem>>, vector<1x16xf32>,
        %get3A_864 = vector.shape_cast %get3A_863 : vector<1x16xf32> to vector<16xf32>
        %mul3A_865 = vector.broadcast %squeeze3A_790 : f32 to vector<16xf32>
        %mul3A_866 = arith.mulf %get3A_864, %mul3A_865 : vector<16xf32>
        %swap3A_867 = arith.index_cast %add3A_794 : i32 to index
        %swap3A_868 = arith.constant 96 : index
        %swap3A_869 = tpu.vector_load %arg11[%swap3A_867, %swap3A_868] {strides = array<i32>} : memref<80x128xf32, #tpu.memory_space<vmem>>, vector<1x16xf32>,
        %swap3A_870 = vector.shape_cast %swap3A_869 : vector<1x16xf32> to vector<16xf32>
        %swap3A_871 = vector.shape_cast %mul3A_866 : vector<16xf32> to vector<1x16xf32>
        tpu.vector_store %arg11[%swap3A_867, %swap3A_868], %swap3A_871 {strides = array<i32>} : memref<80x128xf32, #tpu.memory_space<vmem>>, vector<1x16xf32>,
        %get3A_872 = arith.index_cast %add3A_794 : i32 to index
        %get3A_873 = arith.constant 112 : index
        %get3A_874 = tpu.vector_load %arg11[%get3A_872, %get3A_873] {strides = array<i32>} : memref<80x128xf32, #tpu.memory_space<vmem>>, vector<1x16xf32>,
        %get3A_875 = vector.shape_cast %get3A_874 : vector<1x16xf32> to vector<16xf32>
        %mul3A_876 = vector.broadcast %squeeze3A_790 : f32 to vector<16xf32>
        %mul3A_877 = arith.mulf %get3A_875, %mul3A_876 : vector<16xf32>
        %swap3A_878 = arith.index_cast %add3A_794 : i32 to index
        %swap3A_879 = arith.constant 112 : index
        %swap3A_880 = tpu.vector_load %arg11[%swap3A_878, %swap3A_879] {strides = array<i32>} : memref<80x128xf32, #tpu.memory_space<vmem>>, vector<1x16xf32>,
        %swap3A_881 = vector.shape_cast %swap3A_880 : vector<1x16xf32> to vector<16xf32>
        %swap3A_882 = vector.shape_cast %mul3A_877 : vector<16xf32> to vector<1x16xf32>
        tpu.vector_store %arg11[%swap3A_878, %swap3A_879], %swap3A_882 {strides = array<i32>} : memref<80x128xf32, #tpu.memory_space<vmem>>, vector<1x16xf32>,
        %slice3A_883 = vector.extract_strided_slice %get3A_39 {offsets = [9], sizes = [1], strides = [1]} : vector<16xf32> to vector<1xf32>
        %squeeze3A_884 = vector.extract %slice3A_883[0] : f32 from vector<1xf32>
        %mul3A_885 = arith.constant 16 : i32
        %mul3A_886 = arith.muli %scan3A_34, %mul3A_885 : i32
        %add3A_887 = arith.constant 9 : i32
        %add3A_888 = arith.addi %mul3A_886, %add3A_887 : i32
        %get3A_889 = arith.index_cast %add3A_888 : i32 to index
        %get3A_890 = arith.constant 0 : index
        %get3A_891 = tpu.vector_load %arg11[%get3A_889, %get3A_890] {strides = array<i32>} : memref<80x128xf32, #tpu.memory_space<vmem>>, vector<1x16xf32>,
        %get3A_892 = vector.shape_cast %get3A_891 : vector<1x16xf32> to vector<16xf32>
        %mul3A_893 = vector.broadcast %squeeze3A_884 : f32 to vector<16xf32>
        %mul3A_894 = arith.mulf %get3A_892, %mul3A_893 : vector<16xf32>
        %swap3A_895 = arith.index_cast %add3A_888 : i32 to index
        %swap3A_896 = arith.constant 0 : index
        %swap3A_897 = tpu.vector_load %arg11[%swap3A_895, %swap3A_896] {strides = array<i32>} : memref<80x128xf32, #tpu.memory_space<vmem>>, vector<1x16xf32>,
        %swap3A_898 = vector.shape_cast %swap3A_897 : vector<1x16xf32> to vector<16xf32>
        %swap3A_899 = vector.shape_cast %mul3A_894 : vector<16xf32> to vector<1x16xf32>
        tpu.vector_store %arg11[%swap3A_895, %swap3A_896], %swap3A_899 {strides = array<i32>} : memref<80x128xf32, #tpu.memory_space<vmem>>, vector<1x16xf32>,
        %get3A_900 = arith.index_cast %add3A_888 : i32 to index
        %get3A_901 = arith.constant 16 : index
        %get3A_902 = tpu.vector_load %arg11[%get3A_900, %get3A_901] {strides = array<i32>} : memref<80x128xf32, #tpu.memory_space<vmem>>, vector<1x16xf32>,
        %get3A_903 = vector.shape_cast %get3A_902 : vector<1x16xf32> to vector<16xf32>
        %mul3A_904 = vector.broadcast %squeeze3A_884 : f32 to vector<16xf32>
        %mul3A_905 = arith.mulf %get3A_903, %mul3A_904 : vector<16xf32>
        %swap3A_906 = arith.index_cast %add3A_888 : i32 to index
        %swap3A_907 = arith.constant 16 : index
        %swap3A_908 = tpu.vector_load %arg11[%swap3A_906, %swap3A_907] {strides = array<i32>} : memref<80x128xf32, #tpu.memory_space<vmem>>, vector<1x16xf32>,
        %swap3A_909 = vector.shape_cast %swap3A_908 : vector<1x16xf32> to vector<16xf32>
        %swap3A_910 = vector.shape_cast %mul3A_905 : vector<16xf32> to vector<1x16xf32>
        tpu.vector_store %arg11[%swap3A_906, %swap3A_907], %swap3A_910 {strides = array<i32>} : memref<80x128xf32, #tpu.memory_space<vmem>>, vector<1x16xf32>,
        %get3A_911 = arith.index_cast %add3A_888 : i32 to index
        %get3A_912 = arith.constant 32 : index
        %get3A_913 = tpu.vector_load %arg11[%get3A_911, %get3A_912] {strides = array<i32>} : memref<80x128xf32, #tpu.memory_space<vmem>>, vector<1x16xf32>,
        %get3A_914 = vector.shape_cast %get3A_913 : vector<1x16xf32> to vector<16xf32>
        %mul3A_915 = vector.broadcast %squeeze3A_884 : f32 to vector<16xf32>
        %mul3A_916 = arith.mulf %get3A_914, %mul3A_915 : vector<16xf32>
        %swap3A_917 = arith.index_cast %add3A_888 : i32 to index
        %swap3A_918 = arith.constant 32 : index
        %swap3A_919 = tpu.vector_load %arg11[%swap3A_917, %swap3A_918] {strides = array<i32>} : memref<80x128xf32, #tpu.memory_space<vmem>>, vector<1x16xf32>,
        %swap3A_920 = vector.shape_cast %swap3A_919 : vector<1x16xf32> to vector<16xf32>
        %swap3A_921 = vector.shape_cast %mul3A_916 : vector<16xf32> to vector<1x16xf32>
        tpu.vector_store %arg11[%swap3A_917, %swap3A_918], %swap3A_921 {strides = array<i32>} : memref<80x128xf32, #tpu.memory_space<vmem>>, vector<1x16xf32>,
        %get3A_922 = arith.index_cast %add3A_888 : i32 to index
        %get3A_923 = arith.constant 48 : index
        %get3A_924 = tpu.vector_load %arg11[%get3A_922, %get3A_923] {strides = array<i32>} : memref<80x128xf32, #tpu.memory_space<vmem>>, vector<1x16xf32>,
        %get3A_925 = vector.shape_cast %get3A_924 : vector<1x16xf32> to vector<16xf32>
        %mul3A_926 = vector.broadcast %squeeze3A_884 : f32 to vector<16xf32>
        %mul3A_927 = arith.mulf %get3A_925, %mul3A_926 : vector<16xf32>
        %swap3A_928 = arith.index_cast %add3A_888 : i32 to index
        %swap3A_929 = arith.constant 48 : index
        %swap3A_930 = tpu.vector_load %arg11[%swap3A_928, %swap3A_929] {strides = array<i32>} : memref<80x128xf32, #tpu.memory_space<vmem>>, vector<1x16xf32>,
        %swap3A_931 = vector.shape_cast %swap3A_930 : vector<1x16xf32> to vector<16xf32>
        %swap3A_932 = vector.shape_cast %mul3A_927 : vector<16xf32> to vector<1x16xf32>
        tpu.vector_store %arg11[%swap3A_928, %swap3A_929], %swap3A_932 {strides = array<i32>} : memref<80x128xf32, #tpu.memory_space<vmem>>, vector<1x16xf32>,
        %get3A_933 = arith.index_cast %add3A_888 : i32 to index
        %get3A_934 = arith.constant 64 : index
        %get3A_935 = tpu.vector_load %arg11[%get3A_933, %get3A_934] {strides = array<i32>} : memref<80x128xf32, #tpu.memory_space<vmem>>, vector<1x16xf32>,
        %get3A_936 = vector.shape_cast %get3A_935 : vector<1x16xf32> to vector<16xf32>
        %mul3A_937 = vector.broadcast %squeeze3A_884 : f32 to vector<16xf32>
        %mul3A_938 = arith.mulf %get3A_936, %mul3A_937 : vector<16xf32>
        %swap3A_939 = arith.index_cast %add3A_888 : i32 to index
        %swap3A_940 = arith.constant 64 : index
        %swap3A_941 = tpu.vector_load %arg11[%swap3A_939, %swap3A_940] {strides = array<i32>} : memref<80x128xf32, #tpu.memory_space<vmem>>, vector<1x16xf32>,
        %swap3A_942 = vector.shape_cast %swap3A_941 : vector<1x16xf32> to vector<16xf32>
        %swap3A_943 = vector.shape_cast %mul3A_938 : vector<16xf32> to vector<1x16xf32>
        tpu.vector_store %arg11[%swap3A_939, %swap3A_940], %swap3A_943 {strides = array<i32>} : memref<80x128xf32, #tpu.memory_space<vmem>>, vector<1x16xf32>,
        %get3A_944 = arith.index_cast %add3A_888 : i32 to index
        %get3A_945 = arith.constant 80 : index
        %get3A_946 = tpu.vector_load %arg11[%get3A_944, %get3A_945] {strides = array<i32>} : memref<80x128xf32, #tpu.memory_space<vmem>>, vector<1x16xf32>,
        %get3A_947 = vector.shape_cast %get3A_946 : vector<1x16xf32> to vector<16xf32>
        %mul3A_948 = vector.broadcast %squeeze3A_884 : f32 to vector<16xf32>
        %mul3A_949 = arith.mulf %get3A_947, %mul3A_948 : vector<16xf32>
        %swap3A_950 = arith.index_cast %add3A_888 : i32 to index
        %swap3A_951 = arith.constant 80 : index
        %swap3A_952 = tpu.vector_load %arg11[%swap3A_950, %swap3A_951] {strides = array<i32>} : memref<80x128xf32, #tpu.memory_space<vmem>>, vector<1x16xf32>,
        %swap3A_953 = vector.shape_cast %swap3A_952 : vector<1x16xf32> to vector<16xf32>
        %swap3A_954 = vector.shape_cast %mul3A_949 : vector<16xf32> to vector<1x16xf32>
        tpu.vector_store %arg11[%swap3A_950, %swap3A_951], %swap3A_954 {strides = array<i32>} : memref<80x128xf32, #tpu.memory_space<vmem>>, vector<1x16xf32>,
        %get3A_955 = arith.index_cast %add3A_888 : i32 to index
        %get3A_956 = arith.constant 96 : index
        %get3A_957 = tpu.vector_load %arg11[%get3A_955, %get3A_956] {strides = array<i32>} : memref<80x128xf32, #tpu.memory_space<vmem>>, vector<1x16xf32>,
        %get3A_958 = vector.shape_cast %get3A_957 : vector<1x16xf32> to vector<16xf32>
        %mul3A_959 = vector.broadcast %squeeze3A_884 : f32 to vector<16xf32>
        %mul3A_960 = arith.mulf %get3A_958, %mul3A_959 : vector<16xf32>
        %swap3A_961 = arith.index_cast %add3A_888 : i32 to index
        %swap3A_962 = arith.constant 96 : index
        %swap3A_963 = tpu.vector_load %arg11[%swap3A_961, %swap3A_962] {strides = array<i32>} : memref<80x128xf32, #tpu.memory_space<vmem>>, vector<1x16xf32>,
        %swap3A_964 = vector.shape_cast %swap3A_963 : vector<1x16xf32> to vector<16xf32>
        %swap3A_965 = vector.shape_cast %mul3A_960 : vector<16xf32> to vector<1x16xf32>
        tpu.vector_store %arg11[%swap3A_961, %swap3A_962], %swap3A_965 {strides = array<i32>} : memref<80x128xf32, #tpu.memory_space<vmem>>, vector<1x16xf32>,
        %get3A_966 = arith.index_cast %add3A_888 : i32 to index
        %get3A_967 = arith.constant 112 : index
        %get3A_968 = tpu.vector_load %arg11[%get3A_966, %get3A_967] {strides = array<i32>} : memref<80x128xf32, #tpu.memory_space<vmem>>, vector<1x16xf32>,
        %get3A_969 = vector.shape_cast %get3A_968 : vector<1x16xf32> to vector<16xf32>
        %mul3A_970 = vector.broadcast %squeeze3A_884 : f32 to vector<16xf32>
        %mul3A_971 = arith.mulf %get3A_969, %mul3A_970 : vector<16xf32>
        %swap3A_972 = arith.index_cast %add3A_888 : i32 to index
        %swap3A_973 = arith.constant 112 : index
        %swap3A_974 = tpu.vector_load %arg11[%swap3A_972, %swap3A_973] {strides = array<i32>} : memref<80x128xf32, #tpu.memory_space<vmem>>, vector<1x16xf32>,
        %swap3A_975 = vector.shape_cast %swap3A_974 : vector<1x16xf32> to vector<16xf32>
        %swap3A_976 = vector.shape_cast %mul3A_971 : vector<16xf32> to vector<1x16xf32>
        tpu.vector_store %arg11[%swap3A_972, %swap3A_973], %swap3A_976 {strides = array<i32>} : memref<80x128xf32, #tpu.memory_space<vmem>>, vector<1x16xf32>,
        %slice3A_977 = vector.extract_strided_slice %get3A_39 {offsets = [10], sizes = [1], strides = [1]} : vector<16xf32> to vector<1xf32>
        %squeeze3A_978 = vector.extract %slice3A_977[0] : f32 from vector<1xf32>
        %mul3A_979 = arith.constant 16 : i32
        %mul3A_980 = arith.muli %scan3A_34, %mul3A_979 : i32
        %add3A_981 = arith.constant 10 : i32
        %add3A_982 = arith.addi %mul3A_980, %add3A_981 : i32
        %get3A_983 = arith.index_cast %add3A_982 : i32 to index
        %get3A_984 = arith.constant 0 : index
        %get3A_985 = tpu.vector_load %arg11[%get3A_983, %get3A_984] {strides = array<i32>} : memref<80x128xf32, #tpu.memory_space<vmem>>, vector<1x16xf32>,
        %get3A_986 = vector.shape_cast %get3A_985 : vector<1x16xf32> to vector<16xf32>
        %mul3A_987 = vector.broadcast %squeeze3A_978 : f32 to vector<16xf32>
        %mul3A_988 = arith.mulf %get3A_986, %mul3A_987 : vector<16xf32>
        %swap3A_989 = arith.index_cast %add3A_982 : i32 to index
        %swap3A_990 = arith.constant 0 : index
        %swap3A_991 = tpu.vector_load %arg11[%swap3A_989, %swap3A_990] {strides = array<i32>} : memref<80x128xf32, #tpu.memory_space<vmem>>, vector<1x16xf32>,
        %swap3A_992 = vector.shape_cast %swap3A_991 : vector<1x16xf32> to vector<16xf32>
        %swap3A_993 = vector.shape_cast %mul3A_988 : vector<16xf32> to vector<1x16xf32>
        tpu.vector_store %arg11[%swap3A_989, %swap3A_990], %swap3A_993 {strides = array<i32>} : memref<80x128xf32, #tpu.memory_space<vmem>>, vector<1x16xf32>,
        %get3A_994 = arith.index_cast %add3A_982 : i32 to index
        %get3A_995 = arith.constant 16 : index
        %get3A_996 = tpu.vector_load %arg11[%get3A_994, %get3A_995] {strides = array<i32>} : memref<80x128xf32, #tpu.memory_space<vmem>>, vector<1x16xf32>,
        %get3A_997 = vector.shape_cast %get3A_996 : vector<1x16xf32> to vector<16xf32>
        %mul3A_998 = vector.broadcast %squeeze3A_978 : f32 to vector<16xf32>
        %mul3A_999 = arith.mulf %get3A_997, %mul3A_998 : vector<16xf32>
        %swap3A_1000 = arith.index_cast %add3A_982 : i32 to index
        %swap3A_1001 = arith.constant 16 : index
        %swap3A_1002 = tpu.vector_load %arg11[%swap3A_1000, %swap3A_1001] {strides = array<i32>} : memref<80x128xf32, #tpu.memory_space<vmem>>, vector<1x16xf32>,
        %swap3A_1003 = vector.shape_cast %swap3A_1002 : vector<1x16xf32> to vector<16xf32>
        %swap3A_1004 = vector.shape_cast %mul3A_999 : vector<16xf32> to vector<1x16xf32>
        tpu.vector_store %arg11[%swap3A_1000, %swap3A_1001], %swap3A_1004 {strides = array<i32>} : memref<80x128xf32, #tpu.memory_space<vmem>>, vector<1x16xf32>,
        %get3A_1005 = arith.index_cast %add3A_982 : i32 to index
        %get3A_1006 = arith.constant 32 : index
        %get3A_1007 = tpu.vector_load %arg11[%get3A_1005, %get3A_1006] {strides = array<i32>} : memref<80x128xf32, #tpu.memory_space<vmem>>, vector<1x16xf32>,
        %get3A_1008 = vector.shape_cast %get3A_1007 : vector<1x16xf32> to vector<16xf32>
        %mul3A_1009 = vector.broadcast %squeeze3A_978 : f32 to vector<16xf32>
        %mul3A_1010 = arith.mulf %get3A_1008, %mul3A_1009 : vector<16xf32>
        %swap3A_1011 = arith.index_cast %add3A_982 : i32 to index
        %swap3A_1012 = arith.constant 32 : index
        %swap3A_1013 = tpu.vector_load %arg11[%swap3A_1011, %swap3A_1012] {strides = array<i32>} : memref<80x128xf32, #tpu.memory_space<vmem>>, vector<1x16xf32>,
        %swap3A_1014 = vector.shape_cast %swap3A_1013 : vector<1x16xf32> to vector<16xf32>
        %swap3A_1015 = vector.shape_cast %mul3A_1010 : vector<16xf32> to vector<1x16xf32>
        tpu.vector_store %arg11[%swap3A_1011, %swap3A_1012], %swap3A_1015 {strides = array<i32>} : memref<80x128xf32, #tpu.memory_space<vmem>>, vector<1x16xf32>,
        %get3A_1016 = arith.index_cast %add3A_982 : i32 to index
        %get3A_1017 = arith.constant 48 : index
        %get3A_1018 = tpu.vector_load %arg11[%get3A_1016, %get3A_1017] {strides = array<i32>} : memref<80x128xf32, #tpu.memory_space<vmem>>, vector<1x16xf32>,
        %get3A_1019 = vector.shape_cast %get3A_1018 : vector<1x16xf32> to vector<16xf32>
        %mul3A_1020 = vector.broadcast %squeeze3A_978 : f32 to vector<16xf32>
        %mul3A_1021 = arith.mulf %get3A_1019, %mul3A_1020 : vector<16xf32>
        %swap3A_1022 = arith.index_cast %add3A_982 : i32 to index
        %swap3A_1023 = arith.constant 48 : index
        %swap3A_1024 = tpu.vector_load %arg11[%swap3A_1022, %swap3A_1023] {strides = array<i32>} : memref<80x128xf32, #tpu.memory_space<vmem>>, vector<1x16xf32>,
        %swap3A_1025 = vector.shape_cast %swap3A_1024 : vector<1x16xf32> to vector<16xf32>
        %swap3A_1026 = vector.shape_cast %mul3A_1021 : vector<16xf32> to vector<1x16xf32>
        tpu.vector_store %arg11[%swap3A_1022, %swap3A_1023], %swap3A_1026 {strides = array<i32>} : memref<80x128xf32, #tpu.memory_space<vmem>>, vector<1x16xf32>,
        %get3A_1027 = arith.index_cast %add3A_982 : i32 to index
        %get3A_1028 = arith.constant 64 : index
        %get3A_1029 = tpu.vector_load %arg11[%get3A_1027, %get3A_1028] {strides = array<i32>} : memref<80x128xf32, #tpu.memory_space<vmem>>, vector<1x16xf32>,
        %get3A_1030 = vector.shape_cast %get3A_1029 : vector<1x16xf32> to vector<16xf32>
        %mul3A_1031 = vector.broadcast %squeeze3A_978 : f32 to vector<16xf32>
        %mul3A_1032 = arith.mulf %get3A_1030, %mul3A_1031 : vector<16xf32>
        %swap3A_1033 = arith.index_cast %add3A_982 : i32 to index
        %swap3A_1034 = arith.constant 64 : index
        %swap3A_1035 = tpu.vector_load %arg11[%swap3A_1033, %swap3A_1034] {strides = array<i32>} : memref<80x128xf32, #tpu.memory_space<vmem>>, vector<1x16xf32>,
        %swap3A_1036 = vector.shape_cast %swap3A_1035 : vector<1x16xf32> to vector<16xf32>
        %swap3A_1037 = vector.shape_cast %mul3A_1032 : vector<16xf32> to vector<1x16xf32>
        tpu.vector_store %arg11[%swap3A_1033, %swap3A_1034], %swap3A_1037 {strides = array<i32>} : memref<80x128xf32, #tpu.memory_space<vmem>>, vector<1x16xf32>,
        %get3A_1038 = arith.index_cast %add3A_982 : i32 to index
        %get3A_1039 = arith.constant 80 : index
        %get3A_1040 = tpu.vector_load %arg11[%get3A_1038, %get3A_1039] {strides = array<i32>} : memref<80x128xf32, #tpu.memory_space<vmem>>, vector<1x16xf32>,
        %get3A_1041 = vector.shape_cast %get3A_1040 : vector<1x16xf32> to vector<16xf32>
        %mul3A_1042 = vector.broadcast %squeeze3A_978 : f32 to vector<16xf32>
        %mul3A_1043 = arith.mulf %get3A_1041, %mul3A_1042 : vector<16xf32>
        %swap3A_1044 = arith.index_cast %add3A_982 : i32 to index
        %swap3A_1045 = arith.constant 80 : index
        %swap3A_1046 = tpu.vector_load %arg11[%swap3A_1044, %swap3A_1045] {strides = array<i32>} : memref<80x128xf32, #tpu.memory_space<vmem>>, vector<1x16xf32>,
        %swap3A_1047 = vector.shape_cast %swap3A_1046 : vector<1x16xf32> to vector<16xf32>
        %swap3A_1048 = vector.shape_cast %mul3A_1043 : vector<16xf32> to vector<1x16xf32>
        tpu.vector_store %arg11[%swap3A_1044, %swap3A_1045], %swap3A_1048 {strides = array<i32>} : memref<80x128xf32, #tpu.memory_space<vmem>>, vector<1x16xf32>,
        %get3A_1049 = arith.index_cast %add3A_982 : i32 to index
        %get3A_1050 = arith.constant 96 : index
        %get3A_1051 = tpu.vector_load %arg11[%get3A_1049, %get3A_1050] {strides = array<i32>} : memref<80x128xf32, #tpu.memory_space<vmem>>, vector<1x16xf32>,
        %get3A_1052 = vector.shape_cast %get3A_1051 : vector<1x16xf32> to vector<16xf32>
        %mul3A_1053 = vector.broadcast %squeeze3A_978 : f32 to vector<16xf32>
        %mul3A_1054 = arith.mulf %get3A_1052, %mul3A_1053 : vector<16xf32>
        %swap3A_1055 = arith.index_cast %add3A_982 : i32 to index
        %swap3A_1056 = arith.constant 96 : index
        %swap3A_1057 = tpu.vector_load %arg11[%swap3A_1055, %swap3A_1056] {strides = array<i32>} : memref<80x128xf32, #tpu.memory_space<vmem>>, vector<1x16xf32>,
        %swap3A_1058 = vector.shape_cast %swap3A_1057 : vector<1x16xf32> to vector<16xf32>
        %swap3A_1059 = vector.shape_cast %mul3A_1054 : vector<16xf32> to vector<1x16xf32>
        tpu.vector_store %arg11[%swap3A_1055, %swap3A_1056], %swap3A_1059 {strides = array<i32>} : memref<80x128xf32, #tpu.memory_space<vmem>>, vector<1x16xf32>,
        %get3A_1060 = arith.index_cast %add3A_982 : i32 to index
        %get3A_1061 = arith.constant 112 : index
        %get3A_1062 = tpu.vector_load %arg11[%get3A_1060, %get3A_1061] {strides = array<i32>} : memref<80x128xf32, #tpu.memory_space<vmem>>, vector<1x16xf32>,
        %get3A_1063 = vector.shape_cast %get3A_1062 : vector<1x16xf32> to vector<16xf32>
        %mul3A_1064 = vector.broadcast %squeeze3A_978 : f32 to vector<16xf32>
        %mul3A_1065 = arith.mulf %get3A_1063, %mul3A_1064 : vector<16xf32>
        %swap3A_1066 = arith.index_cast %add3A_982 : i32 to index
        %swap3A_1067 = arith.constant 112 : index
        %swap3A_1068 = tpu.vector_load %arg11[%swap3A_1066, %swap3A_1067] {strides = array<i32>} : memref<80x128xf32, #tpu.memory_space<vmem>>, vector<1x16xf32>,
        %swap3A_1069 = vector.shape_cast %swap3A_1068 : vector<1x16xf32> to vector<16xf32>
        %swap3A_1070 = vector.shape_cast %mul3A_1065 : vector<16xf32> to vector<1x16xf32>
        tpu.vector_store %arg11[%swap3A_1066, %swap3A_1067], %swap3A_1070 {strides = array<i32>} : memref<80x128xf32, #tpu.memory_space<vmem>>, vector<1x16xf32>,
        %slice3A_1071 = vector.extract_strided_slice %get3A_39 {offsets = [11], sizes = [1], strides = [1]} : vector<16xf32> to vector<1xf32>
        %squeeze3A_1072 = vector.extract %slice3A_1071[0] : f32 from vector<1xf32>
        %mul3A_1073 = arith.constant 16 : i32
        %mul3A_1074 = arith.muli %scan3A_34, %mul3A_1073 : i32
        %add3A_1075 = arith.constant 11 : i32
        %add3A_1076 = arith.addi %mul3A_1074, %add3A_1075 : i32
        %get3A_1077 = arith.index_cast %add3A_1076 : i32 to index
        %get3A_1078 = arith.constant 0 : index
        %get3A_1079 = tpu.vector_load %arg11[%get3A_1077, %get3A_1078] {strides = array<i32>} : memref<80x128xf32, #tpu.memory_space<vmem>>, vector<1x16xf32>,
        %get3A_1080 = vector.shape_cast %get3A_1079 : vector<1x16xf32> to vector<16xf32>
        %mul3A_1081 = vector.broadcast %squeeze3A_1072 : f32 to vector<16xf32>
        %mul3A_1082 = arith.mulf %get3A_1080, %mul3A_1081 : vector<16xf32>
        %swap3A_1083 = arith.index_cast %add3A_1076 : i32 to index
        %swap3A_1084 = arith.constant 0 : index
        %swap3A_1085 = tpu.vector_load %arg11[%swap3A_1083, %swap3A_1084] {strides = array<i32>} : memref<80x128xf32, #tpu.memory_space<vmem>>, vector<1x16xf32>,
        %swap3A_1086 = vector.shape_cast %swap3A_1085 : vector<1x16xf32> to vector<16xf32>
        %swap3A_1087 = vector.shape_cast %mul3A_1082 : vector<16xf32> to vector<1x16xf32>
        tpu.vector_store %arg11[%swap3A_1083, %swap3A_1084], %swap3A_1087 {strides = array<i32>} : memref<80x128xf32, #tpu.memory_space<vmem>>, vector<1x16xf32>,
        %get3A_1088 = arith.index_cast %add3A_1076 : i32 to index
        %get3A_1089 = arith.constant 16 : index
        %get3A_1090 = tpu.vector_load %arg11[%get3A_1088, %get3A_1089] {strides = array<i32>} : memref<80x128xf32, #tpu.memory_space<vmem>>, vector<1x16xf32>,
        %get3A_1091 = vector.shape_cast %get3A_1090 : vector<1x16xf32> to vector<16xf32>
        %mul3A_1092 = vector.broadcast %squeeze3A_1072 : f32 to vector<16xf32>
        %mul3A_1093 = arith.mulf %get3A_1091, %mul3A_1092 : vector<16xf32>
        %swap3A_1094 = arith.index_cast %add3A_1076 : i32 to index
        %swap3A_1095 = arith.constant 16 : index
        %swap3A_1096 = tpu.vector_load %arg11[%swap3A_1094, %swap3A_1095] {strides = array<i32>} : memref<80x128xf32, #tpu.memory_space<vmem>>, vector<1x16xf32>,
        %swap3A_1097 = vector.shape_cast %swap3A_1096 : vector<1x16xf32> to vector<16xf32>
        %swap3A_1098 = vector.shape_cast %mul3A_1093 : vector<16xf32> to vector<1x16xf32>
        tpu.vector_store %arg11[%swap3A_1094, %swap3A_1095], %swap3A_1098 {strides = array<i32>} : memref<80x128xf32, #tpu.memory_space<vmem>>, vector<1x16xf32>,
        %get3A_1099 = arith.index_cast %add3A_1076 : i32 to index
        %get3A_1100 = arith.constant 32 : index
        %get3A_1101 = tpu.vector_load %arg11[%get3A_1099, %get3A_1100] {strides = array<i32>} : memref<80x128xf32, #tpu.memory_space<vmem>>, vector<1x16xf32>,
        %get3A_1102 = vector.shape_cast %get3A_1101 : vector<1x16xf32> to vector<16xf32>
        %mul3A_1103 = vector.broadcast %squeeze3A_1072 : f32 to vector<16xf32>
        %mul3A_1104 = arith.mulf %get3A_1102, %mul3A_1103 : vector<16xf32>
        %swap3A_1105 = arith.index_cast %add3A_1076 : i32 to index
        %swap3A_1106 = arith.constant 32 : index
        %swap3A_1107 = tpu.vector_load %arg11[%swap3A_1105, %swap3A_1106] {strides = array<i32>} : memref<80x128xf32, #tpu.memory_space<vmem>>, vector<1x16xf32>,
        %swap3A_1108 = vector.shape_cast %swap3A_1107 : vector<1x16xf32> to vector<16xf32>
        %swap3A_1109 = vector.shape_cast %mul3A_1104 : vector<16xf32> to vector<1x16xf32>
        tpu.vector_store %arg11[%swap3A_1105, %swap3A_1106], %swap3A_1109 {strides = array<i32>} : memref<80x128xf32, #tpu.memory_space<vmem>>, vector<1x16xf32>,
        %get3A_1110 = arith.index_cast %add3A_1076 : i32 to index
        %get3A_1111 = arith.constant 48 : index
        %get3A_1112 = tpu.vector_load %arg11[%get3A_1110, %get3A_1111] {strides = array<i32>} : memref<80x128xf32, #tpu.memory_space<vmem>>, vector<1x16xf32>,
        %get3A_1113 = vector.shape_cast %get3A_1112 : vector<1x16xf32> to vector<16xf32>
        %mul3A_1114 = vector.broadcast %squeeze3A_1072 : f32 to vector<16xf32>
        %mul3A_1115 = arith.mulf %get3A_1113, %mul3A_1114 : vector<16xf32>
        %swap3A_1116 = arith.index_cast %add3A_1076 : i32 to index
        %swap3A_1117 = arith.constant 48 : index
        %swap3A_1118 = tpu.vector_load %arg11[%swap3A_1116, %swap3A_1117] {strides = array<i32>} : memref<80x128xf32, #tpu.memory_space<vmem>>, vector<1x16xf32>,
        %swap3A_1119 = vector.shape_cast %swap3A_1118 : vector<1x16xf32> to vector<16xf32>
        %swap3A_1120 = vector.shape_cast %mul3A_1115 : vector<16xf32> to vector<1x16xf32>
        tpu.vector_store %arg11[%swap3A_1116, %swap3A_1117], %swap3A_1120 {strides = array<i32>} : memref<80x128xf32, #tpu.memory_space<vmem>>, vector<1x16xf32>,
        %get3A_1121 = arith.index_cast %add3A_1076 : i32 to index
        %get3A_1122 = arith.constant 64 : index
        %get3A_1123 = tpu.vector_load %arg11[%get3A_1121, %get3A_1122] {strides = array<i32>} : memref<80x128xf32, #tpu.memory_space<vmem>>, vector<1x16xf32>,
        %get3A_1124 = vector.shape_cast %get3A_1123 : vector<1x16xf32> to vector<16xf32>
        %mul3A_1125 = vector.broadcast %squeeze3A_1072 : f32 to vector<16xf32>
        %mul3A_1126 = arith.mulf %get3A_1124, %mul3A_1125 : vector<16xf32>
        %swap3A_1127 = arith.index_cast %add3A_1076 : i32 to index
        %swap3A_1128 = arith.constant 64 : index
        %swap3A_1129 = tpu.vector_load %arg11[%swap3A_1127, %swap3A_1128] {strides = array<i32>} : memref<80x128xf32, #tpu.memory_space<vmem>>, vector<1x16xf32>,
        %swap3A_1130 = vector.shape_cast %swap3A_1129 : vector<1x16xf32> to vector<16xf32>
        %swap3A_1131 = vector.shape_cast %mul3A_1126 : vector<16xf32> to vector<1x16xf32>
        tpu.vector_store %arg11[%swap3A_1127, %swap3A_1128], %swap3A_1131 {strides = array<i32>} : memref<80x128xf32, #tpu.memory_space<vmem>>, vector<1x16xf32>,
        %get3A_1132 = arith.index_cast %add3A_1076 : i32 to index
        %get3A_1133 = arith.constant 80 : index
        %get3A_1134 = tpu.vector_load %arg11[%get3A_1132, %get3A_1133] {strides = array<i32>} : memref<80x128xf32, #tpu.memory_space<vmem>>, vector<1x16xf32>,
        %get3A_1135 = vector.shape_cast %get3A_1134 : vector<1x16xf32> to vector<16xf32>
        %mul3A_1136 = vector.broadcast %squeeze3A_1072 : f32 to vector<16xf32>
        %mul3A_1137 = arith.mulf %get3A_1135, %mul3A_1136 : vector<16xf32>
        %swap3A_1138 = arith.index_cast %add3A_1076 : i32 to index
        %swap3A_1139 = arith.constant 80 : index
        %swap3A_1140 = tpu.vector_load %arg11[%swap3A_1138, %swap3A_1139] {strides = array<i32>} : memref<80x128xf32, #tpu.memory_space<vmem>>, vector<1x16xf32>,
        %swap3A_1141 = vector.shape_cast %swap3A_1140 : vector<1x16xf32> to vector<16xf32>
        %swap3A_1142 = vector.shape_cast %mul3A_1137 : vector<16xf32> to vector<1x16xf32>
        tpu.vector_store %arg11[%swap3A_1138, %swap3A_1139], %swap3A_1142 {strides = array<i32>} : memref<80x128xf32, #tpu.memory_space<vmem>>, vector<1x16xf32>,
        %get3A_1143 = arith.index_cast %add3A_1076 : i32 to index
        %get3A_1144 = arith.constant 96 : index
        %get3A_1145 = tpu.vector_load %arg11[%get3A_1143, %get3A_1144] {strides = array<i32>} : memref<80x128xf32, #tpu.memory_space<vmem>>, vector<1x16xf32>,
        %get3A_1146 = vector.shape_cast %get3A_1145 : vector<1x16xf32> to vector<16xf32>
        %mul3A_1147 = vector.broadcast %squeeze3A_1072 : f32 to vector<16xf32>
        %mul3A_1148 = arith.mulf %get3A_1146, %mul3A_1147 : vector<16xf32>
        %swap3A_1149 = arith.index_cast %add3A_1076 : i32 to index
        %swap3A_1150 = arith.constant 96 : index
        %swap3A_1151 = tpu.vector_load %arg11[%swap3A_1149, %swap3A_1150] {strides = array<i32>} : memref<80x128xf32, #tpu.memory_space<vmem>>, vector<1x16xf32>,
        %swap3A_1152 = vector.shape_cast %swap3A_1151 : vector<1x16xf32> to vector<16xf32>
        %swap3A_1153 = vector.shape_cast %mul3A_1148 : vector<16xf32> to vector<1x16xf32>
        tpu.vector_store %arg11[%swap3A_1149, %swap3A_1150], %swap3A_1153 {strides = array<i32>} : memref<80x128xf32, #tpu.memory_space<vmem>>, vector<1x16xf32>,
        %get3A_1154 = arith.index_cast %add3A_1076 : i32 to index
        %get3A_1155 = arith.constant 112 : index
        %get3A_1156 = tpu.vector_load %arg11[%get3A_1154, %get3A_1155] {strides = array<i32>} : memref<80x128xf32, #tpu.memory_space<vmem>>, vector<1x16xf32>,
        %get3A_1157 = vector.shape_cast %get3A_1156 : vector<1x16xf32> to vector<16xf32>
        %mul3A_1158 = vector.broadcast %squeeze3A_1072 : f32 to vector<16xf32>
        %mul3A_1159 = arith.mulf %get3A_1157, %mul3A_1158 : vector<16xf32>
        %swap3A_1160 = arith.index_cast %add3A_1076 : i32 to index
        %swap3A_1161 = arith.constant 112 : index
        %swap3A_1162 = tpu.vector_load %arg11[%swap3A_1160, %swap3A_1161] {strides = array<i32>} : memref<80x128xf32, #tpu.memory_space<vmem>>, vector<1x16xf32>,
        %swap3A_1163 = vector.shape_cast %swap3A_1162 : vector<1x16xf32> to vector<16xf32>
        %swap3A_1164 = vector.shape_cast %mul3A_1159 : vector<16xf32> to vector<1x16xf32>
        tpu.vector_store %arg11[%swap3A_1160, %swap3A_1161], %swap3A_1164 {strides = array<i32>} : memref<80x128xf32, #tpu.memory_space<vmem>>, vector<1x16xf32>,
        %slice3A_1165 = vector.extract_strided_slice %get3A_39 {offsets = [12], sizes = [1], strides = [1]} : vector<16xf32> to vector<1xf32>
        %squeeze3A_1166 = vector.extract %slice3A_1165[0] : f32 from vector<1xf32>
        %mul3A_1167 = arith.constant 16 : i32
        %mul3A_1168 = arith.muli %scan3A_34, %mul3A_1167 : i32
        %add3A_1169 = arith.constant 12 : i32
        %add3A_1170 = arith.addi %mul3A_1168, %add3A_1169 : i32
        %get3A_1171 = arith.index_cast %add3A_1170 : i32 to index
        %get3A_1172 = arith.constant 0 : index
        %get3A_1173 = tpu.vector_load %arg11[%get3A_1171, %get3A_1172] {strides = array<i32>} : memref<80x128xf32, #tpu.memory_space<vmem>>, vector<1x16xf32>,
        %get3A_1174 = vector.shape_cast %get3A_1173 : vector<1x16xf32> to vector<16xf32>
        %mul3A_1175 = vector.broadcast %squeeze3A_1166 : f32 to vector<16xf32>
        %mul3A_1176 = arith.mulf %get3A_1174, %mul3A_1175 : vector<16xf32>
        %swap3A_1177 = arith.index_cast %add3A_1170 : i32 to index
        %swap3A_1178 = arith.constant 0 : index
        %swap3A_1179 = tpu.vector_load %arg11[%swap3A_1177, %swap3A_1178] {strides = array<i32>} : memref<80x128xf32, #tpu.memory_space<vmem>>, vector<1x16xf32>,
        %swap3A_1180 = vector.shape_cast %swap3A_1179 : vector<1x16xf32> to vector<16xf32>
        %swap3A_1181 = vector.shape_cast %mul3A_1176 : vector<16xf32> to vector<1x16xf32>
        tpu.vector_store %arg11[%swap3A_1177, %swap3A_1178], %swap3A_1181 {strides = array<i32>} : memref<80x128xf32, #tpu.memory_space<vmem>>, vector<1x16xf32>,
        %get3A_1182 = arith.index_cast %add3A_1170 : i32 to index
        %get3A_1183 = arith.constant 16 : index
        %get3A_1184 = tpu.vector_load %arg11[%get3A_1182, %get3A_1183] {strides = array<i32>} : memref<80x128xf32, #tpu.memory_space<vmem>>, vector<1x16xf32>,
        %get3A_1185 = vector.shape_cast %get3A_1184 : vector<1x16xf32> to vector<16xf32>
        %mul3A_1186 = vector.broadcast %squeeze3A_1166 : f32 to vector<16xf32>
        %mul3A_1187 = arith.mulf %get3A_1185, %mul3A_1186 : vector<16xf32>
        %swap3A_1188 = arith.index_cast %add3A_1170 : i32 to index
        %swap3A_1189 = arith.constant 16 : index
        %swap3A_1190 = tpu.vector_load %arg11[%swap3A_1188, %swap3A_1189] {strides = array<i32>} : memref<80x128xf32, #tpu.memory_space<vmem>>, vector<1x16xf32>,
        %swap3A_1191 = vector.shape_cast %swap3A_1190 : vector<1x16xf32> to vector<16xf32>
        %swap3A_1192 = vector.shape_cast %mul3A_1187 : vector<16xf32> to vector<1x16xf32>
        tpu.vector_store %arg11[%swap3A_1188, %swap3A_1189], %swap3A_1192 {strides = array<i32>} : memref<80x128xf32, #tpu.memory_space<vmem>>, vector<1x16xf32>,
        %get3A_1193 = arith.index_cast %add3A_1170 : i32 to index
        %get3A_1194 = arith.constant 32 : index
        %get3A_1195 = tpu.vector_load %arg11[%get3A_1193, %get3A_1194] {strides = array<i32>} : memref<80x128xf32, #tpu.memory_space<vmem>>, vector<1x16xf32>,
        %get3A_1196 = vector.shape_cast %get3A_1195 : vector<1x16xf32> to vector<16xf32>
        %mul3A_1197 = vector.broadcast %squeeze3A_1166 : f32 to vector<16xf32>
        %mul3A_1198 = arith.mulf %get3A_1196, %mul3A_1197 : vector<16xf32>
        %swap3A_1199 = arith.index_cast %add3A_1170 : i32 to index
        %swap3A_1200 = arith.constant 32 : index
        %swap3A_1201 = tpu.vector_load %arg11[%swap3A_1199, %swap3A_1200] {strides = array<i32>} : memref<80x128xf32, #tpu.memory_space<vmem>>, vector<1x16xf32>,
        %swap3A_1202 = vector.shape_cast %swap3A_1201 : vector<1x16xf32> to vector<16xf32>
        %swap3A_1203 = vector.shape_cast %mul3A_1198 : vector<16xf32> to vector<1x16xf32>
        tpu.vector_store %arg11[%swap3A_1199, %swap3A_1200], %swap3A_1203 {strides = array<i32>} : memref<80x128xf32, #tpu.memory_space<vmem>>, vector<1x16xf32>,
        %get3A_1204 = arith.index_cast %add3A_1170 : i32 to index
        %get3A_1205 = arith.constant 48 : index
        %get3A_1206 = tpu.vector_load %arg11[%get3A_1204, %get3A_1205] {strides = array<i32>} : memref<80x128xf32, #tpu.memory_space<vmem>>, vector<1x16xf32>,
        %get3A_1207 = vector.shape_cast %get3A_1206 : vector<1x16xf32> to vector<16xf32>
        %mul3A_1208 = vector.broadcast %squeeze3A_1166 : f32 to vector<16xf32>
        %mul3A_1209 = arith.mulf %get3A_1207, %mul3A_1208 : vector<16xf32>
        %swap3A_1210 = arith.index_cast %add3A_1170 : i32 to index
        %swap3A_1211 = arith.constant 48 : index
        %swap3A_1212 = tpu.vector_load %arg11[%swap3A_1210, %swap3A_1211] {strides = array<i32>} : memref<80x128xf32, #tpu.memory_space<vmem>>, vector<1x16xf32>,
        %swap3A_1213 = vector.shape_cast %swap3A_1212 : vector<1x16xf32> to vector<16xf32>
        %swap3A_1214 = vector.shape_cast %mul3A_1209 : vector<16xf32> to vector<1x16xf32>
        tpu.vector_store %arg11[%swap3A_1210, %swap3A_1211], %swap3A_1214 {strides = array<i32>} : memref<80x128xf32, #tpu.memory_space<vmem>>, vector<1x16xf32>,
        %get3A_1215 = arith.index_cast %add3A_1170 : i32 to index
        %get3A_1216 = arith.constant 64 : index
        %get3A_1217 = tpu.vector_load %arg11[%get3A_1215, %get3A_1216] {strides = array<i32>} : memref<80x128xf32, #tpu.memory_space<vmem>>, vector<1x16xf32>,
        %get3A_1218 = vector.shape_cast %get3A_1217 : vector<1x16xf32> to vector<16xf32>
        %mul3A_1219 = vector.broadcast %squeeze3A_1166 : f32 to vector<16xf32>
        %mul3A_1220 = arith.mulf %get3A_1218, %mul3A_1219 : vector<16xf32>
        %swap3A_1221 = arith.index_cast %add3A_1170 : i32 to index
        %swap3A_1222 = arith.constant 64 : index
        %swap3A_1223 = tpu.vector_load %arg11[%swap3A_1221, %swap3A_1222] {strides = array<i32>} : memref<80x128xf32, #tpu.memory_space<vmem>>, vector<1x16xf32>,
        %swap3A_1224 = vector.shape_cast %swap3A_1223 : vector<1x16xf32> to vector<16xf32>
        %swap3A_1225 = vector.shape_cast %mul3A_1220 : vector<16xf32> to vector<1x16xf32>
        tpu.vector_store %arg11[%swap3A_1221, %swap3A_1222], %swap3A_1225 {strides = array<i32>} : memref<80x128xf32, #tpu.memory_space<vmem>>, vector<1x16xf32>,
        %get3A_1226 = arith.index_cast %add3A_1170 : i32 to index
        %get3A_1227 = arith.constant 80 : index
        %get3A_1228 = tpu.vector_load %arg11[%get3A_1226, %get3A_1227] {strides = array<i32>} : memref<80x128xf32, #tpu.memory_space<vmem>>, vector<1x16xf32>,
        %get3A_1229 = vector.shape_cast %get3A_1228 : vector<1x16xf32> to vector<16xf32>
        %mul3A_1230 = vector.broadcast %squeeze3A_1166 : f32 to vector<16xf32>
        %mul3A_1231 = arith.mulf %get3A_1229, %mul3A_1230 : vector<16xf32>
        %swap3A_1232 = arith.index_cast %add3A_1170 : i32 to index
        %swap3A_1233 = arith.constant 80 : index
        %swap3A_1234 = tpu.vector_load %arg11[%swap3A_1232, %swap3A_1233] {strides = array<i32>} : memref<80x128xf32, #tpu.memory_space<vmem>>, vector<1x16xf32>,
        %swap3A_1235 = vector.shape_cast %swap3A_1234 : vector<1x16xf32> to vector<16xf32>
        %swap3A_1236 = vector.shape_cast %mul3A_1231 : vector<16xf32> to vector<1x16xf32>
        tpu.vector_store %arg11[%swap3A_1232, %swap3A_1233], %swap3A_1236 {strides = array<i32>} : memref<80x128xf32, #tpu.memory_space<vmem>>, vector<1x16xf32>,
        %get3A_1237 = arith.index_cast %add3A_1170 : i32 to index
        %get3A_1238 = arith.constant 96 : index
        %get3A_1239 = tpu.vector_load %arg11[%get3A_1237, %get3A_1238] {strides = array<i32>} : memref<80x128xf32, #tpu.memory_space<vmem>>, vector<1x16xf32>,
        %get3A_1240 = vector.shape_cast %get3A_1239 : vector<1x16xf32> to vector<16xf32>
        %mul3A_1241 = vector.broadcast %squeeze3A_1166 : f32 to vector<16xf32>
        %mul3A_1242 = arith.mulf %get3A_1240, %mul3A_1241 : vector<16xf32>
        %swap3A_1243 = arith.index_cast %add3A_1170 : i32 to index
        %swap3A_1244 = arith.constant 96 : index
        %swap3A_1245 = tpu.vector_load %arg11[%swap3A_1243, %swap3A_1244] {strides = array<i32>} : memref<80x128xf32, #tpu.memory_space<vmem>>, vector<1x16xf32>,
        %swap3A_1246 = vector.shape_cast %swap3A_1245 : vector<1x16xf32> to vector<16xf32>
        %swap3A_1247 = vector.shape_cast %mul3A_1242 : vector<16xf32> to vector<1x16xf32>
        tpu.vector_store %arg11[%swap3A_1243, %swap3A_1244], %swap3A_1247 {strides = array<i32>} : memref<80x128xf32, #tpu.memory_space<vmem>>, vector<1x16xf32>,
        %get3A_1248 = arith.index_cast %add3A_1170 : i32 to index
        %get3A_1249 = arith.constant 112 : index
        %get3A_1250 = tpu.vector_load %arg11[%get3A_1248, %get3A_1249] {strides = array<i32>} : memref<80x128xf32, #tpu.memory_space<vmem>>, vector<1x16xf32>,
        %get3A_1251 = vector.shape_cast %get3A_1250 : vector<1x16xf32> to vector<16xf32>
        %mul3A_1252 = vector.broadcast %squeeze3A_1166 : f32 to vector<16xf32>
        %mul3A_1253 = arith.mulf %get3A_1251, %mul3A_1252 : vector<16xf32>
        %swap3A_1254 = arith.index_cast %add3A_1170 : i32 to index
        %swap3A_1255 = arith.constant 112 : index
        %swap3A_1256 = tpu.vector_load %arg11[%swap3A_1254, %swap3A_1255] {strides = array<i32>} : memref<80x128xf32, #tpu.memory_space<vmem>>, vector<1x16xf32>,
        %swap3A_1257 = vector.shape_cast %swap3A_1256 : vector<1x16xf32> to vector<16xf32>
        %swap3A_1258 = vector.shape_cast %mul3A_1253 : vector<16xf32> to vector<1x16xf32>
        tpu.vector_store %arg11[%swap3A_1254, %swap3A_1255], %swap3A_1258 {strides = array<i32>} : memref<80x128xf32, #tpu.memory_space<vmem>>, vector<1x16xf32>,
        %slice3A_1259 = vector.extract_strided_slice %get3A_39 {offsets = [13], sizes = [1], strides = [1]} : vector<16xf32> to vector<1xf32>
        %squeeze3A_1260 = vector.extract %slice3A_1259[0] : f32 from vector<1xf32>
        %mul3A_1261 = arith.constant 16 : i32
        %mul3A_1262 = arith.muli %scan3A_34, %mul3A_1261 : i32
        %add3A_1263 = arith.constant 13 : i32
        %add3A_1264 = arith.addi %mul3A_1262, %add3A_1263 : i32
        %get3A_1265 = arith.index_cast %add3A_1264 : i32 to index
        %get3A_1266 = arith.constant 0 : index
        %get3A_1267 = tpu.vector_load %arg11[%get3A_1265, %get3A_1266] {strides = array<i32>} : memref<80x128xf32, #tpu.memory_space<vmem>>, vector<1x16xf32>,
        %get3A_1268 = vector.shape_cast %get3A_1267 : vector<1x16xf32> to vector<16xf32>
        %mul3A_1269 = vector.broadcast %squeeze3A_1260 : f32 to vector<16xf32>
        %mul3A_1270 = arith.mulf %get3A_1268, %mul3A_1269 : vector<16xf32>
        %swap3A_1271 = arith.index_cast %add3A_1264 : i32 to index
        %swap3A_1272 = arith.constant 0 : index
        %swap3A_1273 = tpu.vector_load %arg11[%swap3A_1271, %swap3A_1272] {strides = array<i32>} : memref<80x128xf32, #tpu.memory_space<vmem>>, vector<1x16xf32>,
        %swap3A_1274 = vector.shape_cast %swap3A_1273 : vector<1x16xf32> to vector<16xf32>
        %swap3A_1275 = vector.shape_cast %mul3A_1270 : vector<16xf32> to vector<1x16xf32>
        tpu.vector_store %arg11[%swap3A_1271, %swap3A_1272], %swap3A_1275 {strides = array<i32>} : memref<80x128xf32, #tpu.memory_space<vmem>>, vector<1x16xf32>,
        %get3A_1276 = arith.index_cast %add3A_1264 : i32 to index
        %get3A_1277 = arith.constant 16 : index
        %get3A_1278 = tpu.vector_load %arg11[%get3A_1276, %get3A_1277] {strides = array<i32>} : memref<80x128xf32, #tpu.memory_space<vmem>>, vector<1x16xf32>,
        %get3A_1279 = vector.shape_cast %get3A_1278 : vector<1x16xf32> to vector<16xf32>
        %mul3A_1280 = vector.broadcast %squeeze3A_1260 : f32 to vector<16xf32>
        %mul3A_1281 = arith.mulf %get3A_1279, %mul3A_1280 : vector<16xf32>
        %swap3A_1282 = arith.index_cast %add3A_1264 : i32 to index
        %swap3A_1283 = arith.constant 16 : index
        %swap3A_1284 = tpu.vector_load %arg11[%swap3A_1282, %swap3A_1283] {strides = array<i32>} : memref<80x128xf32, #tpu.memory_space<vmem>>, vector<1x16xf32>,
        %swap3A_1285 = vector.shape_cast %swap3A_1284 : vector<1x16xf32> to vector<16xf32>
        %swap3A_1286 = vector.shape_cast %mul3A_1281 : vector<16xf32> to vector<1x16xf32>
        tpu.vector_store %arg11[%swap3A_1282, %swap3A_1283], %swap3A_1286 {strides = array<i32>} : memref<80x128xf32, #tpu.memory_space<vmem>>, vector<1x16xf32>,
        %get3A_1287 = arith.index_cast %add3A_1264 : i32 to index
        %get3A_1288 = arith.constant 32 : index
        %get3A_1289 = tpu.vector_load %arg11[%get3A_1287, %get3A_1288] {strides = array<i32>} : memref<80x128xf32, #tpu.memory_space<vmem>>, vector<1x16xf32>,
        %get3A_1290 = vector.shape_cast %get3A_1289 : vector<1x16xf32> to vector<16xf32>
        %mul3A_1291 = vector.broadcast %squeeze3A_1260 : f32 to vector<16xf32>
        %mul3A_1292 = arith.mulf %get3A_1290, %mul3A_1291 : vector<16xf32>
        %swap3A_1293 = arith.index_cast %add3A_1264 : i32 to index
        %swap3A_1294 = arith.constant 32 : index
        %swap3A_1295 = tpu.vector_load %arg11[%swap3A_1293, %swap3A_1294] {strides = array<i32>} : memref<80x128xf32, #tpu.memory_space<vmem>>, vector<1x16xf32>,
        %swap3A_1296 = vector.shape_cast %swap3A_1295 : vector<1x16xf32> to vector<16xf32>
        %swap3A_1297 = vector.shape_cast %mul3A_1292 : vector<16xf32> to vector<1x16xf32>
        tpu.vector_store %arg11[%swap3A_1293, %swap3A_1294], %swap3A_1297 {strides = array<i32>} : memref<80x128xf32, #tpu.memory_space<vmem>>, vector<1x16xf32>,
        %get3A_1298 = arith.index_cast %add3A_1264 : i32 to index
        %get3A_1299 = arith.constant 48 : index
        %get3A_1300 = tpu.vector_load %arg11[%get3A_1298, %get3A_1299] {strides = array<i32>} : memref<80x128xf32, #tpu.memory_space<vmem>>, vector<1x16xf32>,
        %get3A_1301 = vector.shape_cast %get3A_1300 : vector<1x16xf32> to vector<16xf32>
        %mul3A_1302 = vector.broadcast %squeeze3A_1260 : f32 to vector<16xf32>
        %mul3A_1303 = arith.mulf %get3A_1301, %mul3A_1302 : vector<16xf32>
        %swap3A_1304 = arith.index_cast %add3A_1264 : i32 to index
        %swap3A_1305 = arith.constant 48 : index
        %swap3A_1306 = tpu.vector_load %arg11[%swap3A_1304, %swap3A_1305] {strides = array<i32>} : memref<80x128xf32, #tpu.memory_space<vmem>>, vector<1x16xf32>,
        %swap3A_1307 = vector.shape_cast %swap3A_1306 : vector<1x16xf32> to vector<16xf32>
        %swap3A_1308 = vector.shape_cast %mul3A_1303 : vector<16xf32> to vector<1x16xf32>
        tpu.vector_store %arg11[%swap3A_1304, %swap3A_1305], %swap3A_1308 {strides = array<i32>} : memref<80x128xf32, #tpu.memory_space<vmem>>, vector<1x16xf32>,
        %get3A_1309 = arith.index_cast %add3A_1264 : i32 to index
        %get3A_1310 = arith.constant 64 : index
        %get3A_1311 = tpu.vector_load %arg11[%get3A_1309, %get3A_1310] {strides = array<i32>} : memref<80x128xf32, #tpu.memory_space<vmem>>, vector<1x16xf32>,
        %get3A_1312 = vector.shape_cast %get3A_1311 : vector<1x16xf32> to vector<16xf32>
        %mul3A_1313 = vector.broadcast %squeeze3A_1260 : f32 to vector<16xf32>
        %mul3A_1314 = arith.mulf %get3A_1312, %mul3A_1313 : vector<16xf32>
        %swap3A_1315 = arith.index_cast %add3A_1264 : i32 to index
        %swap3A_1316 = arith.constant 64 : index
        %swap3A_1317 = tpu.vector_load %arg11[%swap3A_1315, %swap3A_1316] {strides = array<i32>} : memref<80x128xf32, #tpu.memory_space<vmem>>, vector<1x16xf32>,
        %swap3A_1318 = vector.shape_cast %swap3A_1317 : vector<1x16xf32> to vector<16xf32>
        %swap3A_1319 = vector.shape_cast %mul3A_1314 : vector<16xf32> to vector<1x16xf32>
        tpu.vector_store %arg11[%swap3A_1315, %swap3A_1316], %swap3A_1319 {strides = array<i32>} : memref<80x128xf32, #tpu.memory_space<vmem>>, vector<1x16xf32>,
        %get3A_1320 = arith.index_cast %add3A_1264 : i32 to index
        %get3A_1321 = arith.constant 80 : index
        %get3A_1322 = tpu.vector_load %arg11[%get3A_1320, %get3A_1321] {strides = array<i32>} : memref<80x128xf32, #tpu.memory_space<vmem>>, vector<1x16xf32>,
        %get3A_1323 = vector.shape_cast %get3A_1322 : vector<1x16xf32> to vector<16xf32>
        %mul3A_1324 = vector.broadcast %squeeze3A_1260 : f32 to vector<16xf32>
        %mul3A_1325 = arith.mulf %get3A_1323, %mul3A_1324 : vector<16xf32>
        %swap3A_1326 = arith.index_cast %add3A_1264 : i32 to index
        %swap3A_1327 = arith.constant 80 : index
        %swap3A_1328 = tpu.vector_load %arg11[%swap3A_1326, %swap3A_1327] {strides = array<i32>} : memref<80x128xf32, #tpu.memory_space<vmem>>, vector<1x16xf32>,
        %swap3A_1329 = vector.shape_cast %swap3A_1328 : vector<1x16xf32> to vector<16xf32>
        %swap3A_1330 = vector.shape_cast %mul3A_1325 : vector<16xf32> to vector<1x16xf32>
        tpu.vector_store %arg11[%swap3A_1326, %swap3A_1327], %swap3A_1330 {strides = array<i32>} : memref<80x128xf32, #tpu.memory_space<vmem>>, vector<1x16xf32>,
        %get3A_1331 = arith.index_cast %add3A_1264 : i32 to index
        %get3A_1332 = arith.constant 96 : index
        %get3A_1333 = tpu.vector_load %arg11[%get3A_1331, %get3A_1332] {strides = array<i32>} : memref<80x128xf32, #tpu.memory_space<vmem>>, vector<1x16xf32>,
        %get3A_1334 = vector.shape_cast %get3A_1333 : vector<1x16xf32> to vector<16xf32>
        %mul3A_1335 = vector.broadcast %squeeze3A_1260 : f32 to vector<16xf32>
        %mul3A_1336 = arith.mulf %get3A_1334, %mul3A_1335 : vector<16xf32>
        %swap3A_1337 = arith.index_cast %add3A_1264 : i32 to index
        %swap3A_1338 = arith.constant 96 : index
        %swap3A_1339 = tpu.vector_load %arg11[%swap3A_1337, %swap3A_1338] {strides = array<i32>} : memref<80x128xf32, #tpu.memory_space<vmem>>, vector<1x16xf32>,
        %swap3A_1340 = vector.shape_cast %swap3A_1339 : vector<1x16xf32> to vector<16xf32>
        %swap3A_1341 = vector.shape_cast %mul3A_1336 : vector<16xf32> to vector<1x16xf32>
        tpu.vector_store %arg11[%swap3A_1337, %swap3A_1338], %swap3A_1341 {strides = array<i32>} : memref<80x128xf32, #tpu.memory_space<vmem>>, vector<1x16xf32>,
        %get3A_1342 = arith.index_cast %add3A_1264 : i32 to index
        %get3A_1343 = arith.constant 112 : index
        %get3A_1344 = tpu.vector_load %arg11[%get3A_1342, %get3A_1343] {strides = array<i32>} : memref<80x128xf32, #tpu.memory_space<vmem>>, vector<1x16xf32>,
        %get3A_1345 = vector.shape_cast %get3A_1344 : vector<1x16xf32> to vector<16xf32>
        %mul3A_1346 = vector.broadcast %squeeze3A_1260 : f32 to vector<16xf32>
        %mul3A_1347 = arith.mulf %get3A_1345, %mul3A_1346 : vector<16xf32>
        %swap3A_1348 = arith.index_cast %add3A_1264 : i32 to index
        %swap3A_1349 = arith.constant 112 : index
        %swap3A_1350 = tpu.vector_load %arg11[%swap3A_1348, %swap3A_1349] {strides = array<i32>} : memref<80x128xf32, #tpu.memory_space<vmem>>, vector<1x16xf32>,
        %swap3A_1351 = vector.shape_cast %swap3A_1350 : vector<1x16xf32> to vector<16xf32>
        %swap3A_1352 = vector.shape_cast %mul3A_1347 : vector<16xf32> to vector<1x16xf32>
        tpu.vector_store %arg11[%swap3A_1348, %swap3A_1349], %swap3A_1352 {strides = array<i32>} : memref<80x128xf32, #tpu.memory_space<vmem>>, vector<1x16xf32>,
        %slice3A_1353 = vector.extract_strided_slice %get3A_39 {offsets = [14], sizes = [1], strides = [1]} : vector<16xf32> to vector<1xf32>
        %squeeze3A_1354 = vector.extract %slice3A_1353[0] : f32 from vector<1xf32>
        %mul3A_1355 = arith.constant 16 : i32
        %mul3A_1356 = arith.muli %scan3A_34, %mul3A_1355 : i32
        %add3A_1357 = arith.constant 14 : i32
        %add3A_1358 = arith.addi %mul3A_1356, %add3A_1357 : i32
        %get3A_1359 = arith.index_cast %add3A_1358 : i32 to index
        %get3A_1360 = arith.constant 0 : index
        %get3A_1361 = tpu.vector_load %arg11[%get3A_1359, %get3A_1360] {strides = array<i32>} : memref<80x128xf32, #tpu.memory_space<vmem>>, vector<1x16xf32>,
        %get3A_1362 = vector.shape_cast %get3A_1361 : vector<1x16xf32> to vector<16xf32>
        %mul3A_1363 = vector.broadcast %squeeze3A_1354 : f32 to vector<16xf32>
        %mul3A_1364 = arith.mulf %get3A_1362, %mul3A_1363 : vector<16xf32>
        %swap3A_1365 = arith.index_cast %add3A_1358 : i32 to index
        %swap3A_1366 = arith.constant 0 : index
        %swap3A_1367 = tpu.vector_load %arg11[%swap3A_1365, %swap3A_1366] {strides = array<i32>} : memref<80x128xf32, #tpu.memory_space<vmem>>, vector<1x16xf32>,
        %swap3A_1368 = vector.shape_cast %swap3A_1367 : vector<1x16xf32> to vector<16xf32>
        %swap3A_1369 = vector.shape_cast %mul3A_1364 : vector<16xf32> to vector<1x16xf32>
        tpu.vector_store %arg11[%swap3A_1365, %swap3A_1366], %swap3A_1369 {strides = array<i32>} : memref<80x128xf32, #tpu.memory_space<vmem>>, vector<1x16xf32>,
        %get3A_1370 = arith.index_cast %add3A_1358 : i32 to index
        %get3A_1371 = arith.constant 16 : index
        %get3A_1372 = tpu.vector_load %arg11[%get3A_1370, %get3A_1371] {strides = array<i32>} : memref<80x128xf32, #tpu.memory_space<vmem>>, vector<1x16xf32>,
        %get3A_1373 = vector.shape_cast %get3A_1372 : vector<1x16xf32> to vector<16xf32>
        %mul3A_1374 = vector.broadcast %squeeze3A_1354 : f32 to vector<16xf32>
        %mul3A_1375 = arith.mulf %get3A_1373, %mul3A_1374 : vector<16xf32>
        %swap3A_1376 = arith.index_cast %add3A_1358 : i32 to index
        %swap3A_1377 = arith.constant 16 : index
        %swap3A_1378 = tpu.vector_load %arg11[%swap3A_1376, %swap3A_1377] {strides = array<i32>} : memref<80x128xf32, #tpu.memory_space<vmem>>, vector<1x16xf32>,
        %swap3A_1379 = vector.shape_cast %swap3A_1378 : vector<1x16xf32> to vector<16xf32>
        %swap3A_1380 = vector.shape_cast %mul3A_1375 : vector<16xf32> to vector<1x16xf32>
        tpu.vector_store %arg11[%swap3A_1376, %swap3A_1377], %swap3A_1380 {strides = array<i32>} : memref<80x128xf32, #tpu.memory_space<vmem>>, vector<1x16xf32>,
        %get3A_1381 = arith.index_cast %add3A_1358 : i32 to index
        %get3A_1382 = arith.constant 32 : index
        %get3A_1383 = tpu.vector_load %arg11[%get3A_1381, %get3A_1382] {strides = array<i32>} : memref<80x128xf32, #tpu.memory_space<vmem>>, vector<1x16xf32>,
        %get3A_1384 = vector.shape_cast %get3A_1383 : vector<1x16xf32> to vector<16xf32>
        %mul3A_1385 = vector.broadcast %squeeze3A_1354 : f32 to vector<16xf32>
        %mul3A_1386 = arith.mulf %get3A_1384, %mul3A_1385 : vector<16xf32>
        %swap3A_1387 = arith.index_cast %add3A_1358 : i32 to index
        %swap3A_1388 = arith.constant 32 : index
        %swap3A_1389 = tpu.vector_load %arg11[%swap3A_1387, %swap3A_1388] {strides = array<i32>} : memref<80x128xf32, #tpu.memory_space<vmem>>, vector<1x16xf32>,
        %swap3A_1390 = vector.shape_cast %swap3A_1389 : vector<1x16xf32> to vector<16xf32>
        %swap3A_1391 = vector.shape_cast %mul3A_1386 : vector<16xf32> to vector<1x16xf32>
        tpu.vector_store %arg11[%swap3A_1387, %swap3A_1388], %swap3A_1391 {strides = array<i32>} : memref<80x128xf32, #tpu.memory_space<vmem>>, vector<1x16xf32>,
        %get3A_1392 = arith.index_cast %add3A_1358 : i32 to index
        %get3A_1393 = arith.constant 48 : index
        %get3A_1394 = tpu.vector_load %arg11[%get3A_1392, %get3A_1393] {strides = array<i32>} : memref<80x128xf32, #tpu.memory_space<vmem>>, vector<1x16xf32>,
        %get3A_1395 = vector.shape_cast %get3A_1394 : vector<1x16xf32> to vector<16xf32>
        %mul3A_1396 = vector.broadcast %squeeze3A_1354 : f32 to vector<16xf32>
        %mul3A_1397 = arith.mulf %get3A_1395, %mul3A_1396 : vector<16xf32>
        %swap3A_1398 = arith.index_cast %add3A_1358 : i32 to index
        %swap3A_1399 = arith.constant 48 : index
        %swap3A_1400 = tpu.vector_load %arg11[%swap3A_1398, %swap3A_1399] {strides = array<i32>} : memref<80x128xf32, #tpu.memory_space<vmem>>, vector<1x16xf32>,
        %swap3A_1401 = vector.shape_cast %swap3A_1400 : vector<1x16xf32> to vector<16xf32>
        %swap3A_1402 = vector.shape_cast %mul3A_1397 : vector<16xf32> to vector<1x16xf32>
        tpu.vector_store %arg11[%swap3A_1398, %swap3A_1399], %swap3A_1402 {strides = array<i32>} : memref<80x128xf32, #tpu.memory_space<vmem>>, vector<1x16xf32>,
        %get3A_1403 = arith.index_cast %add3A_1358 : i32 to index
        %get3A_1404 = arith.constant 64 : index
        %get3A_1405 = tpu.vector_load %arg11[%get3A_1403, %get3A_1404] {strides = array<i32>} : memref<80x128xf32, #tpu.memory_space<vmem>>, vector<1x16xf32>,
        %get3A_1406 = vector.shape_cast %get3A_1405 : vector<1x16xf32> to vector<16xf32>
        %mul3A_1407 = vector.broadcast %squeeze3A_1354 : f32 to vector<16xf32>
        %mul3A_1408 = arith.mulf %get3A_1406, %mul3A_1407 : vector<16xf32>
        %swap3A_1409 = arith.index_cast %add3A_1358 : i32 to index
        %swap3A_1410 = arith.constant 64 : index
        %swap3A_1411 = tpu.vector_load %arg11[%swap3A_1409, %swap3A_1410] {strides = array<i32>} : memref<80x128xf32, #tpu.memory_space<vmem>>, vector<1x16xf32>,
        %swap3A_1412 = vector.shape_cast %swap3A_1411 : vector<1x16xf32> to vector<16xf32>
        %swap3A_1413 = vector.shape_cast %mul3A_1408 : vector<16xf32> to vector<1x16xf32>
        tpu.vector_store %arg11[%swap3A_1409, %swap3A_1410], %swap3A_1413 {strides = array<i32>} : memref<80x128xf32, #tpu.memory_space<vmem>>, vector<1x16xf32>,
        %get3A_1414 = arith.index_cast %add3A_1358 : i32 to index
        %get3A_1415 = arith.constant 80 : index
        %get3A_1416 = tpu.vector_load %arg11[%get3A_1414, %get3A_1415] {strides = array<i32>} : memref<80x128xf32, #tpu.memory_space<vmem>>, vector<1x16xf32>,
        %get3A_1417 = vector.shape_cast %get3A_1416 : vector<1x16xf32> to vector<16xf32>
        %mul3A_1418 = vector.broadcast %squeeze3A_1354 : f32 to vector<16xf32>
        %mul3A_1419 = arith.mulf %get3A_1417, %mul3A_1418 : vector<16xf32>
        %swap3A_1420 = arith.index_cast %add3A_1358 : i32 to index
        %swap3A_1421 = arith.constant 80 : index
        %swap3A_1422 = tpu.vector_load %arg11[%swap3A_1420, %swap3A_1421] {strides = array<i32>} : memref<80x128xf32, #tpu.memory_space<vmem>>, vector<1x16xf32>,
        %swap3A_1423 = vector.shape_cast %swap3A_1422 : vector<1x16xf32> to vector<16xf32>
        %swap3A_1424 = vector.shape_cast %mul3A_1419 : vector<16xf32> to vector<1x16xf32>
        tpu.vector_store %arg11[%swap3A_1420, %swap3A_1421], %swap3A_1424 {strides = array<i32>} : memref<80x128xf32, #tpu.memory_space<vmem>>, vector<1x16xf32>,
        %get3A_1425 = arith.index_cast %add3A_1358 : i32 to index
        %get3A_1426 = arith.constant 96 : index
        %get3A_1427 = tpu.vector_load %arg11[%get3A_1425, %get3A_1426] {strides = array<i32>} : memref<80x128xf32, #tpu.memory_space<vmem>>, vector<1x16xf32>,
        %get3A_1428 = vector.shape_cast %get3A_1427 : vector<1x16xf32> to vector<16xf32>
        %mul3A_1429 = vector.broadcast %squeeze3A_1354 : f32 to vector<16xf32>
        %mul3A_1430 = arith.mulf %get3A_1428, %mul3A_1429 : vector<16xf32>
        %swap3A_1431 = arith.index_cast %add3A_1358 : i32 to index
        %swap3A_1432 = arith.constant 96 : index
        %swap3A_1433 = tpu.vector_load %arg11[%swap3A_1431, %swap3A_1432] {strides = array<i32>} : memref<80x128xf32, #tpu.memory_space<vmem>>, vector<1x16xf32>,
        %swap3A_1434 = vector.shape_cast %swap3A_1433 : vector<1x16xf32> to vector<16xf32>
        %swap3A_1435 = vector.shape_cast %mul3A_1430 : vector<16xf32> to vector<1x16xf32>
        tpu.vector_store %arg11[%swap3A_1431, %swap3A_1432], %swap3A_1435 {strides = array<i32>} : memref<80x128xf32, #tpu.memory_space<vmem>>, vector<1x16xf32>,
        %get3A_1436 = arith.index_cast %add3A_1358 : i32 to index
        %get3A_1437 = arith.constant 112 : index
        %get3A_1438 = tpu.vector_load %arg11[%get3A_1436, %get3A_1437] {strides = array<i32>} : memref<80x128xf32, #tpu.memory_space<vmem>>, vector<1x16xf32>,
        %get3A_1439 = vector.shape_cast %get3A_1438 : vector<1x16xf32> to vector<16xf32>
        %mul3A_1440 = vector.broadcast %squeeze3A_1354 : f32 to vector<16xf32>
        %mul3A_1441 = arith.mulf %get3A_1439, %mul3A_1440 : vector<16xf32>
        %swap3A_1442 = arith.index_cast %add3A_1358 : i32 to index
        %swap3A_1443 = arith.constant 112 : index
        %swap3A_1444 = tpu.vector_load %arg11[%swap3A_1442, %swap3A_1443] {strides = array<i32>} : memref<80x128xf32, #tpu.memory_space<vmem>>, vector<1x16xf32>,
        %swap3A_1445 = vector.shape_cast %swap3A_1444 : vector<1x16xf32> to vector<16xf32>
        %swap3A_1446 = vector.shape_cast %mul3A_1441 : vector<16xf32> to vector<1x16xf32>
        tpu.vector_store %arg11[%swap3A_1442, %swap3A_1443], %swap3A_1446 {strides = array<i32>} : memref<80x128xf32, #tpu.memory_space<vmem>>, vector<1x16xf32>,
        %slice3A_1447 = vector.extract_strided_slice %get3A_39 {offsets = [15], sizes = [1], strides = [1]} : vector<16xf32> to vector<1xf32>
        %squeeze3A_1448 = vector.extract %slice3A_1447[0] : f32 from vector<1xf32>
        %mul3A_1449 = arith.constant 16 : i32
        %mul3A_1450 = arith.muli %scan3A_34, %mul3A_1449 : i32
        %add3A_1451 = arith.constant 15 : i32
        %add3A_1452 = arith.addi %mul3A_1450, %add3A_1451 : i32
        %get3A_1453 = arith.index_cast %add3A_1452 : i32 to index
        %get3A_1454 = arith.constant 0 : index
        %get3A_1455 = tpu.vector_load %arg11[%get3A_1453, %get3A_1454] {strides = array<i32>} : memref<80x128xf32, #tpu.memory_space<vmem>>, vector<1x16xf32>,
        %get3A_1456 = vector.shape_cast %get3A_1455 : vector<1x16xf32> to vector<16xf32>
        %mul3A_1457 = vector.broadcast %squeeze3A_1448 : f32 to vector<16xf32>
        %mul3A_1458 = arith.mulf %get3A_1456, %mul3A_1457 : vector<16xf32>
        %swap3A_1459 = arith.index_cast %add3A_1452 : i32 to index
        %swap3A_1460 = arith.constant 0 : index
        %swap3A_1461 = tpu.vector_load %arg11[%swap3A_1459, %swap3A_1460] {strides = array<i32>} : memref<80x128xf32, #tpu.memory_space<vmem>>, vector<1x16xf32>,
        %swap3A_1462 = vector.shape_cast %swap3A_1461 : vector<1x16xf32> to vector<16xf32>
        %swap3A_1463 = vector.shape_cast %mul3A_1458 : vector<16xf32> to vector<1x16xf32>
        tpu.vector_store %arg11[%swap3A_1459, %swap3A_1460], %swap3A_1463 {strides = array<i32>} : memref<80x128xf32, #tpu.memory_space<vmem>>, vector<1x16xf32>,
        %get3A_1464 = arith.index_cast %add3A_1452 : i32 to index
        %get3A_1465 = arith.constant 16 : index
        %get3A_1466 = tpu.vector_load %arg11[%get3A_1464, %get3A_1465] {strides = array<i32>} : memref<80x128xf32, #tpu.memory_space<vmem>>, vector<1x16xf32>,
        %get3A_1467 = vector.shape_cast %get3A_1466 : vector<1x16xf32> to vector<16xf32>
        %mul3A_1468 = vector.broadcast %squeeze3A_1448 : f32 to vector<16xf32>
        %mul3A_1469 = arith.mulf %get3A_1467, %mul3A_1468 : vector<16xf32>
        %swap3A_1470 = arith.index_cast %add3A_1452 : i32 to index
        %swap3A_1471 = arith.constant 16 : index
        %swap3A_1472 = tpu.vector_load %arg11[%swap3A_1470, %swap3A_1471] {strides = array<i32>} : memref<80x128xf32, #tpu.memory_space<vmem>>, vector<1x16xf32>,
        %swap3A_1473 = vector.shape_cast %swap3A_1472 : vector<1x16xf32> to vector<16xf32>
        %swap3A_1474 = vector.shape_cast %mul3A_1469 : vector<16xf32> to vector<1x16xf32>
        tpu.vector_store %arg11[%swap3A_1470, %swap3A_1471], %swap3A_1474 {strides = array<i32>} : memref<80x128xf32, #tpu.memory_space<vmem>>, vector<1x16xf32>,
        %get3A_1475 = arith.index_cast %add3A_1452 : i32 to index
        %get3A_1476 = arith.constant 32 : index
        %get3A_1477 = tpu.vector_load %arg11[%get3A_1475, %get3A_1476] {strides = array<i32>} : memref<80x128xf32, #tpu.memory_space<vmem>>, vector<1x16xf32>,
        %get3A_1478 = vector.shape_cast %get3A_1477 : vector<1x16xf32> to vector<16xf32>
        %mul3A_1479 = vector.broadcast %squeeze3A_1448 : f32 to vector<16xf32>
        %mul3A_1480 = arith.mulf %get3A_1478, %mul3A_1479 : vector<16xf32>
        %swap3A_1481 = arith.index_cast %add3A_1452 : i32 to index
        %swap3A_1482 = arith.constant 32 : index
        %swap3A_1483 = tpu.vector_load %arg11[%swap3A_1481, %swap3A_1482] {strides = array<i32>} : memref<80x128xf32, #tpu.memory_space<vmem>>, vector<1x16xf32>,
        %swap3A_1484 = vector.shape_cast %swap3A_1483 : vector<1x16xf32> to vector<16xf32>
        %swap3A_1485 = vector.shape_cast %mul3A_1480 : vector<16xf32> to vector<1x16xf32>
        tpu.vector_store %arg11[%swap3A_1481, %swap3A_1482], %swap3A_1485 {strides = array<i32>} : memref<80x128xf32, #tpu.memory_space<vmem>>, vector<1x16xf32>,
        %get3A_1486 = arith.index_cast %add3A_1452 : i32 to index
        %get3A_1487 = arith.constant 48 : index
        %get3A_1488 = tpu.vector_load %arg11[%get3A_1486, %get3A_1487] {strides = array<i32>} : memref<80x128xf32, #tpu.memory_space<vmem>>, vector<1x16xf32>,
        %get3A_1489 = vector.shape_cast %get3A_1488 : vector<1x16xf32> to vector<16xf32>
        %mul3A_1490 = vector.broadcast %squeeze3A_1448 : f32 to vector<16xf32>
        %mul3A_1491 = arith.mulf %get3A_1489, %mul3A_1490 : vector<16xf32>
        %swap3A_1492 = arith.index_cast %add3A_1452 : i32 to index
        %swap3A_1493 = arith.constant 48 : index
        %swap3A_1494 = tpu.vector_load %arg11[%swap3A_1492, %swap3A_1493] {strides = array<i32>} : memref<80x128xf32, #tpu.memory_space<vmem>>, vector<1x16xf32>,
        %swap3A_1495 = vector.shape_cast %swap3A_1494 : vector<1x16xf32> to vector<16xf32>
        %swap3A_1496 = vector.shape_cast %mul3A_1491 : vector<16xf32> to vector<1x16xf32>
        tpu.vector_store %arg11[%swap3A_1492, %swap3A_1493], %swap3A_1496 {strides = array<i32>} : memref<80x128xf32, #tpu.memory_space<vmem>>, vector<1x16xf32>,
        %get3A_1497 = arith.index_cast %add3A_1452 : i32 to index
        %get3A_1498 = arith.constant 64 : index
        %get3A_1499 = tpu.vector_load %arg11[%get3A_1497, %get3A_1498] {strides = array<i32>} : memref<80x128xf32, #tpu.memory_space<vmem>>, vector<1x16xf32>,
        %get3A_1500 = vector.shape_cast %get3A_1499 : vector<1x16xf32> to vector<16xf32>
        %mul3A_1501 = vector.broadcast %squeeze3A_1448 : f32 to vector<16xf32>
        %mul3A_1502 = arith.mulf %get3A_1500, %mul3A_1501 : vector<16xf32>
        %swap3A_1503 = arith.index_cast %add3A_1452 : i32 to index
        %swap3A_1504 = arith.constant 64 : index
        %swap3A_1505 = tpu.vector_load %arg11[%swap3A_1503, %swap3A_1504] {strides = array<i32>} : memref<80x128xf32, #tpu.memory_space<vmem>>, vector<1x16xf32>,
        %swap3A_1506 = vector.shape_cast %swap3A_1505 : vector<1x16xf32> to vector<16xf32>
        %swap3A_1507 = vector.shape_cast %mul3A_1502 : vector<16xf32> to vector<1x16xf32>
        tpu.vector_store %arg11[%swap3A_1503, %swap3A_1504], %swap3A_1507 {strides = array<i32>} : memref<80x128xf32, #tpu.memory_space<vmem>>, vector<1x16xf32>,
        %get3A_1508 = arith.index_cast %add3A_1452 : i32 to index
        %get3A_1509 = arith.constant 80 : index
        %get3A_1510 = tpu.vector_load %arg11[%get3A_1508, %get3A_1509] {strides = array<i32>} : memref<80x128xf32, #tpu.memory_space<vmem>>, vector<1x16xf32>,
        %get3A_1511 = vector.shape_cast %get3A_1510 : vector<1x16xf32> to vector<16xf32>
        %mul3A_1512 = vector.broadcast %squeeze3A_1448 : f32 to vector<16xf32>
        %mul3A_1513 = arith.mulf %get3A_1511, %mul3A_1512 : vector<16xf32>
        %swap3A_1514 = arith.index_cast %add3A_1452 : i32 to index
        %swap3A_1515 = arith.constant 80 : index
        %swap3A_1516 = tpu.vector_load %arg11[%swap3A_1514, %swap3A_1515] {strides = array<i32>} : memref<80x128xf32, #tpu.memory_space<vmem>>, vector<1x16xf32>,
        %swap3A_1517 = vector.shape_cast %swap3A_1516 : vector<1x16xf32> to vector<16xf32>
        %swap3A_1518 = vector.shape_cast %mul3A_1513 : vector<16xf32> to vector<1x16xf32>
        tpu.vector_store %arg11[%swap3A_1514, %swap3A_1515], %swap3A_1518 {strides = array<i32>} : memref<80x128xf32, #tpu.memory_space<vmem>>, vector<1x16xf32>,
        %get3A_1519 = arith.index_cast %add3A_1452 : i32 to index
        %get3A_1520 = arith.constant 96 : index
        %get3A_1521 = tpu.vector_load %arg11[%get3A_1519, %get3A_1520] {strides = array<i32>} : memref<80x128xf32, #tpu.memory_space<vmem>>, vector<1x16xf32>,
        %get3A_1522 = vector.shape_cast %get3A_1521 : vector<1x16xf32> to vector<16xf32>
        %mul3A_1523 = vector.broadcast %squeeze3A_1448 : f32 to vector<16xf32>
        %mul3A_1524 = arith.mulf %get3A_1522, %mul3A_1523 : vector<16xf32>
        %swap3A_1525 = arith.index_cast %add3A_1452 : i32 to index
        %swap3A_1526 = arith.constant 96 : index
        %swap3A_1527 = tpu.vector_load %arg11[%swap3A_1525, %swap3A_1526] {strides = array<i32>} : memref<80x128xf32, #tpu.memory_space<vmem>>, vector<1x16xf32>,
        %swap3A_1528 = vector.shape_cast %swap3A_1527 : vector<1x16xf32> to vector<16xf32>
        %swap3A_1529 = vector.shape_cast %mul3A_1524 : vector<16xf32> to vector<1x16xf32>
        tpu.vector_store %arg11[%swap3A_1525, %swap3A_1526], %swap3A_1529 {strides = array<i32>} : memref<80x128xf32, #tpu.memory_space<vmem>>, vector<1x16xf32>,
        %get3A_1530 = arith.index_cast %add3A_1452 : i32 to index
        %get3A_1531 = arith.constant 112 : index
        %get3A_1532 = tpu.vector_load %arg11[%get3A_1530, %get3A_1531] {strides = array<i32>} : memref<80x128xf32, #tpu.memory_space<vmem>>, vector<1x16xf32>,
        %get3A_1533 = vector.shape_cast %get3A_1532 : vector<1x16xf32> to vector<16xf32>
        %mul3A_1534 = vector.broadcast %squeeze3A_1448 : f32 to vector<16xf32>
        %mul3A_1535 = arith.mulf %get3A_1533, %mul3A_1534 : vector<16xf32>
        %swap3A_1536 = arith.index_cast %add3A_1452 : i32 to index
        %swap3A_1537 = arith.constant 112 : index
        %swap3A_1538 = tpu.vector_load %arg11[%swap3A_1536, %swap3A_1537] {strides = array<i32>} : memref<80x128xf32, #tpu.memory_space<vmem>>, vector<1x16xf32>,
        %swap3A_1539 = vector.shape_cast %swap3A_1538 : vector<1x16xf32> to vector<16xf32>
        %swap3A_1540 = vector.shape_cast %mul3A_1535 : vector<16xf32> to vector<1x16xf32>
        tpu.vector_store %arg11[%swap3A_1536, %swap3A_1537], %swap3A_1540 {strides = array<i32>} : memref<80x128xf32, #tpu.memory_space<vmem>>, vector<1x16xf32>,
        %scan3A_1541 = arith.constant 0 : i32
        scf.yield %scan3A_1541 : i32
      }
      %scan3A_32 = arith.constant 5 : i32
      "tpu.region"() ({
        %run_scoped3A = tpu.sem_alloc : memref<!tpu.dma_semaphore, #tpu.memory_space<semaphore_mem>>
        %dma_start3A_34 = tpu.memref_slice %arg4[%multiple_of3A] : memref<320000xi32, #tpu.memory_space<hbm>> -> memref<80xi32, #tpu.memory_space<hbm>>
        %dma_start3A_35 = tpu.memref_slice %arg4[%multiple_of3A] : memref<320000xi32, #tpu.memory_space<hbm>> -> memref<80xi32, #tpu.memory_space<hbm>>
        tpu.enqueue_dma source(%dma_start3A_35 : memref<80xi32, #tpu.memory_space<hbm>>) target(%arg9 : memref<80xi32, #tpu.memory_space<vmem>>) target_semaphore(%run_scoped3A : memref<!tpu.dma_semaphore, #tpu.memory_space<semaphore_mem>>)
        %dma_wait3A_36 = tpu.memref_slice %arg4[%multiple_of3A] : memref<320000xi32, #tpu.memory_space<hbm>> -> memref<80xi32, #tpu.memory_space<hbm>>
        %dma_wait3A_37 = tpu.memref_slice %arg4[%multiple_of3A] : memref<320000xi32, #tpu.memory_space<hbm>> -> memref<80xi32, #tpu.memory_space<hbm>>
        tpu.wait_dma2 semaphore(%run_scoped3A : memref<!tpu.dma_semaphore, #tpu.memory_space<semaphore_mem>>) src(%dma_wait3A_37 : memref<80xi32, #tpu.memory_space<hbm>>) dst(%arg9 : memref<80xi32, #tpu.memory_space<vmem>>)
        tpu.yield
      }) : () -> ()
      "tpu.region"() ({
        %run_scoped3A = tpu.sem_alloc : memref<!tpu.dma_semaphore, #tpu.memory_space<semaphore_mem>>
        %dma_start3A_34 = arith.constant 0 : i32
        %dma_start3A_35 = arith.constant 0 : i32
        %dma_start3A_36 = tpu.memref_slice %arg7[%dma_start3A_34, %dma_start3A_35] : memref<10000x128xf32, #tpu.memory_space<vmem_shared>> -> memref<10000x128xf32, #tpu.memory_space<vmem_shared>>
        tpu.enqueue_indirect_dma source(%arg11 : memref<80x128xf32, #tpu.memory_space<vmem>>) target(%dma_start3A_36 : memref<10000x128xf32, #tpu.memory_space<vmem_shared>>) offsets(%arg9 : memref<80xi32, #tpu.memory_space<vmem>>) semaphore(%run_scoped3A : memref<!tpu.dma_semaphore, #tpu.memory_space<semaphore_mem>>) {add = true}
        %dma_wait3A_37 = arith.constant 0 : i32
        %dma_wait3A_38 = arith.constant 0 : i32
        %dma_wait3A_39 = tpu.memref_slice %arg7[%dma_wait3A_37, %dma_wait3A_38] : memref<10000x128xf32, #tpu.memory_space<vmem_shared>> -> memref<10000x128xf32, #tpu.memory_space<vmem_shared>>
        tpu.wait_indirect_dma semaphore(%run_scoped3A : memref<!tpu.dma_semaphore, #tpu.memory_space<semaphore_mem>>) src(%arg11 : memref<80x128xf32, #tpu.memory_space<vmem>>) dst(%dma_wait3A_39 : memref<10000x128xf32, #tpu.memory_space<vmem_shared>>)
        tpu.yield
      }) : () -> ()
      %scan3A_33 = arith.constant 0 : i32
      scf.yield %scan3A_33 : i32
    }
    %scan3A_8 = arith.constant 125 : i32
    %barrier3A_9 = arith.constant 0 : index
    tpu.barrier barrier_id(%barrier3A_9)
    %lt3A_10 = arith.constant 10 : i32
    %lt3A_11 = arith.cmpi slt, %arg1, %lt3A_10 : i32
    %convert_element_type3A_12 = arith.extui %lt3A_11 : i1 to i32
    %cond3A_13 = arith.constant 0 : i32
    %cond3A_14 = arith.cmpi ne, %convert_element_type3A_12, %cond3A_13 : i32
    scf.if %cond3A_14 {
      %mul3A_15 = arith.constant 1000 : i32
      %mul3A_16 = arith.muli %arg1, %mul3A_15 : i32
      %add3A_17 = arith.constant 0 : i32
      %add3A_18 = arith.addi %mul3A_16, %add3A_17 : i32
      "tpu.region"() ({
        %run_scoped3A = tpu.sem_alloc : memref<!tpu.dma_semaphore, #tpu.memory_space<semaphore_mem>>
        %dma_start3A = arith.constant 0 : i32
        %dma_start3A_27 = tpu.memref_slice %arg7[%add3A_18, %dma_start3A] : memref<10000x128xf32, #tpu.memory_space<vmem_shared>> -> memref<200x128xf32, #tpu.memory_space<vmem_shared>>
        %dma_start3A_28 = arith.constant 0 : i32
        %dma_start3A_29 = tpu.memref_slice %arg7[%add3A_18, %dma_start3A_28] : memref<10000x128xf32, #tpu.memory_space<vmem_shared>> -> memref<200x128xf32, #tpu.memory_space<vmem_shared>>
        tpu.enqueue_dma source(%dma_start3A_29 : memref<200x128xf32, #tpu.memory_space<vmem_shared>>) target(%arg12 : memref<200x128xf32, #tpu.memory_space<vmem>>) target_semaphore(%run_scoped3A : memref<!tpu.dma_semaphore, #tpu.memory_space<semaphore_mem>>)
        %dma_wait3A = arith.constant 0 : i32
        %dma_wait3A_30 = tpu.memref_slice %arg7[%add3A_18, %dma_wait3A] : memref<10000x128xf32, #tpu.memory_space<vmem_shared>> -> memref<200x128xf32, #tpu.memory_space<vmem_shared>>
        %dma_wait3A_31 = arith.constant 0 : i32
        %dma_wait3A_32 = tpu.memref_slice %arg7[%add3A_18, %dma_wait3A_31] : memref<10000x128xf32, #tpu.memory_space<vmem_shared>> -> memref<200x128xf32, #tpu.memory_space<vmem_shared>>
        tpu.wait_dma2 semaphore(%run_scoped3A : memref<!tpu.dma_semaphore, #tpu.memory_space<semaphore_mem>>) src(%dma_wait3A_32 : memref<200x128xf32, #tpu.memory_space<vmem_shared>>) dst(%arg12 : memref<200x128xf32, #tpu.memory_space<vmem>>)
        tpu.yield
      }) : () -> ()
      "tpu.region"() ({
        %run_scoped3A = tpu.sem_alloc : memref<!tpu.dma_semaphore, #tpu.memory_space<semaphore_mem>>
        %dma_start3A = arith.constant 0 : i32
        %dma_start3A_27 = tpu.memref_slice %arg6[%arg0, %add3A_18, %dma_start3A] : memref<2x10000x128xf32, #tpu.memory_space<hbm>> -> memref<1x200x128xf32, #tpu.memory_space<hbm>>
        %dma_start3A_28 = tpu.memref_squeeze %dma_start3A_27 : memref<1x200x128xf32, #tpu.memory_space<hbm>> -> memref<200x128xf32, #tpu.memory_space<hbm>>
        %dma_start3A_29 = arith.constant 0 : i32
        %dma_start3A_30 = tpu.memref_slice %arg6[%arg0, %add3A_18, %dma_start3A_29] : memref<2x10000x128xf32, #tpu.memory_space<hbm>> -> memref<1x200x128xf32, #tpu.memory_space<hbm>>
        %dma_start3A_31 = tpu.memref_squeeze %dma_start3A_30 : memref<1x200x128xf32, #tpu.memory_space<hbm>> -> memref<200x128xf32, #tpu.memory_space<hbm>>
        tpu.enqueue_dma source(%arg12 : memref<200x128xf32, #tpu.memory_space<vmem>>) target(%dma_start3A_31 : memref<200x128xf32, #tpu.memory_space<hbm>>) target_semaphore(%run_scoped3A : memref<!tpu.dma_semaphore, #tpu.memory_space<semaphore_mem>>)
        %dma_wait3A = arith.constant 0 : i32
        %dma_wait3A_32 = tpu.memref_slice %arg6[%arg0, %add3A_18, %dma_wait3A] : memref<2x10000x128xf32, #tpu.memory_space<hbm>> -> memref<1x200x128xf32, #tpu.memory_space<hbm>>
        %dma_wait3A_33 = tpu.memref_squeeze %dma_wait3A_32 : memref<1x200x128xf32, #tpu.memory_space<hbm>> -> memref<200x128xf32, #tpu.memory_space<hbm>>
        %dma_wait3A_34 = arith.constant 0 : i32
        %dma_wait3A_35 = tpu.memref_slice %arg6[%arg0, %add3A_18, %dma_wait3A_34] : memref<2x10000x128xf32, #tpu.memory_space<hbm>> -> memref<1x200x128xf32, #tpu.memory_space<hbm>>
        %dma_wait3A_36 = tpu.memref_squeeze %dma_wait3A_35 : memref<1x200x128xf32, #tpu.memory_space<hbm>> -> memref<200x128xf32, #tpu.memory_space<hbm>>
        tpu.wait_dma2 semaphore(%run_scoped3A : memref<!tpu.dma_semaphore, #tpu.memory_space<semaphore_mem>>) src(%arg12 : memref<200x128xf32, #tpu.memory_space<vmem>>) dst(%dma_wait3A_36 : memref<200x128xf32, #tpu.memory_space<hbm>>)
        tpu.yield
      }) : () -> ()
      %add3A_19 = arith.constant 200 : i32
      %add3A_20 = arith.addi %mul3A_16, %add3A_19 : i32
      "tpu.region"() ({
        %run_scoped3A = tpu.sem_alloc : memref<!tpu.dma_semaphore, #tpu.memory_space<semaphore_mem>>
        %dma_start3A = arith.constant 0 : i32
        %dma_start3A_27 = tpu.memref_slice %arg7[%add3A_20, %dma_start3A] : memref<10000x128xf32, #tpu.memory_space<vmem_shared>> -> memref<200x128xf32, #tpu.memory_space<vmem_shared>>
        %dma_start3A_28 = arith.constant 0 : i32
        %dma_start3A_29 = tpu.memref_slice %arg7[%add3A_20, %dma_start3A_28] : memref<10000x128xf32, #tpu.memory_space<vmem_shared>> -> memref<200x128xf32, #tpu.memory_space<vmem_shared>>
        tpu.enqueue_dma source(%dma_start3A_29 : memref<200x128xf32, #tpu.memory_space<vmem_shared>>) target(%arg12 : memref<200x128xf32, #tpu.memory_space<vmem>>) target_semaphore(%run_scoped3A : memref<!tpu.dma_semaphore, #tpu.memory_space<semaphore_mem>>)
        %dma_wait3A = arith.constant 0 : i32
        %dma_wait3A_30 = tpu.memref_slice %arg7[%add3A_20, %dma_wait3A] : memref<10000x128xf32, #tpu.memory_space<vmem_shared>> -> memref<200x128xf32, #tpu.memory_space<vmem_shared>>
        %dma_wait3A_31 = arith.constant 0 : i32
        %dma_wait3A_32 = tpu.memref_slice %arg7[%add3A_20, %dma_wait3A_31] : memref<10000x128xf32, #tpu.memory_space<vmem_shared>> -> memref<200x128xf32, #tpu.memory_space<vmem_shared>>
        tpu.wait_dma2 semaphore(%run_scoped3A : memref<!tpu.dma_semaphore, #tpu.memory_space<semaphore_mem>>) src(%dma_wait3A_32 : memref<200x128xf32, #tpu.memory_space<vmem_shared>>) dst(%arg12 : memref<200x128xf32, #tpu.memory_space<vmem>>)
        tpu.yield
      }) : () -> ()
      "tpu.region"() ({
        %run_scoped3A = tpu.sem_alloc : memref<!tpu.dma_semaphore, #tpu.memory_space<semaphore_mem>>
        %dma_start3A = arith.constant 0 : i32
        %dma_start3A_27 = tpu.memref_slice %arg6[%arg0, %add3A_20, %dma_start3A] : memref<2x10000x128xf32, #tpu.memory_space<hbm>> -> memref<1x200x128xf32, #tpu.memory_space<hbm>>
        %dma_start3A_28 = tpu.memref_squeeze %dma_start3A_27 : memref<1x200x128xf32, #tpu.memory_space<hbm>> -> memref<200x128xf32, #tpu.memory_space<hbm>>
        %dma_start3A_29 = arith.constant 0 : i32
        %dma_start3A_30 = tpu.memref_slice %arg6[%arg0, %add3A_20, %dma_start3A_29] : memref<2x10000x128xf32, #tpu.memory_space<hbm>> -> memref<1x200x128xf32, #tpu.memory_space<hbm>>
        %dma_start3A_31 = tpu.memref_squeeze %dma_start3A_30 : memref<1x200x128xf32, #tpu.memory_space<hbm>> -> memref<200x128xf32, #tpu.memory_space<hbm>>
        tpu.enqueue_dma source(%arg12 : memref<200x128xf32, #tpu.memory_space<vmem>>) target(%dma_start3A_31 : memref<200x128xf32, #tpu.memory_space<hbm>>) target_semaphore(%run_scoped3A : memref<!tpu.dma_semaphore, #tpu.memory_space<semaphore_mem>>)
        %dma_wait3A = arith.constant 0 : i32
        %dma_wait3A_32 = tpu.memref_slice %arg6[%arg0, %add3A_20, %dma_wait3A] : memref<2x10000x128xf32, #tpu.memory_space<hbm>> -> memref<1x200x128xf32, #tpu.memory_space<hbm>>
        %dma_wait3A_33 = tpu.memref_squeeze %dma_wait3A_32 : memref<1x200x128xf32, #tpu.memory_space<hbm>> -> memref<200x128xf32, #tpu.memory_space<hbm>>
        %dma_wait3A_34 = arith.constant 0 : i32
        %dma_wait3A_35 = tpu.memref_slice %arg6[%arg0, %add3A_20, %dma_wait3A_34] : memref<2x10000x128xf32, #tpu.memory_space<hbm>> -> memref<1x200x128xf32, #tpu.memory_space<hbm>>
        %dma_wait3A_36 = tpu.memref_squeeze %dma_wait3A_35 : memref<1x200x128xf32, #tpu.memory_space<hbm>> -> memref<200x128xf32, #tpu.memory_space<hbm>>
        tpu.wait_dma2 semaphore(%run_scoped3A : memref<!tpu.dma_semaphore, #tpu.memory_space<semaphore_mem>>) src(%arg12 : memref<200x128xf32, #tpu.memory_space<vmem>>) dst(%dma_wait3A_36 : memref<200x128xf32, #tpu.memory_space<hbm>>)
        tpu.yield
      }) : () -> ()
      %add3A_21 = arith.constant 400 : i32
      %add3A_22 = arith.addi %mul3A_16, %add3A_21 : i32
      "tpu.region"() ({
        %run_scoped3A = tpu.sem_alloc : memref<!tpu.dma_semaphore, #tpu.memory_space<semaphore_mem>>
        %dma_start3A = arith.constant 0 : i32
        %dma_start3A_27 = tpu.memref_slice %arg7[%add3A_22, %dma_start3A] : memref<10000x128xf32, #tpu.memory_space<vmem_shared>> -> memref<200x128xf32, #tpu.memory_space<vmem_shared>>
        %dma_start3A_28 = arith.constant 0 : i32
        %dma_start3A_29 = tpu.memref_slice %arg7[%add3A_22, %dma_start3A_28] : memref<10000x128xf32, #tpu.memory_space<vmem_shared>> -> memref<200x128xf32, #tpu.memory_space<vmem_shared>>
        tpu.enqueue_dma source(%dma_start3A_29 : memref<200x128xf32, #tpu.memory_space<vmem_shared>>) target(%arg12 : memref<200x128xf32, #tpu.memory_space<vmem>>) target_semaphore(%run_scoped3A : memref<!tpu.dma_semaphore, #tpu.memory_space<semaphore_mem>>)
        %dma_wait3A = arith.constant 0 : i32
        %dma_wait3A_30 = tpu.memref_slice %arg7[%add3A_22, %dma_wait3A] : memref<10000x128xf32, #tpu.memory_space<vmem_shared>> -> memref<200x128xf32, #tpu.memory_space<vmem_shared>>
        %dma_wait3A_31 = arith.constant 0 : i32
        %dma_wait3A_32 = tpu.memref_slice %arg7[%add3A_22, %dma_wait3A_31] : memref<10000x128xf32, #tpu.memory_space<vmem_shared>> -> memref<200x128xf32, #tpu.memory_space<vmem_shared>>
        tpu.wait_dma2 semaphore(%run_scoped3A : memref<!tpu.dma_semaphore, #tpu.memory_space<semaphore_mem>>) src(%dma_wait3A_32 : memref<200x128xf32, #tpu.memory_space<vmem_shared>>) dst(%arg12 : memref<200x128xf32, #tpu.memory_space<vmem>>)
        tpu.yield
      }) : () -> ()
      "tpu.region"() ({
        %run_scoped3A = tpu.sem_alloc : memref<!tpu.dma_semaphore, #tpu.memory_space<semaphore_mem>>
        %dma_start3A = arith.constant 0 : i32
        %dma_start3A_27 = tpu.memref_slice %arg6[%arg0, %add3A_22, %dma_start3A] : memref<2x10000x128xf32, #tpu.memory_space<hbm>> -> memref<1x200x128xf32, #tpu.memory_space<hbm>>
        %dma_start3A_28 = tpu.memref_squeeze %dma_start3A_27 : memref<1x200x128xf32, #tpu.memory_space<hbm>> -> memref<200x128xf32, #tpu.memory_space<hbm>>
        %dma_start3A_29 = arith.constant 0 : i32
        %dma_start3A_30 = tpu.memref_slice %arg6[%arg0, %add3A_22, %dma_start3A_29] : memref<2x10000x128xf32, #tpu.memory_space<hbm>> -> memref<1x200x128xf32, #tpu.memory_space<hbm>>
        %dma_start3A_31 = tpu.memref_squeeze %dma_start3A_30 : memref<1x200x128xf32, #tpu.memory_space<hbm>> -> memref<200x128xf32, #tpu.memory_space<hbm>>
        tpu.enqueue_dma source(%arg12 : memref<200x128xf32, #tpu.memory_space<vmem>>) target(%dma_start3A_31 : memref<200x128xf32, #tpu.memory_space<hbm>>) target_semaphore(%run_scoped3A : memref<!tpu.dma_semaphore, #tpu.memory_space<semaphore_mem>>)
        %dma_wait3A = arith.constant 0 : i32
        %dma_wait3A_32 = tpu.memref_slice %arg6[%arg0, %add3A_22, %dma_wait3A] : memref<2x10000x128xf32, #tpu.memory_space<hbm>> -> memref<1x200x128xf32, #tpu.memory_space<hbm>>
        %dma_wait3A_33 = tpu.memref_squeeze %dma_wait3A_32 : memref<1x200x128xf32, #tpu.memory_space<hbm>> -> memref<200x128xf32, #tpu.memory_space<hbm>>
        %dma_wait3A_34 = arith.constant 0 : i32
        %dma_wait3A_35 = tpu.memref_slice %arg6[%arg0, %add3A_22, %dma_wait3A_34] : memref<2x10000x128xf32, #tpu.memory_space<hbm>> -> memref<1x200x128xf32, #tpu.memory_space<hbm>>
        %dma_wait3A_36 = tpu.memref_squeeze %dma_wait3A_35 : memref<1x200x128xf32, #tpu.memory_space<hbm>> -> memref<200x128xf32, #tpu.memory_space<hbm>>
        tpu.wait_dma2 semaphore(%run_scoped3A : memref<!tpu.dma_semaphore, #tpu.memory_space<semaphore_mem>>) src(%arg12 : memref<200x128xf32, #tpu.memory_space<vmem>>) dst(%dma_wait3A_36 : memref<200x128xf32, #tpu.memory_space<hbm>>)
        tpu.yield
      }) : () -> ()
      %add3A_23 = arith.constant 600 : i32
      %add3A_24 = arith.addi %mul3A_16, %add3A_23 : i32
      "tpu.region"() ({
        %run_scoped3A = tpu.sem_alloc : memref<!tpu.dma_semaphore, #tpu.memory_space<semaphore_mem>>
        %dma_start3A = arith.constant 0 : i32
        %dma_start3A_27 = tpu.memref_slice %arg7[%add3A_24, %dma_start3A] : memref<10000x128xf32, #tpu.memory_space<vmem_shared>> -> memref<200x128xf32, #tpu.memory_space<vmem_shared>>
        %dma_start3A_28 = arith.constant 0 : i32
        %dma_start3A_29 = tpu.memref_slice %arg7[%add3A_24, %dma_start3A_28] : memref<10000x128xf32, #tpu.memory_space<vmem_shared>> -> memref<200x128xf32, #tpu.memory_space<vmem_shared>>
        tpu.enqueue_dma source(%dma_start3A_29 : memref<200x128xf32, #tpu.memory_space<vmem_shared>>) target(%arg12 : memref<200x128xf32, #tpu.memory_space<vmem>>) target_semaphore(%run_scoped3A : memref<!tpu.dma_semaphore, #tpu.memory_space<semaphore_mem>>)
        %dma_wait3A = arith.constant 0 : i32
        %dma_wait3A_30 = tpu.memref_slice %arg7[%add3A_24, %dma_wait3A] : memref<10000x128xf32, #tpu.memory_space<vmem_shared>> -> memref<200x128xf32, #tpu.memory_space<vmem_shared>>
        %dma_wait3A_31 = arith.constant 0 : i32
        %dma_wait3A_32 = tpu.memref_slice %arg7[%add3A_24, %dma_wait3A_31] : memref<10000x128xf32, #tpu.memory_space<vmem_shared>> -> memref<200x128xf32, #tpu.memory_space<vmem_shared>>
        tpu.wait_dma2 semaphore(%run_scoped3A : memref<!tpu.dma_semaphore, #tpu.memory_space<semaphore_mem>>) src(%dma_wait3A_32 : memref<200x128xf32, #tpu.memory_space<vmem_shared>>) dst(%arg12 : memref<200x128xf32, #tpu.memory_space<vmem>>)
        tpu.yield
      }) : () -> ()
      "tpu.region"() ({
        %run_scoped3A = tpu.sem_alloc : memref<!tpu.dma_semaphore, #tpu.memory_space<semaphore_mem>>
        %dma_start3A = arith.constant 0 : i32
        %dma_start3A_27 = tpu.memref_slice %arg6[%arg0, %add3A_24, %dma_start3A] : memref<2x10000x128xf32, #tpu.memory_space<hbm>> -> memref<1x200x128xf32, #tpu.memory_space<hbm>>
        %dma_start3A_28 = tpu.memref_squeeze %dma_start3A_27 : memref<1x200x128xf32, #tpu.memory_space<hbm>> -> memref<200x128xf32, #tpu.memory_space<hbm>>
        %dma_start3A_29 = arith.constant 0 : i32
        %dma_start3A_30 = tpu.memref_slice %arg6[%arg0, %add3A_24, %dma_start3A_29] : memref<2x10000x128xf32, #tpu.memory_space<hbm>> -> memref<1x200x128xf32, #tpu.memory_space<hbm>>
        %dma_start3A_31 = tpu.memref_squeeze %dma_start3A_30 : memref<1x200x128xf32, #tpu.memory_space<hbm>> -> memref<200x128xf32, #tpu.memory_space<hbm>>
        tpu.enqueue_dma source(%arg12 : memref<200x128xf32, #tpu.memory_space<vmem>>) target(%dma_start3A_31 : memref<200x128xf32, #tpu.memory_space<hbm>>) target_semaphore(%run_scoped3A : memref<!tpu.dma_semaphore, #tpu.memory_space<semaphore_mem>>)
        %dma_wait3A = arith.constant 0 : i32
        %dma_wait3A_32 = tpu.memref_slice %arg6[%arg0, %add3A_24, %dma_wait3A] : memref<2x10000x128xf32, #tpu.memory_space<hbm>> -> memref<1x200x128xf32, #tpu.memory_space<hbm>>
        %dma_wait3A_33 = tpu.memref_squeeze %dma_wait3A_32 : memref<1x200x128xf32, #tpu.memory_space<hbm>> -> memref<200x128xf32, #tpu.memory_space<hbm>>
        %dma_wait3A_34 = arith.constant 0 : i32
        %dma_wait3A_35 = tpu.memref_slice %arg6[%arg0, %add3A_24, %dma_wait3A_34] : memref<2x10000x128xf32, #tpu.memory_space<hbm>> -> memref<1x200x128xf32, #tpu.memory_space<hbm>>
        %dma_wait3A_36 = tpu.memref_squeeze %dma_wait3A_35 : memref<1x200x128xf32, #tpu.memory_space<hbm>> -> memref<200x128xf32, #tpu.memory_space<hbm>>
        tpu.wait_dma2 semaphore(%run_scoped3A : memref<!tpu.dma_semaphore, #tpu.memory_space<semaphore_mem>>) src(%arg12 : memref<200x128xf32, #tpu.memory_space<vmem>>) dst(%dma_wait3A_36 : memref<200x128xf32, #tpu.memory_space<hbm>>)
        tpu.yield
      }) : () -> ()
      %add3A_25 = arith.constant 800 : i32
      %add3A_26 = arith.addi %mul3A_16, %add3A_25 : i32
      "tpu.region"() ({
        %run_scoped3A = tpu.sem_alloc : memref<!tpu.dma_semaphore, #tpu.memory_space<semaphore_mem>>
        %dma_start3A = arith.constant 0 : i32
        %dma_start3A_27 = tpu.memref_slice %arg7[%add3A_26, %dma_start3A] : memref<10000x128xf32, #tpu.memory_space<vmem_shared>> -> memref<200x128xf32, #tpu.memory_space<vmem_shared>>
        %dma_start3A_28 = arith.constant 0 : i32
        %dma_start3A_29 = tpu.memref_slice %arg7[%add3A_26, %dma_start3A_28] : memref<10000x128xf32, #tpu.memory_space<vmem_shared>> -> memref<200x128xf32, #tpu.memory_space<vmem_shared>>
        tpu.enqueue_dma source(%dma_start3A_29 : memref<200x128xf32, #tpu.memory_space<vmem_shared>>) target(%arg12 : memref<200x128xf32, #tpu.memory_space<vmem>>) target_semaphore(%run_scoped3A : memref<!tpu.dma_semaphore, #tpu.memory_space<semaphore_mem>>)
        %dma_wait3A = arith.constant 0 : i32
        %dma_wait3A_30 = tpu.memref_slice %arg7[%add3A_26, %dma_wait3A] : memref<10000x128xf32, #tpu.memory_space<vmem_shared>> -> memref<200x128xf32, #tpu.memory_space<vmem_shared>>
        %dma_wait3A_31 = arith.constant 0 : i32
        %dma_wait3A_32 = tpu.memref_slice %arg7[%add3A_26, %dma_wait3A_31] : memref<10000x128xf32, #tpu.memory_space<vmem_shared>> -> memref<200x128xf32, #tpu.memory_space<vmem_shared>>
        tpu.wait_dma2 semaphore(%run_scoped3A : memref<!tpu.dma_semaphore, #tpu.memory_space<semaphore_mem>>) src(%dma_wait3A_32 : memref<200x128xf32, #tpu.memory_space<vmem_shared>>) dst(%arg12 : memref<200x128xf32, #tpu.memory_space<vmem>>)
        tpu.yield
      }) : () -> ()
      "tpu.region"() ({
        %run_scoped3A = tpu.sem_alloc : memref<!tpu.dma_semaphore, #tpu.memory_space<semaphore_mem>>
        %dma_start3A = arith.constant 0 : i32
        %dma_start3A_27 = tpu.memref_slice %arg6[%arg0, %add3A_26, %dma_start3A] : memref<2x10000x128xf32, #tpu.memory_space<hbm>> -> memref<1x200x128xf32, #tpu.memory_space<hbm>>
        %dma_start3A_28 = tpu.memref_squeeze %dma_start3A_27 : memref<1x200x128xf32, #tpu.memory_space<hbm>> -> memref<200x128xf32, #tpu.memory_space<hbm>>
        %dma_start3A_29 = arith.constant 0 : i32
        %dma_start3A_30 = tpu.memref_slice %arg6[%arg0, %add3A_26, %dma_start3A_29] : memref<2x10000x128xf32, #tpu.memory_space<hbm>> -> memref<1x200x128xf32, #tpu.memory_space<hbm>>
        %dma_start3A_31 = tpu.memref_squeeze %dma_start3A_30 : memref<1x200x128xf32, #tpu.memory_space<hbm>> -> memref<200x128xf32, #tpu.memory_space<hbm>>
        tpu.enqueue_dma source(%arg12 : memref<200x128xf32, #tpu.memory_space<vmem>>) target(%dma_start3A_31 : memref<200x128xf32, #tpu.memory_space<hbm>>) target_semaphore(%run_scoped3A : memref<!tpu.dma_semaphore, #tpu.memory_space<semaphore_mem>>)
        %dma_wait3A = arith.constant 0 : i32
        %dma_wait3A_32 = tpu.memref_slice %arg6[%arg0, %add3A_26, %dma_wait3A] : memref<2x10000x128xf32, #tpu.memory_space<hbm>> -> memref<1x200x128xf32, #tpu.memory_space<hbm>>
        %dma_wait3A_33 = tpu.memref_squeeze %dma_wait3A_32 : memref<1x200x128xf32, #tpu.memory_space<hbm>> -> memref<200x128xf32, #tpu.memory_space<hbm>>
        %dma_wait3A_34 = arith.constant 0 : i32
        %dma_wait3A_35 = tpu.memref_slice %arg6[%arg0, %add3A_26, %dma_wait3A_34] : memref<2x10000x128xf32, #tpu.memory_space<hbm>> -> memref<1x200x128xf32, #tpu.memory_space<hbm>>
        %dma_wait3A_36 = tpu.memref_squeeze %dma_wait3A_35 : memref<1x200x128xf32, #tpu.memory_space<hbm>> -> memref<200x128xf32, #tpu.memory_space<hbm>>
        tpu.wait_dma2 semaphore(%run_scoped3A : memref<!tpu.dma_semaphore, #tpu.memory_space<semaphore_mem>>) src(%arg12 : memref<200x128xf32, #tpu.memory_space<vmem>>) dst(%dma_wait3A_36 : memref<200x128xf32, #tpu.memory_space<hbm>>)
        tpu.yield
      }) : () -> ()
    } else {
    }
    return
  }
}

module attributes {stable_mosaic.version = 14 : i64} {
  func.func @_tc1_body(%arg0: memref<2x10000xf32, #tpu.memory_space<vmem>>, %arg1: memref<10000x128xf32, #tpu.memory_space<vmem>>, %arg2: memref<128x128xf32, #tpu.memory_space<vmem>>, %arg3: memref<10000x128xf32, #tpu.memory_space<vmem>>) attributes {dimension_semantics = [], scalar_prefetch = 0 : i64, scratch_operands = 0 : i64, tpu.core_type = #tpu.core_type<tc>} {
    %get3A = arith.constant 0 : index
    %get3A_0 = arith.constant 0 : index
    %get3A_1 = vector.load %arg0[%get3A, %get3A_0] : memref<2x10000xf32, #tpu.memory_space<vmem>>, vector<2x10000xf32>
    %slice3A = vector.extract_strided_slice %get3A_1 {offsets = [0, 0], sizes = [1, 10000], strides = [1, 1]} : vector<2x10000xf32> to vector<1x10000xf32>
    %squeeze3A = vector.shape_cast %slice3A : vector<1x10000xf32> to vector<10000xf32>
    %slice3A_2 = vector.extract_strided_slice %get3A_1 {offsets = [1, 0], sizes = [1, 10000], strides = [1, 1]} : vector<2x10000xf32> to vector<1x10000xf32>
    %squeeze3A_3 = vector.shape_cast %slice3A_2 : vector<1x10000xf32> to vector<10000xf32>
    %add3A = arith.addf %squeeze3A, %squeeze3A_3 : vector<10000xf32>
    %add3A_4 = arith.constant 1.000000e+00 : f32
    %add3A_5 = vector.broadcast %add3A_4 : f32 to vector<10000xf32>
    %add3A_6 = arith.addf %add3A, %add3A_5 : vector<10000xf32>
    %rsqrt3A = math.rsqrt %add3A_6 : vector<10000xf32>
    %get3A_7 = arith.constant 0 : index
    %get3A_8 = arith.constant 0 : index
    %get3A_9 = vector.load %arg1[%get3A_7, %get3A_8] : memref<10000x128xf32, #tpu.memory_space<vmem>>, vector<10000x128xf32>
    %get3A_10 = arith.constant 0 : index
    %get3A_11 = arith.constant 0 : index
    %get3A_12 = vector.load %arg2[%get3A_10, %get3A_11] : memref<128x128xf32, #tpu.memory_space<vmem>>, vector<128x128xf32>
    %dot_general3A = arith.constant dense<0.000000e+00> : vector<10000x128xf32>
    %dot_general3A_13 = tpu.matmul %get3A_9, %get3A_12, %dot_general3A {dimension_numbers = #tpu.dot_dimension_numbers<[1], [0], [0], [1], [0, 0, 1, 1], [], []>, transpose_lhs_hint = false} : vector<10000x128xf32>, vector<128x128xf32>, vector<10000x128xf32> -> vector<10000x128xf32>
    %broadcast_in_dim3A = vector.shape_cast %rsqrt3A : vector<10000xf32> to vector<10000x1xf32>
    %mul3A = vector.broadcast %broadcast_in_dim3A : vector<10000x1xf32> to vector<10000x128xf32>
    %mul3A_14 = arith.mulf %dot_general3A_13, %mul3A : vector<10000x128xf32>
    %swap3A = arith.constant 0 : index
    %swap3A_15 = arith.constant 0 : index
    %swap3A_16 = vector.load %arg3[%swap3A, %swap3A_15] : memref<10000x128xf32, #tpu.memory_space<vmem>>, vector<10000x128xf32>
    tpu.vector_store %arg3[%swap3A, %swap3A_15], %mul3A_14 {strides = array<i32>} : memref<10000x128xf32, #tpu.memory_space<vmem>>, vector<10000x128xf32>,
    return
  }
}

module attributes {stable_mosaic.version = 14 : i64} {
  func.func @_tc2_body(%arg0: memref<2x10000xf32, #tpu.memory_space<vmem>>, %arg1: memref<2x10000x128xf32, #tpu.memory_space<vmem>>, %arg2: memref<10000x128xf32, #tpu.memory_space<vmem>>, %arg3: memref<128x64xf32, #tpu.memory_space<vmem>>, %arg4: memref<128xf32, #tpu.memory_space<vmem>>, %arg5: memref<10000x64xf32, #tpu.memory_space<vmem>>) attributes {dimension_semantics = [], scalar_prefetch = 0 : i64, scratch_operands = 0 : i64, tpu.core_type = #tpu.core_type<tc>} {
    %get3A = arith.constant 0 : index
    %get3A_0 = arith.constant 0 : index
    %get3A_1 = vector.load %arg0[%get3A, %get3A_0] : memref<2x10000xf32, #tpu.memory_space<vmem>>, vector<2x10000xf32>
    %slice3A = vector.extract_strided_slice %get3A_1 {offsets = [0, 0], sizes = [1, 10000], strides = [1, 1]} : vector<2x10000xf32> to vector<1x10000xf32>
    %squeeze3A = vector.shape_cast %slice3A : vector<1x10000xf32> to vector<10000xf32>
    %slice3A_2 = vector.extract_strided_slice %get3A_1 {offsets = [1, 0], sizes = [1, 10000], strides = [1, 1]} : vector<2x10000xf32> to vector<1x10000xf32>
    %squeeze3A_3 = vector.shape_cast %slice3A_2 : vector<1x10000xf32> to vector<10000xf32>
    %add3A = arith.addf %squeeze3A, %squeeze3A_3 : vector<10000xf32>
    %add3A_4 = arith.constant 1.000000e+00 : f32
    %add3A_5 = vector.broadcast %add3A_4 : f32 to vector<10000xf32>
    %add3A_6 = arith.addf %add3A, %add3A_5 : vector<10000xf32>
    %rsqrt3A = math.rsqrt %add3A_6 : vector<10000xf32>
    %get3A_7 = arith.constant 0 : index
    %get3A_8 = arith.constant 0 : index
    %get3A_9 = arith.constant 0 : index
    %get3A_10 = vector.load %arg1[%get3A_7, %get3A_8, %get3A_9] : memref<2x10000x128xf32, #tpu.memory_space<vmem>>, vector<1x10000x128xf32>
    %get3A_11 = vector.shape_cast %get3A_10 : vector<1x10000x128xf32> to vector<10000x128xf32>
    %get3A_12 = arith.constant 1 : index
    %get3A_13 = arith.constant 0 : index
    %get3A_14 = arith.constant 0 : index
    %get3A_15 = vector.load %arg1[%get3A_12, %get3A_13, %get3A_14] : memref<2x10000x128xf32, #tpu.memory_space<vmem>>, vector<1x10000x128xf32>
    %get3A_16 = vector.shape_cast %get3A_15 : vector<1x10000x128xf32> to vector<10000x128xf32>
    %add3A_17 = arith.addf %get3A_11, %get3A_16 : vector<10000x128xf32>
    %get3A_18 = arith.constant 0 : index
    %get3A_19 = arith.constant 0 : index
    %get3A_20 = vector.load %arg2[%get3A_18, %get3A_19] : memref<10000x128xf32, #tpu.memory_space<vmem>>, vector<10000x128xf32>
    %add3A_21 = arith.addf %add3A_17, %get3A_20 : vector<10000x128xf32>
    %broadcast_in_dim3A = vector.shape_cast %rsqrt3A : vector<10000xf32> to vector<10000x1xf32>
    %mul3A = vector.broadcast %broadcast_in_dim3A : vector<10000x1xf32> to vector<10000x128xf32>
    %mul3A_22 = arith.mulf %add3A_21, %mul3A : vector<10000x128xf32>
    %get3A_23 = arith.constant 0 : index
    %get3A_24 = vector.load %arg4[%get3A_23] : memref<128xf32, #tpu.memory_space<vmem>>, vector<128xf32>
    %broadcast_in_dim3A_25 = vector.shape_cast %get3A_24 : vector<128xf32> to vector<1x128xf32>
    %add3A_26 = vector.broadcast %broadcast_in_dim3A_25 : vector<1x128xf32> to vector<10000x128xf32>
    %add3A_27 = arith.addf %mul3A_22, %add3A_26 : vector<10000x128xf32>
    %max3A = arith.constant 0.000000e+00 : f32
    %max3A_28 = vector.broadcast %max3A : f32 to vector<10000x128xf32>
    %max3A_29 = arith.maximumf %add3A_27, %max3A_28 : vector<10000x128xf32>
    %get3A_30 = arith.constant 0 : index
    %get3A_31 = arith.constant 0 : index
    %get3A_32 = vector.load %arg3[%get3A_30, %get3A_31] : memref<128x64xf32, #tpu.memory_space<vmem>>, vector<128x64xf32>
    %dot_general3A = arith.constant dense<0.000000e+00> : vector<10000x64xf32>
    %dot_general3A_33 = tpu.matmul %max3A_29, %get3A_32, %dot_general3A {dimension_numbers = #tpu.dot_dimension_numbers<[1], [0], [0], [1], [0, 0, 1, 1], [], []>, transpose_lhs_hint = false} : vector<10000x128xf32>, vector<128x64xf32>, vector<10000x64xf32> -> vector<10000x64xf32>
    %broadcast_in_dim3A_34 = vector.shape_cast %rsqrt3A : vector<10000xf32> to vector<10000x1xf32>
    %mul3A_35 = vector.broadcast %broadcast_in_dim3A_34 : vector<10000x1xf32> to vector<10000x64xf32>
    %mul3A_36 = arith.mulf %dot_general3A_33, %mul3A_35 : vector<10000x64xf32>
    %swap3A = arith.constant 0 : index
    %swap3A_37 = arith.constant 0 : index
    %swap3A_38 = vector.load %arg5[%swap3A, %swap3A_37] : memref<10000x64xf32, #tpu.memory_space<vmem>>, vector<10000x64xf32>
    tpu.vector_store %arg5[%swap3A, %swap3A_37], %mul3A_36 {strides = array<i32>} : memref<10000x64xf32, #tpu.memory_space<vmem>>, vector<10000x64xf32>,
    return
  }
}

module attributes {stable_mosaic.version = 14 : i64} {
  func.func @_tc3_body(%arg0: memref<2x10000xf32, #tpu.memory_space<vmem>>, %arg1: memref<2x10000x64xf32, #tpu.memory_space<vmem>>, %arg2: memref<10000x64xf32, #tpu.memory_space<vmem>>, %arg3: memref<64xf32, #tpu.memory_space<vmem>>, %arg4: memref<10000x64xf32, #tpu.memory_space<vmem>>) attributes {dimension_semantics = [], scalar_prefetch = 0 : i64, scratch_operands = 0 : i64, tpu.core_type = #tpu.core_type<tc>} {
    %get3A = arith.constant 0 : index
    %get3A_0 = arith.constant 0 : index
    %get3A_1 = vector.load %arg0[%get3A, %get3A_0] : memref<2x10000xf32, #tpu.memory_space<vmem>>, vector<2x10000xf32>
    %slice3A = vector.extract_strided_slice %get3A_1 {offsets = [0, 0], sizes = [1, 10000], strides = [1, 1]} : vector<2x10000xf32> to vector<1x10000xf32>
    %squeeze3A = vector.shape_cast %slice3A : vector<1x10000xf32> to vector<10000xf32>
    %slice3A_2 = vector.extract_strided_slice %get3A_1 {offsets = [1, 0], sizes = [1, 10000], strides = [1, 1]} : vector<2x10000xf32> to vector<1x10000xf32>
    %squeeze3A_3 = vector.shape_cast %slice3A_2 : vector<1x10000xf32> to vector<10000xf32>
    %add3A = arith.addf %squeeze3A, %squeeze3A_3 : vector<10000xf32>
    %add3A_4 = arith.constant 1.000000e+00 : f32
    %add3A_5 = vector.broadcast %add3A_4 : f32 to vector<10000xf32>
    %add3A_6 = arith.addf %add3A, %add3A_5 : vector<10000xf32>
    %rsqrt3A = math.rsqrt %add3A_6 : vector<10000xf32>
    %get3A_7 = arith.constant 0 : index
    %get3A_8 = arith.constant 0 : index
    %get3A_9 = arith.constant 0 : index
    %get3A_10 = vector.load %arg1[%get3A_7, %get3A_8, %get3A_9] : memref<2x10000x64xf32, #tpu.memory_space<vmem>>, vector<1x10000x64xf32>
    %get3A_11 = vector.shape_cast %get3A_10 : vector<1x10000x64xf32> to vector<10000x64xf32>
    %get3A_12 = arith.constant 1 : index
    %get3A_13 = arith.constant 0 : index
    %get3A_14 = arith.constant 0 : index
    %get3A_15 = vector.load %arg1[%get3A_12, %get3A_13, %get3A_14] : memref<2x10000x64xf32, #tpu.memory_space<vmem>>, vector<1x10000x64xf32>
    %get3A_16 = vector.shape_cast %get3A_15 : vector<1x10000x64xf32> to vector<10000x64xf32>
    %add3A_17 = arith.addf %get3A_11, %get3A_16 : vector<10000x64xf32>
    %get3A_18 = arith.constant 0 : index
    %get3A_19 = arith.constant 0 : index
    %get3A_20 = vector.load %arg2[%get3A_18, %get3A_19] : memref<10000x64xf32, #tpu.memory_space<vmem>>, vector<10000x64xf32>
    %add3A_21 = arith.addf %add3A_17, %get3A_20 : vector<10000x64xf32>
    %broadcast_in_dim3A = vector.shape_cast %rsqrt3A : vector<10000xf32> to vector<10000x1xf32>
    %mul3A = vector.broadcast %broadcast_in_dim3A : vector<10000x1xf32> to vector<10000x64xf32>
    %mul3A_22 = arith.mulf %add3A_21, %mul3A : vector<10000x64xf32>
    %get3A_23 = arith.constant 0 : index
    %get3A_24 = vector.load %arg3[%get3A_23] : memref<64xf32, #tpu.memory_space<vmem>>, vector<64xf32>
    %broadcast_in_dim3A_25 = vector.shape_cast %get3A_24 : vector<64xf32> to vector<1x64xf32>
    %add3A_26 = vector.broadcast %broadcast_in_dim3A_25 : vector<1x64xf32> to vector<10000x64xf32>
    %add3A_27 = arith.addf %mul3A_22, %add3A_26 : vector<10000x64xf32>
    %swap3A = arith.constant 0 : index
    %swap3A_28 = arith.constant 0 : index
    %swap3A_29 = vector.load %arg4[%swap3A, %swap3A_28] : memref<10000x64xf32, #tpu.memory_space<vmem>>, vector<10000x64xf32>
    tpu.vector_store %arg4[%swap3A, %swap3A_28], %add3A_27 {strides = array<i32>} : memref<10000x64xf32, #tpu.memory_space<vmem>>, vector<10000x64xf32>,
    return
  }
}

</mosaic_0001>

<sc_bundles>
// kernel: kernel.11.cloned.1.call-start
scs
__scs_entry_jumppad:
0x0: {  	(pc) =	sbr.rel $0x88, $3  }
0x1: {  	(tag) =	ssettag $0x0;
	lr =	simm.s32 $0x1  }
0x2: {  	[smem:$0x3F9A] =	sst lr;
	_ =	strace $0xD0000000  }
0x3: {  	_ = 	snop  }
0x4: {  	_ = 	snop  }
0x5: {  	_ = 	snop  }
0x6: {  	_ = 	snop  }
0x7: {  	_ = 	snop  }
__scs_overlays_trampoline_lowered:
0x8: {  	[smem:$0x3FA9] =	sst s0  }
0x9: {  	[smem:$0x3FAA] =	sst s1  }
0xa: {  	[smem:$0x3FAB] =	sst s2  }
0xb: {  	[smem:$0x3FAC] =	sst s3  }
0xc: {  	[smem:$0x3FAD] =	sst s4  }
0xd: {  	[smem:$0x3FAE] =	sst s5  }
0xe: {  	[smem:$0x3FAF] =	sst s6  }
0xf: {  	[smem:$0x3FB0] =	sst s7  }
0x10: {  	[smem:$0x3FB1] =	sst s8  }
0x11: {  	[smem:$0x3FB2] =	sst s9;
	s0 =	simm.s32 @!p0 $0x0  }
0x12: {  	s1 =	sld [smem:$0x3F98];
	s0 =	simm.s32 @p0 $0x1  }
0x13: {  	[smem:$0x3FB3] =	sst s0;
	s0 =	simm.s32 @!p1 $0x0  }
0x14: {  	s2 =	sld [smem:$0x3F97];
	s0 =	simm.s32 @p1 $0x1  }
0x15: {  	[smem:$0x3FB4] =	sst s0;
	s0 =	simm.s32 @!p2 $0x0  }
0x16: {  	s3 =	sld [smem:$0x3FDB];
	s0 =	simm.s32 @p2 $0x1  }
0x17: {  	s4 =	simm.s32 $0x1BF5;
	[smem:$0x3FB6] =	sst s0  }
0x18: {  	s0 =	sld [smem:$0x3F99];
	_ =	swait.ge [sflag:s4], $0x0  }
0x19: {  	s7 =	sld [smem:$0x3F9A]  }
0x1a: {  	s8 =	sadd.s32 $0xFFFFE003, lr  }
0x1b: {  	s9 =	sadd.s32 $0xFFFFFEF7, lr;
	s5 =	simm.s32 $0xFFFFFFFF;
	p2 =	slt.u32 s8, $0xFFFFF086  }
0x1c: {  	p1 =	slt.u32 s9, $0xF7A;
	s5 =	simm.s32 @!p2 $0x0  }
0x1d: {  	s5 =	simm.s32 @p1 $0x1;
	p0 =	seq.s32 s7, s2  }
0x1e: {  	s7 =	smul.u32 @!p0 $0xF7A, s2;
	p2 =	seq.s32 @!p0 s5, $0x0  }
0x1f: {  	s9 =	smul.u32 $0xF7A, s1;
	s8 =	simm.s32 @!p0 $0x1BF5;
	p2 =	por !p2, p0  }
0x20: {  	[sflag:s8] =	ssyncset.s32 @!p0 $0xFFFFF086;
	s6 =	sadd.s32 @!p0 s3, s7;
	s7 =	simm.s32 @!p0 $0x108  }
0x21: {  	s3 =	sadd.s32 s3, s9;
	s6 =	sadd.s32 @!p0 $0x88, s6;
	s7 =	simm.s32 @p2 $0x1082  }
0x22: {  	[simem:s7], [sflag:s8] =	dma.local @!p0 [hbm:s6], $0xF7A  }
0x23: {  	s9 =	sor.u32 $0xD0000000, s2;
	s6 =	simm.s32 $0x108;
	_ =	swait.ge @!p0 [sflag:s8], $0x0  }
0x24: {  	s3 =	sadd.s32 $0x88, s3;
	s6 =	simm.s32 @!p1 $0x1082;
	[sflag:s4] =	ssyncset.s32 $0xFFFFF086  }
0x25: {  	[simem:s6], [sflag:s4] =	dma.local [hbm:s3], $0xF7A  }
0x26: {  	[smem:$0x3F9A] =	sst s1;
	(tag) =	ssettag s2;
	_ =	strace s9  }
0x27: {  	s1 =	sld [smem:$0x3FAA]  }
0x28: {  	s2 =	sld [smem:$0x3FAB]  }
0x29: {  	s4 =	sld [smem:$0x3FAD]  }
0x2a: {  	p0 =	seq.s32 s5, $0x0;
	s5 =	sld [smem:$0x3FAE]  }
0x2b: {  	s6 =	sld [smem:$0x3FAF]  }
0x2c: {  	s7 =	sld [smem:$0x3FB0]  }
0x2d: {  	s3 =	simm.s32 $0x108;
	s8 =	sld [smem:$0x3FB1]  }
0x2e: {  	s3 =	simm.s32 @!p0 $0x1082;
	s9 =	sld [smem:$0x3FB2]  }
0x2f: {  	lr =	sadd.s32 s0, s3;
	s0 =	sld [smem:$0x3FA9]  }
0x30: {  	s3 =	sld [smem:$0x3FAC]  }
0x31: {  	[smem:$0x3FB5] =	sst s10  }
0x32: {  	s10 =	sld [smem:$0x3FB3];
	_ =	sdelay $0x3  }
0x33: {  	p0 =	seq.s32 s10, $0x1;
	s10 =	sld [smem:$0x3FB5];
	_ =	sdelay $0x3  }
0x34: {  	[smem:$0x3FB5] =	sst s10  }
0x35: {  	s10 =	sld [smem:$0x3FB4];
	_ =	sdelay $0x3  }
0x36: {  	p1 =	seq.s32 s10, $0x1;
	s10 =	sld [smem:$0x3FB5];
	_ =	sdelay $0x3  }
0x37: {  	[smem:$0x3FB5] =	sst s10  }
0x38: {  	s10 =	sld [smem:$0x3FB6]  }
0x39: {  	_ = 	snop;
	(pc) =	sbr.ind lr, $3  }
0x3a: {  	_ = 	snop  }
0x3b: {  	_ = 	snop  }
0x3c: {  	p2 =	seq.s32 s10, $0x1;
	s10 =	sld [smem:$0x3FB5]  }
0x3d: {  	_ =	shalt  }
0x3e: {  	_ =	shalt  }
0x3f: {  	_ =	shalt  }
0x40: {  	_ =	shalt  }
0x41: {  	_ =	shalt  }
0x42: {  	_ =	shalt  }
0x43: {  	_ =	shalt  }
0x44: {  	_ =	shalt  }
0x45: {  	_ =	shalt  }
0x46: {  	_ =	shalt  }
0x47: {  	_ =	shalt  }
0x48: {  	_ =	shalt  }
0x49: {  	_ =	shalt  }
0x4a: {  	_ =	shalt  }
0x4b: {  	_ =	shalt  }
0x4c: {  	_ =	shalt  }
0x4d: {  	_ =	shalt  }
0x4e: {  	_ =	shalt  }
0x4f: {  	_ =	shalt  }
0x50: {  	_ =	shalt  }
0x51: {  	_ =	shalt  }
0x52: {  	_ =	shalt  }
0x53: {  	_ =	shalt  }
0x54: {  	_ =	shalt  }
0x55: {  	_ =	shalt  }
0x56: {  	_ =	shalt  }
0x57: {  	_ =	shalt  }
0x58: {  	_ =	shalt  }
0x59: {  	_ =	shalt  }
0x5a: {  	_ =	shalt  }
0x5b: {  	_ =	shalt  }
0x5c: {  	_ =	shalt  }
0x5d: {  	_ =	shalt  }
0x5e: {  	_ =	shalt  }
0x5f: {  	_ =	shalt  }
0x60: {  	_ =	shalt  }
0x61: {  	_ =	shalt  }
0x62: {  	_ =	shalt  }
0x63: {  	_ =	shalt  }
0x64: {  	_ =	shalt  }
0x65: {  	_ =	shalt  }
0x66: {  	_ =	shalt  }
0x67: {  	_ =	shalt  }
0x68: {  	_ =	shalt  }
0x69: {  	_ =	shalt  }
0x6a: {  	_ =	shalt  }
0x6b: {  	_ =	shalt  }
0x6c: {  	_ =	shalt  }
0x6d: {  	_ =	shalt  }
0x6e: {  	_ =	shalt  }
0x6f: {  	_ =	shalt  }
0x70: {  	_ =	shalt  }
0x71: {  	_ =	shalt  }
0x72: {  	_ =	shalt  }
0x73: {  	_ =	shalt  }
0x74: {  	_ =	shalt  }
0x75: {  	_ =	shalt  }
0x76: {  	_ =	shalt  }
0x77: {  	_ =	shalt  }
0x78: {  	_ =	shalt  }
0x79: {  	_ =	shalt  }
0x7a: {  	_ =	shalt  }
0x7b: {  	_ =	shalt  }
0x7c: {  	_ =	shalt  }
0x7d: {  	_ =	shalt  }
0x7e: {  	_ =	shalt  }
0x7f: {  	_ =	shalt  }
0x80: {  	_ =	shalt  }
0x81: {  	_ =	shalt  }
0x82: {  	_ =	shalt  }
0x83: {  	_ =	shalt  }
0x84: {  	_ =	shalt  }
0x85: {  	_ =	shalt  }
0x86: {  	_ =	shalt  }
0x87: {  	_ =	shalt  }
.Lfunc_end0:
.L_simem_size_0:
called_computation.1_lowered:
.L_overlay_start_0:
0x88: {  	s2 =	sld [smem:$0x3FD9]  }
0x89: {  	s3 =	sld [smem:$0x3FFE];
	_ =	sdelay $0x1  }
0x8a: {  	s1 =	srdreg.scid  }
0x8b: {  	s0 =	sand.u32 $0x1, s1  }
0x8c: {  	s17 =	sshll.u32 s0, $0xA;
	s2 =	sadd.s32 s3, s2  }
0x8d: {  	s2 =	sadd.s32 s2, s17  }
0x8e: {  	[smem:$0x3FC1] =	sst s2  }
0x8f: {  	_ = 	snop  }
0x90: {  	s2 =	sld [smem:$0x3FC7]  }
0x91: {  	s18 =	sld [smem:$0x3FD0];
	(tm) =	ssettm $0x1  }
0x92: {  	s4 =	sld [smem:$0x3FFB];
	_ =	sdelay $0x3  }
0x93: {  	_ =	strace s4  }
0x94: {  	s4 =	sld [smem:$0x3FFC];
	_ =	sdelay $0x3  }
0x95: {  	_ =	strace s4  }
0x96: {  	s4 =	sld [smem:$0x3FFD];
	_ =	sdelay $0x3  }
0x97: {  	_ =	strace s4  }
0x98: {  	_ =	strace $0x8FFFFFFF  }
0x99: {  	s19 =	sld [smem:$0x3FDB];
	_ =	sdelay $0x1  }
0x9a: {  	s5 =	simm.s32 $_scs_section_size  }
0x9b: {  	s6 =	simm.s32 $_size__tile_overlayer_lowered;
	s7 =	simm.s32 $_tile_overlayer_lowered  }
0x9c: {  	s22 =	simm.s32 $0x1BFF;
	s21 =	sshll.u32 s7, $0x1;
	s4 =	sadd.s32 s5, s19  }
0x9d: {  	s8 =	simm.s32 $0x0;
	s20 =	sshll.u32 s6, $0x1;
	s6 =	sadd.s32 s21, s4  }
0x9e: {  	[timem:s8], [sflag:s22] =	dma.local [hbm:s6], s20  }
0x9f: {  	_ =	swait.ge [sflag:s22], s20  }
0xa0: {  	s5 =	ssub.s32 $0x0, s20;
	[sflag:s22] =	ssyncset.done $0x0  }
0xa1: {  	[sflag:s22] =	ssyncadd.s32 s5;
	_ =	sdelay $0x1  }
0xa2: {  	s23 =	simm.s32 $0x1B8B  }
0xa3: {  	_ =	swait.ge [sflag:s23], $0x1  }
0xa4: {  	[sflag:s23] =	ssyncset.done $0x0  }
0xa5: {  	s25 =	simm.s32 $0x1B8E;
	s24 =	sld [smem:$0x3FFE];
	[sflag:s23] =	ssyncadd.s32 $0xFFFFFFFF  }
0xa6: {  	s26 =	simm.s32 $execute0_lowered;
	[smem:$0x3FD2] =	sst s25  }
0xa7: {  	s6 =	sshll.u32 s26, $0x1;
	_ =	strace $0x80000049;
	[dreg:$0x1] =	wrdreg $0xFFFFFFFF  }
0xa8: {  	s28 =	simm.s32 $_size_execute0_lowered;
	s4 =	sadd.s32 s4, s6;
	[dreg:$0x0] =	wrdreg $0x0  }
0xa9: {  	s6 =	sshll.u32 s28, $0x1;
	[dreg:$0x2] =	wrdreg s4  }
0xaa: {  	[dreg:$0x3] =	wrdreg s6  }
0xab: {  	[dreg:$0x4] =	wrdreg $0xC0  }
0xac: {  	_ =	task [dreg:s8], $0x5FFFF  }
0xad: {  	[dreg:$0x1] =	wrdreg $0xFFFFFFFF  }
0xae: {  	[dreg:$0x0] =	wrdreg $0x60  }
0xaf: {  	[dreg:$0x2] =	wrdreg s24  }
0xb0: {  	[dreg:$0x3] =	wrdreg s18  }
0xb1: {  	[dreg:$0x4] =	wrdreg s2  }
0xb2: {  	[dreg:$0x5] =	wrdreg $0x0  }
0xb3: {  	[dreg:$0x6] =	wrdreg $0x9  }
0xb4: {  	_ =	task.clear_ibuf [dreg:s8], $0x7FFFF;
	_ =	strace $0x90000049  }
0xb5: {  	s29 =	simm.s32 $0x9;
	_ =	strace $0x8000004B  }
0xb6: {  	_ =	swait.ge [sflag:s29], $0x1  }
0xb7: {  	[sflag:s29] =	ssyncadd.s32 $0xFFFFFFFF  }
0xb8: {  	_ =	strace $0x9000004B  }
0xb9: {  	_ =	sfence  }
0xba: {  	s30 =	sld [smem:$0x0];
	_ =	sdelay $0x2  }
0xbb: {  	s31 =	sshll.u32 s1, $0xD;
	s1 =	sshrl.u32 s1, $0x2  }
0xbc: {  	s3 =	sand.u32 $0x4000, s31;
	s1 =	sadd.s32 s1, s30  }
0xbd: {  	s0 =	sor.u32 s3, s0;
	s1 =	sshll.u32 s1, $0x11  }
0xbe: {  	s0 =	sor.u32 s1, s0  }
0xbf: {  	s0 =	sadd.s32 $0x8F2B, s0  }
0xc0: {  	[sflag:s0] =	ssyncadd.remote.s32 $0x1  }
0xc1: {  	_ =	sfence.sel $0xFFFF  }
0xc2: {  	[dreg:$0x0] =	wrdreg $0xFFFFFFFF;
	(pc) =	sbr.abs _section_cstart, $3  }
0xc3: {  	[dreg:$0x1] =	wrdreg $0xFFFFFFFF  }
0xc4: {  	_ =	task.clear_ibuf [dreg:s8], $0x2FFFF;
	_ =	strace $0x9FFFFFFF  }
0xc5: {  	(tm) =	ssettm $0x7FFFFFFF  }
tec
execute0_lowered:
.L_overlay_start_1:
0x0: {  	(tag) =	ssettag $0x1  }
0x1: {  	s0 =	rddreg [dreg:$0x0]  }
0x2: {  	s1 =	rddreg [dreg:$0x1]  }
0x3: {  	s2 =	rddreg [dreg:$0x2]  }
0x4: {  	s3 =	rddreg [dreg:$0x3]  }
0x5: {  	s5 =	simm.s32 $0x0;
	s4 =	srdreg.scid;
	s14 =	stileid.u32  }
0x6: {  	s28 =	simm.s32 $0x13880;
	s29 =	simm.s32 $0x13920;
	s30 =	simm.s32 $0x50  }
0x7: {  	s31 =	simm.s32 $0x13970;
	[smem:$0x7FF] =	sst s5;
	s4 =	sand.u32 $0x1, s4  }
0x8: {  	s9 =	smul.u32 $0x7D000, s14;
	s6 =	sadd.s32 $0xBE00, s0;
	s7 =	sadd.s32 $0x2000, s0  }
0x9: {  	s0 =	sadd.s32 $0x33000, s0;
	s13 =	sshll.u32 s14, $0x1;
	s15 =	smul.u32 $0x1F400, s14  }
0xa: {  	p0 =	sgt.u32 s14, $0x9;
	_ =	strace $0x8000004A;
	s8 =	ssub.s32 $0x2, s4  }
0xb: {  	s10 =	sshrl.u32 s8, $0x1;
	s9 =	sshrl.u32 s9, $0x2;
	s19 =	sadd.s32 $0x6400, s15  }
0xc: {  	s20 =	sadd.s32 s15, s3;
	s23 =	sadd.s32 $0xC800, s15;
	s25 =	sadd.s32 $0x12C00, s15  }
0xd: {  	s8 =	ssub.s32 s8, s10;
	s11 =	sadd.s32 s9, s3;
	[dreg:$0xa] =	wrdreg s20  }
0xe: {  	s10 =	sor.u32 s4, s13;
	s12 =	sadd.s32 $0x6400, s11;
	[dreg:$0x5] =	wrdreg s11  }
0xf: {  	s4 =	smul.u32 $0x138800, s4;
	s16 =	sadd.s32 $0xC800, s11;
	[dreg:$0x6] =	wrdreg s12  }
0x10: {  	s9 =	sadd.s32 $0x19000, s15;
	s17 =	sadd.s32 $0x12C00, s11;
	[dreg:$0x7] =	wrdreg s16  }
0x11: {  	s20 =	sadd.s32 s25, s3;
	s11 =	sadd.s32 $0x19000, s11;
	[dreg:$0x8] =	wrdreg s17  }
0x12: {  	s13 =	smul.u32 $0x2710, s10;
	[dreg:$0x9] =	wrdreg s11;
	s18 =	sadd.s32 s15, s4  }
0x13: {  	s21 =	sadd.s32 s4, s19;
	s16 =	sadd.s32 s19, s3;
	s24 =	sadd.s32 s4, s23  }
0x14: {  	s26 =	sadd.s32 s4, s25;
	s4 =	sadd.s32 s4, s9;
	s25 =	simm.s32 $0x16170  }
0x15: {  	s10 =	sshrl.u32 s18, $0x3;
	s22 =	sshrl.u32 s21, $0x3;
	s18 =	sadd.s32 s23, s3  }
0x16: {  	s4 =	sshrl.u32 s4, $0x3;
	s10 =	sadd.s32 s0, s10;
	s17 =	sadd.s32 s0, s22  }
0x17: {  	s22 =	sadd.s32 s9, s3;
	s23 =	sadd.s32 s0, s4;
	s4 =	simm.s32 $0x138D0  }
0x18: {  	s9 =	simm.s32 $0x0;
	[dreg:$0xb] =	wrdreg s10;
	s10 =	sshrl.u32 s24, $0x3  }
0x19: {  	s24 =	smax.u32 s8, $0x1;
	s19 =	sadd.s32 s0, s10;
	s10 =	sshrl.u32 s26, $0x3  }
0x1a: {  	v0 =	vimm.f32 $0.0e+00;
	s26 =	simm.s32 $0x2;
	s21 =	sadd.s32 s0, s10;
	s0 =	simm.s32 $0x1  }
.LBB2_1:
.Ltmp0:
0x1b: {  	(pc) =	sbr.rel @p0 .LBB2_5-.Ltmp0, $1  }
0x1c: {  	_ =	sdelay $0x3  }
0x1d: {  	s8 =	sshra.s32 s5, $0x2;
	s10 =	sadd.s32 $0x200, s5  }
.LBB2_3:
0x1e: {  	p1 =	sne.s32 s10, $0x18E00;
	[tilespmem:s8+$0x161E0] =	vst v0  }
0x1f: {  	[tilespmem:s8+$0x16170] =	vst v0  }
0x20: {  	[tilespmem:s8+$0x16180] =	vst v0  }
.Ltmp1:
0x21: {  	[tilespmem:s8+$0x16190] =	vst v0;
	(pc) =	sbr.rel @p1 .LBB2_3-.Ltmp1, $4  }
0x22: {  	[tilespmem:s8+$0x161A0] =	vst v0  }
0x23: {  	[tilespmem:s8+$0x161B0] =	vst v0  }
0x24: {  	[tilespmem:s8+$0x161C0] =	vst v0  }
0x25: {  	[tilespmem:s8+$0x161D0] =	vst v0;
	s8 =	sshra.s32 s10, $0x2;
	s10 =	sadd.s32 $0x200, s10  }
0x26: {  	[tilespmem:s8+$0x161E0] =	vst v0  }
0x27: {  	[tilespmem:s8+$0x16170] =	vst v0  }
0x28: {  	[tilespmem:s8+$0x16180] =	vst v0  }
0x29: {  	[tilespmem:s8+$0x16190] =	vst v0  }
0x2a: {  	[tilespmem:s8+$0x161A0] =	vst v0  }
0x2b: {  	[tilespmem:s8+$0x161B0] =	vst v0  }
0x2c: {  	[tilespmem:s8+$0x161C0] =	vst v0  }
0x2d: {  	[tilespmem:s8+$0x161D0] =	vst v0;
	s10 =	rddreg [dreg:$0x5]  }
0x2e: {  	[spmem:s10] =	stream.linear.scatter [tilespmem:s25], [sflag:$0x2], $0x6400, $0x38;
	[tilespmem:$0x1C570] =	vst v63  }
0x2f: {  	_ =	swait.ge [sflag:s26], $0x6400  }
0x30: {  	[sflag:s26] =	ssyncset.done $0x0  }
0x31: {  	s11 =	rddreg [dreg:$0x6];
	[sflag:s26] =	ssyncadd.s32 $0xFFFF9C00  }
0x32: {  	[spmem:s11] =	stream.linear.scatter [tilespmem:s25], [sflag:$0x2], $0x6400, $0x38;
	[tilespmem:$0x1C570] =	vst v63  }
0x33: {  	_ =	swait.ge [sflag:s26], $0x6400  }
0x34: {  	[sflag:s26] =	ssyncset.done $0x0  }
0x35: {  	s12 =	rddreg [dreg:$0x7];
	[sflag:s26] =	ssyncadd.s32 $0xFFFF9C00  }
0x36: {  	[spmem:s12] =	stream.linear.scatter [tilespmem:s25], [sflag:$0x2], $0x6400, $0x38;
	[tilespmem:$0x1C570] =	vst v63  }
0x37: {  	_ =	swait.ge [sflag:s26], $0x6400  }
0x38: {  	[sflag:s26] =	ssyncset.done $0x0  }
0x39: {  	s14 =	rddreg [dreg:$0x8];
	[sflag:s26] =	ssyncadd.s32 $0xFFFF9C00  }
0x3a: {  	[spmem:s14] =	stream.linear.scatter [tilespmem:s25], [sflag:$0x2], $0x6400, $0x38;
	[tilespmem:$0x1C570] =	vst v63  }
0x3b: {  	_ =	swait.ge [sflag:s26], $0x6400  }
0x3c: {  	[sflag:s26] =	ssyncset.done $0x0  }
0x3d: {  	s15 =	rddreg [dreg:$0x9];
	[sflag:s26] =	ssyncadd.s32 $0xFFFF9C00  }
0x3e: {  	[spmem:s15] =	stream.linear.scatter [tilespmem:s25], [sflag:$0x2], $0x6400, $0x38;
	[tilespmem:$0x1C570] =	vst v63  }
0x3f: {  	_ =	swait.ge [sflag:s26], $0x6400  }
0x40: {  	[sflag:s26] =	ssyncset.done $0x0  }
0x41: {  	[sflag:s26] =	ssyncadd.s32 $0xFFFF9C00  }
.LBB2_5:
0x42: {  	[bflag:$0x0] =	sbarrier.arrive $0xFFFF;
	s10 =	simm.s32 $0x0;
	s11 =	simm.s32 $0x0  }
.LBB2_6:
0x43: {  	s8 =	smul.u32 $0x50, s11;
	_ =	sdelay $0x1  }
0x44: {  	s8 =	sadd.s32 s13, s8  }
0x45: {  	s12 =	sshrl.u32 s8, $0x3  }
0x46: {  	s8 =	sadd.s32 s1, s12  }
0x47: {  	[tilespmem:s28], [sflag:$0x2] =	stream.linear.gather [hbm4b:s8+s10], $0x50, $0x38;
	[tilespmem:$0x1C570] =	vst v63  }
0x48: {  	_ =	swait.ge [sflag:s26], $0x50  }
0x49: {  	[sflag:s26] =	ssyncset.done $0x0  }
0x4a: {  	s14 =	sadd.s32 s2, s12;
	[sflag:s26] =	ssyncadd.s32 $0xFFFFFFB0  }
0x4b: {  	[tilespmem:s29], [sflag:$0x2] =	stream.linear.gather [hbm4b:s14+s10], $0x50, $0x38;
	[tilespmem:$0x1C570] =	vst v63  }
0x4c: {  	_ =	swait.ge [sflag:s26], $0x50  }
0x4d: {  	[sflag:s26] =	ssyncset.done $0x0  }
0x4e: {  	[sflag:s26] =	ssyncadd.s32 $0xFFFFFFB0  }
0x4f: {  	[tilespmem:s31], [sflag:$0x1] =	stream.indirect.gather [hbm4b:s6+s30], $0x80, s28, s30, $0xb8;
	[tilespmem:$0x1C570] =	vst v63  }
0x50: {  	_ =	swait.ge [sflag:s0], $0x2800  }
0x51: {  	s15 =	simm.s32 $0x0;
	[sflag:s0] =	ssyncset.done $0x0  }
0x52: {  	s8 =	sand.u32 $0x3FFFFFF0, s15;
	[sflag:s0] =	ssyncadd.s32 $0xFFFFD800  }
0x53: {  	s14 =	simm.s32 $0x0;
	v1 =	vld [tilespmem:s8+$0x13920]  }
0x54: {  	s8 =	sand.u32 $0x3FFFF800, s14  }
0x55: {  	v3 =	vld [tilespmem:s8+$0x13990]  }
0x56: {  	v4 =	vld [tilespmem:s8+$0x139A0]  }
0x57: {  	v10 =	vld [tilespmem:s8+$0x139D0]  }
0x58: {  	v11 =	vld [tilespmem:s8+$0x139E0];
	v2 =	vbroadcast v1, $0x0  }
0x59: {  	v12 =	vld [tilespmem:s8+$0x139F0]  }
0x5a: {  	v13 =	vld [tilespmem:s8+$0x13A00];
	v3 =	vmul.f32 v3, v2  }
0x5b: {  	v14 =	vld [tilespmem:s8+$0x13A10];
	v4 =	vmul.f32 v4, v2  }
0x5c: {  	v9 =	vld [tilespmem:s8+$0x13A20];
	v23 =	vbroadcast v1, $0x1;
	v22 =	vmul.f32 v10, v2;
	[tilespmem:s8+$0x13990] =	vst v3  }
0x5d: {  	v7 =	vld [tilespmem:s8+$0x13A30];
	v11 =	vmul.f32 v11, v2;
	[tilespmem:s8+$0x139A0] =	vst v4  }
0x5e: {  	v8 =	vld [tilespmem:s8+$0x13A40];
	v12 =	vmul.f32 v12, v23;
	[tilespmem:s8+$0x139D0] =	vst v22  }
0x5f: {  	v25 =	vld [tilespmem:s8+$0x13A60];
	v13 =	vmul.f32 v13, v23;
	[tilespmem:s8+$0x139E0] =	vst v11  }
0x60: {  	v26 =	vld [tilespmem:s8+$0x13A70];
	v14 =	vmul.f32 v14, v23;
	[tilespmem:s8+$0x139F0] =	vst v12  }
0x61: {  	v27 =	vld [tilespmem:s8+$0x13A80];
	v9 =	vmul.f32 v9, v23;
	[tilespmem:s8+$0x13A00] =	vst v13  }
0x62: {  	v6 =	vld [tilespmem:s8+$0x13EE0];
	v7 =	vmul.f32 v7, v23;
	[tilespmem:s8+$0x13A10] =	vst v14  }
0x63: {  	v24 =	vld [tilespmem:s8+$0x13A50];
	v15 =	vbroadcast v1, $0x2;
	v8 =	vmul.f32 v8, v23;
	[tilespmem:s8+$0x13A20] =	vst v9  }
0x64: {  	v28 =	vld [tilespmem:s8+$0x13A90];
	v10 =	vmul.f32 v25, v23;
	[tilespmem:s8+$0x13A30] =	vst v7  }
0x65: {  	v29 =	vld [tilespmem:s8+$0x13AA0];
	v5 =	vbroadcast v1, $0xA;
	v32 =	vmul.f32 v26, v15;
	[tilespmem:s8+$0x13A40] =	vst v8  }
0x66: {  	v30 =	vld [tilespmem:s8+$0x13AB0];
	v34 =	vmul.f32 v27, v15;
	[tilespmem:s8+$0x13A60] =	vst v10  }
0x67: {  	v33 =	vld [tilespmem:s8+$0x13AD0];
	v3 =	vmul.f32 v6, v5;
	[tilespmem:s8+$0x13A70] =	vst v32  }
0x68: {  	v35 =	vld [tilespmem:s8+$0x13AE0];
	v11 =	vmul.f32 v24, v23;
	[tilespmem:s8+$0x13A80] =	vst v34  }
0x69: {  	v36 =	vld [tilespmem:s8+$0x13AF0];
	v9 =	vmul.f32 v28, v15;
	[tilespmem:s8+$0x13EE0] =	vst v3  }
0x6a: {  	v31 =	vld [tilespmem:s8+$0x13AC0];
	v7 =	vmul.f32 v29, v15;
	[tilespmem:s8+$0x13A50] =	vst v11  }
0x6b: {  	v37 =	vld [tilespmem:s8+$0x13B00];
	v8 =	vmul.f32 v30, v15;
	[tilespmem:s8+$0x13A90] =	vst v9  }
0x6c: {  	v38 =	vld [tilespmem:s8+$0x13B10];
	v41 =	vbroadcast v1, $0x3;
	v10 =	vmul.f32 v33, v15;
	[tilespmem:s8+$0x13AA0] =	vst v7  }
0x6d: {  	v39 =	vld [tilespmem:s8+$0x13B20];
	v12 =	vmul.f32 v35, v15;
	[tilespmem:s8+$0x13AB0] =	vst v8  }
0x6e: {  	v42 =	vld [tilespmem:s8+$0x13B40];
	v13 =	vmul.f32 v36, v41;
	[tilespmem:s8+$0x13AD0] =	vst v10  }
0x6f: {  	v43 =	vld [tilespmem:s8+$0x13B50];
	v11 =	vmul.f32 v31, v15;
	[tilespmem:s8+$0x13AE0] =	vst v12  }
0x70: {  	v44 =	vld [tilespmem:s8+$0x13B60];
	v9 =	vmul.f32 v37, v41;
	[tilespmem:s8+$0x13AF0] =	vst v13  }
0x71: {  	v40 =	vld [tilespmem:s8+$0x13B30];
	v7 =	vmul.f32 v38, v41;
	[tilespmem:s8+$0x13AC0] =	vst v11  }
0x72: {  	v45 =	vld [tilespmem:s8+$0x13B70];
	v8 =	vmul.f32 v39, v41;
	[tilespmem:s8+$0x13B00] =	vst v9  }
0x73: {  	v46 =	vld [tilespmem:s8+$0x13B80];
	v10 =	vmul.f32 v42, v41;
	[tilespmem:s8+$0x13B10] =	vst v7  }
0x74: {  	v47 =	vld [tilespmem:s8+$0x13B90];
	v12 =	vmul.f32 v43, v41;
	[tilespmem:s8+$0x13B20] =	vst v8  }
0x75: {  	v49 =	vld [tilespmem:s8+$0x13BB0];
	v50 =	vbroadcast v1, $0x4;
	v13 =	vmul.f32 v44, v41;
	[tilespmem:s8+$0x13B40] =	vst v10  }
0x76: {  	v51 =	vld [tilespmem:s8+$0x13BC0];
	v11 =	vmul.f32 v40, v41;
	[tilespmem:s8+$0x13B50] =	vst v12  }
0x77: {  	v52 =	vld [tilespmem:s8+$0x13BD0];
	v9 =	vmul.f32 v45, v50;
	[tilespmem:s8+$0x13B60] =	vst v13  }
0x78: {  	v48 =	vld [tilespmem:s8+$0x13BA0];
	v7 =	vmul.f32 v46, v50;
	[tilespmem:s8+$0x13B30] =	vst v11  }
0x79: {  	v53 =	vld [tilespmem:s8+$0x13BE0];
	v8 =	vmul.f32 v47, v50;
	[tilespmem:s8+$0x13B70] =	vst v9  }
0x7a: {  	v54 =	vld [tilespmem:s8+$0x13BF0];
	v10 =	vmul.f32 v49, v50;
	[tilespmem:s8+$0x13B80] =	vst v7  }
0x7b: {  	v55 =	vld [tilespmem:s8+$0x13C00];
	v12 =	vmul.f32 v51, v50;
	[tilespmem:s8+$0x13B90] =	vst v8  }
0x7c: {  	v57 =	vld [tilespmem:s8+$0x13C20];
	v13 =	vmul.f32 v52, v50;
	[tilespmem:s8+$0x13BB0] =	vst v10  }
0x7d: {  	v58 =	vld [tilespmem:s8+$0x13C30];
	v59 =	vbroadcast v1, $0x5;
	v11 =	vmul.f32 v48, v50;
	[tilespmem:s8+$0x13BC0] =	vst v12  }
0x7e: {  	v60 =	vld [tilespmem:s8+$0x13C40];
	v9 =	vmul.f32 v53, v50;
	[tilespmem:s8+$0x13BD0] =	vst v13  }
0x7f: {  	v56 =	vld [tilespmem:s8+$0x13C10];
	v7 =	vmul.f32 v54, v59;
	[tilespmem:s8+$0x13BA0] =	vst v11  }
0x80: {  	v61 =	vld [tilespmem:s8+$0x13C50];
	v8 =	vmul.f32 v55, v59;
	[tilespmem:s8+$0x13BE0] =	vst v9  }
0x81: {  	v62 =	vld [tilespmem:s8+$0x13C60];
	v10 =	vmul.f32 v57, v59;
	[tilespmem:s8+$0x13BF0] =	vst v7  }
0x82: {  	v63 =	vld [tilespmem:s8+$0x13C70];
	v12 =	vmul.f32 v58, v59;
	[tilespmem:s8+$0x13C00] =	vst v8  }
0x83: {  	v19 =	vld [tilespmem:s8+$0x13C90];
	v13 =	vmul.f32 v60, v59;
	[tilespmem:s8+$0x13C20] =	vst v10  }
0x84: {  	v20 =	vld [tilespmem:s8+$0x13CA0];
	v11 =	vmul.f32 v56, v59;
	[tilespmem:s8+$0x13C30] =	vst v12  }
0x85: {  	v21 =	vld [tilespmem:s8+$0x13CB0];
	v22 =	vbroadcast v1, $0x6;
	v9 =	vmul.f32 v61, v59;
	[tilespmem:s8+$0x13C40] =	vst v13  }
0x86: {  	v18 =	vld [tilespmem:s8+$0x13C80];
	v7 =	vmul.f32 v62, v59;
	[tilespmem:s8+$0x13C10] =	vst v11  }
0x87: {  	v23 =	vld [tilespmem:s8+$0x13CC0];
	v8 =	vmul.f32 v63, v22;
	[tilespmem:s8+$0x13C50] =	vst v9  }
0x88: {  	v24 =	vld [tilespmem:s8+$0x13CD0];
	v10 =	vmul.f32 v19, v22;
	[tilespmem:s8+$0x13C60] =	vst v7  }
0x89: {  	v25 =	vld [tilespmem:s8+$0x13CE0];
	v12 =	vmul.f32 v20, v22;
	[tilespmem:s8+$0x13C70] =	vst v8  }
0x8a: {  	v27 =	vld [tilespmem:s8+$0x13D00];
	v13 =	vmul.f32 v21, v22;
	[tilespmem:s8+$0x13C90] =	vst v10  }
0x8b: {  	v28 =	vld [tilespmem:s8+$0x13D10];
	v11 =	vmul.f32 v18, v22;
	[tilespmem:s8+$0x13CA0] =	vst v12  }
0x8c: {  	v29 =	vld [tilespmem:s8+$0x13D20];
	v9 =	vmul.f32 v23, v22;
	[tilespmem:s8+$0x13CB0] =	vst v13  }
0x8d: {  	v31 =	vbroadcast v1, $0x7;
	v53 =	vld [tilespmem:s8+$0x13E70];
	v7 =	vmul.f32 v24, v22;
	[tilespmem:s8+$0x13C80] =	vst v11  }
0x8e: {  	v57 =	vld [tilespmem:s8+$0x13EB0];
	v8 =	vmul.f32 v25, v22;
	[tilespmem:s8+$0x13CC0] =	vst v9  }
0x8f: {  	v58 =	vld [tilespmem:s8+$0x13EC0];
	v10 =	vmul.f32 v27, v31;
	[tilespmem:s8+$0x13CD0] =	vst v7  }
0x90: {  	v26 =	vld [tilespmem:s8+$0x13CF0];
	v12 =	vmul.f32 v28, v31;
	[tilespmem:s8+$0x13CE0] =	vst v8  }
0x91: {  	v30 =	vld [tilespmem:s8+$0x13D30];
	v13 =	vmul.f32 v29, v31;
	[tilespmem:s8+$0x13D00] =	vst v10  }
0x92: {  	v32 =	vld [tilespmem:s8+$0x13D40];
	v59 =	vmul.f32 v53, v5;
	[tilespmem:s8+$0x13D10] =	vst v12  }
0x93: {  	v33 =	vld [tilespmem:s8+$0x13D50];
	v18 =	vmul.f32 v57, v5;
	[tilespmem:s8+$0x13D20] =	vst v13  }
0x94: {  	v35 =	vld [tilespmem:s8+$0x13D70];
	v20 =	vmul.f32 v58, v5;
	[tilespmem:s8+$0x13E70] =	vst v59  }
0x95: {  	v36 =	vld [tilespmem:s8+$0x13D80];
	v11 =	vmul.f32 v26, v31;
	[tilespmem:s8+$0x13EB0] =	vst v18  }
0x96: {  	v37 =	vld [tilespmem:s8+$0x13D90];
	v9 =	vmul.f32 v30, v31;
	[tilespmem:s8+$0x13EC0] =	vst v20  }
0x97: {  	v4 =	vld [tilespmem:s8+$0x13EF0];
	v40 =	vbroadcast v1, $0x8;
	v7 =	vmul.f32 v32, v31;
	[tilespmem:s8+$0x13CF0] =	vst v11  }
0x98: {  	v6 =	vld [tilespmem:s8+$0x13F00];
	v8 =	vmul.f32 v33, v31;
	[tilespmem:s8+$0x13D30] =	vst v9  }
0x99: {  	v3 =	vld [tilespmem:s8+$0x14140];
	v10 =	vmul.f32 v35, v40;
	[tilespmem:s8+$0x13D40] =	vst v7  }
0x9a: {  	v61 =	vld [tilespmem:s8+$0x13970];
	v23 =	vbroadcast v1, $0xB;
	v12 =	vmul.f32 v36, v40;
	[tilespmem:s8+$0x13D50] =	vst v8  }
0x9b: {  	v34 =	vld [tilespmem:s8+$0x13D60];
	v13 =	vmul.f32 v37, v40;
	[tilespmem:s8+$0x13D70] =	vst v10  }
0x9c: {  	v38 =	vld [tilespmem:s8+$0x13DA0];
	v27 =	vbroadcast v1, $0xF;
	v4 =	vmul.f32 v4, v23;
	[tilespmem:s8+$0x13D80] =	vst v12  }
0x9d: {  	v39 =	vld [tilespmem:s8+$0x13DB0];
	v6 =	vmul.f32 v6, v23;
	[tilespmem:s8+$0x13D90] =	vst v13  }
0x9e: {  	v41 =	vld [tilespmem:s8+$0x13DC0];
	v3 =	vmul.f32 v3, v27;
	[tilespmem:s8+$0x13EF0] =	vst v4  }
0x9f: {  	v43 =	vld [tilespmem:s8+$0x13DE0];
	v24 =	vmul.f32 v2, v61;
	[tilespmem:s8+$0x13F00] =	vst v6  }
0xa0: {  	v44 =	vld [tilespmem:s8+$0x13DF0];
	v11 =	vmul.f32 v34, v31;
	[tilespmem:s8+$0x14140] =	vst v3  }
0xa1: {  	v45 =	vld [tilespmem:s8+$0x13E00];
	v9 =	vmul.f32 v38, v40;
	[tilespmem:s8+$0x13970] =	vst v24  }
0xa2: {  	v63 =	vld [tilespmem:s8+$0x139B0];
	v7 =	vmul.f32 v39, v40;
	[tilespmem:s8+$0x13D60] =	vst v11  }
0xa3: {  	v49 =	vbroadcast v1, $0x9;
	v29 =	vld [tilespmem:s8+$0x13F60];
	v8 =	vmul.f32 v41, v40;
	[tilespmem:s8+$0x13DA0] =	vst v9  }
0xa4: {  	v42 =	vld [tilespmem:s8+$0x13DD0];
	v10 =	vmul.f32 v43, v40;
	[tilespmem:s8+$0x13DB0] =	vst v7  }
0xa5: {  	v46 =	vld [tilespmem:s8+$0x13E10];
	v12 =	vmul.f32 v44, v49;
	[tilespmem:s8+$0x13DC0] =	vst v8  }
0xa6: {  	v47 =	vld [tilespmem:s8+$0x13E20];
	v13 =	vmul.f32 v45, v49;
	[tilespmem:s8+$0x13DE0] =	vst v10  }
0xa7: {  	v48 =	vld [tilespmem:s8+$0x13E30];
	v3 =	vmul.f32 v63, v2;
	[tilespmem:s8+$0x13DF0] =	vst v12  }
0xa8: {  	v51 =	vld [tilespmem:s8+$0x13E50];
	v6 =	vmul.f32 v29, v23;
	[tilespmem:s8+$0x13E00] =	vst v13  }
0xa9: {  	v52 =	vld [tilespmem:s8+$0x13E60];
	v11 =	vmul.f32 v42, v40;
	[tilespmem:s8+$0x139B0] =	vst v3  }
0xaa: {  	v28 =	vld [tilespmem:s8+$0x13F50];
	v9 =	vmul.f32 v46, v49;
	[tilespmem:s8+$0x13F60] =	vst v6  }
0xab: {  	v26 =	vld [tilespmem:s8+$0x13F40];
	v7 =	vmul.f32 v47, v49;
	[tilespmem:s8+$0x13DD0] =	vst v11  }
0xac: {  	v30 =	vld [tilespmem:s8+$0x13F70];
	v8 =	vmul.f32 v48, v49;
	[tilespmem:s8+$0x13E10] =	vst v9  }
0xad: {  	v50 =	vld [tilespmem:s8+$0x13E40];
	v10 =	vmul.f32 v51, v49;
	[tilespmem:s8+$0x13E20] =	vst v7  }
0xae: {  	v54 =	vld [tilespmem:s8+$0x13E80];
	v12 =	vmul.f32 v52, v49;
	[tilespmem:s8+$0x13E30] =	vst v8  }
0xaf: {  	v55 =	vld [tilespmem:s8+$0x13E90];
	v35 =	vbroadcast v1, $0xC;
	v40 =	vmul.f32 v28, v23;
	[tilespmem:s8+$0x13E50] =	vst v10  }
0xb0: {  	v56 =	vld [tilespmem:s8+$0x13EA0];
	v32 =	vmul.f32 v26, v23;
	[tilespmem:s8+$0x13E60] =	vst v12  }
0xb1: {  	v60 =	vld [tilespmem:s8+$0x13ED0];
	v15 =	vmul.f32 v30, v35;
	[tilespmem:s8+$0x13F50] =	vst v40  }
0xb2: {  	v62 =	vld [tilespmem:s8+$0x13980];
	v11 =	vmul.f32 v50, v49;
	[tilespmem:s8+$0x13F40] =	vst v32  }
0xb3: {  	v19 =	vld [tilespmem:s8+$0x139C0];
	v9 =	vmul.f32 v54, v5;
	[tilespmem:s8+$0x13F70] =	vst v15  }
0xb4: {  	v33 =	vld [tilespmem:s8+$0x13FA0];
	v7 =	vmul.f32 v55, v5;
	[tilespmem:s8+$0x13E40] =	vst v11  }
0xb5: {  	v61 =	vld [tilespmem:s8+$0x14160];
	v8 =	vmul.f32 v56, v5;
	[tilespmem:s8+$0x13E80] =	vst v9  }
0xb6: {  	v38 =	vld [tilespmem:s8+$0x13FE0];
	v5 =	vmul.f32 v60, v5;
	[tilespmem:s8+$0x13E90] =	vst v7  }
0xb7: {  	v21 =	vld [tilespmem:s8+$0x13F10];
	v12 =	vmul.f32 v62, v2;
	[tilespmem:s8+$0x13EA0] =	vst v8  }
0xb8: {  	v22 =	vld [tilespmem:s8+$0x13F20];
	v2 =	vmul.f32 v19, v2;
	[tilespmem:s8+$0x13ED0] =	vst v5  }
0xb9: {  	v25 =	vld [tilespmem:s8+$0x13F30];
	v62 =	vmul.f32 v33, v35;
	[tilespmem:s8+$0x13980] =	vst v12  }
0xba: {  	v31 =	vld [tilespmem:s8+$0x13F80];
	v63 =	vmul.f32 v61, v27;
	[tilespmem:s8+$0x139C0] =	vst v2  }
0xbb: {  	v34 =	vld [tilespmem:s8+$0x13FB0];
	v15 =	vmul.f32 v38, v35;
	[tilespmem:s8+$0x13FA0] =	vst v62  }
0xbc: {  	v41 =	vld [tilespmem:s8+$0x14010];
	v7 =	vmul.f32 v21, v23;
	[tilespmem:s8+$0x14160] =	vst v63  }
0xbd: {  	v46 =	vld [tilespmem:s8+$0x14050];
	v8 =	vmul.f32 v22, v23;
	[tilespmem:s8+$0x13FE0] =	vst v15  }
0xbe: {  	v36 =	vld [tilespmem:s8+$0x13FC0];
	v5 =	vmul.f32 v25, v23;
	[tilespmem:s8+$0x13F10] =	vst v7  }
0xbf: {  	v44 =	vbroadcast v1, $0xD;
	v9 =	vmul.f32 v31, v35;
	v2 =	vld [tilespmem:s8+$0x14000];
	[tilespmem:s8+$0x13F20] =	vst v8  }
0xc0: {  	v37 =	vld [tilespmem:s8+$0x13FD0];
	v12 =	vmul.f32 v34, v35;
	[tilespmem:s8+$0x13F30] =	vst v5  }
0xc1: {  	v39 =	vld [tilespmem:s8+$0x13FF0];
	v11 =	vmul.f32 v41, v44;
	[tilespmem:s8+$0x13F80] =	vst v9  }
0xc2: {  	v42 =	vld [tilespmem:s8+$0x14020];
	v51 =	vmul.f32 v46, v44;
	[tilespmem:s8+$0x13FB0] =	vst v12  }
0xc3: {  	v48 =	vld [tilespmem:s8+$0x14080];
	v8 =	vmul.f32 v36, v35;
	[tilespmem:s8+$0x14010] =	vst v11  }
0xc4: {  	v49 =	vld [tilespmem:s8+$0x14090];
	[tilespmem:s8+$0x14050] =	vst v51;
	v2 =	vmul.f32 v2, v44  }
0xc5: {  	v50 =	vld [tilespmem:s8+$0x140A0];
	v5 =	vmul.f32 v37, v35;
	[tilespmem:s8+$0x13FC0] =	vst v8  }
0xc6: {  	v1 =	vbroadcast v1, $0xE;
	v9 =	vmul.f32 v39, v44;
	[tilespmem:s8+$0x14000] =	vst v2;
	v2 =	vld [tilespmem:s8+$0x14070]  }
0xc7: {  	v60 =	vld [tilespmem:s8+$0x14150];
	v12 =	vmul.f32 v42, v44;
	[tilespmem:s8+$0x13FD0] =	vst v5  }
0xc8: {  	v45 =	vld [tilespmem:s8+$0x14040];
	v11 =	vmul.f32 v48, v1;
	[tilespmem:s8+$0x13FF0] =	vst v9  }
0xc9: {  	v47 =	vld [tilespmem:s8+$0x14060];
	v10 =	vmul.f32 v49, v1;
	[tilespmem:s8+$0x14020] =	vst v12  }
0xca: {  	v43 =	vld [tilespmem:s8+$0x14030];
	v6 =	vmul.f32 v50, v1;
	[tilespmem:s8+$0x14080] =	vst v11  }
0xcb: {  	v55 =	vld [tilespmem:s8+$0x140F0];
	[tilespmem:s8+$0x14090] =	vst v10;
	v2 =	vmul.f32 v2, v1  }
0xcc: {  	v57 =	vld [tilespmem:s8+$0x14110];
	v4 =	vmul.f32 v60, v27;
	[tilespmem:s8+$0x140A0] =	vst v6  }
0xcd: {  	v5 =	vmul.f32 v45, v44;
	[tilespmem:s8+$0x14070] =	vst v2;
	v2 =	vld [tilespmem:s8+$0x140E0]  }
0xce: {  	v52 =	vld [tilespmem:s8+$0x140B0];
	v9 =	vmul.f32 v47, v44;
	[tilespmem:s8+$0x14150] =	vst v4  }
0xcf: {  	v56 =	vld [tilespmem:s8+$0x14100];
	v8 =	vmul.f32 v43, v44;
	[tilespmem:s8+$0x14040] =	vst v5  }
0xd0: {  	v54 =	vld [tilespmem:s8+$0x140D0];
	v11 =	vmul.f32 v55, v27;
	[tilespmem:s8+$0x14060] =	vst v9  }
0xd1: {  	v58 =	vld [tilespmem:s8+$0x14120];
	v6 =	vmul.f32 v57, v27;
	[tilespmem:s8+$0x14030] =	vst v8  }
0xd2: {  	v53 =	vld [tilespmem:s8+$0x140C0];
	[tilespmem:s8+$0x140F0] =	vst v11;
	v2 =	vmul.f32 v2, v1  }
0xd3: {  	v59 =	vld [tilespmem:s8+$0x14130];
	v5 =	vmul.f32 v52, v1;
	[tilespmem:s8+$0x14110] =	vst v6  }
0xd4: {  	[tilespmem:s8+$0x140E0] =	vst v2;
	v2 =	vmul.f32 v56, v27  }
0xd5: {  	v3 =	vld [tilespmem:s8+$0x13F90];
	v9 =	vmul.f32 v54, v1;
	[tilespmem:s8+$0x140B0] =	vst v5  }
0xd6: {  	[tilespmem:s8+$0x14100] =	vst v2;
	v2 =	vmul.f32 v58, v27  }
0xd7: {  	[tilespmem:s8+$0x140D0] =	vst v9;
	v1 =	vmul.f32 v53, v1  }
0xd8: {  	[tilespmem:s8+$0x14120] =	vst v2;
	v2 =	vmul.f32 v59, v27  }
0xd9: {  	[tilespmem:s8+$0x140C0] =	vst v1  }
0xda: {  	s14 =	simm.s32 $0x1;
	[tilespmem:s8+$0x14130] =	vst v2;
	v2 =	vmul.f32 v3, v35  }
.LBB2_7:
0xdb: {  	s15 =	sshll.u32 s14, $0x4  }
0xdc: {  	p1 =	sne.s32 s14, $0x4;
	[tilespmem:s8+$0x13F90] =	vst v2;
	s8 =	smov.u32 s14;
	s14 =	sadd.s32 $0x1, s14  }
0xdd: {  	s15 =	sand.u32 $0x3FFFFFF0, s15  }
0xde: {  	s8 =	sshll.u32 s8, $0xB;
	v1 =	vld [tilespmem:s15+$0x13920]  }
0xdf: {  	s8 =	sand.u32 $0x3FFFF800, s8  }
0xe0: {  	v8 =	vld [tilespmem:s8+$0x13A30]  }
0xe1: {  	v9 =	vld [tilespmem:s8+$0x13A40]  }
0xe2: {  	v10 =	vld [tilespmem:s8+$0x13A20]  }
0xe3: {  	v2 =	vbroadcast v1, $0x0;
	v3 =	vld [tilespmem:s8+$0x13990];
	v7 =	vbroadcast v1, $0x4  }
0xe4: {  	v5 =	vld [tilespmem:s8+$0x139A0]  }
0xe5: {  	v6 =	vld [tilespmem:s8+$0x13EE0]  }
0xe6: {  	v11 =	vld [tilespmem:s8+$0x139D0]  }
0xe7: {  	v12 =	vld [tilespmem:s8+$0x139E0]  }
0xe8: {  	v4 =	vbroadcast v1, $0xA;
	v3 =	vmul.f32 v3, v2;
	v13 =	vld [tilespmem:s8+$0x139F0]  }
0xe9: {  	v5 =	vmul.f32 v5, v2;
	v14 =	vld [tilespmem:s8+$0x13A00]  }
0xea: {  	[tilespmem:s8+$0x13990] =	vst v3;
	v15 =	vld [tilespmem:s8+$0x13A10];
	v3 =	vmul.f32 v6, v4  }
0xeb: {  	[tilespmem:s8+$0x139A0] =	vst v5;
	v6 =	vmul.f32 v11, v2;
	v11 =	vbroadcast v1, $0x1;
	v5 =	vld [tilespmem:s8+$0x13EF0]  }
0xec: {  	v12 =	vmul.f32 v12, v2;
	[tilespmem:s8+$0x13EE0] =	vst v3;
	v3 =	vld [tilespmem:s8+$0x14140]  }
0xed: {  	[tilespmem:s8+$0x139D0] =	vst v6;
	v13 =	vmul.f32 v13, v11;
	v6 =	vld [tilespmem:s8+$0x13F00]  }
0xee: {  	[tilespmem:s8+$0x139E0] =	vst v12;
	v12 =	vmul.f32 v14, v11;
	v14 =	vld [tilespmem:s8+$0x13A50]  }
0xef: {  	[tilespmem:s8+$0x139F0] =	vst v13;
	v13 =	vmul.f32 v15, v11;
	v15 =	vld [tilespmem:s8+$0x13A60]  }
0xf0: {  	v10 =	vmul.f32 v10, v11;
	[tilespmem:s8+$0x13A00] =	vst v12;
	v12 =	vld [tilespmem:s8+$0x13A70]  }
0xf1: {  	v8 =	vmul.f32 v8, v11;
	[tilespmem:s8+$0x13A10] =	vst v13;
	v13 =	vld [tilespmem:s8+$0x13A80]  }
0xf2: {  	v9 =	vmul.f32 v9, v11;
	[tilespmem:s8+$0x13A20] =	vst v10;
	v10 =	vld [tilespmem:s8+$0x13A90]  }
0xf3: {  	[tilespmem:s8+$0x13A30] =	vst v8;
	v8 =	vmul.f32 v14, v11;
	v14 =	vbroadcast v1, $0x2;
	v16 =	vld [tilespmem:s8+$0x13AA0]  }
0xf4: {  	[tilespmem:s8+$0x13A40] =	vst v9;
	v9 =	vmul.f32 v15, v11;
	v11 =	vld [tilespmem:s8+$0x13AB0]  }
0xf5: {  	[tilespmem:s8+$0x13A50] =	vst v8;
	v8 =	vmul.f32 v12, v14;
	v12 =	vld [tilespmem:s8+$0x13AC0]  }
0xf6: {  	[tilespmem:s8+$0x13A60] =	vst v9;
	v9 =	vmul.f32 v13, v14;
	v13 =	vld [tilespmem:s8+$0x13AD0]  }
0xf7: {  	[tilespmem:s8+$0x13A70] =	vst v8;
	v8 =	vmul.f32 v10, v14;
	v10 =	vld [tilespmem:s8+$0x13AE0]  }
0xf8: {  	[tilespmem:s8+$0x13A80] =	vst v9;
	v9 =	vmul.f32 v16, v14;
	v15 =	vld [tilespmem:s8+$0x13AF0]  }
0xf9: {  	[tilespmem:s8+$0x13A90] =	vst v8;
	v8 =	vmul.f32 v11, v14;
	v11 =	vld [tilespmem:s8+$0x13B00]  }
0xfa: {  	[tilespmem:s8+$0x13AA0] =	vst v9;
	v9 =	vmul.f32 v12, v14;
	v12 =	vld [tilespmem:s8+$0x13B10]  }
0xfb: {  	[tilespmem:s8+$0x13AB0] =	vst v8;
	v8 =	vmul.f32 v13, v14;
	v13 =	vbroadcast v1, $0x3;
	v16 =	vld [tilespmem:s8+$0x13B20]  }
0xfc: {  	[tilespmem:s8+$0x13AC0] =	vst v9;
	v9 =	vmul.f32 v10, v14;
	v10 =	vld [tilespmem:s8+$0x13B30]  }
0xfd: {  	[tilespmem:s8+$0x13AD0] =	vst v8;
	v8 =	vmul.f32 v15, v13;
	v14 =	vld [tilespmem:s8+$0x13B40]  }
0xfe: {  	[tilespmem:s8+$0x13AE0] =	vst v9;
	v9 =	vmul.f32 v11, v13;
	v11 =	vld [tilespmem:s8+$0x13B50]  }
0xff: {  	[tilespmem:s8+$0x13AF0] =	vst v8;
	v8 =	vmul.f32 v12, v13;
	v12 =	vld [tilespmem:s8+$0x13B60]  }
0x100: {  	[tilespmem:s8+$0x13B00] =	vst v9;
	v9 =	vmul.f32 v16, v13;
	v15 =	vld [tilespmem:s8+$0x13B70]  }
0x101: {  	[tilespmem:s8+$0x13B10] =	vst v8;
	v8 =	vmul.f32 v10, v13;
	v10 =	vld [tilespmem:s8+$0x13B80]  }
0x102: {  	[tilespmem:s8+$0x13B20] =	vst v9;
	v9 =	vmul.f32 v14, v13;
	v14 =	vld [tilespmem:s8+$0x13B90]  }
0x103: {  	[tilespmem:s8+$0x13B30] =	vst v8;
	v8 =	vmul.f32 v11, v13;
	v11 =	vld [tilespmem:s8+$0x13BA0]  }
0x104: {  	[tilespmem:s8+$0x13B40] =	vst v9;
	v9 =	vmul.f32 v12, v13;
	v12 =	vld [tilespmem:s8+$0x13BB0]  }
0x105: {  	[tilespmem:s8+$0x13B50] =	vst v8;
	v8 =	vmul.f32 v15, v7;
	v13 =	vld [tilespmem:s8+$0x13BC0]  }
0x106: {  	[tilespmem:s8+$0x13B60] =	vst v9;
	v9 =	vmul.f32 v10, v7;
	v10 =	vld [tilespmem:s8+$0x13BD0]  }
0x107: {  	[tilespmem:s8+$0x13B70] =	vst v8;
	v8 =	vmul.f32 v14, v7;
	v14 =	vld [tilespmem:s8+$0x13BE0]  }
0x108: {  	[tilespmem:s8+$0x13B80] =	vst v9;
	v9 =	vmul.f32 v11, v7;
	v11 =	vld [tilespmem:s8+$0x13BF0]  }
0x109: {  	[tilespmem:s8+$0x13B90] =	vst v8;
	v8 =	vmul.f32 v12, v7;
	v12 =	vld [tilespmem:s8+$0x13C00]  }
0x10a: {  	[tilespmem:s8+$0x13BA0] =	vst v9;
	v9 =	vmul.f32 v13, v7;
	v13 =	vld [tilespmem:s8+$0x13C10]  }
0x10b: {  	[tilespmem:s8+$0x13BB0] =	vst v8;
	v8 =	vmul.f32 v10, v7;
	v10 =	vbroadcast v1, $0x5;
	v15 =	vld [tilespmem:s8+$0x13C20]  }
0x10c: {  	[tilespmem:s8+$0x13BC0] =	vst v9;
	v7 =	vmul.f32 v14, v7;
	v9 =	vld [tilespmem:s8+$0x13C30]  }
0x10d: {  	[tilespmem:s8+$0x13BD0] =	vst v8;
	v8 =	vmul.f32 v11, v10;
	v11 =	vld [tilespmem:s8+$0x13C40]  }
0x10e: {  	[tilespmem:s8+$0x13BE0] =	vst v7;
	v7 =	vmul.f32 v12, v10;
	v12 =	vld [tilespmem:s8+$0x13C50]  }
0x10f: {  	[tilespmem:s8+$0x13BF0] =	vst v8;
	v8 =	vmul.f32 v13, v10;
	v13 =	vld [tilespmem:s8+$0x13C60]  }
0x110: {  	[tilespmem:s8+$0x13C00] =	vst v7;
	v7 =	vmul.f32 v15, v10;
	v14 =	vld [tilespmem:s8+$0x13C70]  }
0x111: {  	[tilespmem:s8+$0x13C10] =	vst v8;
	v8 =	vmul.f32 v9, v10;
	v9 =	vld [tilespmem:s8+$0x13C80]  }
0x112: {  	[tilespmem:s8+$0x13C20] =	vst v7;
	v7 =	vmul.f32 v11, v10;
	v11 =	vld [tilespmem:s8+$0x13C90]  }
0x113: {  	[tilespmem:s8+$0x13C30] =	vst v8;
	v8 =	vmul.f32 v12, v10;
	v12 =	vbroadcast v1, $0x6;
	v15 =	vld [tilespmem:s8+$0x13CA0]  }
0x114: {  	[tilespmem:s8+$0x13C40] =	vst v7;
	v7 =	vmul.f32 v13, v10;
	v10 =	vld [tilespmem:s8+$0x13CB0]  }
0x115: {  	[tilespmem:s8+$0x13C50] =	vst v8;
	v8 =	vmul.f32 v14, v12;
	v13 =	vld [tilespmem:s8+$0x13CC0]  }
0x116: {  	[tilespmem:s8+$0x13C60] =	vst v7;
	v7 =	vmul.f32 v9, v12;
	v9 =	vld [tilespmem:s8+$0x13CD0]  }
0x117: {  	[tilespmem:s8+$0x13C70] =	vst v8;
	v8 =	vmul.f32 v11, v12;
	v11 =	vld [tilespmem:s8+$0x13CE0]  }
0x118: {  	[tilespmem:s8+$0x13C80] =	vst v7;
	v7 =	vmul.f32 v15, v12;
	v14 =	vld [tilespmem:s8+$0x13CF0]  }
0x119: {  	[tilespmem:s8+$0x13C90] =	vst v8;
	v8 =	vmul.f32 v10, v12;
	v10 =	vld [tilespmem:s8+$0x13D00]  }
0x11a: {  	[tilespmem:s8+$0x13CA0] =	vst v7;
	v7 =	vmul.f32 v13, v12;
	v13 =	vld [tilespmem:s8+$0x13D10]  }
0x11b: {  	[tilespmem:s8+$0x13CB0] =	vst v8;
	v8 =	vmul.f32 v9, v12;
	v9 =	vbroadcast v1, $0x7;
	v15 =	vld [tilespmem:s8+$0x13D20]  }
0x11c: {  	[tilespmem:s8+$0x13CC0] =	vst v7;
	v7 =	vmul.f32 v11, v12;
	v11 =	vld [tilespmem:s8+$0x13D30]  }
0x11d: {  	[tilespmem:s8+$0x13CD0] =	vst v8;
	v8 =	vmul.f32 v14, v9;
	v12 =	vld [tilespmem:s8+$0x13D40]  }
0x11e: {  	[tilespmem:s8+$0x13CE0] =	vst v7;
	v7 =	vmul.f32 v10, v9;
	v10 =	vld [tilespmem:s8+$0x13D50]  }
0x11f: {  	[tilespmem:s8+$0x13CF0] =	vst v8;
	v8 =	vmul.f32 v13, v9;
	v13 =	vld [tilespmem:s8+$0x13D60]  }
0x120: {  	[tilespmem:s8+$0x13D00] =	vst v7;
	v7 =	vmul.f32 v15, v9;
	v14 =	vld [tilespmem:s8+$0x13D70]  }
0x121: {  	[tilespmem:s8+$0x13D10] =	vst v8;
	v8 =	vmul.f32 v11, v9;
	v11 =	vld [tilespmem:s8+$0x13D80]  }
0x122: {  	[tilespmem:s8+$0x13D20] =	vst v7;
	v7 =	vmul.f32 v12, v9;
	v12 =	vld [tilespmem:s8+$0x13D90]  }
0x123: {  	[tilespmem:s8+$0x13D30] =	vst v8;
	v8 =	vmul.f32 v10, v9;
	v10 =	vbroadcast v1, $0x8;
	v15 =	vld [tilespmem:s8+$0x13DA0]  }
0x124: {  	[tilespmem:s8+$0x13D40] =	vst v7;
	v7 =	vmul.f32 v13, v9;
	v9 =	vld [tilespmem:s8+$0x13DB0]  }
0x125: {  	[tilespmem:s8+$0x13D50] =	vst v8;
	v8 =	vmul.f32 v14, v10;
	v13 =	vld [tilespmem:s8+$0x13DC0]  }
0x126: {  	[tilespmem:s8+$0x13D60] =	vst v7;
	v7 =	vmul.f32 v11, v10;
	v11 =	vld [tilespmem:s8+$0x13DD0]  }
0x127: {  	[tilespmem:s8+$0x13D70] =	vst v8;
	v8 =	vmul.f32 v12, v10;
	v12 =	vld [tilespmem:s8+$0x13DE0]  }
0x128: {  	[tilespmem:s8+$0x13D80] =	vst v7;
	v7 =	vmul.f32 v15, v10;
	v14 =	vld [tilespmem:s8+$0x13DF0]  }
0x129: {  	[tilespmem:s8+$0x13D90] =	vst v8;
	v8 =	vmul.f32 v9, v10;
	v9 =	vld [tilespmem:s8+$0x13E00]  }
0x12a: {  	[tilespmem:s8+$0x13DA0] =	vst v7;
	v7 =	vmul.f32 v13, v10;
	v13 =	vld [tilespmem:s8+$0x13E10]  }
0x12b: {  	[tilespmem:s8+$0x13DB0] =	vst v8;
	v8 =	vmul.f32 v11, v10;
	v11 =	vbroadcast v1, $0x9;
	v15 =	vld [tilespmem:s8+$0x13E20]  }
0x12c: {  	[tilespmem:s8+$0x13DC0] =	vst v7;
	v7 =	vmul.f32 v12, v10;
	v10 =	vld [tilespmem:s8+$0x13E30]  }
0x12d: {  	[tilespmem:s8+$0x13DD0] =	vst v8;
	v8 =	vmul.f32 v14, v11;
	v12 =	vld [tilespmem:s8+$0x13E40]  }
0x12e: {  	[tilespmem:s8+$0x13DE0] =	vst v7;
	v7 =	vmul.f32 v9, v11;
	v9 =	vld [tilespmem:s8+$0x13E50]  }
0x12f: {  	[tilespmem:s8+$0x13DF0] =	vst v8;
	v8 =	vmul.f32 v13, v11;
	v13 =	vld [tilespmem:s8+$0x13E60]  }
0x130: {  	[tilespmem:s8+$0x13E00] =	vst v7;
	v7 =	vmul.f32 v15, v11;
	v14 =	vld [tilespmem:s8+$0x13E70]  }
0x131: {  	[tilespmem:s8+$0x13E10] =	vst v8;
	v8 =	vmul.f32 v10, v11;
	v10 =	vld [tilespmem:s8+$0x13E80]  }
0x132: {  	[tilespmem:s8+$0x13E20] =	vst v7;
	v7 =	vmul.f32 v12, v11;
	v12 =	vld [tilespmem:s8+$0x13E90]  }
0x133: {  	[tilespmem:s8+$0x13E30] =	vst v8;
	v8 =	vmul.f32 v9, v11;
	v9 =	vld [tilespmem:s8+$0x13EA0]  }
0x134: {  	[tilespmem:s8+$0x13E40] =	vst v7;
	v7 =	vmul.f32 v13, v11;
	v11 =	vld [tilespmem:s8+$0x13EB0]  }
0x135: {  	[tilespmem:s8+$0x13E50] =	vst v8;
	v8 =	vmul.f32 v14, v4;
	v13 =	vld [tilespmem:s8+$0x13EC0]  }
0x136: {  	[tilespmem:s8+$0x13E60] =	vst v7;
	v7 =	vmul.f32 v10, v4;
	v10 =	vld [tilespmem:s8+$0x13ED0]  }
0x137: {  	v14 =	vld [tilespmem:s8+$0x13970];
	[tilespmem:s8+$0x13E70] =	vst v8;
	v8 =	vmul.f32 v12, v4  }
0x138: {  	v12 =	vld [tilespmem:s8+$0x13980];
	[tilespmem:s8+$0x13E80] =	vst v7;
	v7 =	vmul.f32 v9, v4  }
0x139: {  	v9 =	vld [tilespmem:s8+$0x139B0];
	[tilespmem:s8+$0x13E90] =	vst v8;
	v8 =	vmul.f32 v11, v4  }
0x13a: {  	v11 =	vld [tilespmem:s8+$0x139C0];
	[tilespmem:s8+$0x13EA0] =	vst v7;
	v7 =	vmul.f32 v13, v4  }
0x13b: {  	[tilespmem:s8+$0x13EB0] =	vst v8;
	v8 =	vmul.f32 v10, v4;
	v10 =	vbroadcast v1, $0xB;
	v13 =	vld [tilespmem:s8+$0x13F10]  }
0x13c: {  	v4 =	vbroadcast v1, $0xF;
	v14 =	vmul.f32 v2, v14;
	[tilespmem:s8+$0x13EC0] =	vst v7;
	v7 =	vld [tilespmem:s8+$0x13F20]  }
0x13d: {  	v12 =	vmul.f32 v12, v2;
	[tilespmem:s8+$0x13ED0] =	vst v8;
	v5 =	vmul.f32 v5, v10;
	v8 =	vld [tilespmem:s8+$0x13F30]  }
0x13e: {  	v6 =	vmul.f32 v6, v10;
	[tilespmem:s8+$0x13970] =	vst v14;
	v9 =	vmul.f32 v9, v2;
	v14 =	vld [tilespmem:s8+$0x13F40]  }
0x13f: {  	v3 =	vmul.f32 v3, v4;
	v11 =	vmul.f32 v11, v2;
	[tilespmem:s8+$0x13EF0] =	vst v5;
	v2 =	vld [tilespmem:s8+$0x13F50]  }
0x140: {  	[tilespmem:s8+$0x13F00] =	vst v6;
	v5 =	vmul.f32 v13, v10;
	v6 =	vld [tilespmem:s8+$0x13F60]  }
0x141: {  	v7 =	vmul.f32 v7, v10;
	v13 =	vld [tilespmem:s8+$0x13F70];
	[tilespmem:s8+$0x14140] =	vst v3  }
0x142: {  	[tilespmem:s8+$0x13980] =	vst v12;
	v3 =	vmul.f32 v8, v10;
	v8 =	vld [tilespmem:s8+$0x13F80]  }
0x143: {  	[tilespmem:s8+$0x139B0] =	vst v9;
	v9 =	vmul.f32 v14, v10;
	v12 =	vld [tilespmem:s8+$0x13F90]  }
0x144: {  	v14 =	vbroadcast v1, $0xC;
	[tilespmem:s8+$0x13F10] =	vst v5;
	v5 =	vmul.f32 v2, v10;
	v15 =	vld [tilespmem:s8+$0x13FA0]  }
0x145: {  	[tilespmem:s8+$0x13F40] =	vst v9;
	v6 =	vmul.f32 v6, v10;
	v9 =	vld [tilespmem:s8+$0x13FB0]  }
0x146: {  	[tilespmem:s8+$0x13F20] =	vst v7;
	v2 =	vmul.f32 v13, v14;
	v7 =	vld [tilespmem:s8+$0x13FC0]  }
0x147: {  	[tilespmem:s8+$0x13F30] =	vst v3;
	v3 =	vmul.f32 v8, v14;
	v8 =	vld [tilespmem:s8+$0x13FD0]  }
0x148: {  	[tilespmem:s8+$0x13F70] =	vst v2;
	v2 =	vmul.f32 v12, v14;
	v10 =	vld [tilespmem:s8+$0x13FE0]  }
0x149: {  	[tilespmem:s8+$0x13F80] =	vst v3;
	v3 =	vld [tilespmem:s8+$0x13FF0]  }
0x14a: {  	[tilespmem:s8+$0x139C0] =	vst v11;
	v9 =	vmul.f32 v9, v14;
	v11 =	vld [tilespmem:s8+$0x14000]  }
0x14b: {  	[tilespmem:s8+$0x13F50] =	vst v5;
	v5 =	vmul.f32 v7, v14;
	v7 =	vld [tilespmem:s8+$0x14010]  }
0x14c: {  	[tilespmem:s8+$0x13FB0] =	vst v9;
	v8 =	vmul.f32 v8, v14;
	v9 =	vbroadcast v1, $0xD;
	v12 =	vld [tilespmem:s8+$0x14020]  }
0x14d: {  	[tilespmem:s8+$0x13FC0] =	vst v5;
	v5 =	vmul.f32 v10, v14;
	v10 =	vld [tilespmem:s8+$0x14030]  }
0x14e: {  	[tilespmem:s8+$0x13FD0] =	vst v8;
	v3 =	vmul.f32 v3, v9;
	v8 =	vld [tilespmem:s8+$0x14040]  }
0x14f: {  	[tilespmem:s8+$0x13FE0] =	vst v5;
	v5 =	vmul.f32 v11, v9;
	v11 =	vld [tilespmem:s8+$0x14050]  }
0x150: {  	[tilespmem:s8+$0x13FF0] =	vst v3;
	v3 =	vmul.f32 v7, v9;
	v7 =	vld [tilespmem:s8+$0x14060]  }
0x151: {  	[tilespmem:s8+$0x14000] =	vst v5;
	v5 =	vmul.f32 v12, v9;
	v12 =	vld [tilespmem:s8+$0x14070]  }
0x152: {  	[tilespmem:s8+$0x14010] =	vst v3;
	v3 =	vmul.f32 v10, v9;
	v10 =	vld [tilespmem:s8+$0x14080]  }
0x153: {  	[tilespmem:s8+$0x14020] =	vst v5;
	v5 =	vmul.f32 v8, v9;
	v8 =	vld [tilespmem:s8+$0x14090]  }
0x154: {  	v1 =	vbroadcast v1, $0xE;
	[tilespmem:s8+$0x13F60] =	vst v6;
	v6 =	vmul.f32 v11, v9;
	v11 =	vld [tilespmem:s8+$0x140A0]  }
0x155: {  	[tilespmem:s8+$0x14040] =	vst v5;
	v5 =	vmul.f32 v7, v9;
	v7 =	vld [tilespmem:s8+$0x140B0]  }
0x156: {  	[tilespmem:s8+$0x14050] =	vst v6;
	v6 =	vmul.f32 v12, v1;
	v9 =	vld [tilespmem:s8+$0x140C0]  }
0x157: {  	[tilespmem:s8+$0x14060] =	vst v5;
	v5 =	vmul.f32 v10, v1;
	v10 =	vld [tilespmem:s8+$0x140D0]  }
0x158: {  	[tilespmem:s8+$0x14070] =	vst v6;
	v6 =	vmul.f32 v8, v1;
	v8 =	vld [tilespmem:s8+$0x140E0]  }
0x159: {  	[tilespmem:s8+$0x14080] =	vst v5;
	v5 =	vmul.f32 v11, v1;
	v11 =	vld [tilespmem:s8+$0x140F0]  }
0x15a: {  	[tilespmem:s8+$0x14090] =	vst v6;
	v6 =	vmul.f32 v7, v1;
	v7 =	vld [tilespmem:s8+$0x14100]  }
0x15b: {  	[tilespmem:s8+$0x140A0] =	vst v5;
	v5 =	vmul.f32 v9, v1;
	v9 =	vld [tilespmem:s8+$0x14110]  }
0x15c: {  	[tilespmem:s8+$0x140B0] =	vst v6;
	v6 =	vmul.f32 v10, v1;
	v10 =	vld [tilespmem:s8+$0x14120]  }
0x15d: {  	[tilespmem:s8+$0x14030] =	vst v3;
	v1 =	vmul.f32 v8, v1;
	v3 =	vld [tilespmem:s8+$0x14130]  }
0x15e: {  	[tilespmem:s8+$0x140D0] =	vst v6;
	v6 =	vmul.f32 v11, v4;
	v8 =	vld [tilespmem:s8+$0x14150]  }
0x15f: {  	[tilespmem:s8+$0x140E0] =	vst v1;
	v1 =	vmul.f32 v7, v4;
	v7 =	vld [tilespmem:s8+$0x14160]  }
0x160: {  	[tilespmem:s8+$0x140F0] =	vst v6;
	v6 =	vmul.f32 v9, v4  }
0x161: {  	[tilespmem:s8+$0x14100] =	vst v1;
	v1 =	vmul.f32 v10, v4  }
0x162: {  	v9 =	vmul.f32 v15, v14;
	[tilespmem:s8+$0x14110] =	vst v6  }
0x163: {  	[tilespmem:s8+$0x14120] =	vst v1;
	v1 =	vmul.f32 v3, v4  }
.Ltmp2:
0x164: {  	[tilespmem:s8+$0x13FA0] =	vst v9;
	v3 =	vmul.f32 v7, v4;
	(pc) =	sbr.rel @p1 .LBB2_7-.Ltmp2, $4  }
0x165: {  	[tilespmem:s8+$0x14130] =	vst v1  }
0x166: {  	v1 =	vmul.f32 v8, v4;
	[tilespmem:s8+$0x14160] =	vst v3  }
0x167: {  	[tilespmem:s8+$0x140C0] =	vst v5  }
0x168: {  	[tilespmem:s8+$0x14150] =	vst v1  }
0x169: {  	[tilespmem:s8+$0x13F90] =	vst v2;
	s15 =	sadd.s32 s7, s12  }
0x16a: {  	[tilespmem:s4], [sflag:$0x2] =	stream.linear.gather [hbm4b:s15+s5], $0x50, $0x38;
	[tilespmem:$0x1C570] =	vst v63  }
0x16b: {  	s11 =	sadd.s32 $0x1, s11;
	_ =	swait.ge [sflag:s26], $0x50  }
0x16c: {  	p1 =	sne.s32 s11, $0x7D;
	[sflag:s26] =	ssyncset.done $0x0  }
.Ltmp3:
0x16d: {  	[sflag:s26] =	ssyncadd.s32 $0xFFFFFFB0;
	(pc) =	sbr.rel @p1 .LBB2_6-.Ltmp3, $4  }
0x16e: {  	[spmem:s3] =	stream.indirect.scatter.add.f32 [tilespmem:s31], [sflag:$0x2], $0x80, s4, s30, $0xb8;
	[tilespmem:$0x1C570] =	vst v63  }
0x16f: {  	_ =	swait.ge [sflag:s26], $0x2800  }
0x170: {  	[sflag:s26] =	ssyncset.done $0x0  }
0x171: {  	[sflag:s26] =	ssyncadd.s32 $0xFFFFD800  }
0x172: {  	[bflag:$0x0] =	sbarrier.arrive $0xFFFF  }
0x173: {  	s8 =	simm.s32 @!p0 $0x16170;
	s10 =	rddreg [dreg:$0xa]  }
0x174: {  	[tilespmem:s8], [sflag:$0x2] =	stream.linear.gather @!p0 [spmem:s10], $0x6400, $0x38;
	[tilespmem:$0x1C570] =	vst v63  }
0x175: {  	s10 =	simm.s32 @!p0 $0x2  }
0x176: {  	_ =	swait.ge @!p0 [sflag:s10], $0x6400  }
0x177: {  	[sflag:s10] =	ssyncset.done @!p0 $0x0  }
0x178: {  	s11 =	simm.s32 @!p0 $0x0;
	s12 =	rddreg [dreg:$0xb];
	[sflag:s10] =	ssyncadd.s32 @!p0 $0xFFFF9C00  }
0x179: {  	[hbm4b:s12+s11] =	stream.linear.scatter @!p0 [tilespmem:s8], [sflag:$0x2], $0x6400, $0x38;
	[tilespmem:$0x1C570] =	vst v63  }
0x17a: {  	_ =	swait.ge @!p0 [sflag:s10], $0x6400  }
0x17b: {  	[sflag:s10] =	ssyncset.done @!p0 $0x0  }
0x17c: {  	[sflag:s10] =	ssyncadd.s32 @!p0 $0xFFFF9C00  }
0x17d: {  	[tilespmem:s8], [sflag:$0x2] =	stream.linear.gather @!p0 [spmem:s16], $0x6400, $0x38;
	[tilespmem:$0x1C570] =	vst v63  }
0x17e: {  	_ =	swait.ge @!p0 [sflag:s10], $0x6400  }
0x17f: {  	[sflag:s10] =	ssyncset.done @!p0 $0x0  }
0x180: {  	[sflag:s10] =	ssyncadd.s32 @!p0 $0xFFFF9C00  }
0x181: {  	[hbm4b:s17+s11] =	stream.linear.scatter @!p0 [tilespmem:s8], [sflag:$0x2], $0x6400, $0x38;
	[tilespmem:$0x1C570] =	vst v63  }
0x182: {  	_ =	swait.ge @!p0 [sflag:s10], $0x6400  }
0x183: {  	[sflag:s10] =	ssyncset.done @!p0 $0x0  }
0x184: {  	[sflag:s10] =	ssyncadd.s32 @!p0 $0xFFFF9C00  }
0x185: {  	[tilespmem:s8], [sflag:$0x2] =	stream.linear.gather @!p0 [spmem:s18], $0x6400, $0x38;
	[tilespmem:$0x1C570] =	vst v63  }
0x186: {  	_ =	swait.ge @!p0 [sflag:s10], $0x6400  }
0x187: {  	[sflag:s10] =	ssyncset.done @!p0 $0x0  }
0x188: {  	[sflag:s10] =	ssyncadd.s32 @!p0 $0xFFFF9C00  }
0x189: {  	[hbm4b:s19+s11] =	stream.linear.scatter @!p0 [tilespmem:s8], [sflag:$0x2], $0x6400, $0x38;
	[tilespmem:$0x1C570] =	vst v63  }
0x18a: {  	_ =	swait.ge @!p0 [sflag:s10], $0x6400  }
0x18b: {  	[sflag:s10] =	ssyncset.done @!p0 $0x0  }
0x18c: {  	[sflag:s10] =	ssyncadd.s32 @!p0 $0xFFFF9C00  }
0x18d: {  	[tilespmem:s8], [sflag:$0x2] =	stream.linear.gather @!p0 [spmem:s20], $0x6400, $0x38;
	[tilespmem:$0x1C570] =	vst v63  }
0x18e: {  	_ =	swait.ge @!p0 [sflag:s10], $0x6400  }
0x18f: {  	[sflag:s10] =	ssyncset.done @!p0 $0x0  }
0x190: {  	[sflag:s10] =	ssyncadd.s32 @!p0 $0xFFFF9C00  }
0x191: {  	[hbm4b:s21+s11] =	stream.linear.scatter @!p0 [tilespmem:s8], [sflag:$0x2], $0x6400, $0x38;
	[tilespmem:$0x1C570] =	vst v63  }
0x192: {  	_ =	swait.ge @!p0 [sflag:s10], $0x6400  }
0x193: {  	[sflag:s10] =	ssyncset.done @!p0 $0x0  }
0x194: {  	[sflag:s10] =	ssyncadd.s32 @!p0 $0xFFFF9C00  }
0x195: {  	[tilespmem:s8], [sflag:$0x2] =	stream.linear.gather @!p0 [spmem:s22], $0x6400, $0x38;
	[tilespmem:$0x1C570] =	vst v63  }
0x196: {  	s9 =	sadd.s32 $0x1, s9;
	_ =	swait.ge @!p0 [sflag:s10], $0x6400  }
0x197: {  	p1 =	sne.s32 s9, s24;
	[sflag:s10] =	ssyncset.done @!p0 $0x0  }
.Ltmp4:
0x198: {  	[sflag:s10] =	ssyncadd.s32 @!p0 $0xFFFF9C00;
	(pc) =	sbr.rel @p1 .LBB2_1-.Ltmp4, $4  }
0x199: {  	[hbm4b:s23+s11] =	stream.linear.scatter @!p0 [tilespmem:s8], [sflag:$0x2], $0x6400, $0x38;
	[tilespmem:$0x1C570] =	vst v63  }
0x19a: {  	_ =	swait.ge @!p0 [sflag:s10], $0x6400  }
0x19b: {  	[sflag:s10] =	ssyncset.done @!p0 $0x0  }
0x19c: {  	[sflag:s10] =	ssyncadd.s32 @!p0 $0xFFFF9C00  }
0x19d: {  	_ =	sfence.sel $0x180000  }
0x19e: {  	[bflag:$0x0] =	sbarrier.arrive $0xFFFF  }
0x19f: {  	_ =	strace $0x9000004A  }
0x1a0: {  	s0 =	stileid.u32;
	[bflag:$0x2] =	sbarrier.arrive $0xFFFF  }
0x1a1: {  	p0 =	sne.s32 s0, $0x0;
	s0 =	rddreg [dreg:$0x4]  }
0x1a2: {  	s0 =	sadd.s32 @!p0 $0x100000, s0  }
0x1a3: {  	[sflag:s0] =	ssyncadd.tile.s32 @!p0 $0x1;
	_ =	shalt  }
.Lfunc_end2:
_tile_overlayer_lowered:
.L_overlay_start_2:
0x1a4: {  	(tag) =	ssettag $0x2  }
0x1a5: {  	s0 =	rddreg [dreg:$0x0];
	s2 =	stileid.u32  }
0x1a6: {  	s1 =	rddreg [dreg:$0x1];
	p0 =	sne.s32 s2, $0x0  }
0x1a7: {  	s3 =	rddreg [dreg:$0x2];
	[bflag:$0x3] =	sbarrier.arrive $0xFFFF;
	s2 =	simm.s32 @!p0 $0x1C02  }
0x1a8: {  	[timem:s3], [sflag:s2] =	dma.local @!p0 [hbm:s0], s1  }
0x1a9: {  	s0 =	simm.s32 @!p0 $0x2  }
0x1aa: {  	_ =	swait.ge @!p0 [sflag:s0], s1  }
0x1ab: {  	s1 =	ssub.s32 @!p0 $0x0, s1;
	[sflag:s0] =	ssyncset.done @!p0 $0x0  }
0x1ac: {  	[sflag:s0] =	ssyncadd.s32 @!p0 s1  }
0x1ad: {  	[bflag:$0x3] =	sbarrier.arrive $0xFFFF  }
0x1ae: {  	_ =	shalt  }

// kernel: kernel.14.cloned.1.call-start
scs
__scs_entry_jumppad:
0x0: {  	(pc) =	sbr.rel $0x88, $3  }
0x1: {  	(tag) =	ssettag $0x0;
	lr =	simm.s32 $0x1  }
0x2: {  	[smem:$0x3F9A] =	sst lr;
	_ =	strace $0xD0000000  }
0x3: {  	_ = 	snop  }
0x4: {  	_ = 	snop  }
0x5: {  	_ = 	snop  }
0x6: {  	_ = 	snop  }
0x7: {  	_ = 	snop  }
__scs_overlays_trampoline_lowered:
0x8: {  	[smem:$0x3FA9] =	sst s0  }
0x9: {  	[smem:$0x3FAA] =	sst s1  }
0xa: {  	[smem:$0x3FAB] =	sst s2  }
0xb: {  	[smem:$0x3FAC] =	sst s3  }
0xc: {  	[smem:$0x3FAD] =	sst s4  }
0xd: {  	[smem:$0x3FAE] =	sst s5  }
0xe: {  	[smem:$0x3FAF] =	sst s6  }
0xf: {  	[smem:$0x3FB0] =	sst s7  }
0x10: {  	[smem:$0x3FB1] =	sst s8  }
0x11: {  	[smem:$0x3FB2] =	sst s9;
	s0 =	simm.s32 @!p0 $0x0  }
0x12: {  	s1 =	sld [smem:$0x3F98];
	s0 =	simm.s32 @p0 $0x1  }
0x13: {  	[smem:$0x3FB3] =	sst s0;
	s0 =	simm.s32 @!p1 $0x0  }
0x14: {  	s2 =	sld [smem:$0x3F97];
	s0 =	simm.s32 @p1 $0x1  }
0x15: {  	[smem:$0x3FB4] =	sst s0;
	s0 =	simm.s32 @!p2 $0x0  }
0x16: {  	s3 =	sld [smem:$0x3FDB];
	s0 =	simm.s32 @p2 $0x1  }
0x17: {  	s4 =	simm.s32 $0x1BF5;
	[smem:$0x3FB6] =	sst s0  }
0x18: {  	s0 =	sld [smem:$0x3F99];
	_ =	swait.ge [sflag:s4], $0x0  }
0x19: {  	s7 =	sld [smem:$0x3F9A]  }
0x1a: {  	s8 =	sadd.s32 $0xFFFFE003, lr  }
0x1b: {  	s9 =	sadd.s32 $0xFFFFFEF7, lr;
	s5 =	simm.s32 $0xFFFFFFFF;
	p2 =	slt.u32 s8, $0xFFFFF086  }
0x1c: {  	p1 =	slt.u32 s9, $0xF7A;
	s5 =	simm.s32 @!p2 $0x0  }
0x1d: {  	s5 =	simm.s32 @p1 $0x1;
	p0 =	seq.s32 s7, s2  }
0x1e: {  	s7 =	smul.u32 @!p0 $0xF7A, s2;
	p2 =	seq.s32 @!p0 s5, $0x0  }
0x1f: {  	s9 =	smul.u32 $0xF7A, s1;
	s8 =	simm.s32 @!p0 $0x1BF5;
	p2 =	por !p2, p0  }
0x20: {  	[sflag:s8] =	ssyncset.s32 @!p0 $0xFFFFF086;
	s6 =	sadd.s32 @!p0 s3, s7;
	s7 =	simm.s32 @!p0 $0x108  }
0x21: {  	s3 =	sadd.s32 s3, s9;
	s6 =	sadd.s32 @!p0 $0x88, s6;
	s7 =	simm.s32 @p2 $0x1082  }
0x22: {  	[simem:s7], [sflag:s8] =	dma.local @!p0 [hbm:s6], $0xF7A  }
0x23: {  	s9 =	sor.u32 $0xD0000000, s2;
	s6 =	simm.s32 $0x108;
	_ =	swait.ge @!p0 [sflag:s8], $0x0  }
0x24: {  	s3 =	sadd.s32 $0x88, s3;
	s6 =	simm.s32 @!p1 $0x1082;
	[sflag:s4] =	ssyncset.s32 $0xFFFFF086  }
0x25: {  	[simem:s6], [sflag:s4] =	dma.local [hbm:s3], $0xF7A  }
0x26: {  	[smem:$0x3F9A] =	sst s1;
	(tag) =	ssettag s2;
	_ =	strace s9  }
0x27: {  	s1 =	sld [smem:$0x3FAA]  }
0x28: {  	s2 =	sld [smem:$0x3FAB]  }
0x29: {  	s4 =	sld [smem:$0x3FAD]  }
0x2a: {  	p0 =	seq.s32 s5, $0x0;
	s5 =	sld [smem:$0x3FAE]  }
0x2b: {  	s6 =	sld [smem:$0x3FAF]  }
0x2c: {  	s7 =	sld [smem:$0x3FB0]  }
0x2d: {  	s3 =	simm.s32 $0x108;
	s8 =	sld [smem:$0x3FB1]  }
0x2e: {  	s3 =	simm.s32 @!p0 $0x1082;
	s9 =	sld [smem:$0x3FB2]  }
0x2f: {  	lr =	sadd.s32 s0, s3;
	s0 =	sld [smem:$0x3FA9]  }
0x30: {  	s3 =	sld [smem:$0x3FAC]  }
0x31: {  	[smem:$0x3FB5] =	sst s10  }
0x32: {  	s10 =	sld [smem:$0x3FB3];
	_ =	sdelay $0x3  }
0x33: {  	p0 =	seq.s32 s10, $0x1;
	s10 =	sld [smem:$0x3FB5];
	_ =	sdelay $0x3  }
0x34: {  	[smem:$0x3FB5] =	sst s10  }
0x35: {  	s10 =	sld [smem:$0x3FB4];
	_ =	sdelay $0x3  }
0x36: {  	p1 =	seq.s32 s10, $0x1;
	s10 =	sld [smem:$0x3FB5];
	_ =	sdelay $0x3  }
0x37: {  	[smem:$0x3FB5] =	sst s10  }
0x38: {  	s10 =	sld [smem:$0x3FB6]  }
0x39: {  	_ = 	snop;
	(pc) =	sbr.ind lr, $3  }
0x3a: {  	_ = 	snop  }
0x3b: {  	_ = 	snop  }
0x3c: {  	p2 =	seq.s32 s10, $0x1;
	s10 =	sld [smem:$0x3FB5]  }
0x3d: {  	_ =	shalt  }
0x3e: {  	_ =	shalt  }
0x3f: {  	_ =	shalt  }
0x40: {  	_ =	shalt  }
0x41: {  	_ =	shalt  }
0x42: {  	_ =	shalt  }
0x43: {  	_ =	shalt  }
0x44: {  	_ =	shalt  }
0x45: {  	_ =	shalt  }
0x46: {  	_ =	shalt  }
0x47: {  	_ =	shalt  }
0x48: {  	_ =	shalt  }
0x49: {  	_ =	shalt  }
0x4a: {  	_ =	shalt  }
0x4b: {  	_ =	shalt  }
0x4c: {  	_ =	shalt  }
0x4d: {  	_ =	shalt  }
0x4e: {  	_ =	shalt  }
0x4f: {  	_ =	shalt  }
0x50: {  	_ =	shalt  }
0x51: {  	_ =	shalt  }
0x52: {  	_ =	shalt  }
0x53: {  	_ =	shalt  }
0x54: {  	_ =	shalt  }
0x55: {  	_ =	shalt  }
0x56: {  	_ =	shalt  }
0x57: {  	_ =	shalt  }
0x58: {  	_ =	shalt  }
0x59: {  	_ =	shalt  }
0x5a: {  	_ =	shalt  }
0x5b: {  	_ =	shalt  }
0x5c: {  	_ =	shalt  }
0x5d: {  	_ =	shalt  }
0x5e: {  	_ =	shalt  }
0x5f: {  	_ =	shalt  }
0x60: {  	_ =	shalt  }
0x61: {  	_ =	shalt  }
0x62: {  	_ =	shalt  }
0x63: {  	_ =	shalt  }
0x64: {  	_ =	shalt  }
0x65: {  	_ =	shalt  }
0x66: {  	_ =	shalt  }
0x67: {  	_ =	shalt  }
0x68: {  	_ =	shalt  }
0x69: {  	_ =	shalt  }
0x6a: {  	_ =	shalt  }
0x6b: {  	_ =	shalt  }
0x6c: {  	_ =	shalt  }
0x6d: {  	_ =	shalt  }
0x6e: {  	_ =	shalt  }
0x6f: {  	_ =	shalt  }
0x70: {  	_ =	shalt  }
0x71: {  	_ =	shalt  }
0x72: {  	_ =	shalt  }
0x73: {  	_ =	shalt  }
0x74: {  	_ =	shalt  }
0x75: {  	_ =	shalt  }
0x76: {  	_ =	shalt  }
0x77: {  	_ =	shalt  }
0x78: {  	_ =	shalt  }
0x79: {  	_ =	shalt  }
0x7a: {  	_ =	shalt  }
0x7b: {  	_ =	shalt  }
0x7c: {  	_ =	shalt  }
0x7d: {  	_ =	shalt  }
0x7e: {  	_ =	shalt  }
0x7f: {  	_ =	shalt  }
0x80: {  	_ =	shalt  }
0x81: {  	_ =	shalt  }
0x82: {  	_ =	shalt  }
0x83: {  	_ =	shalt  }
0x84: {  	_ =	shalt  }
0x85: {  	_ =	shalt  }
0x86: {  	_ =	shalt  }
0x87: {  	_ =	shalt  }
.Lfunc_end0:
.L_simem_size_0:
called_computation.2_lowered:
.L_overlay_start_0:
0x88: {  	s2 =	sld [smem:$0x3FD9]  }
0x89: {  	s3 =	sld [smem:$0x3FFE];
	_ =	sdelay $0x1  }
0x8a: {  	s1 =	srdreg.scid  }
0x8b: {  	s0 =	sand.u32 $0x1, s1  }
0x8c: {  	s17 =	sshll.u32 s0, $0xA;
	s2 =	sadd.s32 s3, s2  }
0x8d: {  	s2 =	sadd.s32 s2, s17  }
0x8e: {  	[smem:$0x3FC1] =	sst s2  }
0x8f: {  	_ = 	snop  }
0x90: {  	s2 =	sld [smem:$0x3FC7]  }
0x91: {  	s18 =	sld [smem:$0x3FD0];
	(tm) =	ssettm $0x1  }
0x92: {  	s4 =	sld [smem:$0x3FFB];
	_ =	sdelay $0x3  }
0x93: {  	_ =	strace s4  }
0x94: {  	s4 =	sld [smem:$0x3FFC];
	_ =	sdelay $0x3  }
0x95: {  	_ =	strace s4  }
0x96: {  	s4 =	sld [smem:$0x3FFD];
	_ =	sdelay $0x3  }
0x97: {  	_ =	strace s4  }
0x98: {  	_ =	strace $0x8FFFFFFF  }
0x99: {  	s19 =	sld [smem:$0x3FDB];
	_ =	sdelay $0x1  }
0x9a: {  	s5 =	simm.s32 $_scs_section_size  }
0x9b: {  	s6 =	simm.s32 $_size__tile_overlayer_lowered;
	s7 =	simm.s32 $_tile_overlayer_lowered  }
0x9c: {  	s22 =	simm.s32 $0x1BFF;
	s21 =	sshll.u32 s7, $0x1;
	s4 =	sadd.s32 s5, s19  }
0x9d: {  	s8 =	simm.s32 $0x0;
	s20 =	sshll.u32 s6, $0x1;
	s6 =	sadd.s32 s21, s4  }
0x9e: {  	[timem:s8], [sflag:s22] =	dma.local [hbm:s6], s20  }
0x9f: {  	_ =	swait.ge [sflag:s22], s20  }
0xa0: {  	s5 =	ssub.s32 $0x0, s20;
	[sflag:s22] =	ssyncset.done $0x0  }
0xa1: {  	[sflag:s22] =	ssyncadd.s32 s5;
	_ =	sdelay $0x1  }
0xa2: {  	s23 =	simm.s32 $0x1B8B  }
0xa3: {  	_ =	swait.ge [sflag:s23], $0x1  }
0xa4: {  	[sflag:s23] =	ssyncset.done $0x0  }
0xa5: {  	s25 =	simm.s32 $0x1B8E;
	s24 =	sld [smem:$0x3FFE];
	[sflag:s23] =	ssyncadd.s32 $0xFFFFFFFF  }
0xa6: {  	s26 =	simm.s32 $execute0_lowered;
	[smem:$0x3FD2] =	sst s25  }
0xa7: {  	s6 =	sshll.u32 s26, $0x1;
	_ =	strace $0x8000004C;
	[dreg:$0x1] =	wrdreg $0xFFFFFFFF  }
0xa8: {  	s28 =	simm.s32 $_size_execute0_lowered;
	s4 =	sadd.s32 s4, s6;
	[dreg:$0x0] =	wrdreg $0x0  }
0xa9: {  	s6 =	sshll.u32 s28, $0x1;
	[dreg:$0x2] =	wrdreg s4  }
0xaa: {  	[dreg:$0x3] =	wrdreg s6  }
0xab: {  	[dreg:$0x4] =	wrdreg $0xC0  }
0xac: {  	_ =	task [dreg:s8], $0x5FFFF  }
0xad: {  	[dreg:$0x1] =	wrdreg $0xFFFFFFFF  }
0xae: {  	[dreg:$0x0] =	wrdreg $0x60  }
0xaf: {  	[dreg:$0x2] =	wrdreg s24  }
0xb0: {  	[dreg:$0x3] =	wrdreg s18  }
0xb1: {  	[dreg:$0x4] =	wrdreg s2  }
0xb2: {  	[dreg:$0x5] =	wrdreg $0x0  }
0xb3: {  	[dreg:$0x6] =	wrdreg $0x9  }
0xb4: {  	_ =	task.clear_ibuf [dreg:s8], $0x7FFFF;
	_ =	strace $0x9000004C  }
0xb5: {  	s29 =	simm.s32 $0x9;
	_ =	strace $0x8000004E  }
0xb6: {  	_ =	swait.ge [sflag:s29], $0x1  }
0xb7: {  	[sflag:s29] =	ssyncadd.s32 $0xFFFFFFFF  }
0xb8: {  	_ =	strace $0x9000004E  }
0xb9: {  	_ =	sfence  }
0xba: {  	s30 =	sld [smem:$0x0];
	_ =	sdelay $0x2  }
0xbb: {  	s31 =	sshll.u32 s1, $0xD;
	s1 =	sshrl.u32 s1, $0x2  }
0xbc: {  	s3 =	sand.u32 $0x4000, s31;
	s1 =	sadd.s32 s1, s30  }
0xbd: {  	s0 =	sor.u32 s3, s0;
	s1 =	sshll.u32 s1, $0x11  }
0xbe: {  	s0 =	sor.u32 s1, s0  }
0xbf: {  	s0 =	sadd.s32 $0x8F2B, s0  }
0xc0: {  	[sflag:s0] =	ssyncadd.remote.s32 $0x1  }
0xc1: {  	_ =	sfence.sel $0xFFFF  }
0xc2: {  	[dreg:$0x0] =	wrdreg $0xFFFFFFFF;
	(pc) =	sbr.abs _section_cstart, $3  }
0xc3: {  	[dreg:$0x1] =	wrdreg $0xFFFFFFFF  }
0xc4: {  	_ =	task.clear_ibuf [dreg:s8], $0x2FFFF;
	_ =	strace $0x9FFFFFFF  }
0xc5: {  	(tm) =	ssettm $0x7FFFFFFF  }
tec
execute0_lowered:
.L_overlay_start_1:
0x0: {  	(tag) =	ssettag $0x1  }
0x1: {  	s0 =	rddreg [dreg:$0x0]  }
0x2: {  	s1 =	rddreg [dreg:$0x1]  }
0x3: {  	s2 =	rddreg [dreg:$0x2]  }
0x4: {  	s3 =	rddreg [dreg:$0x3]  }
0x5: {  	s5 =	simm.s32 $0x0;
	s4 =	srdreg.scid;
	s14 =	stileid.u32  }
0x6: {  	s28 =	simm.s32 $0x9C40;
	s29 =	simm.s32 $0x9CE0;
	s30 =	simm.s32 $0x50  }
0x7: {  	s31 =	simm.s32 $0x9D30;
	[smem:$0x7FF] =	sst s5;
	s4 =	sand.u32 $0x1, s4  }
0x8: {  	s9 =	smul.u32 $0x3E800, s14;
	s6 =	sadd.s32 $0xBE00, s0;
	s7 =	sadd.s32 $0x2000, s0  }
0x9: {  	s0 =	sadd.s32 $0x1F800, s0;
	s13 =	sshll.u32 s14, $0x1;
	s15 =	smul.u32 $0xFA00, s14  }
0xa: {  	p0 =	sgt.u32 s14, $0x9;
	_ =	strace $0x8000004D;
	s8 =	ssub.s32 $0x2, s4  }
0xb: {  	s10 =	sshrl.u32 s8, $0x1;
	s9 =	sshrl.u32 s9, $0x2;
	s19 =	sadd.s32 $0x3200, s15  }
0xc: {  	s20 =	sadd.s32 s15, s3;
	s23 =	sadd.s32 $0x6400, s15;
	s25 =	sadd.s32 $0x9600, s15  }
0xd: {  	s8 =	ssub.s32 s8, s10;
	s11 =	sadd.s32 s9, s3;
	[dreg:$0xa] =	wrdreg s20  }
0xe: {  	s10 =	sor.u32 s4, s13;
	s12 =	sadd.s32 $0x3200, s11;
	[dreg:$0x5] =	wrdreg s11  }
0xf: {  	s4 =	smul.u32 $0x9C400, s4;
	s16 =	sadd.s32 $0x6400, s11;
	[dreg:$0x6] =	wrdreg s12  }
0x10: {  	s9 =	sadd.s32 $0xC800, s15;
	s17 =	sadd.s32 $0x9600, s11;
	[dreg:$0x7] =	wrdreg s16  }
0x11: {  	s20 =	sadd.s32 s25, s3;
	s11 =	sadd.s32 $0xC800, s11;
	[dreg:$0x8] =	wrdreg s17  }
0x12: {  	s13 =	smul.u32 $0x2710, s10;
	[dreg:$0x9] =	wrdreg s11;
	s18 =	sadd.s32 s15, s4  }
0x13: {  	s21 =	sadd.s32 s4, s19;
	s16 =	sadd.s32 s19, s3;
	s24 =	sadd.s32 s4, s23  }
0x14: {  	s26 =	sadd.s32 s4, s25;
	s4 =	sadd.s32 s4, s9;
	s25 =	simm.s32 $0xB130  }
0x15: {  	s10 =	sshrl.u32 s18, $0x3;
	s22 =	sshrl.u32 s21, $0x3;
	s18 =	sadd.s32 s23, s3  }
0x16: {  	s4 =	sshrl.u32 s4, $0x3;
	s10 =	sadd.s32 s0, s10;
	s17 =	sadd.s32 s0, s22  }
0x17: {  	s22 =	sadd.s32 s9, s3;
	s23 =	sadd.s32 s0, s4;
	s4 =	simm.s32 $0x9C90  }
0x18: {  	s9 =	simm.s32 $0x0;
	[dreg:$0xb] =	wrdreg s10;
	s10 =	sshrl.u32 s24, $0x3  }
0x19: {  	s24 =	smax.u32 s8, $0x1;
	s19 =	sadd.s32 s0, s10;
	s10 =	sshrl.u32 s26, $0x3  }
0x1a: {  	v0 =	vimm.f32 $0.0e+00;
	s26 =	simm.s32 $0x2;
	s21 =	sadd.s32 s0, s10;
	s0 =	simm.s32 $0x1  }
.LBB2_1:
.Ltmp0:
0x1b: {  	(pc) =	sbr.rel @p0 .LBB2_5-.Ltmp0, $1  }
0x1c: {  	_ =	sdelay $0x3  }
0x1d: {  	s10 =	simm.s32 $0x100;
	s8 =	simm.s32 $0x0  }
.LBB2_3:
0x1e: {  	p1 =	sne.s32 s10, $0xC700;
	[tilespmem:s8+$0xB160] =	vst v0;
	s11 =	smov.u32 s10;
	s10 =	sadd.s32 $0x100, s10  }
.Ltmp1:
0x1f: {  	[tilespmem:s8+$0xB150] =	vst v0;
	(pc) =	sbr.rel @p1 .LBB2_3-.Ltmp1, $3  }
0x20: {  	[tilespmem:s8+$0xB130] =	vst v0  }
0x21: {  	[tilespmem:s8+$0xB140] =	vst v0;
	_ =	sdelay $0x1  }
0x22: {  	s8 =	sshra.s32 s11, $0x2  }
0x23: {  	[tilespmem:s8+$0xB160] =	vst v0  }
0x24: {  	[tilespmem:s8+$0xB150] =	vst v0  }
0x25: {  	[tilespmem:s8+$0xB130] =	vst v0  }
0x26: {  	[tilespmem:s8+$0xB140] =	vst v0;
	s10 =	rddreg [dreg:$0x5]  }
0x27: {  	[spmem:s10] =	stream.linear.scatter [tilespmem:s25], [sflag:$0x2], $0x3200, $0x38;
	[tilespmem:$0xE330] =	vst v63  }
0x28: {  	_ =	swait.ge [sflag:s26], $0x3200  }
0x29: {  	[sflag:s26] =	ssyncset.done $0x0  }
0x2a: {  	s11 =	rddreg [dreg:$0x6];
	[sflag:s26] =	ssyncadd.s32 $0xFFFFCE00  }
0x2b: {  	[spmem:s11] =	stream.linear.scatter [tilespmem:s25], [sflag:$0x2], $0x3200, $0x38;
	[tilespmem:$0xE330] =	vst v63  }
0x2c: {  	_ =	swait.ge [sflag:s26], $0x3200  }
0x2d: {  	[sflag:s26] =	ssyncset.done $0x0  }
0x2e: {  	s12 =	rddreg [dreg:$0x7];
	[sflag:s26] =	ssyncadd.s32 $0xFFFFCE00  }
0x2f: {  	[spmem:s12] =	stream.linear.scatter [tilespmem:s25], [sflag:$0x2], $0x3200, $0x38;
	[tilespmem:$0xE330] =	vst v63  }
0x30: {  	_ =	swait.ge [sflag:s26], $0x3200  }
0x31: {  	[sflag:s26] =	ssyncset.done $0x0  }
0x32: {  	s14 =	rddreg [dreg:$0x8];
	[sflag:s26] =	ssyncadd.s32 $0xFFFFCE00  }
0x33: {  	[spmem:s14] =	stream.linear.scatter [tilespmem:s25], [sflag:$0x2], $0x3200, $0x38;
	[tilespmem:$0xE330] =	vst v63  }
0x34: {  	_ =	swait.ge [sflag:s26], $0x3200  }
0x35: {  	[sflag:s26] =	ssyncset.done $0x0  }
0x36: {  	s15 =	rddreg [dreg:$0x9];
	[sflag:s26] =	ssyncadd.s32 $0xFFFFCE00  }
0x37: {  	[spmem:s15] =	stream.linear.scatter [tilespmem:s25], [sflag:$0x2], $0x3200, $0x38;
	[tilespmem:$0xE330] =	vst v63  }
0x38: {  	_ =	swait.ge [sflag:s26], $0x3200  }
0x39: {  	[sflag:s26] =	ssyncset.done $0x0  }
0x3a: {  	[sflag:s26] =	ssyncadd.s32 $0xFFFFCE00  }
.LBB2_5:
0x3b: {  	[bflag:$0x0] =	sbarrier.arrive $0xFFFF;
	s10 =	simm.s32 $0x0;
	s11 =	simm.s32 $0x0  }
.LBB2_6:
0x3c: {  	s8 =	smul.u32 $0x50, s11;
	_ =	sdelay $0x1  }
0x3d: {  	s8 =	sadd.s32 s13, s8  }
0x3e: {  	s12 =	sshrl.u32 s8, $0x3  }
0x3f: {  	s8 =	sadd.s32 s1, s12  }
0x40: {  	[tilespmem:s28], [sflag:$0x2] =	stream.linear.gather [hbm4b:s8+s10], $0x50, $0x38;
	[tilespmem:$0xE330] =	vst v63  }
0x41: {  	_ =	swait.ge [sflag:s26], $0x50  }
0x42: {  	[sflag:s26] =	ssyncset.done $0x0  }
0x43: {  	s15 =	sadd.s32 s2, s12;
	[sflag:s26] =	ssyncadd.s32 $0xFFFFFFB0  }
0x44: {  	[tilespmem:s29], [sflag:$0x2] =	stream.linear.gather [hbm4b:s15+s10], $0x50, $0x38;
	[tilespmem:$0xE330] =	vst v63  }
0x45: {  	_ =	swait.ge [sflag:s26], $0x50  }
0x46: {  	[sflag:s26] =	ssyncset.done $0x0  }
0x47: {  	[sflag:s26] =	ssyncadd.s32 $0xFFFFFFB0  }
0x48: {  	[tilespmem:s31], [sflag:$0x1] =	stream.indirect.gather [hbm4b:s6+s30], $0x40, s28, s30, $0xb8;
	[tilespmem:$0xE330] =	vst v63  }
0x49: {  	_ =	swait.ge [sflag:s0], $0x1400  }
0x4a: {  	[sflag:s0] =	ssyncset.done $0x0  }
0x4b: {  	s14 =	simm.s32 $0x0;
	s8 =	simm.s32 $0x9F30;
	[sflag:s0] =	ssyncadd.s32 $0xFFFFEC00  }
.LBB2_7:
0x4c: {  	s15 =	sshra.s32 s14, $0x2  }
0x4d: {  	v1 =	vld [tilespmem:s15+$0x9CE0];
	_ =	sdelay $0x1  }
0x4e: {  	v2 =	vld [tilespmem:s8+$0xFFFFFE00];
	_ =	sdelay $0x2  }
0x4f: {  	v3 =	vbroadcast v1, $0x0;
	_ =	sdelay $0x1  }
0x50: {  	v2 =	vmul.f32 v3, v2;
	_ =	sdelay $0x1  }
0x51: {  	[tilespmem:s8+$0xFFFFFE00] =	vst v2;
	v2 =	vld [tilespmem:s8+$0xFFFFFE10];
	_ =	sdelay $0x4  }
0x52: {  	v2 =	vmul.f32 v2, v3;
	_ =	sdelay $0x1  }
0x53: {  	[tilespmem:s8+$0xFFFFFE10] =	vst v2;
	v2 =	vld [tilespmem:s8+$0xFFFFFE20];
	_ =	sdelay $0x4  }
0x54: {  	v2 =	vmul.f32 v2, v3;
	_ =	sdelay $0x1  }
0x55: {  	[tilespmem:s8+$0xFFFFFE20] =	vst v2;
	v2 =	vld [tilespmem:s8+$0xFFFFFE30];
	_ =	sdelay $0x4  }
0x56: {  	v2 =	vmul.f32 v2, v3;
	_ =	sdelay $0x1  }
0x57: {  	[tilespmem:s8+$0xFFFFFE30] =	vst v2;
	v2 =	vld [tilespmem:s8+$0xFFFFFE40];
	_ =	sdelay $0x2  }
0x58: {  	v3 =	vbroadcast v1, $0x1;
	_ =	sdelay $0x1  }
0x59: {  	v2 =	vmul.f32 v2, v3;
	_ =	sdelay $0x1  }
0x5a: {  	[tilespmem:s8+$0xFFFFFE40] =	vst v2;
	v2 =	vld [tilespmem:s8+$0xFFFFFE50];
	_ =	sdelay $0x4  }
0x5b: {  	v2 =	vmul.f32 v2, v3;
	_ =	sdelay $0x1  }
0x5c: {  	[tilespmem:s8+$0xFFFFFE50] =	vst v2;
	v2 =	vld [tilespmem:s8+$0xFFFFFE60];
	_ =	sdelay $0x4  }
0x5d: {  	v2 =	vmul.f32 v2, v3;
	_ =	sdelay $0x1  }
0x5e: {  	[tilespmem:s8+$0xFFFFFE60] =	vst v2;
	v2 =	vld [tilespmem:s8+$0xFFFFFE70];
	_ =	sdelay $0x4  }
0x5f: {  	v2 =	vmul.f32 v2, v3;
	_ =	sdelay $0x1  }
0x60: {  	[tilespmem:s8+$0xFFFFFE70] =	vst v2;
	v2 =	vld [tilespmem:s8+$0xFFFFFE80];
	_ =	sdelay $0x2  }
0x61: {  	v3 =	vbroadcast v1, $0x2;
	_ =	sdelay $0x1  }
0x62: {  	v2 =	vmul.f32 v2, v3;
	_ =	sdelay $0x1  }
0x63: {  	[tilespmem:s8+$0xFFFFFE80] =	vst v2;
	v2 =	vld [tilespmem:s8+$0xFFFFFE90];
	_ =	sdelay $0x4  }
0x64: {  	v2 =	vmul.f32 v2, v3;
	_ =	sdelay $0x1  }
0x65: {  	[tilespmem:s8+$0xFFFFFE90] =	vst v2;
	v2 =	vld [tilespmem:s8+$0xFFFFFEA0];
	_ =	sdelay $0x4  }
0x66: {  	v2 =	vmul.f32 v2, v3;
	_ =	sdelay $0x1  }
0x67: {  	[tilespmem:s8+$0xFFFFFEA0] =	vst v2;
	v2 =	vld [tilespmem:s8+$0xFFFFFEB0];
	_ =	sdelay $0x4  }
0x68: {  	v2 =	vmul.f32 v2, v3;
	_ =	sdelay $0x1  }
0x69: {  	[tilespmem:s8+$0xFFFFFEB0] =	vst v2;
	v2 =	vld [tilespmem:s8+$0xFFFFFEC0];
	_ =	sdelay $0x2  }
0x6a: {  	v3 =	vbroadcast v1, $0x3;
	_ =	sdelay $0x1  }
0x6b: {  	v2 =	vmul.f32 v2, v3;
	_ =	sdelay $0x1  }
0x6c: {  	[tilespmem:s8+$0xFFFFFEC0] =	vst v2;
	v2 =	vld [tilespmem:s8+$0xFFFFFED0];
	_ =	sdelay $0x4  }
0x6d: {  	v2 =	vmul.f32 v2, v3;
	_ =	sdelay $0x1  }
0x6e: {  	[tilespmem:s8+$0xFFFFFED0] =	vst v2;
	v2 =	vld [tilespmem:s8+$0xFFFFFEE0];
	_ =	sdelay $0x4  }
0x6f: {  	v2 =	vmul.f32 v2, v3;
	_ =	sdelay $0x1  }
0x70: {  	[tilespmem:s8+$0xFFFFFEE0] =	vst v2;
	v2 =	vld [tilespmem:s8+$0xFFFFFEF0];
	_ =	sdelay $0x4  }
0x71: {  	v2 =	vmul.f32 v2, v3;
	_ =	sdelay $0x1  }
0x72: {  	[tilespmem:s8+$0xFFFFFEF0] =	vst v2;
	v2 =	vld [tilespmem:s8+$0xFFFFFF00];
	_ =	sdelay $0x2  }
0x73: {  	v3 =	vbroadcast v1, $0x4;
	_ =	sdelay $0x1  }
0x74: {  	v2 =	vmul.f32 v2, v3;
	_ =	sdelay $0x1  }
0x75: {  	[tilespmem:s8+$0xFFFFFF00] =	vst v2;
	v2 =	vld [tilespmem:s8+$0xFFFFFF10];
	_ =	sdelay $0x4  }
0x76: {  	v2 =	vmul.f32 v2, v3;
	_ =	sdelay $0x1  }
0x77: {  	[tilespmem:s8+$0xFFFFFF10] =	vst v2;
	v2 =	vld [tilespmem:s8+$0xFFFFFF20];
	_ =	sdelay $0x4  }
0x78: {  	v2 =	vmul.f32 v2, v3;
	_ =	sdelay $0x1  }
0x79: {  	[tilespmem:s8+$0xFFFFFF20] =	vst v2;
	v2 =	vld [tilespmem:s8+$0xFFFFFF30];
	_ =	sdelay $0x4  }
0x7a: {  	v2 =	vmul.f32 v2, v3;
	_ =	sdelay $0x1  }
0x7b: {  	[tilespmem:s8+$0xFFFFFF30] =	vst v2;
	v2 =	vld [tilespmem:s8+$0xFFFFFF40];
	_ =	sdelay $0x2  }
0x7c: {  	v3 =	vbroadcast v1, $0x5;
	_ =	sdelay $0x1  }
0x7d: {  	v2 =	vmul.f32 v2, v3;
	_ =	sdelay $0x1  }
0x7e: {  	[tilespmem:s8+$0xFFFFFF40] =	vst v2;
	v2 =	vld [tilespmem:s8+$0xFFFFFF50];
	_ =	sdelay $0x4  }
0x7f: {  	v2 =	vmul.f32 v2, v3;
	_ =	sdelay $0x1  }
0x80: {  	[tilespmem:s8+$0xFFFFFF50] =	vst v2;
	v2 =	vld [tilespmem:s8+$0xFFFFFF60];
	_ =	sdelay $0x4  }
0x81: {  	v2 =	vmul.f32 v2, v3;
	_ =	sdelay $0x1  }
0x82: {  	[tilespmem:s8+$0xFFFFFF60] =	vst v2;
	v2 =	vld [tilespmem:s8+$0xFFFFFF70];
	_ =	sdelay $0x4  }
0x83: {  	v2 =	vmul.f32 v2, v3;
	_ =	sdelay $0x1  }
0x84: {  	[tilespmem:s8+$0xFFFFFF70] =	vst v2;
	v2 =	vld [tilespmem:s8+$0xFFFFFF80];
	_ =	sdelay $0x2  }
0x85: {  	v3 =	vbroadcast v1, $0x6;
	_ =	sdelay $0x1  }
0x86: {  	v2 =	vmul.f32 v2, v3;
	_ =	sdelay $0x1  }
0x87: {  	[tilespmem:s8+$0xFFFFFF80] =	vst v2;
	v2 =	vld [tilespmem:s8+$0xFFFFFF90];
	_ =	sdelay $0x4  }
0x88: {  	v2 =	vmul.f32 v2, v3;
	_ =	sdelay $0x1  }
0x89: {  	[tilespmem:s8+$0xFFFFFF90] =	vst v2;
	v2 =	vld [tilespmem:s8+$0xFFFFFFA0];
	_ =	sdelay $0x4  }
0x8a: {  	v2 =	vmul.f32 v2, v3;
	_ =	sdelay $0x1  }
0x8b: {  	[tilespmem:s8+$0xFFFFFFA0] =	vst v2;
	v2 =	vld [tilespmem:s8+$0xFFFFFFB0];
	_ =	sdelay $0x4  }
0x8c: {  	v2 =	vmul.f32 v2, v3;
	_ =	sdelay $0x1  }
0x8d: {  	[tilespmem:s8+$0xFFFFFFB0] =	vst v2;
	v2 =	vld [tilespmem:s8+$0xFFFFFFC0];
	_ =	sdelay $0x2  }
0x8e: {  	v3 =	vbroadcast v1, $0x7;
	_ =	sdelay $0x1  }
0x8f: {  	v2 =	vmul.f32 v2, v3;
	_ =	sdelay $0x1  }
0x90: {  	[tilespmem:s8+$0xFFFFFFC0] =	vst v2;
	v2 =	vld [tilespmem:s8+$0xFFFFFFD0];
	_ =	sdelay $0x4  }
0x91: {  	v2 =	vmul.f32 v2, v3;
	_ =	sdelay $0x1  }
0x92: {  	[tilespmem:s8+$0xFFFFFFD0] =	vst v2;
	v2 =	vld [tilespmem:s8+$0xFFFFFFE0];
	_ =	sdelay $0x4  }
0x93: {  	v2 =	vmul.f32 v2, v3;
	_ =	sdelay $0x1  }
0x94: {  	[tilespmem:s8+$0xFFFFFFE0] =	vst v2;
	v2 =	vld [tilespmem:s8+$0xFFFFFFF0];
	_ =	sdelay $0x4  }
0x95: {  	v2 =	vmul.f32 v2, v3;
	_ =	sdelay $0x1  }
0x96: {  	[tilespmem:s8+$0xFFFFFFF0] =	vst v2;
	v2 =	vld [tilespmem:s8+$0x0];
	_ =	sdelay $0x2  }
0x97: {  	v3 =	vbroadcast v1, $0x8;
	_ =	sdelay $0x1  }
0x98: {  	v2 =	vmul.f32 v2, v3;
	_ =	sdelay $0x1  }
0x99: {  	[tilespmem:s8+$0x0] =	vst v2;
	v2 =	vld [tilespmem:s8+$0x10];
	_ =	sdelay $0x4  }
0x9a: {  	v2 =	vmul.f32 v2, v3;
	_ =	sdelay $0x1  }
0x9b: {  	[tilespmem:s8+$0x10] =	vst v2;
	v2 =	vld [tilespmem:s8+$0x20];
	_ =	sdelay $0x4  }
0x9c: {  	v2 =	vmul.f32 v2, v3;
	_ =	sdelay $0x1  }
0x9d: {  	[tilespmem:s8+$0x20] =	vst v2;
	v2 =	vld [tilespmem:s8+$0x30];
	_ =	sdelay $0x4  }
0x9e: {  	v2 =	vmul.f32 v2, v3;
	_ =	sdelay $0x1  }
0x9f: {  	[tilespmem:s8+$0x30] =	vst v2;
	v2 =	vld [tilespmem:s8+$0x40];
	_ =	sdelay $0x2  }
0xa0: {  	v3 =	vbroadcast v1, $0x9;
	_ =	sdelay $0x1  }
0xa1: {  	v2 =	vmul.f32 v2, v3;
	_ =	sdelay $0x1  }
0xa2: {  	[tilespmem:s8+$0x40] =	vst v2;
	v2 =	vld [tilespmem:s8+$0x50];
	_ =	sdelay $0x4  }
0xa3: {  	v2 =	vmul.f32 v2, v3;
	_ =	sdelay $0x1  }
0xa4: {  	[tilespmem:s8+$0x50] =	vst v2;
	v2 =	vld [tilespmem:s8+$0x60];
	_ =	sdelay $0x4  }
0xa5: {  	v2 =	vmul.f32 v2, v3;
	_ =	sdelay $0x1  }
0xa6: {  	[tilespmem:s8+$0x60] =	vst v2;
	v2 =	vld [tilespmem:s8+$0x70];
	_ =	sdelay $0x4  }
0xa7: {  	v2 =	vmul.f32 v2, v3;
	_ =	sdelay $0x1  }
0xa8: {  	[tilespmem:s8+$0x70] =	vst v2;
	v2 =	vld [tilespmem:s8+$0x80];
	_ =	sdelay $0x2  }
0xa9: {  	v3 =	vbroadcast v1, $0xA;
	_ =	sdelay $0x1  }
0xaa: {  	v2 =	vmul.f32 v2, v3;
	_ =	sdelay $0x1  }
0xab: {  	[tilespmem:s8+$0x80] =	vst v2;
	v2 =	vld [tilespmem:s8+$0x90];
	_ =	sdelay $0x4  }
0xac: {  	v2 =	vmul.f32 v2, v3;
	_ =	sdelay $0x1  }
0xad: {  	[tilespmem:s8+$0x90] =	vst v2;
	v2 =	vld [tilespmem:s8+$0xA0];
	_ =	sdelay $0x4  }
0xae: {  	v2 =	vmul.f32 v2, v3;
	_ =	sdelay $0x1  }
0xaf: {  	[tilespmem:s8+$0xA0] =	vst v2;
	v2 =	vld [tilespmem:s8+$0xB0];
	_ =	sdelay $0x4  }
0xb0: {  	v2 =	vmul.f32 v2, v3;
	_ =	sdelay $0x1  }
0xb1: {  	[tilespmem:s8+$0xB0] =	vst v2;
	v2 =	vld [tilespmem:s8+$0xC0];
	_ =	sdelay $0x2  }
0xb2: {  	v3 =	vbroadcast v1, $0xB;
	_ =	sdelay $0x1  }
0xb3: {  	v2 =	vmul.f32 v2, v3;
	_ =	sdelay $0x1  }
0xb4: {  	[tilespmem:s8+$0xC0] =	vst v2;
	v2 =	vld [tilespmem:s8+$0xD0];
	_ =	sdelay $0x4  }
0xb5: {  	v2 =	vmul.f32 v2, v3;
	_ =	sdelay $0x1  }
0xb6: {  	[tilespmem:s8+$0xD0] =	vst v2;
	v2 =	vld [tilespmem:s8+$0xE0];
	_ =	sdelay $0x4  }
0xb7: {  	v2 =	vmul.f32 v2, v3;
	_ =	sdelay $0x1  }
0xb8: {  	[tilespmem:s8+$0xE0] =	vst v2;
	v2 =	vld [tilespmem:s8+$0xF0];
	_ =	sdelay $0x4  }
0xb9: {  	v2 =	vmul.f32 v2, v3;
	_ =	sdelay $0x1  }
0xba: {  	[tilespmem:s8+$0xF0] =	vst v2;
	v2 =	vld [tilespmem:s8+$0x100];
	_ =	sdelay $0x2  }
0xbb: {  	v3 =	vbroadcast v1, $0xC;
	_ =	sdelay $0x1  }
0xbc: {  	v2 =	vmul.f32 v2, v3;
	_ =	sdelay $0x1  }
0xbd: {  	[tilespmem:s8+$0x100] =	vst v2;
	v2 =	vld [tilespmem:s8+$0x110];
	_ =	sdelay $0x4  }
0xbe: {  	v2 =	vmul.f32 v2, v3;
	_ =	sdelay $0x1  }
0xbf: {  	[tilespmem:s8+$0x110] =	vst v2;
	v2 =	vld [tilespmem:s8+$0x120];
	_ =	sdelay $0x4  }
0xc0: {  	v2 =	vmul.f32 v2, v3;
	_ =	sdelay $0x1  }
0xc1: {  	[tilespmem:s8+$0x120] =	vst v2;
	v2 =	vld [tilespmem:s8+$0x130];
	_ =	sdelay $0x4  }
0xc2: {  	v2 =	vmul.f32 v2, v3;
	_ =	sdelay $0x1  }
0xc3: {  	[tilespmem:s8+$0x130] =	vst v2;
	v2 =	vld [tilespmem:s8+$0x140];
	_ =	sdelay $0x2  }
0xc4: {  	v3 =	vbroadcast v1, $0xD;
	_ =	sdelay $0x1  }
0xc5: {  	v2 =	vmul.f32 v2, v3;
	_ =	sdelay $0x1  }
0xc6: {  	[tilespmem:s8+$0x140] =	vst v2;
	v2 =	vld [tilespmem:s8+$0x150];
	_ =	sdelay $0x4  }
0xc7: {  	v2 =	vmul.f32 v2, v3;
	_ =	sdelay $0x1  }
0xc8: {  	[tilespmem:s8+$0x150] =	vst v2;
	v2 =	vld [tilespmem:s8+$0x160];
	_ =	sdelay $0x4  }
0xc9: {  	v2 =	vmul.f32 v2, v3;
	_ =	sdelay $0x1  }
0xca: {  	[tilespmem:s8+$0x160] =	vst v2;
	v2 =	vld [tilespmem:s8+$0x170];
	_ =	sdelay $0x4  }
0xcb: {  	v2 =	vmul.f32 v2, v3;
	_ =	sdelay $0x1  }
0xcc: {  	[tilespmem:s8+$0x170] =	vst v2;
	v2 =	vld [tilespmem:s8+$0x180];
	_ =	sdelay $0x2  }
0xcd: {  	v3 =	vbroadcast v1, $0xE;
	_ =	sdelay $0x1  }
0xce: {  	v2 =	vmul.f32 v2, v3;
	_ =	sdelay $0x1  }
0xcf: {  	[tilespmem:s8+$0x180] =	vst v2;
	v2 =	vld [tilespmem:s8+$0x190];
	_ =	sdelay $0x4  }
0xd0: {  	v2 =	vmul.f32 v2, v3;
	_ =	sdelay $0x1  }
0xd1: {  	[tilespmem:s8+$0x190] =	vst v2;
	v2 =	vld [tilespmem:s8+$0x1A0];
	_ =	sdelay $0x4  }
0xd2: {  	v2 =	vmul.f32 v2, v3;
	_ =	sdelay $0x1  }
0xd3: {  	[tilespmem:s8+$0x1A0] =	vst v2;
	v2 =	vld [tilespmem:s8+$0x1B0];
	_ =	sdelay $0x4  }
0xd4: {  	v2 =	vmul.f32 v2, v3;
	_ =	sdelay $0x1  }
0xd5: {  	[tilespmem:s8+$0x1B0] =	vst v2;
	v2 =	vld [tilespmem:s8+$0x1C0];
	_ =	sdelay $0x2  }
0xd6: {  	v1 =	vbroadcast v1, $0xF;
	_ =	sdelay $0x1  }
0xd7: {  	v2 =	vmul.f32 v2, v1;
	_ =	sdelay $0x1  }
0xd8: {  	[tilespmem:s8+$0x1C0] =	vst v2;
	v2 =	vld [tilespmem:s8+$0x1D0];
	_ =	sdelay $0x4  }
0xd9: {  	v2 =	vmul.f32 v2, v1;
	_ =	sdelay $0x1  }
0xda: {  	[tilespmem:s8+$0x1D0] =	vst v2;
	v2 =	vld [tilespmem:s8+$0x1E0];
	_ =	sdelay $0x4  }
0xdb: {  	v2 =	vmul.f32 v2, v1;
	_ =	sdelay $0x1  }
0xdc: {  	[tilespmem:s8+$0x1E0] =	vst v2;
	v2 =	vld [tilespmem:s8+$0x1F0];
	_ =	sdelay $0x1  }
0xdd: {  	p1 =	sne.s32 s14, $0x100  }
.Ltmp2:
0xde: {  	_ = 	snop;
	(pc) =	sbr.rel @p1 .LBB2_7-.Ltmp2, $3  }
0xdf: {  	_ = 	snop  }
0xe0: {  	v1 =	vmul.f32 v2, v1;
	_ =	sdelay $0x1  }
0xe1: {  	s14 =	sadd.s32 $0x40, s14;
	[tilespmem:s8+$0x1F0] =	vst v1;
	s8 =	sadd.s32 $0x400, s8  }
0xe2: {  	s8 =	sadd.s32 s7, s12  }
0xe3: {  	[tilespmem:s4], [sflag:$0x2] =	stream.linear.gather [hbm4b:s8+s5], $0x50, $0x38;
	[tilespmem:$0xE330] =	vst v63  }
0xe4: {  	s11 =	sadd.s32 $0x1, s11;
	_ =	swait.ge [sflag:s26], $0x50  }
0xe5: {  	p1 =	sne.s32 s11, $0x7D;
	[sflag:s26] =	ssyncset.done $0x0  }
.Ltmp3:
0xe6: {  	[sflag:s26] =	ssyncadd.s32 $0xFFFFFFB0;
	(pc) =	sbr.rel @p1 .LBB2_6-.Ltmp3, $4  }
0xe7: {  	[spmem:s3] =	stream.indirect.scatter.add.f32 [tilespmem:s31], [sflag:$0x2], $0x40, s4, s30, $0xb8;
	[tilespmem:$0xE330] =	vst v63  }
0xe8: {  	_ =	swait.ge [sflag:s26], $0x1400  }
0xe9: {  	[sflag:s26] =	ssyncset.done $0x0  }
0xea: {  	[sflag:s26] =	ssyncadd.s32 $0xFFFFEC00  }
0xeb: {  	[bflag:$0x0] =	sbarrier.arrive $0xFFFF  }
0xec: {  	s8 =	simm.s32 @!p0 $0xB130;
	s10 =	rddreg [dreg:$0xa]  }
0xed: {  	[tilespmem:s8], [sflag:$0x2] =	stream.linear.gather @!p0 [spmem:s10], $0x3200, $0x38;
	[tilespmem:$0xE330] =	vst v63  }
0xee: {  	s10 =	simm.s32 @!p0 $0x2  }
0xef: {  	_ =	swait.ge @!p0 [sflag:s10], $0x3200  }
0xf0: {  	[sflag:s10] =	ssyncset.done @!p0 $0x0  }
0xf1: {  	s11 =	simm.s32 @!p0 $0x0;
	s12 =	rddreg [dreg:$0xb];
	[sflag:s10] =	ssyncadd.s32 @!p0 $0xFFFFCE00  }
0xf2: {  	[hbm4b:s12+s11] =	stream.linear.scatter @!p0 [tilespmem:s8], [sflag:$0x2], $0x3200, $0x38;
	[tilespmem:$0xE330] =	vst v63  }
0xf3: {  	_ =	swait.ge @!p0 [sflag:s10], $0x3200  }
0xf4: {  	[sflag:s10] =	ssyncset.done @!p0 $0x0  }
0xf5: {  	[sflag:s10] =	ssyncadd.s32 @!p0 $0xFFFFCE00  }
0xf6: {  	[tilespmem:s8], [sflag:$0x2] =	stream.linear.gather @!p0 [spmem:s16], $0x3200, $0x38;
	[tilespmem:$0xE330] =	vst v63  }
0xf7: {  	_ =	swait.ge @!p0 [sflag:s10], $0x3200  }
0xf8: {  	[sflag:s10] =	ssyncset.done @!p0 $0x0  }
0xf9: {  	[sflag:s10] =	ssyncadd.s32 @!p0 $0xFFFFCE00  }
0xfa: {  	[hbm4b:s17+s11] =	stream.linear.scatter @!p0 [tilespmem:s8], [sflag:$0x2], $0x3200, $0x38;
	[tilespmem:$0xE330] =	vst v63  }
0xfb: {  	_ =	swait.ge @!p0 [sflag:s10], $0x3200  }
0xfc: {  	[sflag:s10] =	ssyncset.done @!p0 $0x0  }
0xfd: {  	[sflag:s10] =	ssyncadd.s32 @!p0 $0xFFFFCE00  }
0xfe: {  	[tilespmem:s8], [sflag:$0x2] =	stream.linear.gather @!p0 [spmem:s18], $0x3200, $0x38;
	[tilespmem:$0xE330] =	vst v63  }
0xff: {  	_ =	swait.ge @!p0 [sflag:s10], $0x3200  }
0x100: {  	[sflag:s10] =	ssyncset.done @!p0 $0x0  }
0x101: {  	[sflag:s10] =	ssyncadd.s32 @!p0 $0xFFFFCE00  }
0x102: {  	[hbm4b:s19+s11] =	stream.linear.scatter @!p0 [tilespmem:s8], [sflag:$0x2], $0x3200, $0x38;
	[tilespmem:$0xE330] =	vst v63  }
0x103: {  	_ =	swait.ge @!p0 [sflag:s10], $0x3200  }
0x104: {  	[sflag:s10] =	ssyncset.done @!p0 $0x0  }
0x105: {  	[sflag:s10] =	ssyncadd.s32 @!p0 $0xFFFFCE00  }
0x106: {  	[tilespmem:s8], [sflag:$0x2] =	stream.linear.gather @!p0 [spmem:s20], $0x3200, $0x38;
	[tilespmem:$0xE330] =	vst v63  }
0x107: {  	_ =	swait.ge @!p0 [sflag:s10], $0x3200  }
0x108: {  	[sflag:s10] =	ssyncset.done @!p0 $0x0  }
0x109: {  	[sflag:s10] =	ssyncadd.s32 @!p0 $0xFFFFCE00  }
0x10a: {  	[hbm4b:s21+s11] =	stream.linear.scatter @!p0 [tilespmem:s8], [sflag:$0x2], $0x3200, $0x38;
	[tilespmem:$0xE330] =	vst v63  }
0x10b: {  	_ =	swait.ge @!p0 [sflag:s10], $0x3200  }
0x10c: {  	[sflag:s10] =	ssyncset.done @!p0 $0x0  }
0x10d: {  	[sflag:s10] =	ssyncadd.s32 @!p0 $0xFFFFCE00  }
0x10e: {  	[tilespmem:s8], [sflag:$0x2] =	stream.linear.gather @!p0 [spmem:s22], $0x3200, $0x38;
	[tilespmem:$0xE330] =	vst v63  }
0x10f: {  	s9 =	sadd.s32 $0x1, s9;
	_ =	swait.ge @!p0 [sflag:s10], $0x3200  }
0x110: {  	p1 =	sne.s32 s9, s24;
	[sflag:s10] =	ssyncset.done @!p0 $0x0  }
.Ltmp4:
0x111: {  	[sflag:s10] =	ssyncadd.s32 @!p0 $0xFFFFCE00;
	(pc) =	sbr.rel @p1 .LBB2_1-.Ltmp4, $4  }
0x112: {  	[hbm4b:s23+s11] =	stream.linear.scatter @!p0 [tilespmem:s8], [sflag:$0x2], $0x3200, $0x38;
	[tilespmem:$0xE330] =	vst v63  }
0x113: {  	_ =	swait.ge @!p0 [sflag:s10], $0x3200  }
0x114: {  	[sflag:s10] =	ssyncset.done @!p0 $0x0  }
0x115: {  	[sflag:s10] =	ssyncadd.s32 @!p0 $0xFFFFCE00  }
0x116: {  	_ =	sfence.sel $0x180000  }
0x117: {  	[bflag:$0x0] =	sbarrier.arrive $0xFFFF  }
0x118: {  	_ =	strace $0x9000004D  }
0x119: {  	s0 =	stileid.u32;
	[bflag:$0x2] =	sbarrier.arrive $0xFFFF  }
0x11a: {  	p0 =	sne.s32 s0, $0x0;
	s0 =	rddreg [dreg:$0x4]  }
0x11b: {  	s0 =	sadd.s32 @!p0 $0x100000, s0  }
0x11c: {  	[sflag:s0] =	ssyncadd.tile.s32 @!p0 $0x1;
	_ =	shalt  }
.Lfunc_end2:
_tile_overlayer_lowered:
.L_overlay_start_2:
0x11d: {  	(tag) =	ssettag $0x2  }
0x11e: {  	s0 =	rddreg [dreg:$0x0];
	s2 =	stileid.u32  }
0x11f: {  	s1 =	rddreg [dreg:$0x1];
	p0 =	sne.s32 s2, $0x0  }
0x120: {  	s3 =	rddreg [dreg:$0x2];
	[bflag:$0x3] =	sbarrier.arrive $0xFFFF;
	s2 =	simm.s32 @!p0 $0x1C02  }
0x121: {  	[timem:s3], [sflag:s2] =	dma.local @!p0 [hbm:s0], s1  }
0x122: {  	s0 =	simm.s32 @!p0 $0x2  }
0x123: {  	_ =	swait.ge @!p0 [sflag:s0], s1  }
0x124: {  	s1 =	ssub.s32 @!p0 $0x0, s1;
	[sflag:s0] =	ssyncset.done @!p0 $0x0  }
0x125: {  	[sflag:s0] =	ssyncadd.s32 @!p0 s1  }
0x126: {  	[bflag:$0x3] =	sbarrier.arrive $0xFFFF  }
0x127: {  	_ =	shalt  }

// kernel: kernel.8.cloned.1.call-start
scs
__scs_entry_jumppad:
0x0: {  	(pc) =	sbr.rel $0x88, $3  }
0x1: {  	(tag) =	ssettag $0x0;
	lr =	simm.s32 $0x1  }
0x2: {  	[smem:$0x3F9A] =	sst lr;
	_ =	strace $0xD0000000  }
0x3: {  	_ = 	snop  }
0x4: {  	_ = 	snop  }
0x5: {  	_ = 	snop  }
0x6: {  	_ = 	snop  }
0x7: {  	_ = 	snop  }
__scs_overlays_trampoline_lowered:
0x8: {  	[smem:$0x3FA9] =	sst s0  }
0x9: {  	[smem:$0x3FAA] =	sst s1  }
0xa: {  	[smem:$0x3FAB] =	sst s2  }
0xb: {  	[smem:$0x3FAC] =	sst s3  }
0xc: {  	[smem:$0x3FAD] =	sst s4  }
0xd: {  	[smem:$0x3FAE] =	sst s5  }
0xe: {  	[smem:$0x3FAF] =	sst s6  }
0xf: {  	[smem:$0x3FB0] =	sst s7  }
0x10: {  	[smem:$0x3FB1] =	sst s8  }
0x11: {  	[smem:$0x3FB2] =	sst s9;
	s0 =	simm.s32 @!p0 $0x0  }
0x12: {  	s1 =	sld [smem:$0x3F98];
	s0 =	simm.s32 @p0 $0x1  }
0x13: {  	[smem:$0x3FB3] =	sst s0;
	s0 =	simm.s32 @!p1 $0x0  }
0x14: {  	s2 =	sld [smem:$0x3F97];
	s0 =	simm.s32 @p1 $0x1  }
0x15: {  	[smem:$0x3FB4] =	sst s0;
	s0 =	simm.s32 @!p2 $0x0  }
0x16: {  	s3 =	sld [smem:$0x3FDB];
	s0 =	simm.s32 @p2 $0x1  }
0x17: {  	s4 =	simm.s32 $0x1BF5;
	[smem:$0x3FB6] =	sst s0  }
0x18: {  	s0 =	sld [smem:$0x3F99];
	_ =	swait.ge [sflag:s4], $0x0  }
0x19: {  	s7 =	sld [smem:$0x3F9A]  }
0x1a: {  	s8 =	sadd.s32 $0xFFFFE003, lr  }
0x1b: {  	s9 =	sadd.s32 $0xFFFFFEF7, lr;
	s5 =	simm.s32 $0xFFFFFFFF;
	p2 =	slt.u32 s8, $0xFFFFF086  }
0x1c: {  	p1 =	slt.u32 s9, $0xF7A;
	s5 =	simm.s32 @!p2 $0x0  }
0x1d: {  	s5 =	simm.s32 @p1 $0x1;
	p0 =	seq.s32 s7, s2  }
0x1e: {  	s7 =	smul.u32 @!p0 $0xF7A, s2;
	p2 =	seq.s32 @!p0 s5, $0x0  }
0x1f: {  	s9 =	smul.u32 $0xF7A, s1;
	s8 =	simm.s32 @!p0 $0x1BF5;
	p2 =	por !p2, p0  }
0x20: {  	[sflag:s8] =	ssyncset.s32 @!p0 $0xFFFFF086;
	s6 =	sadd.s32 @!p0 s3, s7;
	s7 =	simm.s32 @!p0 $0x108  }
0x21: {  	s3 =	sadd.s32 s3, s9;
	s6 =	sadd.s32 @!p0 $0x88, s6;
	s7 =	simm.s32 @p2 $0x1082  }
0x22: {  	[simem:s7], [sflag:s8] =	dma.local @!p0 [hbm:s6], $0xF7A  }
0x23: {  	s9 =	sor.u32 $0xD0000000, s2;
	s6 =	simm.s32 $0x108;
	_ =	swait.ge @!p0 [sflag:s8], $0x0  }
0x24: {  	s3 =	sadd.s32 $0x88, s3;
	s6 =	simm.s32 @!p1 $0x1082;
	[sflag:s4] =	ssyncset.s32 $0xFFFFF086  }
0x25: {  	[simem:s6], [sflag:s4] =	dma.local [hbm:s3], $0xF7A  }
0x26: {  	[smem:$0x3F9A] =	sst s1;
	(tag) =	ssettag s2;
	_ =	strace s9  }
0x27: {  	s1 =	sld [smem:$0x3FAA]  }
0x28: {  	s2 =	sld [smem:$0x3FAB]  }
0x29: {  	s4 =	sld [smem:$0x3FAD]  }
0x2a: {  	p0 =	seq.s32 s5, $0x0;
	s5 =	sld [smem:$0x3FAE]  }
0x2b: {  	s6 =	sld [smem:$0x3FAF]  }
0x2c: {  	s7 =	sld [smem:$0x3FB0]  }
0x2d: {  	s3 =	simm.s32 $0x108;
	s8 =	sld [smem:$0x3FB1]  }
0x2e: {  	s3 =	simm.s32 @!p0 $0x1082;
	s9 =	sld [smem:$0x3FB2]  }
0x2f: {  	lr =	sadd.s32 s0, s3;
	s0 =	sld [smem:$0x3FA9]  }
0x30: {  	s3 =	sld [smem:$0x3FAC]  }
0x31: {  	[smem:$0x3FB5] =	sst s10  }
0x32: {  	s10 =	sld [smem:$0x3FB3];
	_ =	sdelay $0x3  }
0x33: {  	p0 =	seq.s32 s10, $0x1;
	s10 =	sld [smem:$0x3FB5];
	_ =	sdelay $0x3  }
0x34: {  	[smem:$0x3FB5] =	sst s10  }
0x35: {  	s10 =	sld [smem:$0x3FB4];
	_ =	sdelay $0x3  }
0x36: {  	p1 =	seq.s32 s10, $0x1;
	s10 =	sld [smem:$0x3FB5];
	_ =	sdelay $0x3  }
0x37: {  	[smem:$0x3FB5] =	sst s10  }
0x38: {  	s10 =	sld [smem:$0x3FB6]  }
0x39: {  	_ = 	snop;
	(pc) =	sbr.ind lr, $3  }
0x3a: {  	_ = 	snop  }
0x3b: {  	_ = 	snop  }
0x3c: {  	p2 =	seq.s32 s10, $0x1;
	s10 =	sld [smem:$0x3FB5]  }
0x3d: {  	_ =	shalt  }
0x3e: {  	_ =	shalt  }
0x3f: {  	_ =	shalt  }
0x40: {  	_ =	shalt  }
0x41: {  	_ =	shalt  }
0x42: {  	_ =	shalt  }
0x43: {  	_ =	shalt  }
0x44: {  	_ =	shalt  }
0x45: {  	_ =	shalt  }
0x46: {  	_ =	shalt  }
0x47: {  	_ =	shalt  }
0x48: {  	_ =	shalt  }
0x49: {  	_ =	shalt  }
0x4a: {  	_ =	shalt  }
0x4b: {  	_ =	shalt  }
0x4c: {  	_ =	shalt  }
0x4d: {  	_ =	shalt  }
0x4e: {  	_ =	shalt  }
0x4f: {  	_ =	shalt  }
0x50: {  	_ =	shalt  }
0x51: {  	_ =	shalt  }
0x52: {  	_ =	shalt  }
0x53: {  	_ =	shalt  }
0x54: {  	_ =	shalt  }
0x55: {  	_ =	shalt  }
0x56: {  	_ =	shalt  }
0x57: {  	_ =	shalt  }
0x58: {  	_ =	shalt  }
0x59: {  	_ =	shalt  }
0x5a: {  	_ =	shalt  }
0x5b: {  	_ =	shalt  }
0x5c: {  	_ =	shalt  }
0x5d: {  	_ =	shalt  }
0x5e: {  	_ =	shalt  }
0x5f: {  	_ =	shalt  }
0x60: {  	_ =	shalt  }
0x61: {  	_ =	shalt  }
0x62: {  	_ =	shalt  }
0x63: {  	_ =	shalt  }
0x64: {  	_ =	shalt  }
0x65: {  	_ =	shalt  }
0x66: {  	_ =	shalt  }
0x67: {  	_ =	shalt  }
0x68: {  	_ =	shalt  }
0x69: {  	_ =	shalt  }
0x6a: {  	_ =	shalt  }
0x6b: {  	_ =	shalt  }
0x6c: {  	_ =	shalt  }
0x6d: {  	_ =	shalt  }
0x6e: {  	_ =	shalt  }
0x6f: {  	_ =	shalt  }
0x70: {  	_ =	shalt  }
0x71: {  	_ =	shalt  }
0x72: {  	_ =	shalt  }
0x73: {  	_ =	shalt  }
0x74: {  	_ =	shalt  }
0x75: {  	_ =	shalt  }
0x76: {  	_ =	shalt  }
0x77: {  	_ =	shalt  }
0x78: {  	_ =	shalt  }
0x79: {  	_ =	shalt  }
0x7a: {  	_ =	shalt  }
0x7b: {  	_ =	shalt  }
0x7c: {  	_ =	shalt  }
0x7d: {  	_ =	shalt  }
0x7e: {  	_ =	shalt  }
0x7f: {  	_ =	shalt  }
0x80: {  	_ =	shalt  }
0x81: {  	_ =	shalt  }
0x82: {  	_ =	shalt  }
0x83: {  	_ =	shalt  }
0x84: {  	_ =	shalt  }
0x85: {  	_ =	shalt  }
0x86: {  	_ =	shalt  }
0x87: {  	_ =	shalt  }
.Lfunc_end0:
.L_simem_size_0:
called_computation_lowered:
.L_overlay_start_0:
0x88: {  	s2 =	sld [smem:$0x3FD9]  }
0x89: {  	s3 =	sld [smem:$0x3FFE];
	_ =	sdelay $0x1  }
0x8a: {  	s1 =	srdreg.scid  }
0x8b: {  	s0 =	sand.u32 $0x1, s1  }
0x8c: {  	s17 =	sshll.u32 s0, $0xA;
	s2 =	sadd.s32 s3, s2  }
0x8d: {  	s2 =	sadd.s32 s2, s17  }
0x8e: {  	[smem:$0x3FC1] =	sst s2  }
0x8f: {  	_ = 	snop  }
0x90: {  	s2 =	sld [smem:$0x3FC7];
	(tm) =	ssettm $0x1  }
0x91: {  	s18 =	sld [smem:$0x3FFB];
	_ =	sdelay $0x3  }
0x92: {  	_ =	strace s18  }
0x93: {  	s3 =	sld [smem:$0x3FFC];
	_ =	sdelay $0x3  }
0x94: {  	_ =	strace s3  }
0x95: {  	s3 =	sld [smem:$0x3FFD];
	_ =	sdelay $0x3  }
0x96: {  	_ =	strace s3  }
0x97: {  	_ =	strace $0x8FFFFFFF  }
0x98: {  	s19 =	sld [smem:$0x3FDB];
	_ =	sdelay $0x1  }
0x99: {  	s4 =	simm.s32 $_scs_section_size  }
0x9a: {  	s5 =	simm.s32 $_size__tile_overlayer_lowered;
	s6 =	simm.s32 $_tile_overlayer_lowered  }
0x9b: {  	s22 =	simm.s32 $0x1BFF;
	s21 =	sshll.u32 s6, $0x1;
	s3 =	sadd.s32 s4, s19  }
0x9c: {  	s7 =	simm.s32 $0x0;
	s20 =	sshll.u32 s5, $0x1;
	s5 =	sadd.s32 s21, s3  }
0x9d: {  	[timem:s7], [sflag:s22] =	dma.local [hbm:s5], s20  }
0x9e: {  	_ =	swait.ge [sflag:s22], s20  }
0x9f: {  	s4 =	ssub.s32 $0x0, s20;
	[sflag:s22] =	ssyncset.done $0x0  }
0xa0: {  	[sflag:s22] =	ssyncadd.s32 s4;
	_ =	sdelay $0x1  }
0xa1: {  	s23 =	simm.s32 $0x1B8B  }
0xa2: {  	_ =	swait.ge [sflag:s23], $0x1  }
0xa3: {  	[sflag:s23] =	ssyncset.done $0x0  }
0xa4: {  	s25 =	simm.s32 $0x1B8E;
	s24 =	sld [smem:$0x3FFE];
	[sflag:s23] =	ssyncadd.s32 $0xFFFFFFFF  }
0xa5: {  	s26 =	simm.s32 $execute0_lowered;
	[smem:$0x3FD2] =	sst s25  }
0xa6: {  	s5 =	sshll.u32 s26, $0x1;
	_ =	strace $0x80000046;
	[dreg:$0x1] =	wrdreg $0xFFFFFFFF  }
0xa7: {  	s28 =	simm.s32 $_size_execute0_lowered;
	s3 =	sadd.s32 s3, s5;
	[dreg:$0x0] =	wrdreg $0x0  }
0xa8: {  	s5 =	sshll.u32 s28, $0x1;
	[dreg:$0x2] =	wrdreg s3  }
0xa9: {  	[dreg:$0x3] =	wrdreg s5  }
0xaa: {  	[dreg:$0x4] =	wrdreg $0xC0  }
0xab: {  	_ =	task [dreg:s7], $0x5FFFF  }
0xac: {  	[dreg:$0x1] =	wrdreg $0xFFFFFFFF  }
0xad: {  	[dreg:$0x0] =	wrdreg $0x60  }
0xae: {  	[dreg:$0x2] =	wrdreg s24  }
0xaf: {  	[dreg:$0x3] =	wrdreg s2  }
0xb0: {  	[dreg:$0x4] =	wrdreg $0x0  }
0xb1: {  	[dreg:$0x5] =	wrdreg $0x9  }
0xb2: {  	_ =	task.clear_ibuf [dreg:s7], $0x6FFFF;
	_ =	strace $0x90000046  }
0xb3: {  	s29 =	simm.s32 $0x9;
	_ =	strace $0x80000048  }
0xb4: {  	_ =	swait.ge [sflag:s29], $0x1  }
0xb5: {  	[sflag:s29] =	ssyncadd.s32 $0xFFFFFFFF  }
0xb6: {  	_ =	strace $0x90000048  }
0xb7: {  	_ =	sfence  }
0xb8: {  	s30 =	sld [smem:$0x0];
	_ =	sdelay $0x2  }
0xb9: {  	s31 =	sshll.u32 s1, $0xD;
	s1 =	sshrl.u32 s1, $0x2  }
0xba: {  	s3 =	sand.u32 $0x4000, s31;
	s1 =	sadd.s32 s1, s30  }
0xbb: {  	s0 =	sor.u32 s3, s0;
	s1 =	sshll.u32 s1, $0x11  }
0xbc: {  	s0 =	sor.u32 s1, s0  }
0xbd: {  	s0 =	sadd.s32 $0x8F2B, s0  }
0xbe: {  	[sflag:s0] =	ssyncadd.remote.s32 $0x1  }
0xbf: {  	_ =	sfence.sel $0xFFFF  }
0xc0: {  	[dreg:$0x0] =	wrdreg $0xFFFFFFFF;
	(pc) =	sbr.abs _section_cstart, $3  }
0xc1: {  	[dreg:$0x1] =	wrdreg $0xFFFFFFFF  }
0xc2: {  	_ =	task.clear_ibuf [dreg:s7], $0x2FFFF;
	_ =	strace $0x9FFFFFFF  }
0xc3: {  	(tm) =	ssettm $0x7FFFFFFF  }
tec
execute0_lowered:
.L_overlay_start_1:
0x0: {  	(tag) =	ssettag $0x1  }
0x1: {  	s4 =	rddreg [dreg:$0x0]  }
0x2: {  	s8 =	rddreg [dreg:$0x1]  }
0x3: {  	s0 =	srdreg.scid;
	s2 =	rddreg [dreg:$0x2]  }
0x4: {  	s1 =	rddreg [dreg:$0x3];
	s3 =	simm.s32 $0x0;
	s5 =	sand.u32 $0x1, s0  }
0x5: {  	s13 =	simm.s32 $0x2F8;
	s0 =	stileid.u32;
	s6 =	smul.u32 $0x2710, s5  }
0x6: {  	s14 =	simm.s32 $0x50;
	[smem:$0x7FF] =	sst s3;
	s7 =	smul.u32 $0x4E20, s0  }
0x7: {  	s15 =	simm.s32 $0x0;
	s9 =	smul.u32 $0x7D0, s0;
	_ =	strace $0x80000047  }
0x8: {  	s31 =	smul.u32 $0x1F40, s0;
	s5 =	ssub.s32 $0x2, s5;
	p0 =	sgt.u32 s0, $0x4  }
0x9: {  	s12 =	sshrl.u32 s5, $0x1;
	s7 =	sadd.s32 s6, s7;
	s6 =	sadd.s32 s9, s6  }
0xa: {  	s12 =	ssub.s32 s5, s12;
	s5 =	sadd.s32 s9, s2;
	s10 =	sshrl.u32 s7, $0x3  }
0xb: {  	s6 =	sshrl.u32 s6, $0x3;
	s7 =	sshrl.u32 s31, $0x2;
	s11 =	sadd.s32 s10, s4  }
0xc: {  	s6 =	sadd.s32 s6, s4;
	s4 =	sadd.s32 s7, s2;
	s7 =	smax.u32 s12, $0x1  }
0xd: {  	s8 =	sadd.s32 s10, s8;
	s10 =	simm.s32 $0x378;
	s12 =	simm.s32 $0x278  }
0xe: {  	v0 =	vimm.f32 $0.0e+00;
	s6 =	sadd.s32 $0xBE00, s6;
	s9 =	sadd.s32 $0x2000, s11;
	s11 =	simm.s32 $0x1  }
.LBB2_1:
.Ltmp0:
0xf: {  	(pc) =	sbr.rel @p0 .LBB2_5-.Ltmp0, $1  }
0x10: {  	_ =	sdelay $0x3  }
0x11: {  	s16 =	simm.s32 $0x40;
	s17 =	simm.s32 $0x0  }
.LBB2_3:
0x12: {  	p1 =	sne.s32 s16, $0x1F00;
	[tilespmem:s17+$0x378] =	vst v0;
	s17 =	smov.u32 s16;
	s16 =	sadd.s32 $0x40, s16  }
.Ltmp1:
0x13: {  	(pc) =	sbr.rel @p1 .LBB2_3-.Ltmp1, $2  }
0x14: {  	_ =	sdelay $0x2  }
0x15: {  	s17 =	sshra.s32 s17, $0x2  }
0x16: {  	[tilespmem:s17+$0x378] =	vst v0  }
0x17: {  	[spmem:s4] =	stream.linear.scatter [tilespmem:s10], [sflag:$0x1], $0x7D0, $0x38;
	[tilespmem:$0xB78] =	vst v63  }
0x18: {  	_ =	swait.ge [sflag:s11], $0x7D0  }
0x19: {  	[sflag:s11] =	ssyncset.done $0x0  }
0x1a: {  	[sflag:s11] =	ssyncadd.s32 $0xFFFFF830  }
.LBB2_5:
0x1b: {  	[bflag:$0x0] =	sbarrier.arrive $0xFFFF;
	s16 =	sadd.s32 $0x0, s9  }
0x1c: {  	[tilespmem:s12], [sflag:$0x1] =	stream.linear.gather [hbm4b:s16+s3], $0x50, $0x38;
	[tilespmem:$0xB78] =	vst v63  }
0x1d: {  	_ =	swait.ge [sflag:s11], $0x50  }
0x1e: {  	[sflag:s11] =	ssyncset.done $0x0  }
0x1f: {  	s31 =	sadd.s32 $0x0, s8;
	[sflag:s11] =	ssyncadd.s32 $0xFFFFFFB0  }
0x20: {  	[tilespmem:s13], [sflag:$0x1] =	stream.linear.gather [hbm4b:s31+s3], $0x50, $0x38;
	[tilespmem:$0xB78] =	vst v63  }
0x21: {  	_ =	swait.ge [sflag:s11], $0x50  }
0x22: {  	[sflag:s11] =	ssyncset.done $0x0  }
0x23: {  	[sflag:s11] =	ssyncadd.s32 $0xFFFFFFB0  }
0x24: {  	[spmem:s2] =	stream.indirect.scatter.add.f32 [tilespmem:s13], [sflag:$0x1], $0x1, s12, s14, $0xb8;
	[tilespmem:$0xB78] =	vst v63  }
0x25: {  	_ =	swait.ge [sflag:s11], $0x50  }
0x26: {  	s17 =	simm.s32 $0x14;
	s16 =	simm.s32 $0xA;
	[sflag:s11] =	ssyncset.done $0x0  }
.LBB2_6:
0x27: {  	s18 =	sadd.s32 s16, s9  }
0x28: {  	[sflag:s11] =	ssyncadd.s32 $0xFFFFFFB0;
	s19 =	smov.u32 s17;
	s20 =	sadd.s32 $0xA, s17  }
0x29: {  	[tilespmem:s12], [sflag:$0x1] =	stream.linear.gather [hbm4b:s18+s3], $0x50, $0x38;
	[tilespmem:$0xB78] =	vst v63  }
0x2a: {  	p1 =	sne.s32 s17, $0x4D8;
	_ =	swait.ge [sflag:s11], $0x50  }
0x2b: {  	[sflag:s11] =	ssyncset.done $0x0  }
0x2c: {  	s17 =	sadd.s32 s16, s8;
	s16 =	smov.u32 s19;
	[sflag:s11] =	ssyncadd.s32 $0xFFFFFFB0  }
0x2d: {  	[tilespmem:s13], [sflag:$0x1] =	stream.linear.gather [hbm4b:s17+s3], $0x50, $0x38;
	[tilespmem:$0xB78] =	vst v63  }
0x2e: {  	_ =	swait.ge [sflag:s11], $0x50  }
.Ltmp2:
0x2f: {  	[sflag:s11] =	ssyncset.done $0x0;
	(pc) =	sbr.rel @p1 .LBB2_6-.Ltmp2, $4  }
0x30: {  	[sflag:s11] =	ssyncadd.s32 $0xFFFFFFB0  }
0x31: {  	[spmem:s2] =	stream.indirect.scatter.add.f32 [tilespmem:s13], [sflag:$0x1], $0x1, s12, s14, $0xb8;
	[tilespmem:$0xB78] =	vst v63  }
0x32: {  	_ =	swait.ge [sflag:s11], $0x50  }
0x33: {  	s17 =	smov.u32 s20;
	[sflag:s11] =	ssyncset.done $0x0  }
0x34: {  	s17 =	sadd.s32 s16, s9;
	[sflag:s11] =	ssyncadd.s32 $0xFFFFFFB0  }
0x35: {  	[tilespmem:s12], [sflag:$0x1] =	stream.linear.gather [hbm4b:s17+s3], $0x50, $0x38;
	[tilespmem:$0xB78] =	vst v63  }
0x36: {  	_ =	swait.ge [sflag:s11], $0x50  }
0x37: {  	[sflag:s11] =	ssyncset.done $0x0  }
0x38: {  	s31 =	sadd.s32 s16, s8;
	[sflag:s11] =	ssyncadd.s32 $0xFFFFFFB0  }
0x39: {  	[tilespmem:s13], [sflag:$0x1] =	stream.linear.gather [hbm4b:s31+s3], $0x50, $0x38;
	[tilespmem:$0xB78] =	vst v63  }
0x3a: {  	_ =	swait.ge [sflag:s11], $0x50  }
0x3b: {  	[sflag:s11] =	ssyncset.done $0x0  }
0x3c: {  	[sflag:s11] =	ssyncadd.s32 $0xFFFFFFB0  }
0x3d: {  	[spmem:s2] =	stream.indirect.scatter.add.f32 [tilespmem:s13], [sflag:$0x1], $0x1, s12, s14, $0xb8;
	[tilespmem:$0xB78] =	vst v63  }
0x3e: {  	_ =	swait.ge [sflag:s11], $0x50  }
0x3f: {  	[sflag:s11] =	ssyncset.done $0x0  }
0x40: {  	[sflag:s11] =	ssyncadd.s32 $0xFFFFFFB0  }
0x41: {  	s16 =	simm.s32 @!p0 $0x378;
	s17 =	simm.s32 @!p0 $0x1;
	[bflag:$0x0] =	sbarrier.arrive $0xFFFF  }
0x42: {  	[tilespmem:s16], [sflag:$0x1] =	stream.linear.gather @!p0 [spmem:s5], $0x7D0, $0x38;
	[tilespmem:$0xB78] =	vst v63  }
0x43: {  	s15 =	sadd.s32 $0x1, s15;
	_ =	swait.ge @!p0 [sflag:s17], $0x7D0  }
0x44: {  	p1 =	sne.s32 s15, s7;
	[sflag:s17] =	ssyncset.done @!p0 $0x0  }
.Ltmp3:
0x45: {  	s18 =	simm.s32 @!p0 $0x0;
	[sflag:s17] =	ssyncadd.s32 @!p0 $0xFFFFF830;
	(pc) =	sbr.rel @p1 .LBB2_1-.Ltmp3, $4  }
0x46: {  	[hbm4b:s6+s18] =	stream.linear.scatter @!p0 [tilespmem:s16], [sflag:$0x1], $0x7D0, $0x38;
	[tilespmem:$0xB78] =	vst v63  }
0x47: {  	_ =	swait.ge @!p0 [sflag:s17], $0x7D0  }
0x48: {  	[sflag:s17] =	ssyncset.done @!p0 $0x0  }
0x49: {  	[sflag:s17] =	ssyncadd.s32 @!p0 $0xFFFFF830  }
0x4a: {  	_ =	sfence.sel $0x180000  }
0x4b: {  	[bflag:$0x0] =	sbarrier.arrive $0xFFFF  }
0x4c: {  	p0 =	sne.s32 s0, $0x0;
	_ =	strace $0x90000047  }
0x4d: {  	s0 =	sadd.s32 @!p0 $0x100000, s1;
	[bflag:$0x2] =	sbarrier.arrive $0xFFFF  }
0x4e: {  	[sflag:s0] =	ssyncadd.tile.s32 @!p0 $0x1;
	_ =	shalt  }
.Lfunc_end2:
_tile_overlayer_lowered:
.L_overlay_start_2:
0x4f: {  	(tag) =	ssettag $0x2  }
0x50: {  	s0 =	rddreg [dreg:$0x0];
	s2 =	stileid.u32  }
0x51: {  	s1 =	rddreg [dreg:$0x1];
	p0 =	sne.s32 s2, $0x0  }
0x52: {  	s3 =	rddreg [dreg:$0x2];
	[bflag:$0x3] =	sbarrier.arrive $0xFFFF;
	s2 =	simm.s32 @!p0 $0x1C01  }
0x53: {  	[timem:s3], [sflag:s2] =	dma.local @!p0 [hbm:s0], s1  }
0x54: {  	s0 =	simm.s32 @!p0 $0x1  }
0x55: {  	_ =	swait.ge @!p0 [sflag:s0], s1  }
0x56: {  	s1 =	ssub.s32 @!p0 $0x0, s1;
	[sflag:s0] =	ssyncset.done @!p0 $0x0  }
0x57: {  	[sflag:s0] =	ssyncadd.s32 @!p0 s1  }
0x58: {  	[bflag:$0x3] =	sbarrier.arrive $0xFFFF  }
0x59: {  	_ =	shalt  }

</sc_bundles>
